<compile_context>
chip_gen: v7x
topology: tpu7x:2x2x1
jax: 0.10.2.dev20260603
libtpu: 0.0.44.dev20260713+nightly
codegen_flags: <defaults>
</compile_context>

<pallas_src>
import functools
import math

import jax
import jax.numpy as jnp
import numpy as np
from jax import lax
from jax.experimental import pallas as pl
from jax.experimental.pallas import tpu as pltpu
from jax.experimental.pallas import tpu_sc as plsc

NTA = 50000
DEG = 16
NMAX = 4
LMAX = 3
NS = 3
RCUT = 6.0
NO = 10
PQR_L = (0, 1, 1, 1, 2, 2, 2, 2, 2, 2)
OUT_W = NMAX * LMAX

NW = 32
CPT = 1568
NG = CPT // 16

F = np.float32
_PI_OVER_RCUT = F(math.pi / RCUT)
_INV2PI = F(1.0 / (2.0 * math.pi))
_C2PI_HI = F(6.28125)
_C2PI_LO = F(2.0 * math.pi - 6.28125)
_COSP1_C = (F(1.999999660319834), F(-0.49999552564014266),
            F(0.041660647163985626), F(-0.0013860990081131274),
            F(2.4226569074047022e-05), F(-2.206368869828168e-07))


def _rsqrt(d2):
    bits = lax.bitcast_convert_type(d2, jnp.int32)
    seed = jnp.int32(0x5F3759DF) - lax.shift_right_logical(bits, 1)
    y = lax.bitcast_convert_type(seed, jnp.float32)
    h = F(0.5) * d2
    for _ in range(2):
        y = y * (F(1.5) - h * y * y)
    return y


def _cos_p1(t):
    n = (t * _INV2PI + F(0.5)).astype(jnp.int32).astype(jnp.float32)
    r = (t - n * _C2PI_HI) - n * _C2PI_LO
    s = r * r
    p = jnp.full((16,), _COSP1_C[5], jnp.float32)
    for j in range(4, -1, -1):
        p = p * s + _COSP1_C[j]
    return p


def _body(px_hbm, py_hbm, pz_hbm, sym_hbm, al_hbm, hp_hbm, out_hbm,
          px_v, py_v, pz_v, sym_v, al_v, hp_v, w_v, *out_planes):
    cid = lax.axis_index("c")
    sid = lax.axis_index("s")
    wid = sid * 2 + cid
    base = jnp.minimum(wid * CPT, NTA - CPT)

    pltpu.sync_copy(px_hbm.at[pl.ds(base, CPT)], px_v.at[pl.ds(0, CPT)])
    pltpu.sync_copy(py_hbm.at[pl.ds(base, CPT)], py_v.at[pl.ds(0, CPT)])
    pltpu.sync_copy(pz_hbm.at[pl.ds(base, CPT)], pz_v.at[pl.ds(0, CPT)])
    pltpu.sync_copy(sym_hbm.at[pl.ds(base, CPT)], sym_v.at[pl.ds(0, CPT)])
    halo = base + CPT
    halo = jnp.where(halo >= NTA, halo - NTA, halo)
    pltpu.sync_copy(px_hbm.at[pl.ds(halo, DEG)], px_v.at[pl.ds(CPT, DEG)])
    pltpu.sync_copy(py_hbm.at[pl.ds(halo, DEG)], py_v.at[pl.ds(CPT, DEG)])
    pltpu.sync_copy(pz_hbm.at[pl.ds(halo, DEG)], pz_v.at[pl.ds(CPT, DEG)])
    pltpu.sync_copy(sym_hbm.at[pl.ds(halo, DEG)], sym_v.at[pl.ds(CPT, DEG)])
    pltpu.sync_copy(al_hbm, al_v)
    pltpu.sync_copy(hp_hbm, hp_v)

    for nl in range(NMAX * LMAX):
        hbase = nl * LMAX * 16
        hsum = (hp_v[pl.ds(hbase, 16)] + hp_v[pl.ds(hbase + 16, 16)]
                + hp_v[pl.ds(hbase + 32, 16)])
        w_v[pl.ds(nl * 16, 16)] = hsum * F(0.0625)

    def group(g, carry):
        a0 = g * 16
        pix = px_v[pl.ds(a0, 16)]
        piy = py_v[pl.ds(a0, 16)]
        piz = pz_v[pl.ds(a0, 16)]
        G = [[None] * NO for _ in range(NS)]
        for k in range(1, DEG + 1):
            off = a0 + k
            dx = px_v[pl.ds(off, 16)] - pix
            dy = py_v[pl.ds(off, 16)] - piy
            dz = pz_v[pl.ds(off, 16)] - piz
            d2 = dx * dx + dy * dy + dz * dz
            y = _rsqrt(d2)
            fc = _cos_p1(d2 * y * _PI_OVER_RCUT)
            fc2 = fc * fc
            xr = dx * y
            yr = dy * y
            zr = dz * y
            sj = sym_v[pl.ds(off, 16)]
            for s in range(NS):
                fs = jnp.where(sj == s, fc2, F(0.0))
                fx = fs * xr
                fy = fs * yr
                fz = fs * zr
                c = (fs, fz, fy, fx, fz * zr, fy * zr, fy * yr,
                     fx * zr, fx * yr, fx * xr)
                if k == 1:
                    G[s] = list(c)
                else:
                    for o in range(NO):
                        G[s][o] = G[s][o] + c[o]
        for n in range(NMAX):
            al = [[al_v[pl.ds(((s * NMAX + n) * LMAX + l) * 16, 16)]
                   for l in range(LMAX)] for s in range(NS)]
            acc = [al[0][PQR_L[o]] * G[0][o] + al[1][PQR_L[o]] * G[1][o]
                   + al[2][PQR_L[o]] * G[2][o] for o in range(NO)]
            b = (acc[0] * acc[0],
                 acc[1] * acc[1] + acc[2] * acc[2] + acc[3] * acc[3],
                 acc[4] * acc[4] + acc[5] * acc[5] + acc[6] * acc[6]
                 + acc[7] * acc[7] + acc[8] * acc[8] + acc[9] * acc[9])
            for l in range(LMAX):
                nl = n * LMAX + l
                out_planes[nl][pl.ds(a0, 16)] = (
                    b[l] * w_v[pl.ds(nl * 16, 16)])
        return carry

    lax.fori_loop(0, NG, group, 0)
    for w in range(OUT_W):
        pltpu.sync_copy(out_planes[w], out_hbm.at[pl.ds(w * NTA + base, CPT)])


_mesh = plsc.VectorSubcoreMesh(core_axis_name="c", subcore_axis_name="s")

_takahashi_sc = functools.partial(
    pl.kernel,
    out_type=jax.ShapeDtypeStruct((OUT_W * NTA,), jnp.float32),
    mesh=_mesh,
    scratch_types=[
        pltpu.VMEM((CPT + DEG,), jnp.float32),
        pltpu.VMEM((CPT + DEG,), jnp.float32),
        pltpu.VMEM((CPT + DEG,), jnp.float32),
        pltpu.VMEM((CPT + DEG,), jnp.int32),
        pltpu.VMEM((NS * NMAX * LMAX * 16,), jnp.float32),
        pltpu.VMEM((NMAX * LMAX * LMAX * 16,), jnp.float32),
        pltpu.VMEM((NMAX * LMAX * 16,), jnp.float32),
    ] + [pltpu.VMEM((CPT,), jnp.float32) for _ in range(OUT_W)],
)(_body)


def kernel(symbols, positions, cells, pbcs, energyidx, crystalidx, alpha,
           hopping_params):
    pos = positions.astype(jnp.float32)
    sym = symbols.astype(jnp.int32)
    al = jnp.broadcast_to(alpha.astype(jnp.float32).reshape(-1, 1),
                          (NS * NMAX * LMAX, 16)).reshape(-1)
    hp = jnp.broadcast_to(hopping_params.astype(jnp.float32).reshape(-1, 1),
                          (NMAX * LMAX * LMAX, 16)).reshape(-1)
    out = _takahashi_sc(pos[:, 0], pos[:, 1], pos[:, 2], sym, al, hp)
    return out.reshape(OUT_W, NTA).T.reshape(NTA, NMAX, LMAX)

# --- scband reference (transcript-rebuilt; emitter-appended) ---
"""Pipeline reference for scband-takahashi-40716289966842 (READ-ONLY COPY).

The authoritative reference and input builder live on the scoring server;
editing this copy changes nothing except your own understanding.
"""

import jax, jax.numpy as jnp
import numpy as np

NTA = 50000
DEG = 16
NMAX = 4
LMAX = 3
NS = 3
NC = 16
RCUT = 6.0

def _pqr_tables():
    pqrs = []
    pqr_idx = []
    for L in range(LMAX):
        for p in range(L + 1):
            for q in range(L - p + 1):
                pqrs.append((p, q, L - p - q))
                pqr_idx.append(L)
    return pqrs, np.array(pqr_idx, dtype=np.int32)

PQRS, PQR_IDX = _pqr_tables()
NO = len(PQRS)

def _chebyshev_matrix(lmax):
    T = np.zeros((lmax, lmax))
    for l in range(lmax):
        if l == 0:
            T[l, 0] = 1.0
        elif l == 1:
            T[l, 1] = 1.0
        else:
            T[l] = 2.0 * np.roll(T[l - 1], 1) - T[l - 2]
    return T

TLM = jnp.asarray(_chebyshev_matrix(LMAX), dtype=jnp.float32)


def setup_inputs(seed: int = 0):
    key = jax.random.key(seed)
    k1, k2, k3, k4, k5, k6 = jax.random.split(key, 6)
    symbols = jax.random.randint(k1, (NTA,), 0, NS)
    positions = jax.random.normal(k2, (NTA, 3), dtype=jnp.float32)
    cells = jax.random.normal(k3, (NC, 3, 3), dtype=jnp.float32)
    pbcs = jnp.ones((NC, 3), dtype=bool)
    energyidx = jnp.arange(NC)
    crystalidx = jax.random.randint(k4, (NTA,), 0, NC)
    alpha = jax.random.uniform(k5, (NS, NMAX, LMAX), dtype=jnp.float32)
    hopping_params = jax.random.uniform(k6, (1, NMAX, LMAX, LMAX), dtype=jnp.float32)
    return {"symbols": symbols, "positions": positions, "cells": cells,
            "pbcs": pbcs, "energyidx": energyidx, "crystalidx": crystalidx,
            "alpha": alpha, "hopping_params": hopping_params}


def _get_neighbors_info(symbols, positions):
    # Deterministic fixed-degree neighbor list standing in for the external
    # get_neighbors_info (radius-graph builder): each atom i is connected to
    # atoms (i+1..i+DEG) mod NTA. disp/dist computed from positions (open BC).
    base = jnp.arange(NTA)
    iidx = jnp.repeat(base, DEG)
    offs = jnp.tile(jnp.arange(1, DEG + 1), NTA)
    jidx = (iidx + offs) % NTA
    disp = positions[jidx] - positions[iidx]
    dist = jnp.sqrt(jnp.sum(disp * disp, axis=1))
    return iidx, jidx, symbols[iidx], symbols[jidx], disp, dist


def _forward(positions, alpha, hopping_params, symbols):
    iidx, jidx, isym, jsym, disp, dist = _get_neighbors_info(symbols, positions)
    NN = dist.shape[0]
    pqr_idx = jnp.asarray(PQR_IDX)
    cn = alpha[symbols]                                       # NTA x nmax x lmax
    hop = hopping_params[0]                                   # nmax x lmax x lmax
    CH = DEG * 625
    NCHUNK = NN // CH

    def body(c, acc):
        s = c * CH
        ii = jax.lax.dynamic_slice(iidx, (s,), (CH,))
        jj = jax.lax.dynamic_slice(jidx, (s,), (CH,))
        dsp = jax.lax.dynamic_slice(disp, (s, 0), (CH, 3))
        dst = jax.lax.dynamic_slice(dist, (s,), (CH,))
        # cutoff_function
        fcut = 0.25 * (jnp.cos(dst * jnp.pi / RCUT) + 1.0) ** 2
        # gauss: the torch module literally returns ones(NN, nmax, lmax)
        radial = jnp.ones((CH, NMAX, LMAX), dtype=positions.dtype)
        # chebyshev_series
        ang_cols = []
        for (p, q, r) in PQRS:
            m = p + q + r
            xyz_r = (dsp[:, 0] ** p) * (dsp[:, 1] ** q) * (dsp[:, 2] ** r) / (dst ** m)
            ang_cols.append(xyz_r[:, None])
        angular = jnp.concatenate(ang_cols, axis=1)           # CH x NO
        fnr = fcut[:, None, None] * radial[..., pqr_idx]      # CH x nmax x NO
        fnr_xyzr = fnr * angular[:, None, :]                  # CH x nmax x NO
        Cn = cn[jj][..., pqr_idx]                             # CH x nmax x NO
        return acc.at[ii].add(Cn * fnr_xyzr)

    # get_density
    acc = jax.lax.fori_loop(
        0, NCHUNK, body,
        jnp.zeros((NTA, NMAX, NO), dtype=positions.dtype))
    bnl2 = acc ** 2
    bnl1 = jnp.zeros((NTA, NMAX, LMAX), dtype=positions.dtype).at[:, :, pqr_idx].add(bnl2)
    bnl = jnp.sum(TLM[None, None] * bnl1[..., None], axis=3)
    out = jnp.sum(hop[None] * bnl[..., None], axis=3)
    return out


def reference(symbols, positions, cells, pbcs, energyidx, crystalidx, alpha, hopping_params):
    return _forward(positions, alpha, hopping_params, symbols)

if __name__ == "__main__":
    import jax
    _d = setup_inputs()
    print(jax.jit(kernel)(*tuple(_d.values())))

</pallas_src>

<mosaic_0001>
#map = affine_map<(d0, d1) -> (0)>
module attributes {stable_mosaic.version = 14 : i64} {
  func.func @_body(%arg0: i32, %arg1: i32, %arg2: memref<50000xf32, #tpu.memory_space<hbm>>, %arg3: memref<50000xf32, #tpu.memory_space<hbm>>, %arg4: memref<50000xf32, #tpu.memory_space<hbm>>, %arg5: memref<50000xi32, #tpu.memory_space<hbm>>, %arg6: memref<576xf32, #tpu.memory_space<hbm>>, %arg7: memref<576xf32, #tpu.memory_space<hbm>>, %arg8: memref<600000xf32, #tpu.memory_space<hbm>>, %arg9: memref<1584xf32, #tpu.memory_space<vmem>>, %arg10: memref<1584xf32, #tpu.memory_space<vmem>>, %arg11: memref<1584xf32, #tpu.memory_space<vmem>>, %arg12: memref<1584xi32, #tpu.memory_space<vmem>>, %arg13: memref<576xf32, #tpu.memory_space<vmem>>, %arg14: memref<576xf32, #tpu.memory_space<vmem>>, %arg15: memref<192xf32, #tpu.memory_space<vmem>>, %arg16: memref<1568xf32, #tpu.memory_space<vmem>>, %arg17: memref<1568xf32, #tpu.memory_space<vmem>>, %arg18: memref<1568xf32, #tpu.memory_space<vmem>>, %arg19: memref<1568xf32, #tpu.memory_space<vmem>>, %arg20: memref<1568xf32, #tpu.memory_space<vmem>>, %arg21: memref<1568xf32, #tpu.memory_space<vmem>>, %arg22: memref<1568xf32, #tpu.memory_space<vmem>>, %arg23: memref<1568xf32, #tpu.memory_space<vmem>>, %arg24: memref<1568xf32, #tpu.memory_space<vmem>>, %arg25: memref<1568xf32, #tpu.memory_space<vmem>>, %arg26: memref<1568xf32, #tpu.memory_space<vmem>>, %arg27: memref<1568xf32, #tpu.memory_space<vmem>>) attributes {dimension_semantics = [#tpu.dimension_semantics<core_parallel>, #tpu.dimension_semantics<subcore_parallel>], iteration_bounds = array<i64: 2, 16>, scalar_prefetch = 0 : i64, scratch_operands = 19 : i64, tpu.core_type = #tpu.core_type<sc_vector_subcore>, window_params = [{transform_indices = #map}, {transform_indices = #map}, {transform_indices = #map}, {transform_indices = #map}, {transform_indices = #map}, {transform_indices = #map}, {transform_indices = #map}]} {
    %mul3A = arith.constant 2 : i32
    %mul3A_0 = arith.muli %arg1, %mul3A : i32
    %add3A = arith.addi %mul3A_0, %arg0 : i32
    %mul3A_1 = arith.constant 1568 : i32
    %mul3A_2 = arith.muli %add3A, %mul3A_1 : i32
    %min3A = arith.constant 48432 : i32
    %min3A_3 = arith.minsi %mul3A_2, %min3A : i32
    "tpu.region"() ({
      %run_scoped3A = tpu.sem_alloc : memref<!tpu.dma_semaphore, #tpu.memory_space<semaphore_mem>>
      %dma_start3A = arith.constant 0 : i32
      %dma_start3A_251 = tpu.memref_slice %arg9[%dma_start3A] : memref<1584xf32, #tpu.memory_space<vmem>> -> memref<1568xf32, #tpu.memory_space<vmem>>
      %dma_start3A_252 = tpu.memref_slice %arg2[%min3A_3] : memref<50000xf32, #tpu.memory_space<hbm>> -> memref<1568xf32, #tpu.memory_space<hbm>>
      %dma_start3A_253 = arith.constant 0 : i32
      %dma_start3A_254 = tpu.memref_slice %arg9[%dma_start3A_253] : memref<1584xf32, #tpu.memory_space<vmem>> -> memref<1568xf32, #tpu.memory_space<vmem>>
      %dma_start3A_255 = tpu.memref_slice %arg2[%min3A_3] : memref<50000xf32, #tpu.memory_space<hbm>> -> memref<1568xf32, #tpu.memory_space<hbm>>
      tpu.enqueue_dma source(%dma_start3A_255 : memref<1568xf32, #tpu.memory_space<hbm>>) target(%dma_start3A_254 : memref<1568xf32, #tpu.memory_space<vmem>>) target_semaphore(%run_scoped3A : memref<!tpu.dma_semaphore, #tpu.memory_space<semaphore_mem>>)
      %dma_wait3A = arith.constant 0 : i32
      %dma_wait3A_256 = tpu.memref_slice %arg9[%dma_wait3A] : memref<1584xf32, #tpu.memory_space<vmem>> -> memref<1568xf32, #tpu.memory_space<vmem>>
      %dma_wait3A_257 = tpu.memref_slice %arg2[%min3A_3] : memref<50000xf32, #tpu.memory_space<hbm>> -> memref<1568xf32, #tpu.memory_space<hbm>>
      %dma_wait3A_258 = arith.constant 0 : i32
      %dma_wait3A_259 = tpu.memref_slice %arg9[%dma_wait3A_258] : memref<1584xf32, #tpu.memory_space<vmem>> -> memref<1568xf32, #tpu.memory_space<vmem>>
      %dma_wait3A_260 = tpu.memref_slice %arg2[%min3A_3] : memref<50000xf32, #tpu.memory_space<hbm>> -> memref<1568xf32, #tpu.memory_space<hbm>>
      tpu.wait_dma2 semaphore(%run_scoped3A : memref<!tpu.dma_semaphore, #tpu.memory_space<semaphore_mem>>) src(%dma_wait3A_260 : memref<1568xf32, #tpu.memory_space<hbm>>) dst(%dma_wait3A_259 : memref<1568xf32, #tpu.memory_space<vmem>>)
      tpu.yield
    }) : () -> ()
    "tpu.region"() ({
      %run_scoped3A = tpu.sem_alloc : memref<!tpu.dma_semaphore, #tpu.memory_space<semaphore_mem>>
      %dma_start3A = arith.constant 0 : i32
      %dma_start3A_251 = tpu.memref_slice %arg10[%dma_start3A] : memref<1584xf32, #tpu.memory_space<vmem>> -> memref<1568xf32, #tpu.memory_space<vmem>>
      %dma_start3A_252 = tpu.memref_slice %arg3[%min3A_3] : memref<50000xf32, #tpu.memory_space<hbm>> -> memref<1568xf32, #tpu.memory_space<hbm>>
      %dma_start3A_253 = arith.constant 0 : i32
      %dma_start3A_254 = tpu.memref_slice %arg10[%dma_start3A_253] : memref<1584xf32, #tpu.memory_space<vmem>> -> memref<1568xf32, #tpu.memory_space<vmem>>
      %dma_start3A_255 = tpu.memref_slice %arg3[%min3A_3] : memref<50000xf32, #tpu.memory_space<hbm>> -> memref<1568xf32, #tpu.memory_space<hbm>>
      tpu.enqueue_dma source(%dma_start3A_255 : memref<1568xf32, #tpu.memory_space<hbm>>) target(%dma_start3A_254 : memref<1568xf32, #tpu.memory_space<vmem>>) target_semaphore(%run_scoped3A : memref<!tpu.dma_semaphore, #tpu.memory_space<semaphore_mem>>)
      %dma_wait3A = arith.constant 0 : i32
      %dma_wait3A_256 = tpu.memref_slice %arg10[%dma_wait3A] : memref<1584xf32, #tpu.memory_space<vmem>> -> memref<1568xf32, #tpu.memory_space<vmem>>
      %dma_wait3A_257 = tpu.memref_slice %arg3[%min3A_3] : memref<50000xf32, #tpu.memory_space<hbm>> -> memref<1568xf32, #tpu.memory_space<hbm>>
      %dma_wait3A_258 = arith.constant 0 : i32
      %dma_wait3A_259 = tpu.memref_slice %arg10[%dma_wait3A_258] : memref<1584xf32, #tpu.memory_space<vmem>> -> memref<1568xf32, #tpu.memory_space<vmem>>
      %dma_wait3A_260 = tpu.memref_slice %arg3[%min3A_3] : memref<50000xf32, #tpu.memory_space<hbm>> -> memref<1568xf32, #tpu.memory_space<hbm>>
      tpu.wait_dma2 semaphore(%run_scoped3A : memref<!tpu.dma_semaphore, #tpu.memory_space<semaphore_mem>>) src(%dma_wait3A_260 : memref<1568xf32, #tpu.memory_space<hbm>>) dst(%dma_wait3A_259 : memref<1568xf32, #tpu.memory_space<vmem>>)
      tpu.yield
    }) : () -> ()
    "tpu.region"() ({
      %run_scoped3A = tpu.sem_alloc : memref<!tpu.dma_semaphore, #tpu.memory_space<semaphore_mem>>
      %dma_start3A = arith.constant 0 : i32
      %dma_start3A_251 = tpu.memref_slice %arg11[%dma_start3A] : memref<1584xf32, #tpu.memory_space<vmem>> -> memref<1568xf32, #tpu.memory_space<vmem>>
      %dma_start3A_252 = tpu.memref_slice %arg4[%min3A_3] : memref<50000xf32, #tpu.memory_space<hbm>> -> memref<1568xf32, #tpu.memory_space<hbm>>
      %dma_start3A_253 = arith.constant 0 : i32
      %dma_start3A_254 = tpu.memref_slice %arg11[%dma_start3A_253] : memref<1584xf32, #tpu.memory_space<vmem>> -> memref<1568xf32, #tpu.memory_space<vmem>>
      %dma_start3A_255 = tpu.memref_slice %arg4[%min3A_3] : memref<50000xf32, #tpu.memory_space<hbm>> -> memref<1568xf32, #tpu.memory_space<hbm>>
      tpu.enqueue_dma source(%dma_start3A_255 : memref<1568xf32, #tpu.memory_space<hbm>>) target(%dma_start3A_254 : memref<1568xf32, #tpu.memory_space<vmem>>) target_semaphore(%run_scoped3A : memref<!tpu.dma_semaphore, #tpu.memory_space<semaphore_mem>>)
      %dma_wait3A = arith.constant 0 : i32
      %dma_wait3A_256 = tpu.memref_slice %arg11[%dma_wait3A] : memref<1584xf32, #tpu.memory_space<vmem>> -> memref<1568xf32, #tpu.memory_space<vmem>>
      %dma_wait3A_257 = tpu.memref_slice %arg4[%min3A_3] : memref<50000xf32, #tpu.memory_space<hbm>> -> memref<1568xf32, #tpu.memory_space<hbm>>
      %dma_wait3A_258 = arith.constant 0 : i32
      %dma_wait3A_259 = tpu.memref_slice %arg11[%dma_wait3A_258] : memref<1584xf32, #tpu.memory_space<vmem>> -> memref<1568xf32, #tpu.memory_space<vmem>>
      %dma_wait3A_260 = tpu.memref_slice %arg4[%min3A_3] : memref<50000xf32, #tpu.memory_space<hbm>> -> memref<1568xf32, #tpu.memory_space<hbm>>
      tpu.wait_dma2 semaphore(%run_scoped3A : memref<!tpu.dma_semaphore, #tpu.memory_space<semaphore_mem>>) src(%dma_wait3A_260 : memref<1568xf32, #tpu.memory_space<hbm>>) dst(%dma_wait3A_259 : memref<1568xf32, #tpu.memory_space<vmem>>)
      tpu.yield
    }) : () -> ()
    "tpu.region"() ({
      %run_scoped3A = tpu.sem_alloc : memref<!tpu.dma_semaphore, #tpu.memory_space<semaphore_mem>>
      %dma_start3A = arith.constant 0 : i32
      %dma_start3A_251 = tpu.memref_slice %arg12[%dma_start3A] : memref<1584xi32, #tpu.memory_space<vmem>> -> memref<1568xi32, #tpu.memory_space<vmem>>
      %dma_start3A_252 = tpu.memref_slice %arg5[%min3A_3] : memref<50000xi32, #tpu.memory_space<hbm>> -> memref<1568xi32, #tpu.memory_space<hbm>>
      %dma_start3A_253 = arith.constant 0 : i32
      %dma_start3A_254 = tpu.memref_slice %arg12[%dma_start3A_253] : memref<1584xi32, #tpu.memory_space<vmem>> -> memref<1568xi32, #tpu.memory_space<vmem>>
      %dma_start3A_255 = tpu.memref_slice %arg5[%min3A_3] : memref<50000xi32, #tpu.memory_space<hbm>> -> memref<1568xi32, #tpu.memory_space<hbm>>
      tpu.enqueue_dma source(%dma_start3A_255 : memref<1568xi32, #tpu.memory_space<hbm>>) target(%dma_start3A_254 : memref<1568xi32, #tpu.memory_space<vmem>>) target_semaphore(%run_scoped3A : memref<!tpu.dma_semaphore, #tpu.memory_space<semaphore_mem>>)
      %dma_wait3A = arith.constant 0 : i32
      %dma_wait3A_256 = tpu.memref_slice %arg12[%dma_wait3A] : memref<1584xi32, #tpu.memory_space<vmem>> -> memref<1568xi32, #tpu.memory_space<vmem>>
      %dma_wait3A_257 = tpu.memref_slice %arg5[%min3A_3] : memref<50000xi32, #tpu.memory_space<hbm>> -> memref<1568xi32, #tpu.memory_space<hbm>>
      %dma_wait3A_258 = arith.constant 0 : i32
      %dma_wait3A_259 = tpu.memref_slice %arg12[%dma_wait3A_258] : memref<1584xi32, #tpu.memory_space<vmem>> -> memref<1568xi32, #tpu.memory_space<vmem>>
      %dma_wait3A_260 = tpu.memref_slice %arg5[%min3A_3] : memref<50000xi32, #tpu.memory_space<hbm>> -> memref<1568xi32, #tpu.memory_space<hbm>>
      tpu.wait_dma2 semaphore(%run_scoped3A : memref<!tpu.dma_semaphore, #tpu.memory_space<semaphore_mem>>) src(%dma_wait3A_260 : memref<1568xi32, #tpu.memory_space<hbm>>) dst(%dma_wait3A_259 : memref<1568xi32, #tpu.memory_space<vmem>>)
      tpu.yield
    }) : () -> ()
    %add3A_4 = arith.constant 1568 : i32
    %add3A_5 = arith.addi %min3A_3, %add3A_4 : i32
    %ge3A = arith.constant 50000 : i32
    %ge3A_6 = arith.cmpi sge, %add3A_5, %ge3A : i32
    %sub3A = arith.constant 50000 : i32
    %sub3A_7 = arith.subi %add3A_5, %sub3A : i32
    %select_n3A = arith.select %ge3A_6, %sub3A_7, %add3A_5 : i32
    "tpu.region"() ({
      %run_scoped3A = tpu.sem_alloc : memref<!tpu.dma_semaphore, #tpu.memory_space<semaphore_mem>>
      %dma_start3A = arith.constant 1568 : i32
      %dma_start3A_251 = tpu.memref_slice %arg9[%dma_start3A] : memref<1584xf32, #tpu.memory_space<vmem>> -> memref<16xf32, #tpu.memory_space<vmem>>
      %dma_start3A_252 = tpu.memref_slice %arg2[%select_n3A] : memref<50000xf32, #tpu.memory_space<hbm>> -> memref<16xf32, #tpu.memory_space<hbm>>
      %dma_start3A_253 = arith.constant 1568 : i32
      %dma_start3A_254 = tpu.memref_slice %arg9[%dma_start3A_253] : memref<1584xf32, #tpu.memory_space<vmem>> -> memref<16xf32, #tpu.memory_space<vmem>>
      %dma_start3A_255 = tpu.memref_slice %arg2[%select_n3A] : memref<50000xf32, #tpu.memory_space<hbm>> -> memref<16xf32, #tpu.memory_space<hbm>>
      tpu.enqueue_dma source(%dma_start3A_255 : memref<16xf32, #tpu.memory_space<hbm>>) target(%dma_start3A_254 : memref<16xf32, #tpu.memory_space<vmem>>) target_semaphore(%run_scoped3A : memref<!tpu.dma_semaphore, #tpu.memory_space<semaphore_mem>>)
      %dma_wait3A = arith.constant 1568 : i32
      %dma_wait3A_256 = tpu.memref_slice %arg9[%dma_wait3A] : memref<1584xf32, #tpu.memory_space<vmem>> -> memref<16xf32, #tpu.memory_space<vmem>>
      %dma_wait3A_257 = tpu.memref_slice %arg2[%select_n3A] : memref<50000xf32, #tpu.memory_space<hbm>> -> memref<16xf32, #tpu.memory_space<hbm>>
      %dma_wait3A_258 = arith.constant 1568 : i32
      %dma_wait3A_259 = tpu.memref_slice %arg9[%dma_wait3A_258] : memref<1584xf32, #tpu.memory_space<vmem>> -> memref<16xf32, #tpu.memory_space<vmem>>
      %dma_wait3A_260 = tpu.memref_slice %arg2[%select_n3A] : memref<50000xf32, #tpu.memory_space<hbm>> -> memref<16xf32, #tpu.memory_space<hbm>>
      tpu.wait_dma2 semaphore(%run_scoped3A : memref<!tpu.dma_semaphore, #tpu.memory_space<semaphore_mem>>) src(%dma_wait3A_260 : memref<16xf32, #tpu.memory_space<hbm>>) dst(%dma_wait3A_259 : memref<16xf32, #tpu.memory_space<vmem>>)
      tpu.yield
    }) : () -> ()
    "tpu.region"() ({
      %run_scoped3A = tpu.sem_alloc : memref<!tpu.dma_semaphore, #tpu.memory_space<semaphore_mem>>
      %dma_start3A = arith.constant 1568 : i32
      %dma_start3A_251 = tpu.memref_slice %arg10[%dma_start3A] : memref<1584xf32, #tpu.memory_space<vmem>> -> memref<16xf32, #tpu.memory_space<vmem>>
      %dma_start3A_252 = tpu.memref_slice %arg3[%select_n3A] : memref<50000xf32, #tpu.memory_space<hbm>> -> memref<16xf32, #tpu.memory_space<hbm>>
      %dma_start3A_253 = arith.constant 1568 : i32
      %dma_start3A_254 = tpu.memref_slice %arg10[%dma_start3A_253] : memref<1584xf32, #tpu.memory_space<vmem>> -> memref<16xf32, #tpu.memory_space<vmem>>
      %dma_start3A_255 = tpu.memref_slice %arg3[%select_n3A] : memref<50000xf32, #tpu.memory_space<hbm>> -> memref<16xf32, #tpu.memory_space<hbm>>
      tpu.enqueue_dma source(%dma_start3A_255 : memref<16xf32, #tpu.memory_space<hbm>>) target(%dma_start3A_254 : memref<16xf32, #tpu.memory_space<vmem>>) target_semaphore(%run_scoped3A : memref<!tpu.dma_semaphore, #tpu.memory_space<semaphore_mem>>)
      %dma_wait3A = arith.constant 1568 : i32
      %dma_wait3A_256 = tpu.memref_slice %arg10[%dma_wait3A] : memref<1584xf32, #tpu.memory_space<vmem>> -> memref<16xf32, #tpu.memory_space<vmem>>
      %dma_wait3A_257 = tpu.memref_slice %arg3[%select_n3A] : memref<50000xf32, #tpu.memory_space<hbm>> -> memref<16xf32, #tpu.memory_space<hbm>>
      %dma_wait3A_258 = arith.constant 1568 : i32
      %dma_wait3A_259 = tpu.memref_slice %arg10[%dma_wait3A_258] : memref<1584xf32, #tpu.memory_space<vmem>> -> memref<16xf32, #tpu.memory_space<vmem>>
      %dma_wait3A_260 = tpu.memref_slice %arg3[%select_n3A] : memref<50000xf32, #tpu.memory_space<hbm>> -> memref<16xf32, #tpu.memory_space<hbm>>
      tpu.wait_dma2 semaphore(%run_scoped3A : memref<!tpu.dma_semaphore, #tpu.memory_space<semaphore_mem>>) src(%dma_wait3A_260 : memref<16xf32, #tpu.memory_space<hbm>>) dst(%dma_wait3A_259 : memref<16xf32, #tpu.memory_space<vmem>>)
      tpu.yield
    }) : () -> ()
    "tpu.region"() ({
      %run_scoped3A = tpu.sem_alloc : memref<!tpu.dma_semaphore, #tpu.memory_space<semaphore_mem>>
      %dma_start3A = arith.constant 1568 : i32
      %dma_start3A_251 = tpu.memref_slice %arg11[%dma_start3A] : memref<1584xf32, #tpu.memory_space<vmem>> -> memref<16xf32, #tpu.memory_space<vmem>>
      %dma_start3A_252 = tpu.memref_slice %arg4[%select_n3A] : memref<50000xf32, #tpu.memory_space<hbm>> -> memref<16xf32, #tpu.memory_space<hbm>>
      %dma_start3A_253 = arith.constant 1568 : i32
      %dma_start3A_254 = tpu.memref_slice %arg11[%dma_start3A_253] : memref<1584xf32, #tpu.memory_space<vmem>> -> memref<16xf32, #tpu.memory_space<vmem>>
      %dma_start3A_255 = tpu.memref_slice %arg4[%select_n3A] : memref<50000xf32, #tpu.memory_space<hbm>> -> memref<16xf32, #tpu.memory_space<hbm>>
      tpu.enqueue_dma source(%dma_start3A_255 : memref<16xf32, #tpu.memory_space<hbm>>) target(%dma_start3A_254 : memref<16xf32, #tpu.memory_space<vmem>>) target_semaphore(%run_scoped3A : memref<!tpu.dma_semaphore, #tpu.memory_space<semaphore_mem>>)
      %dma_wait3A = arith.constant 1568 : i32
      %dma_wait3A_256 = tpu.memref_slice %arg11[%dma_wait3A] : memref<1584xf32, #tpu.memory_space<vmem>> -> memref<16xf32, #tpu.memory_space<vmem>>
      %dma_wait3A_257 = tpu.memref_slice %arg4[%select_n3A] : memref<50000xf32, #tpu.memory_space<hbm>> -> memref<16xf32, #tpu.memory_space<hbm>>
      %dma_wait3A_258 = arith.constant 1568 : i32
      %dma_wait3A_259 = tpu.memref_slice %arg11[%dma_wait3A_258] : memref<1584xf32, #tpu.memory_space<vmem>> -> memref<16xf32, #tpu.memory_space<vmem>>
      %dma_wait3A_260 = tpu.memref_slice %arg4[%select_n3A] : memref<50000xf32, #tpu.memory_space<hbm>> -> memref<16xf32, #tpu.memory_space<hbm>>
      tpu.wait_dma2 semaphore(%run_scoped3A : memref<!tpu.dma_semaphore, #tpu.memory_space<semaphore_mem>>) src(%dma_wait3A_260 : memref<16xf32, #tpu.memory_space<hbm>>) dst(%dma_wait3A_259 : memref<16xf32, #tpu.memory_space<vmem>>)
      tpu.yield
    }) : () -> ()
    "tpu.region"() ({
      %run_scoped3A = tpu.sem_alloc : memref<!tpu.dma_semaphore, #tpu.memory_space<semaphore_mem>>
      %dma_start3A = arith.constant 1568 : i32
      %dma_start3A_251 = tpu.memref_slice %arg12[%dma_start3A] : memref<1584xi32, #tpu.memory_space<vmem>> -> memref<16xi32, #tpu.memory_space<vmem>>
      %dma_start3A_252 = tpu.memref_slice %arg5[%select_n3A] : memref<50000xi32, #tpu.memory_space<hbm>> -> memref<16xi32, #tpu.memory_space<hbm>>
      %dma_start3A_253 = arith.constant 1568 : i32
      %dma_start3A_254 = tpu.memref_slice %arg12[%dma_start3A_253] : memref<1584xi32, #tpu.memory_space<vmem>> -> memref<16xi32, #tpu.memory_space<vmem>>
      %dma_start3A_255 = tpu.memref_slice %arg5[%select_n3A] : memref<50000xi32, #tpu.memory_space<hbm>> -> memref<16xi32, #tpu.memory_space<hbm>>
      tpu.enqueue_dma source(%dma_start3A_255 : memref<16xi32, #tpu.memory_space<hbm>>) target(%dma_start3A_254 : memref<16xi32, #tpu.memory_space<vmem>>) target_semaphore(%run_scoped3A : memref<!tpu.dma_semaphore, #tpu.memory_space<semaphore_mem>>)
      %dma_wait3A = arith.constant 1568 : i32
      %dma_wait3A_256 = tpu.memref_slice %arg12[%dma_wait3A] : memref<1584xi32, #tpu.memory_space<vmem>> -> memref<16xi32, #tpu.memory_space<vmem>>
      %dma_wait3A_257 = tpu.memref_slice %arg5[%select_n3A] : memref<50000xi32, #tpu.memory_space<hbm>> -> memref<16xi32, #tpu.memory_space<hbm>>
      %dma_wait3A_258 = arith.constant 1568 : i32
      %dma_wait3A_259 = tpu.memref_slice %arg12[%dma_wait3A_258] : memref<1584xi32, #tpu.memory_space<vmem>> -> memref<16xi32, #tpu.memory_space<vmem>>
      %dma_wait3A_260 = tpu.memref_slice %arg5[%select_n3A] : memref<50000xi32, #tpu.memory_space<hbm>> -> memref<16xi32, #tpu.memory_space<hbm>>
      tpu.wait_dma2 semaphore(%run_scoped3A : memref<!tpu.dma_semaphore, #tpu.memory_space<semaphore_mem>>) src(%dma_wait3A_260 : memref<16xi32, #tpu.memory_space<hbm>>) dst(%dma_wait3A_259 : memref<16xi32, #tpu.memory_space<vmem>>)
      tpu.yield
    }) : () -> ()
    "tpu.region"() ({
      %run_scoped3A = tpu.sem_alloc : memref<!tpu.dma_semaphore, #tpu.memory_space<semaphore_mem>>
      tpu.enqueue_dma source(%arg6 : memref<576xf32, #tpu.memory_space<hbm>>) target(%arg13 : memref<576xf32, #tpu.memory_space<vmem>>) target_semaphore(%run_scoped3A : memref<!tpu.dma_semaphore, #tpu.memory_space<semaphore_mem>>)
      tpu.wait_dma2 semaphore(%run_scoped3A : memref<!tpu.dma_semaphore, #tpu.memory_space<semaphore_mem>>) src(%arg6 : memref<576xf32, #tpu.memory_space<hbm>>) dst(%arg13 : memref<576xf32, #tpu.memory_space<vmem>>)
      tpu.yield
    }) : () -> ()
    "tpu.region"() ({
      %run_scoped3A = tpu.sem_alloc : memref<!tpu.dma_semaphore, #tpu.memory_space<semaphore_mem>>
      tpu.enqueue_dma source(%arg7 : memref<576xf32, #tpu.memory_space<hbm>>) target(%arg14 : memref<576xf32, #tpu.memory_space<vmem>>) target_semaphore(%run_scoped3A : memref<!tpu.dma_semaphore, #tpu.memory_space<semaphore_mem>>)
      tpu.wait_dma2 semaphore(%run_scoped3A : memref<!tpu.dma_semaphore, #tpu.memory_space<semaphore_mem>>) src(%arg7 : memref<576xf32, #tpu.memory_space<hbm>>) dst(%arg14 : memref<576xf32, #tpu.memory_space<vmem>>)
      tpu.yield
    }) : () -> ()
    %get3A = arith.constant 0 : index
    %get3A_8 = tpu.vector_load %arg14[%get3A] {strides = array<i32>} : memref<576xf32, #tpu.memory_space<vmem>>, vector<16xf32>,
    %get3A_9 = vector.shape_cast %get3A_8 : vector<16xf32> to vector<16xf32>
    %get3A_10 = arith.constant 16 : index
    %get3A_11 = tpu.vector_load %arg14[%get3A_10] {strides = array<i32>} : memref<576xf32, #tpu.memory_space<vmem>>, vector<16xf32>,
    %get3A_12 = vector.shape_cast %get3A_11 : vector<16xf32> to vector<16xf32>
    %add3A_13 = arith.addf %get3A_9, %get3A_12 : vector<16xf32>
    %get3A_14 = arith.constant 32 : index
    %get3A_15 = tpu.vector_load %arg14[%get3A_14] {strides = array<i32>} : memref<576xf32, #tpu.memory_space<vmem>>, vector<16xf32>,
    %get3A_16 = vector.shape_cast %get3A_15 : vector<16xf32> to vector<16xf32>
    %add3A_17 = arith.addf %add3A_13, %get3A_16 : vector<16xf32>
    %mul3A_18 = arith.constant 6.250000e-02 : f32
    %mul3A_19 = vector.broadcast %mul3A_18 : f32 to vector<16xf32>
    %mul3A_20 = arith.mulf %add3A_17, %mul3A_19 : vector<16xf32>
    %swap3A = arith.constant 0 : index
    %swap3A_21 = tpu.vector_load %arg15[%swap3A] {strides = array<i32>} : memref<192xf32, #tpu.memory_space<vmem>>, vector<16xf32>,
    %swap3A_22 = vector.shape_cast %swap3A_21 : vector<16xf32> to vector<16xf32>
    %swap3A_23 = vector.shape_cast %mul3A_20 : vector<16xf32> to vector<16xf32>
    tpu.vector_store %arg15[%swap3A], %swap3A_23 {strides = array<i32>} : memref<192xf32, #tpu.memory_space<vmem>>, vector<16xf32>,
    %get3A_24 = arith.constant 48 : index
    %get3A_25 = tpu.vector_load %arg14[%get3A_24] {strides = array<i32>} : memref<576xf32, #tpu.memory_space<vmem>>, vector<16xf32>,
    %get3A_26 = vector.shape_cast %get3A_25 : vector<16xf32> to vector<16xf32>
    %get3A_27 = arith.constant 64 : index
    %get3A_28 = tpu.vector_load %arg14[%get3A_27] {strides = array<i32>} : memref<576xf32, #tpu.memory_space<vmem>>, vector<16xf32>,
    %get3A_29 = vector.shape_cast %get3A_28 : vector<16xf32> to vector<16xf32>
    %add3A_30 = arith.addf %get3A_26, %get3A_29 : vector<16xf32>
    %get3A_31 = arith.constant 80 : index
    %get3A_32 = tpu.vector_load %arg14[%get3A_31] {strides = array<i32>} : memref<576xf32, #tpu.memory_space<vmem>>, vector<16xf32>,
    %get3A_33 = vector.shape_cast %get3A_32 : vector<16xf32> to vector<16xf32>
    %add3A_34 = arith.addf %add3A_30, %get3A_33 : vector<16xf32>
    %mul3A_35 = arith.constant 6.250000e-02 : f32
    %mul3A_36 = vector.broadcast %mul3A_35 : f32 to vector<16xf32>
    %mul3A_37 = arith.mulf %add3A_34, %mul3A_36 : vector<16xf32>
    %swap3A_38 = arith.constant 16 : index
    %swap3A_39 = tpu.vector_load %arg15[%swap3A_38] {strides = array<i32>} : memref<192xf32, #tpu.memory_space<vmem>>, vector<16xf32>,
    %swap3A_40 = vector.shape_cast %swap3A_39 : vector<16xf32> to vector<16xf32>
    %swap3A_41 = vector.shape_cast %mul3A_37 : vector<16xf32> to vector<16xf32>
    tpu.vector_store %arg15[%swap3A_38], %swap3A_41 {strides = array<i32>} : memref<192xf32, #tpu.memory_space<vmem>>, vector<16xf32>,
    %get3A_42 = arith.constant 96 : index
    %get3A_43 = tpu.vector_load %arg14[%get3A_42] {strides = array<i32>} : memref<576xf32, #tpu.memory_space<vmem>>, vector<16xf32>,
    %get3A_44 = vector.shape_cast %get3A_43 : vector<16xf32> to vector<16xf32>
    %get3A_45 = arith.constant 112 : index
    %get3A_46 = tpu.vector_load %arg14[%get3A_45] {strides = array<i32>} : memref<576xf32, #tpu.memory_space<vmem>>, vector<16xf32>,
    %get3A_47 = vector.shape_cast %get3A_46 : vector<16xf32> to vector<16xf32>
    %add3A_48 = arith.addf %get3A_44, %get3A_47 : vector<16xf32>
    %get3A_49 = arith.constant 128 : index
    %get3A_50 = tpu.vector_load %arg14[%get3A_49] {strides = array<i32>} : memref<576xf32, #tpu.memory_space<vmem>>, vector<16xf32>,
    %get3A_51 = vector.shape_cast %get3A_50 : vector<16xf32> to vector<16xf32>
    %add3A_52 = arith.addf %add3A_48, %get3A_51 : vector<16xf32>
    %mul3A_53 = arith.constant 6.250000e-02 : f32
    %mul3A_54 = vector.broadcast %mul3A_53 : f32 to vector<16xf32>
    %mul3A_55 = arith.mulf %add3A_52, %mul3A_54 : vector<16xf32>
    %swap3A_56 = arith.constant 32 : index
    %swap3A_57 = tpu.vector_load %arg15[%swap3A_56] {strides = array<i32>} : memref<192xf32, #tpu.memory_space<vmem>>, vector<16xf32>,
    %swap3A_58 = vector.shape_cast %swap3A_57 : vector<16xf32> to vector<16xf32>
    %swap3A_59 = vector.shape_cast %mul3A_55 : vector<16xf32> to vector<16xf32>
    tpu.vector_store %arg15[%swap3A_56], %swap3A_59 {strides = array<i32>} : memref<192xf32, #tpu.memory_space<vmem>>, vector<16xf32>,
    %get3A_60 = arith.constant 144 : index
    %get3A_61 = tpu.vector_load %arg14[%get3A_60] {strides = array<i32>} : memref<576xf32, #tpu.memory_space<vmem>>, vector<16xf32>,
    %get3A_62 = vector.shape_cast %get3A_61 : vector<16xf32> to vector<16xf32>
    %get3A_63 = arith.constant 160 : index
    %get3A_64 = tpu.vector_load %arg14[%get3A_63] {strides = array<i32>} : memref<576xf32, #tpu.memory_space<vmem>>, vector<16xf32>,
    %get3A_65 = vector.shape_cast %get3A_64 : vector<16xf32> to vector<16xf32>
    %add3A_66 = arith.addf %get3A_62, %get3A_65 : vector<16xf32>
    %get3A_67 = arith.constant 176 : index
    %get3A_68 = tpu.vector_load %arg14[%get3A_67] {strides = array<i32>} : memref<576xf32, #tpu.memory_space<vmem>>, vector<16xf32>,
    %get3A_69 = vector.shape_cast %get3A_68 : vector<16xf32> to vector<16xf32>
    %add3A_70 = arith.addf %add3A_66, %get3A_69 : vector<16xf32>
    %mul3A_71 = arith.constant 6.250000e-02 : f32
    %mul3A_72 = vector.broadcast %mul3A_71 : f32 to vector<16xf32>
    %mul3A_73 = arith.mulf %add3A_70, %mul3A_72 : vector<16xf32>
    %swap3A_74 = arith.constant 48 : index
    %swap3A_75 = tpu.vector_load %arg15[%swap3A_74] {strides = array<i32>} : memref<192xf32, #tpu.memory_space<vmem>>, vector<16xf32>,
    %swap3A_76 = vector.shape_cast %swap3A_75 : vector<16xf32> to vector<16xf32>
    %swap3A_77 = vector.shape_cast %mul3A_73 : vector<16xf32> to vector<16xf32>
    tpu.vector_store %arg15[%swap3A_74], %swap3A_77 {strides = array<i32>} : memref<192xf32, #tpu.memory_space<vmem>>, vector<16xf32>,
    %get3A_78 = arith.constant 192 : index
    %get3A_79 = tpu.vector_load %arg14[%get3A_78] {strides = array<i32>} : memref<576xf32, #tpu.memory_space<vmem>>, vector<16xf32>,
    %get3A_80 = vector.shape_cast %get3A_79 : vector<16xf32> to vector<16xf32>
    %get3A_81 = arith.constant 208 : index
    %get3A_82 = tpu.vector_load %arg14[%get3A_81] {strides = array<i32>} : memref<576xf32, #tpu.memory_space<vmem>>, vector<16xf32>,
    %get3A_83 = vector.shape_cast %get3A_82 : vector<16xf32> to vector<16xf32>
    %add3A_84 = arith.addf %get3A_80, %get3A_83 : vector<16xf32>
    %get3A_85 = arith.constant 224 : index
    %get3A_86 = tpu.vector_load %arg14[%get3A_85] {strides = array<i32>} : memref<576xf32, #tpu.memory_space<vmem>>, vector<16xf32>,
    %get3A_87 = vector.shape_cast %get3A_86 : vector<16xf32> to vector<16xf32>
    %add3A_88 = arith.addf %add3A_84, %get3A_87 : vector<16xf32>
    %mul3A_89 = arith.constant 6.250000e-02 : f32
    %mul3A_90 = vector.broadcast %mul3A_89 : f32 to vector<16xf32>
    %mul3A_91 = arith.mulf %add3A_88, %mul3A_90 : vector<16xf32>
    %swap3A_92 = arith.constant 64 : index
    %swap3A_93 = tpu.vector_load %arg15[%swap3A_92] {strides = array<i32>} : memref<192xf32, #tpu.memory_space<vmem>>, vector<16xf32>,
    %swap3A_94 = vector.shape_cast %swap3A_93 : vector<16xf32> to vector<16xf32>
    %swap3A_95 = vector.shape_cast %mul3A_91 : vector<16xf32> to vector<16xf32>
    tpu.vector_store %arg15[%swap3A_92], %swap3A_95 {strides = array<i32>} : memref<192xf32, #tpu.memory_space<vmem>>, vector<16xf32>,
    %get3A_96 = arith.constant 240 : index
    %get3A_97 = tpu.vector_load %arg14[%get3A_96] {strides = array<i32>} : memref<576xf32, #tpu.memory_space<vmem>>, vector<16xf32>,
    %get3A_98 = vector.shape_cast %get3A_97 : vector<16xf32> to vector<16xf32>
    %get3A_99 = arith.constant 256 : index
    %get3A_100 = tpu.vector_load %arg14[%get3A_99] {strides = array<i32>} : memref<576xf32, #tpu.memory_space<vmem>>, vector<16xf32>,
    %get3A_101 = vector.shape_cast %get3A_100 : vector<16xf32> to vector<16xf32>
    %add3A_102 = arith.addf %get3A_98, %get3A_101 : vector<16xf32>
    %get3A_103 = arith.constant 272 : index
    %get3A_104 = tpu.vector_load %arg14[%get3A_103] {strides = array<i32>} : memref<576xf32, #tpu.memory_space<vmem>>, vector<16xf32>,
    %get3A_105 = vector.shape_cast %get3A_104 : vector<16xf32> to vector<16xf32>
    %add3A_106 = arith.addf %add3A_102, %get3A_105 : vector<16xf32>
    %mul3A_107 = arith.constant 6.250000e-02 : f32
    %mul3A_108 = vector.broadcast %mul3A_107 : f32 to vector<16xf32>
    %mul3A_109 = arith.mulf %add3A_106, %mul3A_108 : vector<16xf32>
    %swap3A_110 = arith.constant 80 : index
    %swap3A_111 = tpu.vector_load %arg15[%swap3A_110] {strides = array<i32>} : memref<192xf32, #tpu.memory_space<vmem>>, vector<16xf32>,
    %swap3A_112 = vector.shape_cast %swap3A_111 : vector<16xf32> to vector<16xf32>
    %swap3A_113 = vector.shape_cast %mul3A_109 : vector<16xf32> to vector<16xf32>
    tpu.vector_store %arg15[%swap3A_110], %swap3A_113 {strides = array<i32>} : memref<192xf32, #tpu.memory_space<vmem>>, vector<16xf32>,
    %get3A_114 = arith.constant 288 : index
    %get3A_115 = tpu.vector_load %arg14[%get3A_114] {strides = array<i32>} : memref<576xf32, #tpu.memory_space<vmem>>, vector<16xf32>,
    %get3A_116 = vector.shape_cast %get3A_115 : vector<16xf32> to vector<16xf32>
    %get3A_117 = arith.constant 304 : index
    %get3A_118 = tpu.vector_load %arg14[%get3A_117] {strides = array<i32>} : memref<576xf32, #tpu.memory_space<vmem>>, vector<16xf32>,
    %get3A_119 = vector.shape_cast %get3A_118 : vector<16xf32> to vector<16xf32>
    %add3A_120 = arith.addf %get3A_116, %get3A_119 : vector<16xf32>
    %get3A_121 = arith.constant 320 : index
    %get3A_122 = tpu.vector_load %arg14[%get3A_121] {strides = array<i32>} : memref<576xf32, #tpu.memory_space<vmem>>, vector<16xf32>,
    %get3A_123 = vector.shape_cast %get3A_122 : vector<16xf32> to vector<16xf32>
    %add3A_124 = arith.addf %add3A_120, %get3A_123 : vector<16xf32>
    %mul3A_125 = arith.constant 6.250000e-02 : f32
    %mul3A_126 = vector.broadcast %mul3A_125 : f32 to vector<16xf32>
    %mul3A_127 = arith.mulf %add3A_124, %mul3A_126 : vector<16xf32>
    %swap3A_128 = arith.constant 96 : index
    %swap3A_129 = tpu.vector_load %arg15[%swap3A_128] {strides = array<i32>} : memref<192xf32, #tpu.memory_space<vmem>>, vector<16xf32>,
    %swap3A_130 = vector.shape_cast %swap3A_129 : vector<16xf32> to vector<16xf32>
    %swap3A_131 = vector.shape_cast %mul3A_127 : vector<16xf32> to vector<16xf32>
    tpu.vector_store %arg15[%swap3A_128], %swap3A_131 {strides = array<i32>} : memref<192xf32, #tpu.memory_space<vmem>>, vector<16xf32>,
    %get3A_132 = arith.constant 336 : index
    %get3A_133 = tpu.vector_load %arg14[%get3A_132] {strides = array<i32>} : memref<576xf32, #tpu.memory_space<vmem>>, vector<16xf32>,
    %get3A_134 = vector.shape_cast %get3A_133 : vector<16xf32> to vector<16xf32>
    %get3A_135 = arith.constant 352 : index
    %get3A_136 = tpu.vector_load %arg14[%get3A_135] {strides = array<i32>} : memref<576xf32, #tpu.memory_space<vmem>>, vector<16xf32>,
    %get3A_137 = vector.shape_cast %get3A_136 : vector<16xf32> to vector<16xf32>
    %add3A_138 = arith.addf %get3A_134, %get3A_137 : vector<16xf32>
    %get3A_139 = arith.constant 368 : index
    %get3A_140 = tpu.vector_load %arg14[%get3A_139] {strides = array<i32>} : memref<576xf32, #tpu.memory_space<vmem>>, vector<16xf32>,
    %get3A_141 = vector.shape_cast %get3A_140 : vector<16xf32> to vector<16xf32>
    %add3A_142 = arith.addf %add3A_138, %get3A_141 : vector<16xf32>
    %mul3A_143 = arith.constant 6.250000e-02 : f32
    %mul3A_144 = vector.broadcast %mul3A_143 : f32 to vector<16xf32>
    %mul3A_145 = arith.mulf %add3A_142, %mul3A_144 : vector<16xf32>
    %swap3A_146 = arith.constant 112 : index
    %swap3A_147 = tpu.vector_load %arg15[%swap3A_146] {strides = array<i32>} : memref<192xf32, #tpu.memory_space<vmem>>, vector<16xf32>,
    %swap3A_148 = vector.shape_cast %swap3A_147 : vector<16xf32> to vector<16xf32>
    %swap3A_149 = vector.shape_cast %mul3A_145 : vector<16xf32> to vector<16xf32>
    tpu.vector_store %arg15[%swap3A_146], %swap3A_149 {strides = array<i32>} : memref<192xf32, #tpu.memory_space<vmem>>, vector<16xf32>,
    %get3A_150 = arith.constant 384 : index
    %get3A_151 = tpu.vector_load %arg14[%get3A_150] {strides = array<i32>} : memref<576xf32, #tpu.memory_space<vmem>>, vector<16xf32>,
    %get3A_152 = vector.shape_cast %get3A_151 : vector<16xf32> to vector<16xf32>
    %get3A_153 = arith.constant 400 : index
    %get3A_154 = tpu.vector_load %arg14[%get3A_153] {strides = array<i32>} : memref<576xf32, #tpu.memory_space<vmem>>, vector<16xf32>,
    %get3A_155 = vector.shape_cast %get3A_154 : vector<16xf32> to vector<16xf32>
    %add3A_156 = arith.addf %get3A_152, %get3A_155 : vector<16xf32>
    %get3A_157 = arith.constant 416 : index
    %get3A_158 = tpu.vector_load %arg14[%get3A_157] {strides = array<i32>} : memref<576xf32, #tpu.memory_space<vmem>>, vector<16xf32>,
    %get3A_159 = vector.shape_cast %get3A_158 : vector<16xf32> to vector<16xf32>
    %add3A_160 = arith.addf %add3A_156, %get3A_159 : vector<16xf32>
    %mul3A_161 = arith.constant 6.250000e-02 : f32
    %mul3A_162 = vector.broadcast %mul3A_161 : f32 to vector<16xf32>
    %mul3A_163 = arith.mulf %add3A_160, %mul3A_162 : vector<16xf32>
    %swap3A_164 = arith.constant 128 : index
    %swap3A_165 = tpu.vector_load %arg15[%swap3A_164] {strides = array<i32>} : memref<192xf32, #tpu.memory_space<vmem>>, vector<16xf32>,
    %swap3A_166 = vector.shape_cast %swap3A_165 : vector<16xf32> to vector<16xf32>
    %swap3A_167 = vector.shape_cast %mul3A_163 : vector<16xf32> to vector<16xf32>
    tpu.vector_store %arg15[%swap3A_164], %swap3A_167 {strides = array<i32>} : memref<192xf32, #tpu.memory_space<vmem>>, vector<16xf32>,
    %get3A_168 = arith.constant 432 : index
    %get3A_169 = tpu.vector_load %arg14[%get3A_168] {strides = array<i32>} : memref<576xf32, #tpu.memory_space<vmem>>, vector<16xf32>,
    %get3A_170 = vector.shape_cast %get3A_169 : vector<16xf32> to vector<16xf32>
    %get3A_171 = arith.constant 448 : index
    %get3A_172 = tpu.vector_load %arg14[%get3A_171] {strides = array<i32>} : memref<576xf32, #tpu.memory_space<vmem>>, vector<16xf32>,
    %get3A_173 = vector.shape_cast %get3A_172 : vector<16xf32> to vector<16xf32>
    %add3A_174 = arith.addf %get3A_170, %get3A_173 : vector<16xf32>
    %get3A_175 = arith.constant 464 : index
    %get3A_176 = tpu.vector_load %arg14[%get3A_175] {strides = array<i32>} : memref<576xf32, #tpu.memory_space<vmem>>, vector<16xf32>,
    %get3A_177 = vector.shape_cast %get3A_176 : vector<16xf32> to vector<16xf32>
    %add3A_178 = arith.addf %add3A_174, %get3A_177 : vector<16xf32>
    %mul3A_179 = arith.constant 6.250000e-02 : f32
    %mul3A_180 = vector.broadcast %mul3A_179 : f32 to vector<16xf32>
    %mul3A_181 = arith.mulf %add3A_178, %mul3A_180 : vector<16xf32>
    %swap3A_182 = arith.constant 144 : index
    %swap3A_183 = tpu.vector_load %arg15[%swap3A_182] {strides = array<i32>} : memref<192xf32, #tpu.memory_space<vmem>>, vector<16xf32>,
    %swap3A_184 = vector.shape_cast %swap3A_183 : vector<16xf32> to vector<16xf32>
    %swap3A_185 = vector.shape_cast %mul3A_181 : vector<16xf32> to vector<16xf32>
    tpu.vector_store %arg15[%swap3A_182], %swap3A_185 {strides = array<i32>} : memref<192xf32, #tpu.memory_space<vmem>>, vector<16xf32>,
    %get3A_186 = arith.constant 480 : index
    %get3A_187 = tpu.vector_load %arg14[%get3A_186] {strides = array<i32>} : memref<576xf32, #tpu.memory_space<vmem>>, vector<16xf32>,
    %get3A_188 = vector.shape_cast %get3A_187 : vector<16xf32> to vector<16xf32>
    %get3A_189 = arith.constant 496 : index
    %get3A_190 = tpu.vector_load %arg14[%get3A_189] {strides = array<i32>} : memref<576xf32, #tpu.memory_space<vmem>>, vector<16xf32>,
    %get3A_191 = vector.shape_cast %get3A_190 : vector<16xf32> to vector<16xf32>
    %add3A_192 = arith.addf %get3A_188, %get3A_191 : vector<16xf32>
    %get3A_193 = arith.constant 512 : index
    %get3A_194 = tpu.vector_load %arg14[%get3A_193] {strides = array<i32>} : memref<576xf32, #tpu.memory_space<vmem>>, vector<16xf32>,
    %get3A_195 = vector.shape_cast %get3A_194 : vector<16xf32> to vector<16xf32>
    %add3A_196 = arith.addf %add3A_192, %get3A_195 : vector<16xf32>
    %mul3A_197 = arith.constant 6.250000e-02 : f32
    %mul3A_198 = vector.broadcast %mul3A_197 : f32 to vector<16xf32>
    %mul3A_199 = arith.mulf %add3A_196, %mul3A_198 : vector<16xf32>
    %swap3A_200 = arith.constant 160 : index
    %swap3A_201 = tpu.vector_load %arg15[%swap3A_200] {strides = array<i32>} : memref<192xf32, #tpu.memory_space<vmem>>, vector<16xf32>,
    %swap3A_202 = vector.shape_cast %swap3A_201 : vector<16xf32> to vector<16xf32>
    %swap3A_203 = vector.shape_cast %mul3A_199 : vector<16xf32> to vector<16xf32>
    tpu.vector_store %arg15[%swap3A_200], %swap3A_203 {strides = array<i32>} : memref<192xf32, #tpu.memory_space<vmem>>, vector<16xf32>,
    %get3A_204 = arith.constant 528 : index
    %get3A_205 = tpu.vector_load %arg14[%get3A_204] {strides = array<i32>} : memref<576xf32, #tpu.memory_space<vmem>>, vector<16xf32>,
    %get3A_206 = vector.shape_cast %get3A_205 : vector<16xf32> to vector<16xf32>
    %get3A_207 = arith.constant 544 : index
    %get3A_208 = tpu.vector_load %arg14[%get3A_207] {strides = array<i32>} : memref<576xf32, #tpu.memory_space<vmem>>, vector<16xf32>,
    %get3A_209 = vector.shape_cast %get3A_208 : vector<16xf32> to vector<16xf32>
    %add3A_210 = arith.addf %get3A_206, %get3A_209 : vector<16xf32>
    %get3A_211 = arith.constant 560 : index
    %get3A_212 = tpu.vector_load %arg14[%get3A_211] {strides = array<i32>} : memref<576xf32, #tpu.memory_space<vmem>>, vector<16xf32>,
    %get3A_213 = vector.shape_cast %get3A_212 : vector<16xf32> to vector<16xf32>
    %add3A_214 = arith.addf %add3A_210, %get3A_213 : vector<16xf32>
    %mul3A_215 = arith.constant 6.250000e-02 : f32
    %mul3A_216 = vector.broadcast %mul3A_215 : f32 to vector<16xf32>
    %mul3A_217 = arith.mulf %add3A_214, %mul3A_216 : vector<16xf32>
    %swap3A_218 = arith.constant 176 : index
    %swap3A_219 = tpu.vector_load %arg15[%swap3A_218] {strides = array<i32>} : memref<192xf32, #tpu.memory_space<vmem>>, vector<16xf32>,
    %swap3A_220 = vector.shape_cast %swap3A_219 : vector<16xf32> to vector<16xf32>
    %swap3A_221 = vector.shape_cast %mul3A_217 : vector<16xf32> to vector<16xf32>
    tpu.vector_store %arg15[%swap3A_218], %swap3A_221 {strides = array<i32>} : memref<192xf32, #tpu.memory_space<vmem>>, vector<16xf32>,
    %scan3A = arith.constant 0 : i32
    %scan3A_222 = arith.constant 0 : i32
    %scan3A_223 = arith.constant 98 : i32
    %scan3A_224 = arith.addi %scan3A_222, %scan3A_223 : i32
    %scan3A_225 = arith.constant 1 : i32
    scf.for %scan3A_251 = %scan3A_222 to %scan3A_224 step %scan3A_225  : i32 {
      %mul3A_252 = arith.constant 16 : i32
      %mul3A_253 = arith.muli %scan3A_251, %mul3A_252 : i32
      %get3A_254 = arith.index_cast %mul3A_253 : i32 to index
      %get3A_255 = tpu.vector_load %arg9[%get3A_254] {strides = array<i32>} : memref<1584xf32, #tpu.memory_space<vmem>>, vector<16xf32>,
      %get3A_256 = vector.shape_cast %get3A_255 : vector<16xf32> to vector<16xf32>
      %get3A_257 = arith.index_cast %mul3A_253 : i32 to index
      %get3A_258 = tpu.vector_load %arg10[%get3A_257] {strides = array<i32>} : memref<1584xf32, #tpu.memory_space<vmem>>, vector<16xf32>,
      %get3A_259 = vector.shape_cast %get3A_258 : vector<16xf32> to vector<16xf32>
      %get3A_260 = arith.index_cast %mul3A_253 : i32 to index
      %get3A_261 = tpu.vector_load %arg11[%get3A_260] {strides = array<i32>} : memref<1584xf32, #tpu.memory_space<vmem>>, vector<16xf32>,
      %get3A_262 = vector.shape_cast %get3A_261 : vector<16xf32> to vector<16xf32>
      %add3A_263 = arith.constant 1 : i32
      %add3A_264 = arith.addi %mul3A_253, %add3A_263 : i32
      %get3A_265 = arith.index_cast %add3A_264 : i32 to index
      %get3A_266 = tpu.vector_load %arg9[%get3A_265] {strides = array<i32>} : memref<1584xf32, #tpu.memory_space<vmem>>, vector<16xf32>,
      %get3A_267 = vector.shape_cast %get3A_266 : vector<16xf32> to vector<16xf32>
      %sub3A_268 = arith.subf %get3A_267, %get3A_256 : vector<16xf32>
      %get3A_269 = arith.index_cast %add3A_264 : i32 to index
      %get3A_270 = tpu.vector_load %arg10[%get3A_269] {strides = array<i32>} : memref<1584xf32, #tpu.memory_space<vmem>>, vector<16xf32>,
      %get3A_271 = vector.shape_cast %get3A_270 : vector<16xf32> to vector<16xf32>
      %sub3A_272 = arith.subf %get3A_271, %get3A_259 : vector<16xf32>
      %get3A_273 = arith.index_cast %add3A_264 : i32 to index
      %get3A_274 = tpu.vector_load %arg11[%get3A_273] {strides = array<i32>} : memref<1584xf32, #tpu.memory_space<vmem>>, vector<16xf32>,
      %get3A_275 = vector.shape_cast %get3A_274 : vector<16xf32> to vector<16xf32>
      %sub3A_276 = arith.subf %get3A_275, %get3A_262 : vector<16xf32>
      %mul3A_277 = arith.mulf %sub3A_268, %sub3A_268 : vector<16xf32>
      %mul3A_278 = arith.mulf %sub3A_272, %sub3A_272 : vector<16xf32>
      %add3A_279 = arith.addf %mul3A_277, %mul3A_278 : vector<16xf32>
      %mul3A_280 = arith.mulf %sub3A_276, %sub3A_276 : vector<16xf32>
      %add3A_281 = arith.addf %add3A_279, %mul3A_280 : vector<16xf32>
      %bitcast_convert_type3A = tpu.bitcast %add3A_281 : vector<16xf32> -> vector<16xi32>
      %shift_right_logical3A = arith.constant 1 : i32
      %shift_right_logical3A_282 = vector.broadcast %shift_right_logical3A : i32 to vector<16xi32>
      %shift_right_logical3A_283 = arith.shrui %bitcast_convert_type3A, %shift_right_logical3A_282 : vector<16xi32>
      %sub3A_284 = arith.constant 1597463007 : i32
      %sub3A_285 = vector.broadcast %sub3A_284 : i32 to vector<16xi32>
      %sub3A_286 = arith.subi %sub3A_285, %shift_right_logical3A_283 : vector<16xi32>
      %bitcast_convert_type3A_287 = tpu.bitcast %sub3A_286 : vector<16xi32> -> vector<16xf32>
      %mul3A_288 = arith.constant 5.000000e-01 : f32
      %mul3A_289 = vector.broadcast %mul3A_288 : f32 to vector<16xf32>
      %mul3A_290 = arith.mulf %mul3A_289, %add3A_281 : vector<16xf32>
      %mul3A_291 = arith.mulf %mul3A_290, %bitcast_convert_type3A_287 : vector<16xf32>
      %mul3A_292 = arith.mulf %mul3A_291, %bitcast_convert_type3A_287 : vector<16xf32>
      %sub3A_293 = arith.constant 1.500000e+00 : f32
      %sub3A_294 = vector.broadcast %sub3A_293 : f32 to vector<16xf32>
      %sub3A_295 = arith.subf %sub3A_294, %mul3A_292 : vector<16xf32>
      %mul3A_296 = arith.mulf %bitcast_convert_type3A_287, %sub3A_295 : vector<16xf32>
      %mul3A_297 = arith.mulf %mul3A_290, %mul3A_296 : vector<16xf32>
      %mul3A_298 = arith.mulf %mul3A_297, %mul3A_296 : vector<16xf32>
      %sub3A_299 = arith.constant 1.500000e+00 : f32
      %sub3A_300 = vector.broadcast %sub3A_299 : f32 to vector<16xf32>
      %sub3A_301 = arith.subf %sub3A_300, %mul3A_298 : vector<16xf32>
      %mul3A_302 = arith.mulf %mul3A_296, %sub3A_301 : vector<16xf32>
      %mul3A_303 = arith.mulf %add3A_281, %mul3A_302 : vector<16xf32>
      %mul3A_304 = arith.constant 0.52359879 : f32
      %mul3A_305 = vector.broadcast %mul3A_304 : f32 to vector<16xf32>
      %mul3A_306 = arith.mulf %mul3A_303, %mul3A_305 : vector<16xf32>
      %mul3A_307 = arith.constant 0.159154937 : f32
      %mul3A_308 = vector.broadcast %mul3A_307 : f32 to vector<16xf32>
      %mul3A_309 = arith.mulf %mul3A_306, %mul3A_308 : vector<16xf32>
      %add3A_310 = arith.constant 5.000000e-01 : f32
      %add3A_311 = vector.broadcast %add3A_310 : f32 to vector<16xf32>
      %add3A_312 = arith.addf %mul3A_309, %add3A_311 : vector<16xf32>
      %convert_element_type3A = arith.fptosi %add3A_312 : vector<16xf32> to vector<16xi32>
      %convert_element_type3A_313 = arith.sitofp %convert_element_type3A : vector<16xi32> to vector<16xf32>
      %mul3A_314 = arith.constant 6.281250e+00 : f32
      %mul3A_315 = vector.broadcast %mul3A_314 : f32 to vector<16xf32>
      %mul3A_316 = arith.mulf %convert_element_type3A_313, %mul3A_315 : vector<16xf32>
      %sub3A_317 = arith.subf %mul3A_306, %mul3A_316 : vector<16xf32>
      %mul3A_318 = arith.constant 0.00193530717 : f32
      %mul3A_319 = vector.broadcast %mul3A_318 : f32 to vector<16xf32>
      %mul3A_320 = arith.mulf %convert_element_type3A_313, %mul3A_319 : vector<16xf32>
      %sub3A_321 = arith.subf %sub3A_317, %mul3A_320 : vector<16xf32>
      %mul3A_322 = arith.mulf %sub3A_321, %sub3A_321 : vector<16xf32>
      %broadcast_in_dim3A = arith.constant -2.20636892E-7 : f32
      %broadcast_in_dim3A_323 = vector.broadcast %broadcast_in_dim3A : f32 to vector<16xf32>
      %mul3A_324 = arith.mulf %broadcast_in_dim3A_323, %mul3A_322 : vector<16xf32>
      %add3A_325 = arith.constant 2.42265687E-5 : f32
      %add3A_326 = vector.broadcast %add3A_325 : f32 to vector<16xf32>
      %add3A_327 = arith.addf %mul3A_324, %add3A_326 : vector<16xf32>
      %mul3A_328 = arith.mulf %add3A_327, %mul3A_322 : vector<16xf32>
      %add3A_329 = arith.constant -0.00138609903 : f32
      %add3A_330 = vector.broadcast %add3A_329 : f32 to vector<16xf32>
      %add3A_331 = arith.addf %mul3A_328, %add3A_330 : vector<16xf32>
      %mul3A_332 = arith.mulf %add3A_331, %mul3A_322 : vector<16xf32>
      %add3A_333 = arith.constant 0.0416606478 : f32
      %add3A_334 = vector.broadcast %add3A_333 : f32 to vector<16xf32>
      %add3A_335 = arith.addf %mul3A_332, %add3A_334 : vector<16xf32>
      %mul3A_336 = arith.mulf %add3A_335, %mul3A_322 : vector<16xf32>
      %add3A_337 = arith.constant -0.49999553 : f32
      %add3A_338 = vector.broadcast %add3A_337 : f32 to vector<16xf32>
      %add3A_339 = arith.addf %mul3A_336, %add3A_338 : vector<16xf32>
      %mul3A_340 = arith.mulf %add3A_339, %mul3A_322 : vector<16xf32>
      %add3A_341 = arith.constant 1.99999964 : f32
      %add3A_342 = vector.broadcast %add3A_341 : f32 to vector<16xf32>
      %add3A_343 = arith.addf %mul3A_340, %add3A_342 : vector<16xf32>
      %mul3A_344 = arith.mulf %add3A_343, %add3A_343 : vector<16xf32>
      %mul3A_345 = arith.mulf %sub3A_268, %mul3A_302 : vector<16xf32>
      %mul3A_346 = arith.mulf %sub3A_272, %mul3A_302 : vector<16xf32>
      %mul3A_347 = arith.mulf %sub3A_276, %mul3A_302 : vector<16xf32>
      %get3A_348 = arith.index_cast %add3A_264 : i32 to index
      %get3A_349 = tpu.vector_load %arg12[%get3A_348] {strides = array<i32>} : memref<1584xi32, #tpu.memory_space<vmem>>, vector<16xi32>,
      %get3A_350 = vector.shape_cast %get3A_349 : vector<16xi32> to vector<16xi32>
      %eq3A = arith.constant 0 : i32
      %eq3A_351 = vector.broadcast %eq3A : i32 to vector<16xi32>
      %eq3A_352 = arith.cmpi eq, %get3A_350, %eq3A_351 : vector<16xi32>
      %jit3A = arith.constant 0.000000e+00 : f32
      %broadcast_in_dim3A_353 = vector.broadcast %jit3A : f32 to vector<16xf32>
      %select_n3A_354 = arith.select %eq3A_352, %mul3A_344, %broadcast_in_dim3A_353 : vector<16xi1>, vector<16xf32>
      %mul3A_355 = arith.mulf %select_n3A_354, %mul3A_345 : vector<16xf32>
      %mul3A_356 = arith.mulf %select_n3A_354, %mul3A_346 : vector<16xf32>
      %mul3A_357 = arith.mulf %select_n3A_354, %mul3A_347 : vector<16xf32>
      %mul3A_358 = arith.mulf %mul3A_357, %mul3A_347 : vector<16xf32>
      %mul3A_359 = arith.mulf %mul3A_356, %mul3A_347 : vector<16xf32>
      %mul3A_360 = arith.mulf %mul3A_356, %mul3A_346 : vector<16xf32>
      %mul3A_361 = arith.mulf %mul3A_355, %mul3A_347 : vector<16xf32>
      %mul3A_362 = arith.mulf %mul3A_355, %mul3A_346 : vector<16xf32>
      %mul3A_363 = arith.mulf %mul3A_355, %mul3A_345 : vector<16xf32>
      %eq3A_364 = arith.constant 1 : i32
      %eq3A_365 = vector.broadcast %eq3A_364 : i32 to vector<16xi32>
      %eq3A_366 = arith.cmpi eq, %get3A_350, %eq3A_365 : vector<16xi32>
      %jit3A_367 = arith.constant 0.000000e+00 : f32
      %broadcast_in_dim3A_368 = vector.broadcast %jit3A_367 : f32 to vector<16xf32>
      %select_n3A_369 = arith.select %eq3A_366, %mul3A_344, %broadcast_in_dim3A_368 : vector<16xi1>, vector<16xf32>
      %mul3A_370 = arith.mulf %select_n3A_369, %mul3A_345 : vector<16xf32>
      %mul3A_371 = arith.mulf %select_n3A_369, %mul3A_346 : vector<16xf32>
      %mul3A_372 = arith.mulf %select_n3A_369, %mul3A_347 : vector<16xf32>
      %mul3A_373 = arith.mulf %mul3A_372, %mul3A_347 : vector<16xf32>
      %mul3A_374 = arith.mulf %mul3A_371, %mul3A_347 : vector<16xf32>
      %mul3A_375 = arith.mulf %mul3A_371, %mul3A_346 : vector<16xf32>
      %mul3A_376 = arith.mulf %mul3A_370, %mul3A_347 : vector<16xf32>
      %mul3A_377 = arith.mulf %mul3A_370, %mul3A_346 : vector<16xf32>
      %mul3A_378 = arith.mulf %mul3A_370, %mul3A_345 : vector<16xf32>
      %eq3A_379 = arith.constant 2 : i32
      %eq3A_380 = vector.broadcast %eq3A_379 : i32 to vector<16xi32>
      %eq3A_381 = arith.cmpi eq, %get3A_350, %eq3A_380 : vector<16xi32>
      %jit3A_382 = arith.constant 0.000000e+00 : f32
      %broadcast_in_dim3A_383 = vector.broadcast %jit3A_382 : f32 to vector<16xf32>
      %select_n3A_384 = arith.select %eq3A_381, %mul3A_344, %broadcast_in_dim3A_383 : vector<16xi1>, vector<16xf32>
      %mul3A_385 = arith.mulf %select_n3A_384, %mul3A_345 : vector<16xf32>
      %mul3A_386 = arith.mulf %select_n3A_384, %mul3A_346 : vector<16xf32>
      %mul3A_387 = arith.mulf %select_n3A_384, %mul3A_347 : vector<16xf32>
      %mul3A_388 = arith.mulf %mul3A_387, %mul3A_347 : vector<16xf32>
      %mul3A_389 = arith.mulf %mul3A_386, %mul3A_347 : vector<16xf32>
      %mul3A_390 = arith.mulf %mul3A_386, %mul3A_346 : vector<16xf32>
      %mul3A_391 = arith.mulf %mul3A_385, %mul3A_347 : vector<16xf32>
      %mul3A_392 = arith.mulf %mul3A_385, %mul3A_346 : vector<16xf32>
      %mul3A_393 = arith.mulf %mul3A_385, %mul3A_345 : vector<16xf32>
      %add3A_394 = arith.constant 2 : i32
      %add3A_395 = arith.addi %mul3A_253, %add3A_394 : i32
      %get3A_396 = arith.index_cast %add3A_395 : i32 to index
      %get3A_397 = tpu.vector_load %arg9[%get3A_396] {strides = array<i32>} : memref<1584xf32, #tpu.memory_space<vmem>>, vector<16xf32>,
      %get3A_398 = vector.shape_cast %get3A_397 : vector<16xf32> to vector<16xf32>
      %sub3A_399 = arith.subf %get3A_398, %get3A_256 : vector<16xf32>
      %get3A_400 = arith.index_cast %add3A_395 : i32 to index
      %get3A_401 = tpu.vector_load %arg10[%get3A_400] {strides = array<i32>} : memref<1584xf32, #tpu.memory_space<vmem>>, vector<16xf32>,
      %get3A_402 = vector.shape_cast %get3A_401 : vector<16xf32> to vector<16xf32>
      %sub3A_403 = arith.subf %get3A_402, %get3A_259 : vector<16xf32>
      %get3A_404 = arith.index_cast %add3A_395 : i32 to index
      %get3A_405 = tpu.vector_load %arg11[%get3A_404] {strides = array<i32>} : memref<1584xf32, #tpu.memory_space<vmem>>, vector<16xf32>,
      %get3A_406 = vector.shape_cast %get3A_405 : vector<16xf32> to vector<16xf32>
      %sub3A_407 = arith.subf %get3A_406, %get3A_262 : vector<16xf32>
      %mul3A_408 = arith.mulf %sub3A_399, %sub3A_399 : vector<16xf32>
      %mul3A_409 = arith.mulf %sub3A_403, %sub3A_403 : vector<16xf32>
      %add3A_410 = arith.addf %mul3A_408, %mul3A_409 : vector<16xf32>
      %mul3A_411 = arith.mulf %sub3A_407, %sub3A_407 : vector<16xf32>
      %add3A_412 = arith.addf %add3A_410, %mul3A_411 : vector<16xf32>
      %bitcast_convert_type3A_413 = tpu.bitcast %add3A_412 : vector<16xf32> -> vector<16xi32>
      %shift_right_logical3A_414 = arith.constant 1 : i32
      %shift_right_logical3A_415 = vector.broadcast %shift_right_logical3A_414 : i32 to vector<16xi32>
      %shift_right_logical3A_416 = arith.shrui %bitcast_convert_type3A_413, %shift_right_logical3A_415 : vector<16xi32>
      %sub3A_417 = arith.constant 1597463007 : i32
      %sub3A_418 = vector.broadcast %sub3A_417 : i32 to vector<16xi32>
      %sub3A_419 = arith.subi %sub3A_418, %shift_right_logical3A_416 : vector<16xi32>
      %bitcast_convert_type3A_420 = tpu.bitcast %sub3A_419 : vector<16xi32> -> vector<16xf32>
      %mul3A_421 = arith.constant 5.000000e-01 : f32
      %mul3A_422 = vector.broadcast %mul3A_421 : f32 to vector<16xf32>
      %mul3A_423 = arith.mulf %mul3A_422, %add3A_412 : vector<16xf32>
      %mul3A_424 = arith.mulf %mul3A_423, %bitcast_convert_type3A_420 : vector<16xf32>
      %mul3A_425 = arith.mulf %mul3A_424, %bitcast_convert_type3A_420 : vector<16xf32>
      %sub3A_426 = arith.constant 1.500000e+00 : f32
      %sub3A_427 = vector.broadcast %sub3A_426 : f32 to vector<16xf32>
      %sub3A_428 = arith.subf %sub3A_427, %mul3A_425 : vector<16xf32>
      %mul3A_429 = arith.mulf %bitcast_convert_type3A_420, %sub3A_428 : vector<16xf32>
      %mul3A_430 = arith.mulf %mul3A_423, %mul3A_429 : vector<16xf32>
      %mul3A_431 = arith.mulf %mul3A_430, %mul3A_429 : vector<16xf32>
      %sub3A_432 = arith.constant 1.500000e+00 : f32
      %sub3A_433 = vector.broadcast %sub3A_432 : f32 to vector<16xf32>
      %sub3A_434 = arith.subf %sub3A_433, %mul3A_431 : vector<16xf32>
      %mul3A_435 = arith.mulf %mul3A_429, %sub3A_434 : vector<16xf32>
      %mul3A_436 = arith.mulf %add3A_412, %mul3A_435 : vector<16xf32>
      %mul3A_437 = arith.constant 0.52359879 : f32
      %mul3A_438 = vector.broadcast %mul3A_437 : f32 to vector<16xf32>
      %mul3A_439 = arith.mulf %mul3A_436, %mul3A_438 : vector<16xf32>
      %mul3A_440 = arith.constant 0.159154937 : f32
      %mul3A_441 = vector.broadcast %mul3A_440 : f32 to vector<16xf32>
      %mul3A_442 = arith.mulf %mul3A_439, %mul3A_441 : vector<16xf32>
      %add3A_443 = arith.constant 5.000000e-01 : f32
      %add3A_444 = vector.broadcast %add3A_443 : f32 to vector<16xf32>
      %add3A_445 = arith.addf %mul3A_442, %add3A_444 : vector<16xf32>
      %convert_element_type3A_446 = arith.fptosi %add3A_445 : vector<16xf32> to vector<16xi32>
      %convert_element_type3A_447 = arith.sitofp %convert_element_type3A_446 : vector<16xi32> to vector<16xf32>
      %mul3A_448 = arith.constant 6.281250e+00 : f32
      %mul3A_449 = vector.broadcast %mul3A_448 : f32 to vector<16xf32>
      %mul3A_450 = arith.mulf %convert_element_type3A_447, %mul3A_449 : vector<16xf32>
      %sub3A_451 = arith.subf %mul3A_439, %mul3A_450 : vector<16xf32>
      %mul3A_452 = arith.constant 0.00193530717 : f32
      %mul3A_453 = vector.broadcast %mul3A_452 : f32 to vector<16xf32>
      %mul3A_454 = arith.mulf %convert_element_type3A_447, %mul3A_453 : vector<16xf32>
      %sub3A_455 = arith.subf %sub3A_451, %mul3A_454 : vector<16xf32>
      %mul3A_456 = arith.mulf %sub3A_455, %sub3A_455 : vector<16xf32>
      %broadcast_in_dim3A_457 = arith.constant -2.20636892E-7 : f32
      %broadcast_in_dim3A_458 = vector.broadcast %broadcast_in_dim3A_457 : f32 to vector<16xf32>
      %mul3A_459 = arith.mulf %broadcast_in_dim3A_458, %mul3A_456 : vector<16xf32>
      %add3A_460 = arith.constant 2.42265687E-5 : f32
      %add3A_461 = vector.broadcast %add3A_460 : f32 to vector<16xf32>
      %add3A_462 = arith.addf %mul3A_459, %add3A_461 : vector<16xf32>
      %mul3A_463 = arith.mulf %add3A_462, %mul3A_456 : vector<16xf32>
      %add3A_464 = arith.constant -0.00138609903 : f32
      %add3A_465 = vector.broadcast %add3A_464 : f32 to vector<16xf32>
      %add3A_466 = arith.addf %mul3A_463, %add3A_465 : vector<16xf32>
      %mul3A_467 = arith.mulf %add3A_466, %mul3A_456 : vector<16xf32>
      %add3A_468 = arith.constant 0.0416606478 : f32
      %add3A_469 = vector.broadcast %add3A_468 : f32 to vector<16xf32>
      %add3A_470 = arith.addf %mul3A_467, %add3A_469 : vector<16xf32>
      %mul3A_471 = arith.mulf %add3A_470, %mul3A_456 : vector<16xf32>
      %add3A_472 = arith.constant -0.49999553 : f32
      %add3A_473 = vector.broadcast %add3A_472 : f32 to vector<16xf32>
      %add3A_474 = arith.addf %mul3A_471, %add3A_473 : vector<16xf32>
      %mul3A_475 = arith.mulf %add3A_474, %mul3A_456 : vector<16xf32>
      %add3A_476 = arith.constant 1.99999964 : f32
      %add3A_477 = vector.broadcast %add3A_476 : f32 to vector<16xf32>
      %add3A_478 = arith.addf %mul3A_475, %add3A_477 : vector<16xf32>
      %mul3A_479 = arith.mulf %add3A_478, %add3A_478 : vector<16xf32>
      %mul3A_480 = arith.mulf %sub3A_399, %mul3A_435 : vector<16xf32>
      %mul3A_481 = arith.mulf %sub3A_403, %mul3A_435 : vector<16xf32>
      %mul3A_482 = arith.mulf %sub3A_407, %mul3A_435 : vector<16xf32>
      %get3A_483 = arith.index_cast %add3A_395 : i32 to index
      %get3A_484 = tpu.vector_load %arg12[%get3A_483] {strides = array<i32>} : memref<1584xi32, #tpu.memory_space<vmem>>, vector<16xi32>,
      %get3A_485 = vector.shape_cast %get3A_484 : vector<16xi32> to vector<16xi32>
      %eq3A_486 = arith.constant 0 : i32
      %eq3A_487 = vector.broadcast %eq3A_486 : i32 to vector<16xi32>
      %eq3A_488 = arith.cmpi eq, %get3A_485, %eq3A_487 : vector<16xi32>
      %jit3A_489 = arith.constant 0.000000e+00 : f32
      %broadcast_in_dim3A_490 = vector.broadcast %jit3A_489 : f32 to vector<16xf32>
      %select_n3A_491 = arith.select %eq3A_488, %mul3A_479, %broadcast_in_dim3A_490 : vector<16xi1>, vector<16xf32>
      %mul3A_492 = arith.mulf %select_n3A_491, %mul3A_480 : vector<16xf32>
      %mul3A_493 = arith.mulf %select_n3A_491, %mul3A_481 : vector<16xf32>
      %mul3A_494 = arith.mulf %select_n3A_491, %mul3A_482 : vector<16xf32>
      %mul3A_495 = arith.mulf %mul3A_494, %mul3A_482 : vector<16xf32>
      %mul3A_496 = arith.mulf %mul3A_493, %mul3A_482 : vector<16xf32>
      %mul3A_497 = arith.mulf %mul3A_493, %mul3A_481 : vector<16xf32>
      %mul3A_498 = arith.mulf %mul3A_492, %mul3A_482 : vector<16xf32>
      %mul3A_499 = arith.mulf %mul3A_492, %mul3A_481 : vector<16xf32>
      %mul3A_500 = arith.mulf %mul3A_492, %mul3A_480 : vector<16xf32>
      %add3A_501 = arith.addf %select_n3A_354, %select_n3A_491 : vector<16xf32>
      %add3A_502 = arith.addf %mul3A_357, %mul3A_494 : vector<16xf32>
      %add3A_503 = arith.addf %mul3A_356, %mul3A_493 : vector<16xf32>
      %add3A_504 = arith.addf %mul3A_355, %mul3A_492 : vector<16xf32>
      %add3A_505 = arith.addf %mul3A_358, %mul3A_495 : vector<16xf32>
      %add3A_506 = arith.addf %mul3A_359, %mul3A_496 : vector<16xf32>
      %add3A_507 = arith.addf %mul3A_360, %mul3A_497 : vector<16xf32>
      %add3A_508 = arith.addf %mul3A_361, %mul3A_498 : vector<16xf32>
      %add3A_509 = arith.addf %mul3A_362, %mul3A_499 : vector<16xf32>
      %add3A_510 = arith.addf %mul3A_363, %mul3A_500 : vector<16xf32>
      %eq3A_511 = arith.constant 1 : i32
      %eq3A_512 = vector.broadcast %eq3A_511 : i32 to vector<16xi32>
      %eq3A_513 = arith.cmpi eq, %get3A_485, %eq3A_512 : vector<16xi32>
      %jit3A_514 = arith.constant 0.000000e+00 : f32
      %broadcast_in_dim3A_515 = vector.broadcast %jit3A_514 : f32 to vector<16xf32>
      %select_n3A_516 = arith.select %eq3A_513, %mul3A_479, %broadcast_in_dim3A_515 : vector<16xi1>, vector<16xf32>
      %mul3A_517 = arith.mulf %select_n3A_516, %mul3A_480 : vector<16xf32>
      %mul3A_518 = arith.mulf %select_n3A_516, %mul3A_481 : vector<16xf32>
      %mul3A_519 = arith.mulf %select_n3A_516, %mul3A_482 : vector<16xf32>
      %mul3A_520 = arith.mulf %mul3A_519, %mul3A_482 : vector<16xf32>
      %mul3A_521 = arith.mulf %mul3A_518, %mul3A_482 : vector<16xf32>
      %mul3A_522 = arith.mulf %mul3A_518, %mul3A_481 : vector<16xf32>
      %mul3A_523 = arith.mulf %mul3A_517, %mul3A_482 : vector<16xf32>
      %mul3A_524 = arith.mulf %mul3A_517, %mul3A_481 : vector<16xf32>
      %mul3A_525 = arith.mulf %mul3A_517, %mul3A_480 : vector<16xf32>
      %add3A_526 = arith.addf %select_n3A_369, %select_n3A_516 : vector<16xf32>
      %add3A_527 = arith.addf %mul3A_372, %mul3A_519 : vector<16xf32>
      %add3A_528 = arith.addf %mul3A_371, %mul3A_518 : vector<16xf32>
      %add3A_529 = arith.addf %mul3A_370, %mul3A_517 : vector<16xf32>
      %add3A_530 = arith.addf %mul3A_373, %mul3A_520 : vector<16xf32>
      %add3A_531 = arith.addf %mul3A_374, %mul3A_521 : vector<16xf32>
      %add3A_532 = arith.addf %mul3A_375, %mul3A_522 : vector<16xf32>
      %add3A_533 = arith.addf %mul3A_376, %mul3A_523 : vector<16xf32>
      %add3A_534 = arith.addf %mul3A_377, %mul3A_524 : vector<16xf32>
      %add3A_535 = arith.addf %mul3A_378, %mul3A_525 : vector<16xf32>
      %eq3A_536 = arith.constant 2 : i32
      %eq3A_537 = vector.broadcast %eq3A_536 : i32 to vector<16xi32>
      %eq3A_538 = arith.cmpi eq, %get3A_485, %eq3A_537 : vector<16xi32>
      %jit3A_539 = arith.constant 0.000000e+00 : f32
      %broadcast_in_dim3A_540 = vector.broadcast %jit3A_539 : f32 to vector<16xf32>
      %select_n3A_541 = arith.select %eq3A_538, %mul3A_479, %broadcast_in_dim3A_540 : vector<16xi1>, vector<16xf32>
      %mul3A_542 = arith.mulf %select_n3A_541, %mul3A_480 : vector<16xf32>
      %mul3A_543 = arith.mulf %select_n3A_541, %mul3A_481 : vector<16xf32>
      %mul3A_544 = arith.mulf %select_n3A_541, %mul3A_482 : vector<16xf32>
      %mul3A_545 = arith.mulf %mul3A_544, %mul3A_482 : vector<16xf32>
      %mul3A_546 = arith.mulf %mul3A_543, %mul3A_482 : vector<16xf32>
      %mul3A_547 = arith.mulf %mul3A_543, %mul3A_481 : vector<16xf32>
      %mul3A_548 = arith.mulf %mul3A_542, %mul3A_482 : vector<16xf32>
      %mul3A_549 = arith.mulf %mul3A_542, %mul3A_481 : vector<16xf32>
      %mul3A_550 = arith.mulf %mul3A_542, %mul3A_480 : vector<16xf32>
      %add3A_551 = arith.addf %select_n3A_384, %select_n3A_541 : vector<16xf32>
      %add3A_552 = arith.addf %mul3A_387, %mul3A_544 : vector<16xf32>
      %add3A_553 = arith.addf %mul3A_386, %mul3A_543 : vector<16xf32>
      %add3A_554 = arith.addf %mul3A_385, %mul3A_542 : vector<16xf32>
      %add3A_555 = arith.addf %mul3A_388, %mul3A_545 : vector<16xf32>
      %add3A_556 = arith.addf %mul3A_389, %mul3A_546 : vector<16xf32>
      %add3A_557 = arith.addf %mul3A_390, %mul3A_547 : vector<16xf32>
      %add3A_558 = arith.addf %mul3A_391, %mul3A_548 : vector<16xf32>
      %add3A_559 = arith.addf %mul3A_392, %mul3A_549 : vector<16xf32>
      %add3A_560 = arith.addf %mul3A_393, %mul3A_550 : vector<16xf32>
      %add3A_561 = arith.constant 3 : i32
      %add3A_562 = arith.addi %mul3A_253, %add3A_561 : i32
      %get3A_563 = arith.index_cast %add3A_562 : i32 to index
      %get3A_564 = tpu.vector_load %arg9[%get3A_563] {strides = array<i32>} : memref<1584xf32, #tpu.memory_space<vmem>>, vector<16xf32>,
      %get3A_565 = vector.shape_cast %get3A_564 : vector<16xf32> to vector<16xf32>
      %sub3A_566 = arith.subf %get3A_565, %get3A_256 : vector<16xf32>
      %get3A_567 = arith.index_cast %add3A_562 : i32 to index
      %get3A_568 = tpu.vector_load %arg10[%get3A_567] {strides = array<i32>} : memref<1584xf32, #tpu.memory_space<vmem>>, vector<16xf32>,
      %get3A_569 = vector.shape_cast %get3A_568 : vector<16xf32> to vector<16xf32>
      %sub3A_570 = arith.subf %get3A_569, %get3A_259 : vector<16xf32>
      %get3A_571 = arith.index_cast %add3A_562 : i32 to index
      %get3A_572 = tpu.vector_load %arg11[%get3A_571] {strides = array<i32>} : memref<1584xf32, #tpu.memory_space<vmem>>, vector<16xf32>,
      %get3A_573 = vector.shape_cast %get3A_572 : vector<16xf32> to vector<16xf32>
      %sub3A_574 = arith.subf %get3A_573, %get3A_262 : vector<16xf32>
      %mul3A_575 = arith.mulf %sub3A_566, %sub3A_566 : vector<16xf32>
      %mul3A_576 = arith.mulf %sub3A_570, %sub3A_570 : vector<16xf32>
      %add3A_577 = arith.addf %mul3A_575, %mul3A_576 : vector<16xf32>
      %mul3A_578 = arith.mulf %sub3A_574, %sub3A_574 : vector<16xf32>
      %add3A_579 = arith.addf %add3A_577, %mul3A_578 : vector<16xf32>
      %bitcast_convert_type3A_580 = tpu.bitcast %add3A_579 : vector<16xf32> -> vector<16xi32>
      %shift_right_logical3A_581 = arith.constant 1 : i32
      %shift_right_logical3A_582 = vector.broadcast %shift_right_logical3A_581 : i32 to vector<16xi32>
      %shift_right_logical3A_583 = arith.shrui %bitcast_convert_type3A_580, %shift_right_logical3A_582 : vector<16xi32>
      %sub3A_584 = arith.constant 1597463007 : i32
      %sub3A_585 = vector.broadcast %sub3A_584 : i32 to vector<16xi32>
      %sub3A_586 = arith.subi %sub3A_585, %shift_right_logical3A_583 : vector<16xi32>
      %bitcast_convert_type3A_587 = tpu.bitcast %sub3A_586 : vector<16xi32> -> vector<16xf32>
      %mul3A_588 = arith.constant 5.000000e-01 : f32
      %mul3A_589 = vector.broadcast %mul3A_588 : f32 to vector<16xf32>
      %mul3A_590 = arith.mulf %mul3A_589, %add3A_579 : vector<16xf32>
      %mul3A_591 = arith.mulf %mul3A_590, %bitcast_convert_type3A_587 : vector<16xf32>
      %mul3A_592 = arith.mulf %mul3A_591, %bitcast_convert_type3A_587 : vector<16xf32>
      %sub3A_593 = arith.constant 1.500000e+00 : f32
      %sub3A_594 = vector.broadcast %sub3A_593 : f32 to vector<16xf32>
      %sub3A_595 = arith.subf %sub3A_594, %mul3A_592 : vector<16xf32>
      %mul3A_596 = arith.mulf %bitcast_convert_type3A_587, %sub3A_595 : vector<16xf32>
      %mul3A_597 = arith.mulf %mul3A_590, %mul3A_596 : vector<16xf32>
      %mul3A_598 = arith.mulf %mul3A_597, %mul3A_596 : vector<16xf32>
      %sub3A_599 = arith.constant 1.500000e+00 : f32
      %sub3A_600 = vector.broadcast %sub3A_599 : f32 to vector<16xf32>
      %sub3A_601 = arith.subf %sub3A_600, %mul3A_598 : vector<16xf32>
      %mul3A_602 = arith.mulf %mul3A_596, %sub3A_601 : vector<16xf32>
      %mul3A_603 = arith.mulf %add3A_579, %mul3A_602 : vector<16xf32>
      %mul3A_604 = arith.constant 0.52359879 : f32
      %mul3A_605 = vector.broadcast %mul3A_604 : f32 to vector<16xf32>
      %mul3A_606 = arith.mulf %mul3A_603, %mul3A_605 : vector<16xf32>
      %mul3A_607 = arith.constant 0.159154937 : f32
      %mul3A_608 = vector.broadcast %mul3A_607 : f32 to vector<16xf32>
      %mul3A_609 = arith.mulf %mul3A_606, %mul3A_608 : vector<16xf32>
      %add3A_610 = arith.constant 5.000000e-01 : f32
      %add3A_611 = vector.broadcast %add3A_610 : f32 to vector<16xf32>
      %add3A_612 = arith.addf %mul3A_609, %add3A_611 : vector<16xf32>
      %convert_element_type3A_613 = arith.fptosi %add3A_612 : vector<16xf32> to vector<16xi32>
      %convert_element_type3A_614 = arith.sitofp %convert_element_type3A_613 : vector<16xi32> to vector<16xf32>
      %mul3A_615 = arith.constant 6.281250e+00 : f32
      %mul3A_616 = vector.broadcast %mul3A_615 : f32 to vector<16xf32>
      %mul3A_617 = arith.mulf %convert_element_type3A_614, %mul3A_616 : vector<16xf32>
      %sub3A_618 = arith.subf %mul3A_606, %mul3A_617 : vector<16xf32>
      %mul3A_619 = arith.constant 0.00193530717 : f32
      %mul3A_620 = vector.broadcast %mul3A_619 : f32 to vector<16xf32>
      %mul3A_621 = arith.mulf %convert_element_type3A_614, %mul3A_620 : vector<16xf32>
      %sub3A_622 = arith.subf %sub3A_618, %mul3A_621 : vector<16xf32>
      %mul3A_623 = arith.mulf %sub3A_622, %sub3A_622 : vector<16xf32>
      %broadcast_in_dim3A_624 = arith.constant -2.20636892E-7 : f32
      %broadcast_in_dim3A_625 = vector.broadcast %broadcast_in_dim3A_624 : f32 to vector<16xf32>
      %mul3A_626 = arith.mulf %broadcast_in_dim3A_625, %mul3A_623 : vector<16xf32>
      %add3A_627 = arith.constant 2.42265687E-5 : f32
      %add3A_628 = vector.broadcast %add3A_627 : f32 to vector<16xf32>
      %add3A_629 = arith.addf %mul3A_626, %add3A_628 : vector<16xf32>
      %mul3A_630 = arith.mulf %add3A_629, %mul3A_623 : vector<16xf32>
      %add3A_631 = arith.constant -0.00138609903 : f32
      %add3A_632 = vector.broadcast %add3A_631 : f32 to vector<16xf32>
      %add3A_633 = arith.addf %mul3A_630, %add3A_632 : vector<16xf32>
      %mul3A_634 = arith.mulf %add3A_633, %mul3A_623 : vector<16xf32>
      %add3A_635 = arith.constant 0.0416606478 : f32
      %add3A_636 = vector.broadcast %add3A_635 : f32 to vector<16xf32>
      %add3A_637 = arith.addf %mul3A_634, %add3A_636 : vector<16xf32>
      %mul3A_638 = arith.mulf %add3A_637, %mul3A_623 : vector<16xf32>
      %add3A_639 = arith.constant -0.49999553 : f32
      %add3A_640 = vector.broadcast %add3A_639 : f32 to vector<16xf32>
      %add3A_641 = arith.addf %mul3A_638, %add3A_640 : vector<16xf32>
      %mul3A_642 = arith.mulf %add3A_641, %mul3A_623 : vector<16xf32>
      %add3A_643 = arith.constant 1.99999964 : f32
      %add3A_644 = vector.broadcast %add3A_643 : f32 to vector<16xf32>
      %add3A_645 = arith.addf %mul3A_642, %add3A_644 : vector<16xf32>
      %mul3A_646 = arith.mulf %add3A_645, %add3A_645 : vector<16xf32>
      %mul3A_647 = arith.mulf %sub3A_566, %mul3A_602 : vector<16xf32>
      %mul3A_648 = arith.mulf %sub3A_570, %mul3A_602 : vector<16xf32>
      %mul3A_649 = arith.mulf %sub3A_574, %mul3A_602 : vector<16xf32>
      %get3A_650 = arith.index_cast %add3A_562 : i32 to index
      %get3A_651 = tpu.vector_load %arg12[%get3A_650] {strides = array<i32>} : memref<1584xi32, #tpu.memory_space<vmem>>, vector<16xi32>,
      %get3A_652 = vector.shape_cast %get3A_651 : vector<16xi32> to vector<16xi32>
      %eq3A_653 = arith.constant 0 : i32
      %eq3A_654 = vector.broadcast %eq3A_653 : i32 to vector<16xi32>
      %eq3A_655 = arith.cmpi eq, %get3A_652, %eq3A_654 : vector<16xi32>
      %jit3A_656 = arith.constant 0.000000e+00 : f32
      %broadcast_in_dim3A_657 = vector.broadcast %jit3A_656 : f32 to vector<16xf32>
      %select_n3A_658 = arith.select %eq3A_655, %mul3A_646, %broadcast_in_dim3A_657 : vector<16xi1>, vector<16xf32>
      %mul3A_659 = arith.mulf %select_n3A_658, %mul3A_647 : vector<16xf32>
      %mul3A_660 = arith.mulf %select_n3A_658, %mul3A_648 : vector<16xf32>
      %mul3A_661 = arith.mulf %select_n3A_658, %mul3A_649 : vector<16xf32>
      %mul3A_662 = arith.mulf %mul3A_661, %mul3A_649 : vector<16xf32>
      %mul3A_663 = arith.mulf %mul3A_660, %mul3A_649 : vector<16xf32>
      %mul3A_664 = arith.mulf %mul3A_660, %mul3A_648 : vector<16xf32>
      %mul3A_665 = arith.mulf %mul3A_659, %mul3A_649 : vector<16xf32>
      %mul3A_666 = arith.mulf %mul3A_659, %mul3A_648 : vector<16xf32>
      %mul3A_667 = arith.mulf %mul3A_659, %mul3A_647 : vector<16xf32>
      %add3A_668 = arith.addf %add3A_501, %select_n3A_658 : vector<16xf32>
      %add3A_669 = arith.addf %add3A_502, %mul3A_661 : vector<16xf32>
      %add3A_670 = arith.addf %add3A_503, %mul3A_660 : vector<16xf32>
      %add3A_671 = arith.addf %add3A_504, %mul3A_659 : vector<16xf32>
      %add3A_672 = arith.addf %add3A_505, %mul3A_662 : vector<16xf32>
      %add3A_673 = arith.addf %add3A_506, %mul3A_663 : vector<16xf32>
      %add3A_674 = arith.addf %add3A_507, %mul3A_664 : vector<16xf32>
      %add3A_675 = arith.addf %add3A_508, %mul3A_665 : vector<16xf32>
      %add3A_676 = arith.addf %add3A_509, %mul3A_666 : vector<16xf32>
      %add3A_677 = arith.addf %add3A_510, %mul3A_667 : vector<16xf32>
      %eq3A_678 = arith.constant 1 : i32
      %eq3A_679 = vector.broadcast %eq3A_678 : i32 to vector<16xi32>
      %eq3A_680 = arith.cmpi eq, %get3A_652, %eq3A_679 : vector<16xi32>
      %jit3A_681 = arith.constant 0.000000e+00 : f32
      %broadcast_in_dim3A_682 = vector.broadcast %jit3A_681 : f32 to vector<16xf32>
      %select_n3A_683 = arith.select %eq3A_680, %mul3A_646, %broadcast_in_dim3A_682 : vector<16xi1>, vector<16xf32>
      %mul3A_684 = arith.mulf %select_n3A_683, %mul3A_647 : vector<16xf32>
      %mul3A_685 = arith.mulf %select_n3A_683, %mul3A_648 : vector<16xf32>
      %mul3A_686 = arith.mulf %select_n3A_683, %mul3A_649 : vector<16xf32>
      %mul3A_687 = arith.mulf %mul3A_686, %mul3A_649 : vector<16xf32>
      %mul3A_688 = arith.mulf %mul3A_685, %mul3A_649 : vector<16xf32>
      %mul3A_689 = arith.mulf %mul3A_685, %mul3A_648 : vector<16xf32>
      %mul3A_690 = arith.mulf %mul3A_684, %mul3A_649 : vector<16xf32>
      %mul3A_691 = arith.mulf %mul3A_684, %mul3A_648 : vector<16xf32>
      %mul3A_692 = arith.mulf %mul3A_684, %mul3A_647 : vector<16xf32>
      %add3A_693 = arith.addf %add3A_526, %select_n3A_683 : vector<16xf32>
      %add3A_694 = arith.addf %add3A_527, %mul3A_686 : vector<16xf32>
      %add3A_695 = arith.addf %add3A_528, %mul3A_685 : vector<16xf32>
      %add3A_696 = arith.addf %add3A_529, %mul3A_684 : vector<16xf32>
      %add3A_697 = arith.addf %add3A_530, %mul3A_687 : vector<16xf32>
      %add3A_698 = arith.addf %add3A_531, %mul3A_688 : vector<16xf32>
      %add3A_699 = arith.addf %add3A_532, %mul3A_689 : vector<16xf32>
      %add3A_700 = arith.addf %add3A_533, %mul3A_690 : vector<16xf32>
      %add3A_701 = arith.addf %add3A_534, %mul3A_691 : vector<16xf32>
      %add3A_702 = arith.addf %add3A_535, %mul3A_692 : vector<16xf32>
      %eq3A_703 = arith.constant 2 : i32
      %eq3A_704 = vector.broadcast %eq3A_703 : i32 to vector<16xi32>
      %eq3A_705 = arith.cmpi eq, %get3A_652, %eq3A_704 : vector<16xi32>
      %jit3A_706 = arith.constant 0.000000e+00 : f32
      %broadcast_in_dim3A_707 = vector.broadcast %jit3A_706 : f32 to vector<16xf32>
      %select_n3A_708 = arith.select %eq3A_705, %mul3A_646, %broadcast_in_dim3A_707 : vector<16xi1>, vector<16xf32>
      %mul3A_709 = arith.mulf %select_n3A_708, %mul3A_647 : vector<16xf32>
      %mul3A_710 = arith.mulf %select_n3A_708, %mul3A_648 : vector<16xf32>
      %mul3A_711 = arith.mulf %select_n3A_708, %mul3A_649 : vector<16xf32>
      %mul3A_712 = arith.mulf %mul3A_711, %mul3A_649 : vector<16xf32>
      %mul3A_713 = arith.mulf %mul3A_710, %mul3A_649 : vector<16xf32>
      %mul3A_714 = arith.mulf %mul3A_710, %mul3A_648 : vector<16xf32>
      %mul3A_715 = arith.mulf %mul3A_709, %mul3A_649 : vector<16xf32>
      %mul3A_716 = arith.mulf %mul3A_709, %mul3A_648 : vector<16xf32>
      %mul3A_717 = arith.mulf %mul3A_709, %mul3A_647 : vector<16xf32>
      %add3A_718 = arith.addf %add3A_551, %select_n3A_708 : vector<16xf32>
      %add3A_719 = arith.addf %add3A_552, %mul3A_711 : vector<16xf32>
      %add3A_720 = arith.addf %add3A_553, %mul3A_710 : vector<16xf32>
      %add3A_721 = arith.addf %add3A_554, %mul3A_709 : vector<16xf32>
      %add3A_722 = arith.addf %add3A_555, %mul3A_712 : vector<16xf32>
      %add3A_723 = arith.addf %add3A_556, %mul3A_713 : vector<16xf32>
      %add3A_724 = arith.addf %add3A_557, %mul3A_714 : vector<16xf32>
      %add3A_725 = arith.addf %add3A_558, %mul3A_715 : vector<16xf32>
      %add3A_726 = arith.addf %add3A_559, %mul3A_716 : vector<16xf32>
      %add3A_727 = arith.addf %add3A_560, %mul3A_717 : vector<16xf32>
      %add3A_728 = arith.constant 4 : i32
      %add3A_729 = arith.addi %mul3A_253, %add3A_728 : i32
      %get3A_730 = arith.index_cast %add3A_729 : i32 to index
      %get3A_731 = tpu.vector_load %arg9[%get3A_730] {strides = array<i32>} : memref<1584xf32, #tpu.memory_space<vmem>>, vector<16xf32>,
      %get3A_732 = vector.shape_cast %get3A_731 : vector<16xf32> to vector<16xf32>
      %sub3A_733 = arith.subf %get3A_732, %get3A_256 : vector<16xf32>
      %get3A_734 = arith.index_cast %add3A_729 : i32 to index
      %get3A_735 = tpu.vector_load %arg10[%get3A_734] {strides = array<i32>} : memref<1584xf32, #tpu.memory_space<vmem>>, vector<16xf32>,
      %get3A_736 = vector.shape_cast %get3A_735 : vector<16xf32> to vector<16xf32>
      %sub3A_737 = arith.subf %get3A_736, %get3A_259 : vector<16xf32>
      %get3A_738 = arith.index_cast %add3A_729 : i32 to index
      %get3A_739 = tpu.vector_load %arg11[%get3A_738] {strides = array<i32>} : memref<1584xf32, #tpu.memory_space<vmem>>, vector<16xf32>,
      %get3A_740 = vector.shape_cast %get3A_739 : vector<16xf32> to vector<16xf32>
      %sub3A_741 = arith.subf %get3A_740, %get3A_262 : vector<16xf32>
      %mul3A_742 = arith.mulf %sub3A_733, %sub3A_733 : vector<16xf32>
      %mul3A_743 = arith.mulf %sub3A_737, %sub3A_737 : vector<16xf32>
      %add3A_744 = arith.addf %mul3A_742, %mul3A_743 : vector<16xf32>
      %mul3A_745 = arith.mulf %sub3A_741, %sub3A_741 : vector<16xf32>
      %add3A_746 = arith.addf %add3A_744, %mul3A_745 : vector<16xf32>
      %bitcast_convert_type3A_747 = tpu.bitcast %add3A_746 : vector<16xf32> -> vector<16xi32>
      %shift_right_logical3A_748 = arith.constant 1 : i32
      %shift_right_logical3A_749 = vector.broadcast %shift_right_logical3A_748 : i32 to vector<16xi32>
      %shift_right_logical3A_750 = arith.shrui %bitcast_convert_type3A_747, %shift_right_logical3A_749 : vector<16xi32>
      %sub3A_751 = arith.constant 1597463007 : i32
      %sub3A_752 = vector.broadcast %sub3A_751 : i32 to vector<16xi32>
      %sub3A_753 = arith.subi %sub3A_752, %shift_right_logical3A_750 : vector<16xi32>
      %bitcast_convert_type3A_754 = tpu.bitcast %sub3A_753 : vector<16xi32> -> vector<16xf32>
      %mul3A_755 = arith.constant 5.000000e-01 : f32
      %mul3A_756 = vector.broadcast %mul3A_755 : f32 to vector<16xf32>
      %mul3A_757 = arith.mulf %mul3A_756, %add3A_746 : vector<16xf32>
      %mul3A_758 = arith.mulf %mul3A_757, %bitcast_convert_type3A_754 : vector<16xf32>
      %mul3A_759 = arith.mulf %mul3A_758, %bitcast_convert_type3A_754 : vector<16xf32>
      %sub3A_760 = arith.constant 1.500000e+00 : f32
      %sub3A_761 = vector.broadcast %sub3A_760 : f32 to vector<16xf32>
      %sub3A_762 = arith.subf %sub3A_761, %mul3A_759 : vector<16xf32>
      %mul3A_763 = arith.mulf %bitcast_convert_type3A_754, %sub3A_762 : vector<16xf32>
      %mul3A_764 = arith.mulf %mul3A_757, %mul3A_763 : vector<16xf32>
      %mul3A_765 = arith.mulf %mul3A_764, %mul3A_763 : vector<16xf32>
      %sub3A_766 = arith.constant 1.500000e+00 : f32
      %sub3A_767 = vector.broadcast %sub3A_766 : f32 to vector<16xf32>
      %sub3A_768 = arith.subf %sub3A_767, %mul3A_765 : vector<16xf32>
      %mul3A_769 = arith.mulf %mul3A_763, %sub3A_768 : vector<16xf32>
      %mul3A_770 = arith.mulf %add3A_746, %mul3A_769 : vector<16xf32>
      %mul3A_771 = arith.constant 0.52359879 : f32
      %mul3A_772 = vector.broadcast %mul3A_771 : f32 to vector<16xf32>
      %mul3A_773 = arith.mulf %mul3A_770, %mul3A_772 : vector<16xf32>
      %mul3A_774 = arith.constant 0.159154937 : f32
      %mul3A_775 = vector.broadcast %mul3A_774 : f32 to vector<16xf32>
      %mul3A_776 = arith.mulf %mul3A_773, %mul3A_775 : vector<16xf32>
      %add3A_777 = arith.constant 5.000000e-01 : f32
      %add3A_778 = vector.broadcast %add3A_777 : f32 to vector<16xf32>
      %add3A_779 = arith.addf %mul3A_776, %add3A_778 : vector<16xf32>
      %convert_element_type3A_780 = arith.fptosi %add3A_779 : vector<16xf32> to vector<16xi32>
      %convert_element_type3A_781 = arith.sitofp %convert_element_type3A_780 : vector<16xi32> to vector<16xf32>
      %mul3A_782 = arith.constant 6.281250e+00 : f32
      %mul3A_783 = vector.broadcast %mul3A_782 : f32 to vector<16xf32>
      %mul3A_784 = arith.mulf %convert_element_type3A_781, %mul3A_783 : vector<16xf32>
      %sub3A_785 = arith.subf %mul3A_773, %mul3A_784 : vector<16xf32>
      %mul3A_786 = arith.constant 0.00193530717 : f32
      %mul3A_787 = vector.broadcast %mul3A_786 : f32 to vector<16xf32>
      %mul3A_788 = arith.mulf %convert_element_type3A_781, %mul3A_787 : vector<16xf32>
      %sub3A_789 = arith.subf %sub3A_785, %mul3A_788 : vector<16xf32>
      %mul3A_790 = arith.mulf %sub3A_789, %sub3A_789 : vector<16xf32>
      %broadcast_in_dim3A_791 = arith.constant -2.20636892E-7 : f32
      %broadcast_in_dim3A_792 = vector.broadcast %broadcast_in_dim3A_791 : f32 to vector<16xf32>
      %mul3A_793 = arith.mulf %broadcast_in_dim3A_792, %mul3A_790 : vector<16xf32>
      %add3A_794 = arith.constant 2.42265687E-5 : f32
      %add3A_795 = vector.broadcast %add3A_794 : f32 to vector<16xf32>
      %add3A_796 = arith.addf %mul3A_793, %add3A_795 : vector<16xf32>
      %mul3A_797 = arith.mulf %add3A_796, %mul3A_790 : vector<16xf32>
      %add3A_798 = arith.constant -0.00138609903 : f32
      %add3A_799 = vector.broadcast %add3A_798 : f32 to vector<16xf32>
      %add3A_800 = arith.addf %mul3A_797, %add3A_799 : vector<16xf32>
      %mul3A_801 = arith.mulf %add3A_800, %mul3A_790 : vector<16xf32>
      %add3A_802 = arith.constant 0.0416606478 : f32
      %add3A_803 = vector.broadcast %add3A_802 : f32 to vector<16xf32>
      %add3A_804 = arith.addf %mul3A_801, %add3A_803 : vector<16xf32>
      %mul3A_805 = arith.mulf %add3A_804, %mul3A_790 : vector<16xf32>
      %add3A_806 = arith.constant -0.49999553 : f32
      %add3A_807 = vector.broadcast %add3A_806 : f32 to vector<16xf32>
      %add3A_808 = arith.addf %mul3A_805, %add3A_807 : vector<16xf32>
      %mul3A_809 = arith.mulf %add3A_808, %mul3A_790 : vector<16xf32>
      %add3A_810 = arith.constant 1.99999964 : f32
      %add3A_811 = vector.broadcast %add3A_810 : f32 to vector<16xf32>
      %add3A_812 = arith.addf %mul3A_809, %add3A_811 : vector<16xf32>
      %mul3A_813 = arith.mulf %add3A_812, %add3A_812 : vector<16xf32>
      %mul3A_814 = arith.mulf %sub3A_733, %mul3A_769 : vector<16xf32>
      %mul3A_815 = arith.mulf %sub3A_737, %mul3A_769 : vector<16xf32>
      %mul3A_816 = arith.mulf %sub3A_741, %mul3A_769 : vector<16xf32>
      %get3A_817 = arith.index_cast %add3A_729 : i32 to index
      %get3A_818 = tpu.vector_load %arg12[%get3A_817] {strides = array<i32>} : memref<1584xi32, #tpu.memory_space<vmem>>, vector<16xi32>,
      %get3A_819 = vector.shape_cast %get3A_818 : vector<16xi32> to vector<16xi32>
      %eq3A_820 = arith.constant 0 : i32
      %eq3A_821 = vector.broadcast %eq3A_820 : i32 to vector<16xi32>
      %eq3A_822 = arith.cmpi eq, %get3A_819, %eq3A_821 : vector<16xi32>
      %jit3A_823 = arith.constant 0.000000e+00 : f32
      %broadcast_in_dim3A_824 = vector.broadcast %jit3A_823 : f32 to vector<16xf32>
      %select_n3A_825 = arith.select %eq3A_822, %mul3A_813, %broadcast_in_dim3A_824 : vector<16xi1>, vector<16xf32>
      %mul3A_826 = arith.mulf %select_n3A_825, %mul3A_814 : vector<16xf32>
      %mul3A_827 = arith.mulf %select_n3A_825, %mul3A_815 : vector<16xf32>
      %mul3A_828 = arith.mulf %select_n3A_825, %mul3A_816 : vector<16xf32>
      %mul3A_829 = arith.mulf %mul3A_828, %mul3A_816 : vector<16xf32>
      %mul3A_830 = arith.mulf %mul3A_827, %mul3A_816 : vector<16xf32>
      %mul3A_831 = arith.mulf %mul3A_827, %mul3A_815 : vector<16xf32>
      %mul3A_832 = arith.mulf %mul3A_826, %mul3A_816 : vector<16xf32>
      %mul3A_833 = arith.mulf %mul3A_826, %mul3A_815 : vector<16xf32>
      %mul3A_834 = arith.mulf %mul3A_826, %mul3A_814 : vector<16xf32>
      %add3A_835 = arith.addf %add3A_668, %select_n3A_825 : vector<16xf32>
      %add3A_836 = arith.addf %add3A_669, %mul3A_828 : vector<16xf32>
      %add3A_837 = arith.addf %add3A_670, %mul3A_827 : vector<16xf32>
      %add3A_838 = arith.addf %add3A_671, %mul3A_826 : vector<16xf32>
      %add3A_839 = arith.addf %add3A_672, %mul3A_829 : vector<16xf32>
      %add3A_840 = arith.addf %add3A_673, %mul3A_830 : vector<16xf32>
      %add3A_841 = arith.addf %add3A_674, %mul3A_831 : vector<16xf32>
      %add3A_842 = arith.addf %add3A_675, %mul3A_832 : vector<16xf32>
      %add3A_843 = arith.addf %add3A_676, %mul3A_833 : vector<16xf32>
      %add3A_844 = arith.addf %add3A_677, %mul3A_834 : vector<16xf32>
      %eq3A_845 = arith.constant 1 : i32
      %eq3A_846 = vector.broadcast %eq3A_845 : i32 to vector<16xi32>
      %eq3A_847 = arith.cmpi eq, %get3A_819, %eq3A_846 : vector<16xi32>
      %jit3A_848 = arith.constant 0.000000e+00 : f32
      %broadcast_in_dim3A_849 = vector.broadcast %jit3A_848 : f32 to vector<16xf32>
      %select_n3A_850 = arith.select %eq3A_847, %mul3A_813, %broadcast_in_dim3A_849 : vector<16xi1>, vector<16xf32>
      %mul3A_851 = arith.mulf %select_n3A_850, %mul3A_814 : vector<16xf32>
      %mul3A_852 = arith.mulf %select_n3A_850, %mul3A_815 : vector<16xf32>
      %mul3A_853 = arith.mulf %select_n3A_850, %mul3A_816 : vector<16xf32>
      %mul3A_854 = arith.mulf %mul3A_853, %mul3A_816 : vector<16xf32>
      %mul3A_855 = arith.mulf %mul3A_852, %mul3A_816 : vector<16xf32>
      %mul3A_856 = arith.mulf %mul3A_852, %mul3A_815 : vector<16xf32>
      %mul3A_857 = arith.mulf %mul3A_851, %mul3A_816 : vector<16xf32>
      %mul3A_858 = arith.mulf %mul3A_851, %mul3A_815 : vector<16xf32>
      %mul3A_859 = arith.mulf %mul3A_851, %mul3A_814 : vector<16xf32>
      %add3A_860 = arith.addf %add3A_693, %select_n3A_850 : vector<16xf32>
      %add3A_861 = arith.addf %add3A_694, %mul3A_853 : vector<16xf32>
      %add3A_862 = arith.addf %add3A_695, %mul3A_852 : vector<16xf32>
      %add3A_863 = arith.addf %add3A_696, %mul3A_851 : vector<16xf32>
      %add3A_864 = arith.addf %add3A_697, %mul3A_854 : vector<16xf32>
      %add3A_865 = arith.addf %add3A_698, %mul3A_855 : vector<16xf32>
      %add3A_866 = arith.addf %add3A_699, %mul3A_856 : vector<16xf32>
      %add3A_867 = arith.addf %add3A_700, %mul3A_857 : vector<16xf32>
      %add3A_868 = arith.addf %add3A_701, %mul3A_858 : vector<16xf32>
      %add3A_869 = arith.addf %add3A_702, %mul3A_859 : vector<16xf32>
      %eq3A_870 = arith.constant 2 : i32
      %eq3A_871 = vector.broadcast %eq3A_870 : i32 to vector<16xi32>
      %eq3A_872 = arith.cmpi eq, %get3A_819, %eq3A_871 : vector<16xi32>
      %jit3A_873 = arith.constant 0.000000e+00 : f32
      %broadcast_in_dim3A_874 = vector.broadcast %jit3A_873 : f32 to vector<16xf32>
      %select_n3A_875 = arith.select %eq3A_872, %mul3A_813, %broadcast_in_dim3A_874 : vector<16xi1>, vector<16xf32>
      %mul3A_876 = arith.mulf %select_n3A_875, %mul3A_814 : vector<16xf32>
      %mul3A_877 = arith.mulf %select_n3A_875, %mul3A_815 : vector<16xf32>
      %mul3A_878 = arith.mulf %select_n3A_875, %mul3A_816 : vector<16xf32>
      %mul3A_879 = arith.mulf %mul3A_878, %mul3A_816 : vector<16xf32>
      %mul3A_880 = arith.mulf %mul3A_877, %mul3A_816 : vector<16xf32>
      %mul3A_881 = arith.mulf %mul3A_877, %mul3A_815 : vector<16xf32>
      %mul3A_882 = arith.mulf %mul3A_876, %mul3A_816 : vector<16xf32>
      %mul3A_883 = arith.mulf %mul3A_876, %mul3A_815 : vector<16xf32>
      %mul3A_884 = arith.mulf %mul3A_876, %mul3A_814 : vector<16xf32>
      %add3A_885 = arith.addf %add3A_718, %select_n3A_875 : vector<16xf32>
      %add3A_886 = arith.addf %add3A_719, %mul3A_878 : vector<16xf32>
      %add3A_887 = arith.addf %add3A_720, %mul3A_877 : vector<16xf32>
      %add3A_888 = arith.addf %add3A_721, %mul3A_876 : vector<16xf32>
      %add3A_889 = arith.addf %add3A_722, %mul3A_879 : vector<16xf32>
      %add3A_890 = arith.addf %add3A_723, %mul3A_880 : vector<16xf32>
      %add3A_891 = arith.addf %add3A_724, %mul3A_881 : vector<16xf32>
      %add3A_892 = arith.addf %add3A_725, %mul3A_882 : vector<16xf32>
      %add3A_893 = arith.addf %add3A_726, %mul3A_883 : vector<16xf32>
      %add3A_894 = arith.addf %add3A_727, %mul3A_884 : vector<16xf32>
      %add3A_895 = arith.constant 5 : i32
      %add3A_896 = arith.addi %mul3A_253, %add3A_895 : i32
      %get3A_897 = arith.index_cast %add3A_896 : i32 to index
      %get3A_898 = tpu.vector_load %arg9[%get3A_897] {strides = array<i32>} : memref<1584xf32, #tpu.memory_space<vmem>>, vector<16xf32>,
      %get3A_899 = vector.shape_cast %get3A_898 : vector<16xf32> to vector<16xf32>
      %sub3A_900 = arith.subf %get3A_899, %get3A_256 : vector<16xf32>
      %get3A_901 = arith.index_cast %add3A_896 : i32 to index
      %get3A_902 = tpu.vector_load %arg10[%get3A_901] {strides = array<i32>} : memref<1584xf32, #tpu.memory_space<vmem>>, vector<16xf32>,
      %get3A_903 = vector.shape_cast %get3A_902 : vector<16xf32> to vector<16xf32>
      %sub3A_904 = arith.subf %get3A_903, %get3A_259 : vector<16xf32>
      %get3A_905 = arith.index_cast %add3A_896 : i32 to index
      %get3A_906 = tpu.vector_load %arg11[%get3A_905] {strides = array<i32>} : memref<1584xf32, #tpu.memory_space<vmem>>, vector<16xf32>,
      %get3A_907 = vector.shape_cast %get3A_906 : vector<16xf32> to vector<16xf32>
      %sub3A_908 = arith.subf %get3A_907, %get3A_262 : vector<16xf32>
      %mul3A_909 = arith.mulf %sub3A_900, %sub3A_900 : vector<16xf32>
      %mul3A_910 = arith.mulf %sub3A_904, %sub3A_904 : vector<16xf32>
      %add3A_911 = arith.addf %mul3A_909, %mul3A_910 : vector<16xf32>
      %mul3A_912 = arith.mulf %sub3A_908, %sub3A_908 : vector<16xf32>
      %add3A_913 = arith.addf %add3A_911, %mul3A_912 : vector<16xf32>
      %bitcast_convert_type3A_914 = tpu.bitcast %add3A_913 : vector<16xf32> -> vector<16xi32>
      %shift_right_logical3A_915 = arith.constant 1 : i32
      %shift_right_logical3A_916 = vector.broadcast %shift_right_logical3A_915 : i32 to vector<16xi32>
      %shift_right_logical3A_917 = arith.shrui %bitcast_convert_type3A_914, %shift_right_logical3A_916 : vector<16xi32>
      %sub3A_918 = arith.constant 1597463007 : i32
      %sub3A_919 = vector.broadcast %sub3A_918 : i32 to vector<16xi32>
      %sub3A_920 = arith.subi %sub3A_919, %shift_right_logical3A_917 : vector<16xi32>
      %bitcast_convert_type3A_921 = tpu.bitcast %sub3A_920 : vector<16xi32> -> vector<16xf32>
      %mul3A_922 = arith.constant 5.000000e-01 : f32
      %mul3A_923 = vector.broadcast %mul3A_922 : f32 to vector<16xf32>
      %mul3A_924 = arith.mulf %mul3A_923, %add3A_913 : vector<16xf32>
      %mul3A_925 = arith.mulf %mul3A_924, %bitcast_convert_type3A_921 : vector<16xf32>
      %mul3A_926 = arith.mulf %mul3A_925, %bitcast_convert_type3A_921 : vector<16xf32>
      %sub3A_927 = arith.constant 1.500000e+00 : f32
      %sub3A_928 = vector.broadcast %sub3A_927 : f32 to vector<16xf32>
      %sub3A_929 = arith.subf %sub3A_928, %mul3A_926 : vector<16xf32>
      %mul3A_930 = arith.mulf %bitcast_convert_type3A_921, %sub3A_929 : vector<16xf32>
      %mul3A_931 = arith.mulf %mul3A_924, %mul3A_930 : vector<16xf32>
      %mul3A_932 = arith.mulf %mul3A_931, %mul3A_930 : vector<16xf32>
      %sub3A_933 = arith.constant 1.500000e+00 : f32
      %sub3A_934 = vector.broadcast %sub3A_933 : f32 to vector<16xf32>
      %sub3A_935 = arith.subf %sub3A_934, %mul3A_932 : vector<16xf32>
      %mul3A_936 = arith.mulf %mul3A_930, %sub3A_935 : vector<16xf32>
      %mul3A_937 = arith.mulf %add3A_913, %mul3A_936 : vector<16xf32>
      %mul3A_938 = arith.constant 0.52359879 : f32
      %mul3A_939 = vector.broadcast %mul3A_938 : f32 to vector<16xf32>
      %mul3A_940 = arith.mulf %mul3A_937, %mul3A_939 : vector<16xf32>
      %mul3A_941 = arith.constant 0.159154937 : f32
      %mul3A_942 = vector.broadcast %mul3A_941 : f32 to vector<16xf32>
      %mul3A_943 = arith.mulf %mul3A_940, %mul3A_942 : vector<16xf32>
      %add3A_944 = arith.constant 5.000000e-01 : f32
      %add3A_945 = vector.broadcast %add3A_944 : f32 to vector<16xf32>
      %add3A_946 = arith.addf %mul3A_943, %add3A_945 : vector<16xf32>
      %convert_element_type3A_947 = arith.fptosi %add3A_946 : vector<16xf32> to vector<16xi32>
      %convert_element_type3A_948 = arith.sitofp %convert_element_type3A_947 : vector<16xi32> to vector<16xf32>
      %mul3A_949 = arith.constant 6.281250e+00 : f32
      %mul3A_950 = vector.broadcast %mul3A_949 : f32 to vector<16xf32>
      %mul3A_951 = arith.mulf %convert_element_type3A_948, %mul3A_950 : vector<16xf32>
      %sub3A_952 = arith.subf %mul3A_940, %mul3A_951 : vector<16xf32>
      %mul3A_953 = arith.constant 0.00193530717 : f32
      %mul3A_954 = vector.broadcast %mul3A_953 : f32 to vector<16xf32>
      %mul3A_955 = arith.mulf %convert_element_type3A_948, %mul3A_954 : vector<16xf32>
      %sub3A_956 = arith.subf %sub3A_952, %mul3A_955 : vector<16xf32>
      %mul3A_957 = arith.mulf %sub3A_956, %sub3A_956 : vector<16xf32>
      %broadcast_in_dim3A_958 = arith.constant -2.20636892E-7 : f32
      %broadcast_in_dim3A_959 = vector.broadcast %broadcast_in_dim3A_958 : f32 to vector<16xf32>
      %mul3A_960 = arith.mulf %broadcast_in_dim3A_959, %mul3A_957 : vector<16xf32>
      %add3A_961 = arith.constant 2.42265687E-5 : f32
      %add3A_962 = vector.broadcast %add3A_961 : f32 to vector<16xf32>
      %add3A_963 = arith.addf %mul3A_960, %add3A_962 : vector<16xf32>
      %mul3A_964 = arith.mulf %add3A_963, %mul3A_957 : vector<16xf32>
      %add3A_965 = arith.constant -0.00138609903 : f32
      %add3A_966 = vector.broadcast %add3A_965 : f32 to vector<16xf32>
      %add3A_967 = arith.addf %mul3A_964, %add3A_966 : vector<16xf32>
      %mul3A_968 = arith.mulf %add3A_967, %mul3A_957 : vector<16xf32>
      %add3A_969 = arith.constant 0.0416606478 : f32
      %add3A_970 = vector.broadcast %add3A_969 : f32 to vector<16xf32>
      %add3A_971 = arith.addf %mul3A_968, %add3A_970 : vector<16xf32>
      %mul3A_972 = arith.mulf %add3A_971, %mul3A_957 : vector<16xf32>
      %add3A_973 = arith.constant -0.49999553 : f32
      %add3A_974 = vector.broadcast %add3A_973 : f32 to vector<16xf32>
      %add3A_975 = arith.addf %mul3A_972, %add3A_974 : vector<16xf32>
      %mul3A_976 = arith.mulf %add3A_975, %mul3A_957 : vector<16xf32>
      %add3A_977 = arith.constant 1.99999964 : f32
      %add3A_978 = vector.broadcast %add3A_977 : f32 to vector<16xf32>
      %add3A_979 = arith.addf %mul3A_976, %add3A_978 : vector<16xf32>
      %mul3A_980 = arith.mulf %add3A_979, %add3A_979 : vector<16xf32>
      %mul3A_981 = arith.mulf %sub3A_900, %mul3A_936 : vector<16xf32>
      %mul3A_982 = arith.mulf %sub3A_904, %mul3A_936 : vector<16xf32>
      %mul3A_983 = arith.mulf %sub3A_908, %mul3A_936 : vector<16xf32>
      %get3A_984 = arith.index_cast %add3A_896 : i32 to index
      %get3A_985 = tpu.vector_load %arg12[%get3A_984] {strides = array<i32>} : memref<1584xi32, #tpu.memory_space<vmem>>, vector<16xi32>,
      %get3A_986 = vector.shape_cast %get3A_985 : vector<16xi32> to vector<16xi32>
      %eq3A_987 = arith.constant 0 : i32
      %eq3A_988 = vector.broadcast %eq3A_987 : i32 to vector<16xi32>
      %eq3A_989 = arith.cmpi eq, %get3A_986, %eq3A_988 : vector<16xi32>
      %jit3A_990 = arith.constant 0.000000e+00 : f32
      %broadcast_in_dim3A_991 = vector.broadcast %jit3A_990 : f32 to vector<16xf32>
      %select_n3A_992 = arith.select %eq3A_989, %mul3A_980, %broadcast_in_dim3A_991 : vector<16xi1>, vector<16xf32>
      %mul3A_993 = arith.mulf %select_n3A_992, %mul3A_981 : vector<16xf32>
      %mul3A_994 = arith.mulf %select_n3A_992, %mul3A_982 : vector<16xf32>
      %mul3A_995 = arith.mulf %select_n3A_992, %mul3A_983 : vector<16xf32>
      %mul3A_996 = arith.mulf %mul3A_995, %mul3A_983 : vector<16xf32>
      %mul3A_997 = arith.mulf %mul3A_994, %mul3A_983 : vector<16xf32>
      %mul3A_998 = arith.mulf %mul3A_994, %mul3A_982 : vector<16xf32>
      %mul3A_999 = arith.mulf %mul3A_993, %mul3A_983 : vector<16xf32>
      %mul3A_1000 = arith.mulf %mul3A_993, %mul3A_982 : vector<16xf32>
      %mul3A_1001 = arith.mulf %mul3A_993, %mul3A_981 : vector<16xf32>
      %add3A_1002 = arith.addf %add3A_835, %select_n3A_992 : vector<16xf32>
      %add3A_1003 = arith.addf %add3A_836, %mul3A_995 : vector<16xf32>
      %add3A_1004 = arith.addf %add3A_837, %mul3A_994 : vector<16xf32>
      %add3A_1005 = arith.addf %add3A_838, %mul3A_993 : vector<16xf32>
      %add3A_1006 = arith.addf %add3A_839, %mul3A_996 : vector<16xf32>
      %add3A_1007 = arith.addf %add3A_840, %mul3A_997 : vector<16xf32>
      %add3A_1008 = arith.addf %add3A_841, %mul3A_998 : vector<16xf32>
      %add3A_1009 = arith.addf %add3A_842, %mul3A_999 : vector<16xf32>
      %add3A_1010 = arith.addf %add3A_843, %mul3A_1000 : vector<16xf32>
      %add3A_1011 = arith.addf %add3A_844, %mul3A_1001 : vector<16xf32>
      %eq3A_1012 = arith.constant 1 : i32
      %eq3A_1013 = vector.broadcast %eq3A_1012 : i32 to vector<16xi32>
      %eq3A_1014 = arith.cmpi eq, %get3A_986, %eq3A_1013 : vector<16xi32>
      %jit3A_1015 = arith.constant 0.000000e+00 : f32
      %broadcast_in_dim3A_1016 = vector.broadcast %jit3A_1015 : f32 to vector<16xf32>
      %select_n3A_1017 = arith.select %eq3A_1014, %mul3A_980, %broadcast_in_dim3A_1016 : vector<16xi1>, vector<16xf32>
      %mul3A_1018 = arith.mulf %select_n3A_1017, %mul3A_981 : vector<16xf32>
      %mul3A_1019 = arith.mulf %select_n3A_1017, %mul3A_982 : vector<16xf32>
      %mul3A_1020 = arith.mulf %select_n3A_1017, %mul3A_983 : vector<16xf32>
      %mul3A_1021 = arith.mulf %mul3A_1020, %mul3A_983 : vector<16xf32>
      %mul3A_1022 = arith.mulf %mul3A_1019, %mul3A_983 : vector<16xf32>
      %mul3A_1023 = arith.mulf %mul3A_1019, %mul3A_982 : vector<16xf32>
      %mul3A_1024 = arith.mulf %mul3A_1018, %mul3A_983 : vector<16xf32>
      %mul3A_1025 = arith.mulf %mul3A_1018, %mul3A_982 : vector<16xf32>
      %mul3A_1026 = arith.mulf %mul3A_1018, %mul3A_981 : vector<16xf32>
      %add3A_1027 = arith.addf %add3A_860, %select_n3A_1017 : vector<16xf32>
      %add3A_1028 = arith.addf %add3A_861, %mul3A_1020 : vector<16xf32>
      %add3A_1029 = arith.addf %add3A_862, %mul3A_1019 : vector<16xf32>
      %add3A_1030 = arith.addf %add3A_863, %mul3A_1018 : vector<16xf32>
      %add3A_1031 = arith.addf %add3A_864, %mul3A_1021 : vector<16xf32>
      %add3A_1032 = arith.addf %add3A_865, %mul3A_1022 : vector<16xf32>
      %add3A_1033 = arith.addf %add3A_866, %mul3A_1023 : vector<16xf32>
      %add3A_1034 = arith.addf %add3A_867, %mul3A_1024 : vector<16xf32>
      %add3A_1035 = arith.addf %add3A_868, %mul3A_1025 : vector<16xf32>
      %add3A_1036 = arith.addf %add3A_869, %mul3A_1026 : vector<16xf32>
      %eq3A_1037 = arith.constant 2 : i32
      %eq3A_1038 = vector.broadcast %eq3A_1037 : i32 to vector<16xi32>
      %eq3A_1039 = arith.cmpi eq, %get3A_986, %eq3A_1038 : vector<16xi32>
      %jit3A_1040 = arith.constant 0.000000e+00 : f32
      %broadcast_in_dim3A_1041 = vector.broadcast %jit3A_1040 : f32 to vector<16xf32>
      %select_n3A_1042 = arith.select %eq3A_1039, %mul3A_980, %broadcast_in_dim3A_1041 : vector<16xi1>, vector<16xf32>
      %mul3A_1043 = arith.mulf %select_n3A_1042, %mul3A_981 : vector<16xf32>
      %mul3A_1044 = arith.mulf %select_n3A_1042, %mul3A_982 : vector<16xf32>
      %mul3A_1045 = arith.mulf %select_n3A_1042, %mul3A_983 : vector<16xf32>
      %mul3A_1046 = arith.mulf %mul3A_1045, %mul3A_983 : vector<16xf32>
      %mul3A_1047 = arith.mulf %mul3A_1044, %mul3A_983 : vector<16xf32>
      %mul3A_1048 = arith.mulf %mul3A_1044, %mul3A_982 : vector<16xf32>
      %mul3A_1049 = arith.mulf %mul3A_1043, %mul3A_983 : vector<16xf32>
      %mul3A_1050 = arith.mulf %mul3A_1043, %mul3A_982 : vector<16xf32>
      %mul3A_1051 = arith.mulf %mul3A_1043, %mul3A_981 : vector<16xf32>
      %add3A_1052 = arith.addf %add3A_885, %select_n3A_1042 : vector<16xf32>
      %add3A_1053 = arith.addf %add3A_886, %mul3A_1045 : vector<16xf32>
      %add3A_1054 = arith.addf %add3A_887, %mul3A_1044 : vector<16xf32>
      %add3A_1055 = arith.addf %add3A_888, %mul3A_1043 : vector<16xf32>
      %add3A_1056 = arith.addf %add3A_889, %mul3A_1046 : vector<16xf32>
      %add3A_1057 = arith.addf %add3A_890, %mul3A_1047 : vector<16xf32>
      %add3A_1058 = arith.addf %add3A_891, %mul3A_1048 : vector<16xf32>
      %add3A_1059 = arith.addf %add3A_892, %mul3A_1049 : vector<16xf32>
      %add3A_1060 = arith.addf %add3A_893, %mul3A_1050 : vector<16xf32>
      %add3A_1061 = arith.addf %add3A_894, %mul3A_1051 : vector<16xf32>
      %add3A_1062 = arith.constant 6 : i32
      %add3A_1063 = arith.addi %mul3A_253, %add3A_1062 : i32
      %get3A_1064 = arith.index_cast %add3A_1063 : i32 to index
      %get3A_1065 = tpu.vector_load %arg9[%get3A_1064] {strides = array<i32>} : memref<1584xf32, #tpu.memory_space<vmem>>, vector<16xf32>,
      %get3A_1066 = vector.shape_cast %get3A_1065 : vector<16xf32> to vector<16xf32>
      %sub3A_1067 = arith.subf %get3A_1066, %get3A_256 : vector<16xf32>
      %get3A_1068 = arith.index_cast %add3A_1063 : i32 to index
      %get3A_1069 = tpu.vector_load %arg10[%get3A_1068] {strides = array<i32>} : memref<1584xf32, #tpu.memory_space<vmem>>, vector<16xf32>,
      %get3A_1070 = vector.shape_cast %get3A_1069 : vector<16xf32> to vector<16xf32>
      %sub3A_1071 = arith.subf %get3A_1070, %get3A_259 : vector<16xf32>
      %get3A_1072 = arith.index_cast %add3A_1063 : i32 to index
      %get3A_1073 = tpu.vector_load %arg11[%get3A_1072] {strides = array<i32>} : memref<1584xf32, #tpu.memory_space<vmem>>, vector<16xf32>,
      %get3A_1074 = vector.shape_cast %get3A_1073 : vector<16xf32> to vector<16xf32>
      %sub3A_1075 = arith.subf %get3A_1074, %get3A_262 : vector<16xf32>
      %mul3A_1076 = arith.mulf %sub3A_1067, %sub3A_1067 : vector<16xf32>
      %mul3A_1077 = arith.mulf %sub3A_1071, %sub3A_1071 : vector<16xf32>
      %add3A_1078 = arith.addf %mul3A_1076, %mul3A_1077 : vector<16xf32>
      %mul3A_1079 = arith.mulf %sub3A_1075, %sub3A_1075 : vector<16xf32>
      %add3A_1080 = arith.addf %add3A_1078, %mul3A_1079 : vector<16xf32>
      %bitcast_convert_type3A_1081 = tpu.bitcast %add3A_1080 : vector<16xf32> -> vector<16xi32>
      %shift_right_logical3A_1082 = arith.constant 1 : i32
      %shift_right_logical3A_1083 = vector.broadcast %shift_right_logical3A_1082 : i32 to vector<16xi32>
      %shift_right_logical3A_1084 = arith.shrui %bitcast_convert_type3A_1081, %shift_right_logical3A_1083 : vector<16xi32>
      %sub3A_1085 = arith.constant 1597463007 : i32
      %sub3A_1086 = vector.broadcast %sub3A_1085 : i32 to vector<16xi32>
      %sub3A_1087 = arith.subi %sub3A_1086, %shift_right_logical3A_1084 : vector<16xi32>
      %bitcast_convert_type3A_1088 = tpu.bitcast %sub3A_1087 : vector<16xi32> -> vector<16xf32>
      %mul3A_1089 = arith.constant 5.000000e-01 : f32
      %mul3A_1090 = vector.broadcast %mul3A_1089 : f32 to vector<16xf32>
      %mul3A_1091 = arith.mulf %mul3A_1090, %add3A_1080 : vector<16xf32>
      %mul3A_1092 = arith.mulf %mul3A_1091, %bitcast_convert_type3A_1088 : vector<16xf32>
      %mul3A_1093 = arith.mulf %mul3A_1092, %bitcast_convert_type3A_1088 : vector<16xf32>
      %sub3A_1094 = arith.constant 1.500000e+00 : f32
      %sub3A_1095 = vector.broadcast %sub3A_1094 : f32 to vector<16xf32>
      %sub3A_1096 = arith.subf %sub3A_1095, %mul3A_1093 : vector<16xf32>
      %mul3A_1097 = arith.mulf %bitcast_convert_type3A_1088, %sub3A_1096 : vector<16xf32>
      %mul3A_1098 = arith.mulf %mul3A_1091, %mul3A_1097 : vector<16xf32>
      %mul3A_1099 = arith.mulf %mul3A_1098, %mul3A_1097 : vector<16xf32>
      %sub3A_1100 = arith.constant 1.500000e+00 : f32
      %sub3A_1101 = vector.broadcast %sub3A_1100 : f32 to vector<16xf32>
      %sub3A_1102 = arith.subf %sub3A_1101, %mul3A_1099 : vector<16xf32>
      %mul3A_1103 = arith.mulf %mul3A_1097, %sub3A_1102 : vector<16xf32>
      %mul3A_1104 = arith.mulf %add3A_1080, %mul3A_1103 : vector<16xf32>
      %mul3A_1105 = arith.constant 0.52359879 : f32
      %mul3A_1106 = vector.broadcast %mul3A_1105 : f32 to vector<16xf32>
      %mul3A_1107 = arith.mulf %mul3A_1104, %mul3A_1106 : vector<16xf32>
      %mul3A_1108 = arith.constant 0.159154937 : f32
      %mul3A_1109 = vector.broadcast %mul3A_1108 : f32 to vector<16xf32>
      %mul3A_1110 = arith.mulf %mul3A_1107, %mul3A_1109 : vector<16xf32>
      %add3A_1111 = arith.constant 5.000000e-01 : f32
      %add3A_1112 = vector.broadcast %add3A_1111 : f32 to vector<16xf32>
      %add3A_1113 = arith.addf %mul3A_1110, %add3A_1112 : vector<16xf32>
      %convert_element_type3A_1114 = arith.fptosi %add3A_1113 : vector<16xf32> to vector<16xi32>
      %convert_element_type3A_1115 = arith.sitofp %convert_element_type3A_1114 : vector<16xi32> to vector<16xf32>
      %mul3A_1116 = arith.constant 6.281250e+00 : f32
      %mul3A_1117 = vector.broadcast %mul3A_1116 : f32 to vector<16xf32>
      %mul3A_1118 = arith.mulf %convert_element_type3A_1115, %mul3A_1117 : vector<16xf32>
      %sub3A_1119 = arith.subf %mul3A_1107, %mul3A_1118 : vector<16xf32>
      %mul3A_1120 = arith.constant 0.00193530717 : f32
      %mul3A_1121 = vector.broadcast %mul3A_1120 : f32 to vector<16xf32>
      %mul3A_1122 = arith.mulf %convert_element_type3A_1115, %mul3A_1121 : vector<16xf32>
      %sub3A_1123 = arith.subf %sub3A_1119, %mul3A_1122 : vector<16xf32>
      %mul3A_1124 = arith.mulf %sub3A_1123, %sub3A_1123 : vector<16xf32>
      %broadcast_in_dim3A_1125 = arith.constant -2.20636892E-7 : f32
      %broadcast_in_dim3A_1126 = vector.broadcast %broadcast_in_dim3A_1125 : f32 to vector<16xf32>
      %mul3A_1127 = arith.mulf %broadcast_in_dim3A_1126, %mul3A_1124 : vector<16xf32>
      %add3A_1128 = arith.constant 2.42265687E-5 : f32
      %add3A_1129 = vector.broadcast %add3A_1128 : f32 to vector<16xf32>
      %add3A_1130 = arith.addf %mul3A_1127, %add3A_1129 : vector<16xf32>
      %mul3A_1131 = arith.mulf %add3A_1130, %mul3A_1124 : vector<16xf32>
      %add3A_1132 = arith.constant -0.00138609903 : f32
      %add3A_1133 = vector.broadcast %add3A_1132 : f32 to vector<16xf32>
      %add3A_1134 = arith.addf %mul3A_1131, %add3A_1133 : vector<16xf32>
      %mul3A_1135 = arith.mulf %add3A_1134, %mul3A_1124 : vector<16xf32>
      %add3A_1136 = arith.constant 0.0416606478 : f32
      %add3A_1137 = vector.broadcast %add3A_1136 : f32 to vector<16xf32>
      %add3A_1138 = arith.addf %mul3A_1135, %add3A_1137 : vector<16xf32>
      %mul3A_1139 = arith.mulf %add3A_1138, %mul3A_1124 : vector<16xf32>
      %add3A_1140 = arith.constant -0.49999553 : f32
      %add3A_1141 = vector.broadcast %add3A_1140 : f32 to vector<16xf32>
      %add3A_1142 = arith.addf %mul3A_1139, %add3A_1141 : vector<16xf32>
      %mul3A_1143 = arith.mulf %add3A_1142, %mul3A_1124 : vector<16xf32>
      %add3A_1144 = arith.constant 1.99999964 : f32
      %add3A_1145 = vector.broadcast %add3A_1144 : f32 to vector<16xf32>
      %add3A_1146 = arith.addf %mul3A_1143, %add3A_1145 : vector<16xf32>
      %mul3A_1147 = arith.mulf %add3A_1146, %add3A_1146 : vector<16xf32>
      %mul3A_1148 = arith.mulf %sub3A_1067, %mul3A_1103 : vector<16xf32>
      %mul3A_1149 = arith.mulf %sub3A_1071, %mul3A_1103 : vector<16xf32>
      %mul3A_1150 = arith.mulf %sub3A_1075, %mul3A_1103 : vector<16xf32>
      %get3A_1151 = arith.index_cast %add3A_1063 : i32 to index
      %get3A_1152 = tpu.vector_load %arg12[%get3A_1151] {strides = array<i32>} : memref<1584xi32, #tpu.memory_space<vmem>>, vector<16xi32>,
      %get3A_1153 = vector.shape_cast %get3A_1152 : vector<16xi32> to vector<16xi32>
      %eq3A_1154 = arith.constant 0 : i32
      %eq3A_1155 = vector.broadcast %eq3A_1154 : i32 to vector<16xi32>
      %eq3A_1156 = arith.cmpi eq, %get3A_1153, %eq3A_1155 : vector<16xi32>
      %jit3A_1157 = arith.constant 0.000000e+00 : f32
      %broadcast_in_dim3A_1158 = vector.broadcast %jit3A_1157 : f32 to vector<16xf32>
      %select_n3A_1159 = arith.select %eq3A_1156, %mul3A_1147, %broadcast_in_dim3A_1158 : vector<16xi1>, vector<16xf32>
      %mul3A_1160 = arith.mulf %select_n3A_1159, %mul3A_1148 : vector<16xf32>
      %mul3A_1161 = arith.mulf %select_n3A_1159, %mul3A_1149 : vector<16xf32>
      %mul3A_1162 = arith.mulf %select_n3A_1159, %mul3A_1150 : vector<16xf32>
      %mul3A_1163 = arith.mulf %mul3A_1162, %mul3A_1150 : vector<16xf32>
      %mul3A_1164 = arith.mulf %mul3A_1161, %mul3A_1150 : vector<16xf32>
      %mul3A_1165 = arith.mulf %mul3A_1161, %mul3A_1149 : vector<16xf32>
      %mul3A_1166 = arith.mulf %mul3A_1160, %mul3A_1150 : vector<16xf32>
      %mul3A_1167 = arith.mulf %mul3A_1160, %mul3A_1149 : vector<16xf32>
      %mul3A_1168 = arith.mulf %mul3A_1160, %mul3A_1148 : vector<16xf32>
      %add3A_1169 = arith.addf %add3A_1002, %select_n3A_1159 : vector<16xf32>
      %add3A_1170 = arith.addf %add3A_1003, %mul3A_1162 : vector<16xf32>
      %add3A_1171 = arith.addf %add3A_1004, %mul3A_1161 : vector<16xf32>
      %add3A_1172 = arith.addf %add3A_1005, %mul3A_1160 : vector<16xf32>
      %add3A_1173 = arith.addf %add3A_1006, %mul3A_1163 : vector<16xf32>
      %add3A_1174 = arith.addf %add3A_1007, %mul3A_1164 : vector<16xf32>
      %add3A_1175 = arith.addf %add3A_1008, %mul3A_1165 : vector<16xf32>
      %add3A_1176 = arith.addf %add3A_1009, %mul3A_1166 : vector<16xf32>
      %add3A_1177 = arith.addf %add3A_1010, %mul3A_1167 : vector<16xf32>
      %add3A_1178 = arith.addf %add3A_1011, %mul3A_1168 : vector<16xf32>
      %eq3A_1179 = arith.constant 1 : i32
      %eq3A_1180 = vector.broadcast %eq3A_1179 : i32 to vector<16xi32>
      %eq3A_1181 = arith.cmpi eq, %get3A_1153, %eq3A_1180 : vector<16xi32>
      %jit3A_1182 = arith.constant 0.000000e+00 : f32
      %broadcast_in_dim3A_1183 = vector.broadcast %jit3A_1182 : f32 to vector<16xf32>
      %select_n3A_1184 = arith.select %eq3A_1181, %mul3A_1147, %broadcast_in_dim3A_1183 : vector<16xi1>, vector<16xf32>
      %mul3A_1185 = arith.mulf %select_n3A_1184, %mul3A_1148 : vector<16xf32>
      %mul3A_1186 = arith.mulf %select_n3A_1184, %mul3A_1149 : vector<16xf32>
      %mul3A_1187 = arith.mulf %select_n3A_1184, %mul3A_1150 : vector<16xf32>
      %mul3A_1188 = arith.mulf %mul3A_1187, %mul3A_1150 : vector<16xf32>
      %mul3A_1189 = arith.mulf %mul3A_1186, %mul3A_1150 : vector<16xf32>
      %mul3A_1190 = arith.mulf %mul3A_1186, %mul3A_1149 : vector<16xf32>
      %mul3A_1191 = arith.mulf %mul3A_1185, %mul3A_1150 : vector<16xf32>
      %mul3A_1192 = arith.mulf %mul3A_1185, %mul3A_1149 : vector<16xf32>
      %mul3A_1193 = arith.mulf %mul3A_1185, %mul3A_1148 : vector<16xf32>
      %add3A_1194 = arith.addf %add3A_1027, %select_n3A_1184 : vector<16xf32>
      %add3A_1195 = arith.addf %add3A_1028, %mul3A_1187 : vector<16xf32>
      %add3A_1196 = arith.addf %add3A_1029, %mul3A_1186 : vector<16xf32>
      %add3A_1197 = arith.addf %add3A_1030, %mul3A_1185 : vector<16xf32>
      %add3A_1198 = arith.addf %add3A_1031, %mul3A_1188 : vector<16xf32>
      %add3A_1199 = arith.addf %add3A_1032, %mul3A_1189 : vector<16xf32>
      %add3A_1200 = arith.addf %add3A_1033, %mul3A_1190 : vector<16xf32>
      %add3A_1201 = arith.addf %add3A_1034, %mul3A_1191 : vector<16xf32>
      %add3A_1202 = arith.addf %add3A_1035, %mul3A_1192 : vector<16xf32>
      %add3A_1203 = arith.addf %add3A_1036, %mul3A_1193 : vector<16xf32>
      %eq3A_1204 = arith.constant 2 : i32
      %eq3A_1205 = vector.broadcast %eq3A_1204 : i32 to vector<16xi32>
      %eq3A_1206 = arith.cmpi eq, %get3A_1153, %eq3A_1205 : vector<16xi32>
      %jit3A_1207 = arith.constant 0.000000e+00 : f32
      %broadcast_in_dim3A_1208 = vector.broadcast %jit3A_1207 : f32 to vector<16xf32>
      %select_n3A_1209 = arith.select %eq3A_1206, %mul3A_1147, %broadcast_in_dim3A_1208 : vector<16xi1>, vector<16xf32>
      %mul3A_1210 = arith.mulf %select_n3A_1209, %mul3A_1148 : vector<16xf32>
      %mul3A_1211 = arith.mulf %select_n3A_1209, %mul3A_1149 : vector<16xf32>
      %mul3A_1212 = arith.mulf %select_n3A_1209, %mul3A_1150 : vector<16xf32>
      %mul3A_1213 = arith.mulf %mul3A_1212, %mul3A_1150 : vector<16xf32>
      %mul3A_1214 = arith.mulf %mul3A_1211, %mul3A_1150 : vector<16xf32>
      %mul3A_1215 = arith.mulf %mul3A_1211, %mul3A_1149 : vector<16xf32>
      %mul3A_1216 = arith.mulf %mul3A_1210, %mul3A_1150 : vector<16xf32>
      %mul3A_1217 = arith.mulf %mul3A_1210, %mul3A_1149 : vector<16xf32>
      %mul3A_1218 = arith.mulf %mul3A_1210, %mul3A_1148 : vector<16xf32>
      %add3A_1219 = arith.addf %add3A_1052, %select_n3A_1209 : vector<16xf32>
      %add3A_1220 = arith.addf %add3A_1053, %mul3A_1212 : vector<16xf32>
      %add3A_1221 = arith.addf %add3A_1054, %mul3A_1211 : vector<16xf32>
      %add3A_1222 = arith.addf %add3A_1055, %mul3A_1210 : vector<16xf32>
      %add3A_1223 = arith.addf %add3A_1056, %mul3A_1213 : vector<16xf32>
      %add3A_1224 = arith.addf %add3A_1057, %mul3A_1214 : vector<16xf32>
      %add3A_1225 = arith.addf %add3A_1058, %mul3A_1215 : vector<16xf32>
      %add3A_1226 = arith.addf %add3A_1059, %mul3A_1216 : vector<16xf32>
      %add3A_1227 = arith.addf %add3A_1060, %mul3A_1217 : vector<16xf32>
      %add3A_1228 = arith.addf %add3A_1061, %mul3A_1218 : vector<16xf32>
      %add3A_1229 = arith.constant 7 : i32
      %add3A_1230 = arith.addi %mul3A_253, %add3A_1229 : i32
      %get3A_1231 = arith.index_cast %add3A_1230 : i32 to index
      %get3A_1232 = tpu.vector_load %arg9[%get3A_1231] {strides = array<i32>} : memref<1584xf32, #tpu.memory_space<vmem>>, vector<16xf32>,
      %get3A_1233 = vector.shape_cast %get3A_1232 : vector<16xf32> to vector<16xf32>
      %sub3A_1234 = arith.subf %get3A_1233, %get3A_256 : vector<16xf32>
      %get3A_1235 = arith.index_cast %add3A_1230 : i32 to index
      %get3A_1236 = tpu.vector_load %arg10[%get3A_1235] {strides = array<i32>} : memref<1584xf32, #tpu.memory_space<vmem>>, vector<16xf32>,
      %get3A_1237 = vector.shape_cast %get3A_1236 : vector<16xf32> to vector<16xf32>
      %sub3A_1238 = arith.subf %get3A_1237, %get3A_259 : vector<16xf32>
      %get3A_1239 = arith.index_cast %add3A_1230 : i32 to index
      %get3A_1240 = tpu.vector_load %arg11[%get3A_1239] {strides = array<i32>} : memref<1584xf32, #tpu.memory_space<vmem>>, vector<16xf32>,
      %get3A_1241 = vector.shape_cast %get3A_1240 : vector<16xf32> to vector<16xf32>
      %sub3A_1242 = arith.subf %get3A_1241, %get3A_262 : vector<16xf32>
      %mul3A_1243 = arith.mulf %sub3A_1234, %sub3A_1234 : vector<16xf32>
      %mul3A_1244 = arith.mulf %sub3A_1238, %sub3A_1238 : vector<16xf32>
      %add3A_1245 = arith.addf %mul3A_1243, %mul3A_1244 : vector<16xf32>
      %mul3A_1246 = arith.mulf %sub3A_1242, %sub3A_1242 : vector<16xf32>
      %add3A_1247 = arith.addf %add3A_1245, %mul3A_1246 : vector<16xf32>
      %bitcast_convert_type3A_1248 = tpu.bitcast %add3A_1247 : vector<16xf32> -> vector<16xi32>
      %shift_right_logical3A_1249 = arith.constant 1 : i32
      %shift_right_logical3A_1250 = vector.broadcast %shift_right_logical3A_1249 : i32 to vector<16xi32>
      %shift_right_logical3A_1251 = arith.shrui %bitcast_convert_type3A_1248, %shift_right_logical3A_1250 : vector<16xi32>
      %sub3A_1252 = arith.constant 1597463007 : i32
      %sub3A_1253 = vector.broadcast %sub3A_1252 : i32 to vector<16xi32>
      %sub3A_1254 = arith.subi %sub3A_1253, %shift_right_logical3A_1251 : vector<16xi32>
      %bitcast_convert_type3A_1255 = tpu.bitcast %sub3A_1254 : vector<16xi32> -> vector<16xf32>
      %mul3A_1256 = arith.constant 5.000000e-01 : f32
      %mul3A_1257 = vector.broadcast %mul3A_1256 : f32 to vector<16xf32>
      %mul3A_1258 = arith.mulf %mul3A_1257, %add3A_1247 : vector<16xf32>
      %mul3A_1259 = arith.mulf %mul3A_1258, %bitcast_convert_type3A_1255 : vector<16xf32>
      %mul3A_1260 = arith.mulf %mul3A_1259, %bitcast_convert_type3A_1255 : vector<16xf32>
      %sub3A_1261 = arith.constant 1.500000e+00 : f32
      %sub3A_1262 = vector.broadcast %sub3A_1261 : f32 to vector<16xf32>
      %sub3A_1263 = arith.subf %sub3A_1262, %mul3A_1260 : vector<16xf32>
      %mul3A_1264 = arith.mulf %bitcast_convert_type3A_1255, %sub3A_1263 : vector<16xf32>
      %mul3A_1265 = arith.mulf %mul3A_1258, %mul3A_1264 : vector<16xf32>
      %mul3A_1266 = arith.mulf %mul3A_1265, %mul3A_1264 : vector<16xf32>
      %sub3A_1267 = arith.constant 1.500000e+00 : f32
      %sub3A_1268 = vector.broadcast %sub3A_1267 : f32 to vector<16xf32>
      %sub3A_1269 = arith.subf %sub3A_1268, %mul3A_1266 : vector<16xf32>
      %mul3A_1270 = arith.mulf %mul3A_1264, %sub3A_1269 : vector<16xf32>
      %mul3A_1271 = arith.mulf %add3A_1247, %mul3A_1270 : vector<16xf32>
      %mul3A_1272 = arith.constant 0.52359879 : f32
      %mul3A_1273 = vector.broadcast %mul3A_1272 : f32 to vector<16xf32>
      %mul3A_1274 = arith.mulf %mul3A_1271, %mul3A_1273 : vector<16xf32>
      %mul3A_1275 = arith.constant 0.159154937 : f32
      %mul3A_1276 = vector.broadcast %mul3A_1275 : f32 to vector<16xf32>
      %mul3A_1277 = arith.mulf %mul3A_1274, %mul3A_1276 : vector<16xf32>
      %add3A_1278 = arith.constant 5.000000e-01 : f32
      %add3A_1279 = vector.broadcast %add3A_1278 : f32 to vector<16xf32>
      %add3A_1280 = arith.addf %mul3A_1277, %add3A_1279 : vector<16xf32>
      %convert_element_type3A_1281 = arith.fptosi %add3A_1280 : vector<16xf32> to vector<16xi32>
      %convert_element_type3A_1282 = arith.sitofp %convert_element_type3A_1281 : vector<16xi32> to vector<16xf32>
      %mul3A_1283 = arith.constant 6.281250e+00 : f32
      %mul3A_1284 = vector.broadcast %mul3A_1283 : f32 to vector<16xf32>
      %mul3A_1285 = arith.mulf %convert_element_type3A_1282, %mul3A_1284 : vector<16xf32>
      %sub3A_1286 = arith.subf %mul3A_1274, %mul3A_1285 : vector<16xf32>
      %mul3A_1287 = arith.constant 0.00193530717 : f32
      %mul3A_1288 = vector.broadcast %mul3A_1287 : f32 to vector<16xf32>
      %mul3A_1289 = arith.mulf %convert_element_type3A_1282, %mul3A_1288 : vector<16xf32>
      %sub3A_1290 = arith.subf %sub3A_1286, %mul3A_1289 : vector<16xf32>
      %mul3A_1291 = arith.mulf %sub3A_1290, %sub3A_1290 : vector<16xf32>
      %broadcast_in_dim3A_1292 = arith.constant -2.20636892E-7 : f32
      %broadcast_in_dim3A_1293 = vector.broadcast %broadcast_in_dim3A_1292 : f32 to vector<16xf32>
      %mul3A_1294 = arith.mulf %broadcast_in_dim3A_1293, %mul3A_1291 : vector<16xf32>
      %add3A_1295 = arith.constant 2.42265687E-5 : f32
      %add3A_1296 = vector.broadcast %add3A_1295 : f32 to vector<16xf32>
      %add3A_1297 = arith.addf %mul3A_1294, %add3A_1296 : vector<16xf32>
      %mul3A_1298 = arith.mulf %add3A_1297, %mul3A_1291 : vector<16xf32>
      %add3A_1299 = arith.constant -0.00138609903 : f32
      %add3A_1300 = vector.broadcast %add3A_1299 : f32 to vector<16xf32>
      %add3A_1301 = arith.addf %mul3A_1298, %add3A_1300 : vector<16xf32>
      %mul3A_1302 = arith.mulf %add3A_1301, %mul3A_1291 : vector<16xf32>
      %add3A_1303 = arith.constant 0.0416606478 : f32
      %add3A_1304 = vector.broadcast %add3A_1303 : f32 to vector<16xf32>
      %add3A_1305 = arith.addf %mul3A_1302, %add3A_1304 : vector<16xf32>
      %mul3A_1306 = arith.mulf %add3A_1305, %mul3A_1291 : vector<16xf32>
      %add3A_1307 = arith.constant -0.49999553 : f32
      %add3A_1308 = vector.broadcast %add3A_1307 : f32 to vector<16xf32>
      %add3A_1309 = arith.addf %mul3A_1306, %add3A_1308 : vector<16xf32>
      %mul3A_1310 = arith.mulf %add3A_1309, %mul3A_1291 : vector<16xf32>
      %add3A_1311 = arith.constant 1.99999964 : f32
      %add3A_1312 = vector.broadcast %add3A_1311 : f32 to vector<16xf32>
      %add3A_1313 = arith.addf %mul3A_1310, %add3A_1312 : vector<16xf32>
      %mul3A_1314 = arith.mulf %add3A_1313, %add3A_1313 : vector<16xf32>
      %mul3A_1315 = arith.mulf %sub3A_1234, %mul3A_1270 : vector<16xf32>
      %mul3A_1316 = arith.mulf %sub3A_1238, %mul3A_1270 : vector<16xf32>
      %mul3A_1317 = arith.mulf %sub3A_1242, %mul3A_1270 : vector<16xf32>
      %get3A_1318 = arith.index_cast %add3A_1230 : i32 to index
      %get3A_1319 = tpu.vector_load %arg12[%get3A_1318] {strides = array<i32>} : memref<1584xi32, #tpu.memory_space<vmem>>, vector<16xi32>,
      %get3A_1320 = vector.shape_cast %get3A_1319 : vector<16xi32> to vector<16xi32>
      %eq3A_1321 = arith.constant 0 : i32
      %eq3A_1322 = vector.broadcast %eq3A_1321 : i32 to vector<16xi32>
      %eq3A_1323 = arith.cmpi eq, %get3A_1320, %eq3A_1322 : vector<16xi32>
      %jit3A_1324 = arith.constant 0.000000e+00 : f32
      %broadcast_in_dim3A_1325 = vector.broadcast %jit3A_1324 : f32 to vector<16xf32>
      %select_n3A_1326 = arith.select %eq3A_1323, %mul3A_1314, %broadcast_in_dim3A_1325 : vector<16xi1>, vector<16xf32>
      %mul3A_1327 = arith.mulf %select_n3A_1326, %mul3A_1315 : vector<16xf32>
      %mul3A_1328 = arith.mulf %select_n3A_1326, %mul3A_1316 : vector<16xf32>
      %mul3A_1329 = arith.mulf %select_n3A_1326, %mul3A_1317 : vector<16xf32>
      %mul3A_1330 = arith.mulf %mul3A_1329, %mul3A_1317 : vector<16xf32>
      %mul3A_1331 = arith.mulf %mul3A_1328, %mul3A_1317 : vector<16xf32>
      %mul3A_1332 = arith.mulf %mul3A_1328, %mul3A_1316 : vector<16xf32>
      %mul3A_1333 = arith.mulf %mul3A_1327, %mul3A_1317 : vector<16xf32>
      %mul3A_1334 = arith.mulf %mul3A_1327, %mul3A_1316 : vector<16xf32>
      %mul3A_1335 = arith.mulf %mul3A_1327, %mul3A_1315 : vector<16xf32>
      %add3A_1336 = arith.addf %add3A_1169, %select_n3A_1326 : vector<16xf32>
      %add3A_1337 = arith.addf %add3A_1170, %mul3A_1329 : vector<16xf32>
      %add3A_1338 = arith.addf %add3A_1171, %mul3A_1328 : vector<16xf32>
      %add3A_1339 = arith.addf %add3A_1172, %mul3A_1327 : vector<16xf32>
      %add3A_1340 = arith.addf %add3A_1173, %mul3A_1330 : vector<16xf32>
      %add3A_1341 = arith.addf %add3A_1174, %mul3A_1331 : vector<16xf32>
      %add3A_1342 = arith.addf %add3A_1175, %mul3A_1332 : vector<16xf32>
      %add3A_1343 = arith.addf %add3A_1176, %mul3A_1333 : vector<16xf32>
      %add3A_1344 = arith.addf %add3A_1177, %mul3A_1334 : vector<16xf32>
      %add3A_1345 = arith.addf %add3A_1178, %mul3A_1335 : vector<16xf32>
      %eq3A_1346 = arith.constant 1 : i32
      %eq3A_1347 = vector.broadcast %eq3A_1346 : i32 to vector<16xi32>
      %eq3A_1348 = arith.cmpi eq, %get3A_1320, %eq3A_1347 : vector<16xi32>
      %jit3A_1349 = arith.constant 0.000000e+00 : f32
      %broadcast_in_dim3A_1350 = vector.broadcast %jit3A_1349 : f32 to vector<16xf32>
      %select_n3A_1351 = arith.select %eq3A_1348, %mul3A_1314, %broadcast_in_dim3A_1350 : vector<16xi1>, vector<16xf32>
      %mul3A_1352 = arith.mulf %select_n3A_1351, %mul3A_1315 : vector<16xf32>
      %mul3A_1353 = arith.mulf %select_n3A_1351, %mul3A_1316 : vector<16xf32>
      %mul3A_1354 = arith.mulf %select_n3A_1351, %mul3A_1317 : vector<16xf32>
      %mul3A_1355 = arith.mulf %mul3A_1354, %mul3A_1317 : vector<16xf32>
      %mul3A_1356 = arith.mulf %mul3A_1353, %mul3A_1317 : vector<16xf32>
      %mul3A_1357 = arith.mulf %mul3A_1353, %mul3A_1316 : vector<16xf32>
      %mul3A_1358 = arith.mulf %mul3A_1352, %mul3A_1317 : vector<16xf32>
      %mul3A_1359 = arith.mulf %mul3A_1352, %mul3A_1316 : vector<16xf32>
      %mul3A_1360 = arith.mulf %mul3A_1352, %mul3A_1315 : vector<16xf32>
      %add3A_1361 = arith.addf %add3A_1194, %select_n3A_1351 : vector<16xf32>
      %add3A_1362 = arith.addf %add3A_1195, %mul3A_1354 : vector<16xf32>
      %add3A_1363 = arith.addf %add3A_1196, %mul3A_1353 : vector<16xf32>
      %add3A_1364 = arith.addf %add3A_1197, %mul3A_1352 : vector<16xf32>
      %add3A_1365 = arith.addf %add3A_1198, %mul3A_1355 : vector<16xf32>
      %add3A_1366 = arith.addf %add3A_1199, %mul3A_1356 : vector<16xf32>
      %add3A_1367 = arith.addf %add3A_1200, %mul3A_1357 : vector<16xf32>
      %add3A_1368 = arith.addf %add3A_1201, %mul3A_1358 : vector<16xf32>
      %add3A_1369 = arith.addf %add3A_1202, %mul3A_1359 : vector<16xf32>
      %add3A_1370 = arith.addf %add3A_1203, %mul3A_1360 : vector<16xf32>
      %eq3A_1371 = arith.constant 2 : i32
      %eq3A_1372 = vector.broadcast %eq3A_1371 : i32 to vector<16xi32>
      %eq3A_1373 = arith.cmpi eq, %get3A_1320, %eq3A_1372 : vector<16xi32>
      %jit3A_1374 = arith.constant 0.000000e+00 : f32
      %broadcast_in_dim3A_1375 = vector.broadcast %jit3A_1374 : f32 to vector<16xf32>
      %select_n3A_1376 = arith.select %eq3A_1373, %mul3A_1314, %broadcast_in_dim3A_1375 : vector<16xi1>, vector<16xf32>
      %mul3A_1377 = arith.mulf %select_n3A_1376, %mul3A_1315 : vector<16xf32>
      %mul3A_1378 = arith.mulf %select_n3A_1376, %mul3A_1316 : vector<16xf32>
      %mul3A_1379 = arith.mulf %select_n3A_1376, %mul3A_1317 : vector<16xf32>
      %mul3A_1380 = arith.mulf %mul3A_1379, %mul3A_1317 : vector<16xf32>
      %mul3A_1381 = arith.mulf %mul3A_1378, %mul3A_1317 : vector<16xf32>
      %mul3A_1382 = arith.mulf %mul3A_1378, %mul3A_1316 : vector<16xf32>
      %mul3A_1383 = arith.mulf %mul3A_1377, %mul3A_1317 : vector<16xf32>
      %mul3A_1384 = arith.mulf %mul3A_1377, %mul3A_1316 : vector<16xf32>
      %mul3A_1385 = arith.mulf %mul3A_1377, %mul3A_1315 : vector<16xf32>
      %add3A_1386 = arith.addf %add3A_1219, %select_n3A_1376 : vector<16xf32>
      %add3A_1387 = arith.addf %add3A_1220, %mul3A_1379 : vector<16xf32>
      %add3A_1388 = arith.addf %add3A_1221, %mul3A_1378 : vector<16xf32>
      %add3A_1389 = arith.addf %add3A_1222, %mul3A_1377 : vector<16xf32>
      %add3A_1390 = arith.addf %add3A_1223, %mul3A_1380 : vector<16xf32>
      %add3A_1391 = arith.addf %add3A_1224, %mul3A_1381 : vector<16xf32>
      %add3A_1392 = arith.addf %add3A_1225, %mul3A_1382 : vector<16xf32>
      %add3A_1393 = arith.addf %add3A_1226, %mul3A_1383 : vector<16xf32>
      %add3A_1394 = arith.addf %add3A_1227, %mul3A_1384 : vector<16xf32>
      %add3A_1395 = arith.addf %add3A_1228, %mul3A_1385 : vector<16xf32>
      %add3A_1396 = arith.constant 8 : i32
      %add3A_1397 = arith.addi %mul3A_253, %add3A_1396 : i32
      %get3A_1398 = arith.index_cast %add3A_1397 : i32 to index
      %get3A_1399 = tpu.vector_load %arg9[%get3A_1398] {strides = array<i32>} : memref<1584xf32, #tpu.memory_space<vmem>>, vector<16xf32>,
      %get3A_1400 = vector.shape_cast %get3A_1399 : vector<16xf32> to vector<16xf32>
      %sub3A_1401 = arith.subf %get3A_1400, %get3A_256 : vector<16xf32>
      %get3A_1402 = arith.index_cast %add3A_1397 : i32 to index
      %get3A_1403 = tpu.vector_load %arg10[%get3A_1402] {strides = array<i32>} : memref<1584xf32, #tpu.memory_space<vmem>>, vector<16xf32>,
      %get3A_1404 = vector.shape_cast %get3A_1403 : vector<16xf32> to vector<16xf32>
      %sub3A_1405 = arith.subf %get3A_1404, %get3A_259 : vector<16xf32>
      %get3A_1406 = arith.index_cast %add3A_1397 : i32 to index
      %get3A_1407 = tpu.vector_load %arg11[%get3A_1406] {strides = array<i32>} : memref<1584xf32, #tpu.memory_space<vmem>>, vector<16xf32>,
      %get3A_1408 = vector.shape_cast %get3A_1407 : vector<16xf32> to vector<16xf32>
      %sub3A_1409 = arith.subf %get3A_1408, %get3A_262 : vector<16xf32>
      %mul3A_1410 = arith.mulf %sub3A_1401, %sub3A_1401 : vector<16xf32>
      %mul3A_1411 = arith.mulf %sub3A_1405, %sub3A_1405 : vector<16xf32>
      %add3A_1412 = arith.addf %mul3A_1410, %mul3A_1411 : vector<16xf32>
      %mul3A_1413 = arith.mulf %sub3A_1409, %sub3A_1409 : vector<16xf32>
      %add3A_1414 = arith.addf %add3A_1412, %mul3A_1413 : vector<16xf32>
      %bitcast_convert_type3A_1415 = tpu.bitcast %add3A_1414 : vector<16xf32> -> vector<16xi32>
      %shift_right_logical3A_1416 = arith.constant 1 : i32
      %shift_right_logical3A_1417 = vector.broadcast %shift_right_logical3A_1416 : i32 to vector<16xi32>
      %shift_right_logical3A_1418 = arith.shrui %bitcast_convert_type3A_1415, %shift_right_logical3A_1417 : vector<16xi32>
      %sub3A_1419 = arith.constant 1597463007 : i32
      %sub3A_1420 = vector.broadcast %sub3A_1419 : i32 to vector<16xi32>
      %sub3A_1421 = arith.subi %sub3A_1420, %shift_right_logical3A_1418 : vector<16xi32>
      %bitcast_convert_type3A_1422 = tpu.bitcast %sub3A_1421 : vector<16xi32> -> vector<16xf32>
      %mul3A_1423 = arith.constant 5.000000e-01 : f32
      %mul3A_1424 = vector.broadcast %mul3A_1423 : f32 to vector<16xf32>
      %mul3A_1425 = arith.mulf %mul3A_1424, %add3A_1414 : vector<16xf32>
      %mul3A_1426 = arith.mulf %mul3A_1425, %bitcast_convert_type3A_1422 : vector<16xf32>
      %mul3A_1427 = arith.mulf %mul3A_1426, %bitcast_convert_type3A_1422 : vector<16xf32>
      %sub3A_1428 = arith.constant 1.500000e+00 : f32
      %sub3A_1429 = vector.broadcast %sub3A_1428 : f32 to vector<16xf32>
      %sub3A_1430 = arith.subf %sub3A_1429, %mul3A_1427 : vector<16xf32>
      %mul3A_1431 = arith.mulf %bitcast_convert_type3A_1422, %sub3A_1430 : vector<16xf32>
      %mul3A_1432 = arith.mulf %mul3A_1425, %mul3A_1431 : vector<16xf32>
      %mul3A_1433 = arith.mulf %mul3A_1432, %mul3A_1431 : vector<16xf32>
      %sub3A_1434 = arith.constant 1.500000e+00 : f32
      %sub3A_1435 = vector.broadcast %sub3A_1434 : f32 to vector<16xf32>
      %sub3A_1436 = arith.subf %sub3A_1435, %mul3A_1433 : vector<16xf32>
      %mul3A_1437 = arith.mulf %mul3A_1431, %sub3A_1436 : vector<16xf32>
      %mul3A_1438 = arith.mulf %add3A_1414, %mul3A_1437 : vector<16xf32>
      %mul3A_1439 = arith.constant 0.52359879 : f32
      %mul3A_1440 = vector.broadcast %mul3A_1439 : f32 to vector<16xf32>
      %mul3A_1441 = arith.mulf %mul3A_1438, %mul3A_1440 : vector<16xf32>
      %mul3A_1442 = arith.constant 0.159154937 : f32
      %mul3A_1443 = vector.broadcast %mul3A_1442 : f32 to vector<16xf32>
      %mul3A_1444 = arith.mulf %mul3A_1441, %mul3A_1443 : vector<16xf32>
      %add3A_1445 = arith.constant 5.000000e-01 : f32
      %add3A_1446 = vector.broadcast %add3A_1445 : f32 to vector<16xf32>
      %add3A_1447 = arith.addf %mul3A_1444, %add3A_1446 : vector<16xf32>
      %convert_element_type3A_1448 = arith.fptosi %add3A_1447 : vector<16xf32> to vector<16xi32>
      %convert_element_type3A_1449 = arith.sitofp %convert_element_type3A_1448 : vector<16xi32> to vector<16xf32>
      %mul3A_1450 = arith.constant 6.281250e+00 : f32
      %mul3A_1451 = vector.broadcast %mul3A_1450 : f32 to vector<16xf32>
      %mul3A_1452 = arith.mulf %convert_element_type3A_1449, %mul3A_1451 : vector<16xf32>
      %sub3A_1453 = arith.subf %mul3A_1441, %mul3A_1452 : vector<16xf32>
      %mul3A_1454 = arith.constant 0.00193530717 : f32
      %mul3A_1455 = vector.broadcast %mul3A_1454 : f32 to vector<16xf32>
      %mul3A_1456 = arith.mulf %convert_element_type3A_1449, %mul3A_1455 : vector<16xf32>
      %sub3A_1457 = arith.subf %sub3A_1453, %mul3A_1456 : vector<16xf32>
      %mul3A_1458 = arith.mulf %sub3A_1457, %sub3A_1457 : vector<16xf32>
      %broadcast_in_dim3A_1459 = arith.constant -2.20636892E-7 : f32
      %broadcast_in_dim3A_1460 = vector.broadcast %broadcast_in_dim3A_1459 : f32 to vector<16xf32>
      %mul3A_1461 = arith.mulf %broadcast_in_dim3A_1460, %mul3A_1458 : vector<16xf32>
      %add3A_1462 = arith.constant 2.42265687E-5 : f32
      %add3A_1463 = vector.broadcast %add3A_1462 : f32 to vector<16xf32>
      %add3A_1464 = arith.addf %mul3A_1461, %add3A_1463 : vector<16xf32>
      %mul3A_1465 = arith.mulf %add3A_1464, %mul3A_1458 : vector<16xf32>
      %add3A_1466 = arith.constant -0.00138609903 : f32
      %add3A_1467 = vector.broadcast %add3A_1466 : f32 to vector<16xf32>
      %add3A_1468 = arith.addf %mul3A_1465, %add3A_1467 : vector<16xf32>
      %mul3A_1469 = arith.mulf %add3A_1468, %mul3A_1458 : vector<16xf32>
      %add3A_1470 = arith.constant 0.0416606478 : f32
      %add3A_1471 = vector.broadcast %add3A_1470 : f32 to vector<16xf32>
      %add3A_1472 = arith.addf %mul3A_1469, %add3A_1471 : vector<16xf32>
      %mul3A_1473 = arith.mulf %add3A_1472, %mul3A_1458 : vector<16xf32>
      %add3A_1474 = arith.constant -0.49999553 : f32
      %add3A_1475 = vector.broadcast %add3A_1474 : f32 to vector<16xf32>
      %add3A_1476 = arith.addf %mul3A_1473, %add3A_1475 : vector<16xf32>
      %mul3A_1477 = arith.mulf %add3A_1476, %mul3A_1458 : vector<16xf32>
      %add3A_1478 = arith.constant 1.99999964 : f32
      %add3A_1479 = vector.broadcast %add3A_1478 : f32 to vector<16xf32>
      %add3A_1480 = arith.addf %mul3A_1477, %add3A_1479 : vector<16xf32>
      %mul3A_1481 = arith.mulf %add3A_1480, %add3A_1480 : vector<16xf32>
      %mul3A_1482 = arith.mulf %sub3A_1401, %mul3A_1437 : vector<16xf32>
      %mul3A_1483 = arith.mulf %sub3A_1405, %mul3A_1437 : vector<16xf32>
      %mul3A_1484 = arith.mulf %sub3A_1409, %mul3A_1437 : vector<16xf32>
      %get3A_1485 = arith.index_cast %add3A_1397 : i32 to index
      %get3A_1486 = tpu.vector_load %arg12[%get3A_1485] {strides = array<i32>} : memref<1584xi32, #tpu.memory_space<vmem>>, vector<16xi32>,
      %get3A_1487 = vector.shape_cast %get3A_1486 : vector<16xi32> to vector<16xi32>
      %eq3A_1488 = arith.constant 0 : i32
      %eq3A_1489 = vector.broadcast %eq3A_1488 : i32 to vector<16xi32>
      %eq3A_1490 = arith.cmpi eq, %get3A_1487, %eq3A_1489 : vector<16xi32>
      %jit3A_1491 = arith.constant 0.000000e+00 : f32
      %broadcast_in_dim3A_1492 = vector.broadcast %jit3A_1491 : f32 to vector<16xf32>
      %select_n3A_1493 = arith.select %eq3A_1490, %mul3A_1481, %broadcast_in_dim3A_1492 : vector<16xi1>, vector<16xf32>
      %mul3A_1494 = arith.mulf %select_n3A_1493, %mul3A_1482 : vector<16xf32>
      %mul3A_1495 = arith.mulf %select_n3A_1493, %mul3A_1483 : vector<16xf32>
      %mul3A_1496 = arith.mulf %select_n3A_1493, %mul3A_1484 : vector<16xf32>
      %mul3A_1497 = arith.mulf %mul3A_1496, %mul3A_1484 : vector<16xf32>
      %mul3A_1498 = arith.mulf %mul3A_1495, %mul3A_1484 : vector<16xf32>
      %mul3A_1499 = arith.mulf %mul3A_1495, %mul3A_1483 : vector<16xf32>
      %mul3A_1500 = arith.mulf %mul3A_1494, %mul3A_1484 : vector<16xf32>
      %mul3A_1501 = arith.mulf %mul3A_1494, %mul3A_1483 : vector<16xf32>
      %mul3A_1502 = arith.mulf %mul3A_1494, %mul3A_1482 : vector<16xf32>
      %add3A_1503 = arith.addf %add3A_1336, %select_n3A_1493 : vector<16xf32>
      %add3A_1504 = arith.addf %add3A_1337, %mul3A_1496 : vector<16xf32>
      %add3A_1505 = arith.addf %add3A_1338, %mul3A_1495 : vector<16xf32>
      %add3A_1506 = arith.addf %add3A_1339, %mul3A_1494 : vector<16xf32>
      %add3A_1507 = arith.addf %add3A_1340, %mul3A_1497 : vector<16xf32>
      %add3A_1508 = arith.addf %add3A_1341, %mul3A_1498 : vector<16xf32>
      %add3A_1509 = arith.addf %add3A_1342, %mul3A_1499 : vector<16xf32>
      %add3A_1510 = arith.addf %add3A_1343, %mul3A_1500 : vector<16xf32>
      %add3A_1511 = arith.addf %add3A_1344, %mul3A_1501 : vector<16xf32>
      %add3A_1512 = arith.addf %add3A_1345, %mul3A_1502 : vector<16xf32>
      %eq3A_1513 = arith.constant 1 : i32
      %eq3A_1514 = vector.broadcast %eq3A_1513 : i32 to vector<16xi32>
      %eq3A_1515 = arith.cmpi eq, %get3A_1487, %eq3A_1514 : vector<16xi32>
      %jit3A_1516 = arith.constant 0.000000e+00 : f32
      %broadcast_in_dim3A_1517 = vector.broadcast %jit3A_1516 : f32 to vector<16xf32>
      %select_n3A_1518 = arith.select %eq3A_1515, %mul3A_1481, %broadcast_in_dim3A_1517 : vector<16xi1>, vector<16xf32>
      %mul3A_1519 = arith.mulf %select_n3A_1518, %mul3A_1482 : vector<16xf32>
      %mul3A_1520 = arith.mulf %select_n3A_1518, %mul3A_1483 : vector<16xf32>
      %mul3A_1521 = arith.mulf %select_n3A_1518, %mul3A_1484 : vector<16xf32>
      %mul3A_1522 = arith.mulf %mul3A_1521, %mul3A_1484 : vector<16xf32>
      %mul3A_1523 = arith.mulf %mul3A_1520, %mul3A_1484 : vector<16xf32>
      %mul3A_1524 = arith.mulf %mul3A_1520, %mul3A_1483 : vector<16xf32>
      %mul3A_1525 = arith.mulf %mul3A_1519, %mul3A_1484 : vector<16xf32>
      %mul3A_1526 = arith.mulf %mul3A_1519, %mul3A_1483 : vector<16xf32>
      %mul3A_1527 = arith.mulf %mul3A_1519, %mul3A_1482 : vector<16xf32>
      %add3A_1528 = arith.addf %add3A_1361, %select_n3A_1518 : vector<16xf32>
      %add3A_1529 = arith.addf %add3A_1362, %mul3A_1521 : vector<16xf32>
      %add3A_1530 = arith.addf %add3A_1363, %mul3A_1520 : vector<16xf32>
      %add3A_1531 = arith.addf %add3A_1364, %mul3A_1519 : vector<16xf32>
      %add3A_1532 = arith.addf %add3A_1365, %mul3A_1522 : vector<16xf32>
      %add3A_1533 = arith.addf %add3A_1366, %mul3A_1523 : vector<16xf32>
      %add3A_1534 = arith.addf %add3A_1367, %mul3A_1524 : vector<16xf32>
      %add3A_1535 = arith.addf %add3A_1368, %mul3A_1525 : vector<16xf32>
      %add3A_1536 = arith.addf %add3A_1369, %mul3A_1526 : vector<16xf32>
      %add3A_1537 = arith.addf %add3A_1370, %mul3A_1527 : vector<16xf32>
      %eq3A_1538 = arith.constant 2 : i32
      %eq3A_1539 = vector.broadcast %eq3A_1538 : i32 to vector<16xi32>
      %eq3A_1540 = arith.cmpi eq, %get3A_1487, %eq3A_1539 : vector<16xi32>
      %jit3A_1541 = arith.constant 0.000000e+00 : f32
      %broadcast_in_dim3A_1542 = vector.broadcast %jit3A_1541 : f32 to vector<16xf32>
      %select_n3A_1543 = arith.select %eq3A_1540, %mul3A_1481, %broadcast_in_dim3A_1542 : vector<16xi1>, vector<16xf32>
      %mul3A_1544 = arith.mulf %select_n3A_1543, %mul3A_1482 : vector<16xf32>
      %mul3A_1545 = arith.mulf %select_n3A_1543, %mul3A_1483 : vector<16xf32>
      %mul3A_1546 = arith.mulf %select_n3A_1543, %mul3A_1484 : vector<16xf32>
      %mul3A_1547 = arith.mulf %mul3A_1546, %mul3A_1484 : vector<16xf32>
      %mul3A_1548 = arith.mulf %mul3A_1545, %mul3A_1484 : vector<16xf32>
      %mul3A_1549 = arith.mulf %mul3A_1545, %mul3A_1483 : vector<16xf32>
      %mul3A_1550 = arith.mulf %mul3A_1544, %mul3A_1484 : vector<16xf32>
      %mul3A_1551 = arith.mulf %mul3A_1544, %mul3A_1483 : vector<16xf32>
      %mul3A_1552 = arith.mulf %mul3A_1544, %mul3A_1482 : vector<16xf32>
      %add3A_1553 = arith.addf %add3A_1386, %select_n3A_1543 : vector<16xf32>
      %add3A_1554 = arith.addf %add3A_1387, %mul3A_1546 : vector<16xf32>
      %add3A_1555 = arith.addf %add3A_1388, %mul3A_1545 : vector<16xf32>
      %add3A_1556 = arith.addf %add3A_1389, %mul3A_1544 : vector<16xf32>
      %add3A_1557 = arith.addf %add3A_1390, %mul3A_1547 : vector<16xf32>
      %add3A_1558 = arith.addf %add3A_1391, %mul3A_1548 : vector<16xf32>
      %add3A_1559 = arith.addf %add3A_1392, %mul3A_1549 : vector<16xf32>
      %add3A_1560 = arith.addf %add3A_1393, %mul3A_1550 : vector<16xf32>
      %add3A_1561 = arith.addf %add3A_1394, %mul3A_1551 : vector<16xf32>
      %add3A_1562 = arith.addf %add3A_1395, %mul3A_1552 : vector<16xf32>
      %add3A_1563 = arith.constant 9 : i32
      %add3A_1564 = arith.addi %mul3A_253, %add3A_1563 : i32
      %get3A_1565 = arith.index_cast %add3A_1564 : i32 to index
      %get3A_1566 = tpu.vector_load %arg9[%get3A_1565] {strides = array<i32>} : memref<1584xf32, #tpu.memory_space<vmem>>, vector<16xf32>,
      %get3A_1567 = vector.shape_cast %get3A_1566 : vector<16xf32> to vector<16xf32>
      %sub3A_1568 = arith.subf %get3A_1567, %get3A_256 : vector<16xf32>
      %get3A_1569 = arith.index_cast %add3A_1564 : i32 to index
      %get3A_1570 = tpu.vector_load %arg10[%get3A_1569] {strides = array<i32>} : memref<1584xf32, #tpu.memory_space<vmem>>, vector<16xf32>,
      %get3A_1571 = vector.shape_cast %get3A_1570 : vector<16xf32> to vector<16xf32>
      %sub3A_1572 = arith.subf %get3A_1571, %get3A_259 : vector<16xf32>
      %get3A_1573 = arith.index_cast %add3A_1564 : i32 to index
      %get3A_1574 = tpu.vector_load %arg11[%get3A_1573] {strides = array<i32>} : memref<1584xf32, #tpu.memory_space<vmem>>, vector<16xf32>,
      %get3A_1575 = vector.shape_cast %get3A_1574 : vector<16xf32> to vector<16xf32>
      %sub3A_1576 = arith.subf %get3A_1575, %get3A_262 : vector<16xf32>
      %mul3A_1577 = arith.mulf %sub3A_1568, %sub3A_1568 : vector<16xf32>
      %mul3A_1578 = arith.mulf %sub3A_1572, %sub3A_1572 : vector<16xf32>
      %add3A_1579 = arith.addf %mul3A_1577, %mul3A_1578 : vector<16xf32>
      %mul3A_1580 = arith.mulf %sub3A_1576, %sub3A_1576 : vector<16xf32>
      %add3A_1581 = arith.addf %add3A_1579, %mul3A_1580 : vector<16xf32>
      %bitcast_convert_type3A_1582 = tpu.bitcast %add3A_1581 : vector<16xf32> -> vector<16xi32>
      %shift_right_logical3A_1583 = arith.constant 1 : i32
      %shift_right_logical3A_1584 = vector.broadcast %shift_right_logical3A_1583 : i32 to vector<16xi32>
      %shift_right_logical3A_1585 = arith.shrui %bitcast_convert_type3A_1582, %shift_right_logical3A_1584 : vector<16xi32>
      %sub3A_1586 = arith.constant 1597463007 : i32
      %sub3A_1587 = vector.broadcast %sub3A_1586 : i32 to vector<16xi32>
      %sub3A_1588 = arith.subi %sub3A_1587, %shift_right_logical3A_1585 : vector<16xi32>
      %bitcast_convert_type3A_1589 = tpu.bitcast %sub3A_1588 : vector<16xi32> -> vector<16xf32>
      %mul3A_1590 = arith.constant 5.000000e-01 : f32
      %mul3A_1591 = vector.broadcast %mul3A_1590 : f32 to vector<16xf32>
      %mul3A_1592 = arith.mulf %mul3A_1591, %add3A_1581 : vector<16xf32>
      %mul3A_1593 = arith.mulf %mul3A_1592, %bitcast_convert_type3A_1589 : vector<16xf32>
      %mul3A_1594 = arith.mulf %mul3A_1593, %bitcast_convert_type3A_1589 : vector<16xf32>
      %sub3A_1595 = arith.constant 1.500000e+00 : f32
      %sub3A_1596 = vector.broadcast %sub3A_1595 : f32 to vector<16xf32>
      %sub3A_1597 = arith.subf %sub3A_1596, %mul3A_1594 : vector<16xf32>
      %mul3A_1598 = arith.mulf %bitcast_convert_type3A_1589, %sub3A_1597 : vector<16xf32>
      %mul3A_1599 = arith.mulf %mul3A_1592, %mul3A_1598 : vector<16xf32>
      %mul3A_1600 = arith.mulf %mul3A_1599, %mul3A_1598 : vector<16xf32>
      %sub3A_1601 = arith.constant 1.500000e+00 : f32
      %sub3A_1602 = vector.broadcast %sub3A_1601 : f32 to vector<16xf32>
      %sub3A_1603 = arith.subf %sub3A_1602, %mul3A_1600 : vector<16xf32>
      %mul3A_1604 = arith.mulf %mul3A_1598, %sub3A_1603 : vector<16xf32>
      %mul3A_1605 = arith.mulf %add3A_1581, %mul3A_1604 : vector<16xf32>
      %mul3A_1606 = arith.constant 0.52359879 : f32
      %mul3A_1607 = vector.broadcast %mul3A_1606 : f32 to vector<16xf32>
      %mul3A_1608 = arith.mulf %mul3A_1605, %mul3A_1607 : vector<16xf32>
      %mul3A_1609 = arith.constant 0.159154937 : f32
      %mul3A_1610 = vector.broadcast %mul3A_1609 : f32 to vector<16xf32>
      %mul3A_1611 = arith.mulf %mul3A_1608, %mul3A_1610 : vector<16xf32>
      %add3A_1612 = arith.constant 5.000000e-01 : f32
      %add3A_1613 = vector.broadcast %add3A_1612 : f32 to vector<16xf32>
      %add3A_1614 = arith.addf %mul3A_1611, %add3A_1613 : vector<16xf32>
      %convert_element_type3A_1615 = arith.fptosi %add3A_1614 : vector<16xf32> to vector<16xi32>
      %convert_element_type3A_1616 = arith.sitofp %convert_element_type3A_1615 : vector<16xi32> to vector<16xf32>
      %mul3A_1617 = arith.constant 6.281250e+00 : f32
      %mul3A_1618 = vector.broadcast %mul3A_1617 : f32 to vector<16xf32>
      %mul3A_1619 = arith.mulf %convert_element_type3A_1616, %mul3A_1618 : vector<16xf32>
      %sub3A_1620 = arith.subf %mul3A_1608, %mul3A_1619 : vector<16xf32>
      %mul3A_1621 = arith.constant 0.00193530717 : f32
      %mul3A_1622 = vector.broadcast %mul3A_1621 : f32 to vector<16xf32>
      %mul3A_1623 = arith.mulf %convert_element_type3A_1616, %mul3A_1622 : vector<16xf32>
      %sub3A_1624 = arith.subf %sub3A_1620, %mul3A_1623 : vector<16xf32>
      %mul3A_1625 = arith.mulf %sub3A_1624, %sub3A_1624 : vector<16xf32>
      %broadcast_in_dim3A_1626 = arith.constant -2.20636892E-7 : f32
      %broadcast_in_dim3A_1627 = vector.broadcast %broadcast_in_dim3A_1626 : f32 to vector<16xf32>
      %mul3A_1628 = arith.mulf %broadcast_in_dim3A_1627, %mul3A_1625 : vector<16xf32>
      %add3A_1629 = arith.constant 2.42265687E-5 : f32
      %add3A_1630 = vector.broadcast %add3A_1629 : f32 to vector<16xf32>
      %add3A_1631 = arith.addf %mul3A_1628, %add3A_1630 : vector<16xf32>
      %mul3A_1632 = arith.mulf %add3A_1631, %mul3A_1625 : vector<16xf32>
      %add3A_1633 = arith.constant -0.00138609903 : f32
      %add3A_1634 = vector.broadcast %add3A_1633 : f32 to vector<16xf32>
      %add3A_1635 = arith.addf %mul3A_1632, %add3A_1634 : vector<16xf32>
      %mul3A_1636 = arith.mulf %add3A_1635, %mul3A_1625 : vector<16xf32>
      %add3A_1637 = arith.constant 0.0416606478 : f32
      %add3A_1638 = vector.broadcast %add3A_1637 : f32 to vector<16xf32>
      %add3A_1639 = arith.addf %mul3A_1636, %add3A_1638 : vector<16xf32>
      %mul3A_1640 = arith.mulf %add3A_1639, %mul3A_1625 : vector<16xf32>
      %add3A_1641 = arith.constant -0.49999553 : f32
      %add3A_1642 = vector.broadcast %add3A_1641 : f32 to vector<16xf32>
      %add3A_1643 = arith.addf %mul3A_1640, %add3A_1642 : vector<16xf32>
      %mul3A_1644 = arith.mulf %add3A_1643, %mul3A_1625 : vector<16xf32>
      %add3A_1645 = arith.constant 1.99999964 : f32
      %add3A_1646 = vector.broadcast %add3A_1645 : f32 to vector<16xf32>
      %add3A_1647 = arith.addf %mul3A_1644, %add3A_1646 : vector<16xf32>
      %mul3A_1648 = arith.mulf %add3A_1647, %add3A_1647 : vector<16xf32>
      %mul3A_1649 = arith.mulf %sub3A_1568, %mul3A_1604 : vector<16xf32>
      %mul3A_1650 = arith.mulf %sub3A_1572, %mul3A_1604 : vector<16xf32>
      %mul3A_1651 = arith.mulf %sub3A_1576, %mul3A_1604 : vector<16xf32>
      %get3A_1652 = arith.index_cast %add3A_1564 : i32 to index
      %get3A_1653 = tpu.vector_load %arg12[%get3A_1652] {strides = array<i32>} : memref<1584xi32, #tpu.memory_space<vmem>>, vector<16xi32>,
      %get3A_1654 = vector.shape_cast %get3A_1653 : vector<16xi32> to vector<16xi32>
      %eq3A_1655 = arith.constant 0 : i32
      %eq3A_1656 = vector.broadcast %eq3A_1655 : i32 to vector<16xi32>
      %eq3A_1657 = arith.cmpi eq, %get3A_1654, %eq3A_1656 : vector<16xi32>
      %jit3A_1658 = arith.constant 0.000000e+00 : f32
      %broadcast_in_dim3A_1659 = vector.broadcast %jit3A_1658 : f32 to vector<16xf32>
      %select_n3A_1660 = arith.select %eq3A_1657, %mul3A_1648, %broadcast_in_dim3A_1659 : vector<16xi1>, vector<16xf32>
      %mul3A_1661 = arith.mulf %select_n3A_1660, %mul3A_1649 : vector<16xf32>
      %mul3A_1662 = arith.mulf %select_n3A_1660, %mul3A_1650 : vector<16xf32>
      %mul3A_1663 = arith.mulf %select_n3A_1660, %mul3A_1651 : vector<16xf32>
      %mul3A_1664 = arith.mulf %mul3A_1663, %mul3A_1651 : vector<16xf32>
      %mul3A_1665 = arith.mulf %mul3A_1662, %mul3A_1651 : vector<16xf32>
      %mul3A_1666 = arith.mulf %mul3A_1662, %mul3A_1650 : vector<16xf32>
      %mul3A_1667 = arith.mulf %mul3A_1661, %mul3A_1651 : vector<16xf32>
      %mul3A_1668 = arith.mulf %mul3A_1661, %mul3A_1650 : vector<16xf32>
      %mul3A_1669 = arith.mulf %mul3A_1661, %mul3A_1649 : vector<16xf32>
      %add3A_1670 = arith.addf %add3A_1503, %select_n3A_1660 : vector<16xf32>
      %add3A_1671 = arith.addf %add3A_1504, %mul3A_1663 : vector<16xf32>
      %add3A_1672 = arith.addf %add3A_1505, %mul3A_1662 : vector<16xf32>
      %add3A_1673 = arith.addf %add3A_1506, %mul3A_1661 : vector<16xf32>
      %add3A_1674 = arith.addf %add3A_1507, %mul3A_1664 : vector<16xf32>
      %add3A_1675 = arith.addf %add3A_1508, %mul3A_1665 : vector<16xf32>
      %add3A_1676 = arith.addf %add3A_1509, %mul3A_1666 : vector<16xf32>
      %add3A_1677 = arith.addf %add3A_1510, %mul3A_1667 : vector<16xf32>
      %add3A_1678 = arith.addf %add3A_1511, %mul3A_1668 : vector<16xf32>
      %add3A_1679 = arith.addf %add3A_1512, %mul3A_1669 : vector<16xf32>
      %eq3A_1680 = arith.constant 1 : i32
      %eq3A_1681 = vector.broadcast %eq3A_1680 : i32 to vector<16xi32>
      %eq3A_1682 = arith.cmpi eq, %get3A_1654, %eq3A_1681 : vector<16xi32>
      %jit3A_1683 = arith.constant 0.000000e+00 : f32
      %broadcast_in_dim3A_1684 = vector.broadcast %jit3A_1683 : f32 to vector<16xf32>
      %select_n3A_1685 = arith.select %eq3A_1682, %mul3A_1648, %broadcast_in_dim3A_1684 : vector<16xi1>, vector<16xf32>
      %mul3A_1686 = arith.mulf %select_n3A_1685, %mul3A_1649 : vector<16xf32>
      %mul3A_1687 = arith.mulf %select_n3A_1685, %mul3A_1650 : vector<16xf32>
      %mul3A_1688 = arith.mulf %select_n3A_1685, %mul3A_1651 : vector<16xf32>
      %mul3A_1689 = arith.mulf %mul3A_1688, %mul3A_1651 : vector<16xf32>
      %mul3A_1690 = arith.mulf %mul3A_1687, %mul3A_1651 : vector<16xf32>
      %mul3A_1691 = arith.mulf %mul3A_1687, %mul3A_1650 : vector<16xf32>
      %mul3A_1692 = arith.mulf %mul3A_1686, %mul3A_1651 : vector<16xf32>
      %mul3A_1693 = arith.mulf %mul3A_1686, %mul3A_1650 : vector<16xf32>
      %mul3A_1694 = arith.mulf %mul3A_1686, %mul3A_1649 : vector<16xf32>
      %add3A_1695 = arith.addf %add3A_1528, %select_n3A_1685 : vector<16xf32>
      %add3A_1696 = arith.addf %add3A_1529, %mul3A_1688 : vector<16xf32>
      %add3A_1697 = arith.addf %add3A_1530, %mul3A_1687 : vector<16xf32>
      %add3A_1698 = arith.addf %add3A_1531, %mul3A_1686 : vector<16xf32>
      %add3A_1699 = arith.addf %add3A_1532, %mul3A_1689 : vector<16xf32>
      %add3A_1700 = arith.addf %add3A_1533, %mul3A_1690 : vector<16xf32>
      %add3A_1701 = arith.addf %add3A_1534, %mul3A_1691 : vector<16xf32>
      %add3A_1702 = arith.addf %add3A_1535, %mul3A_1692 : vector<16xf32>
      %add3A_1703 = arith.addf %add3A_1536, %mul3A_1693 : vector<16xf32>
      %add3A_1704 = arith.addf %add3A_1537, %mul3A_1694 : vector<16xf32>
      %eq3A_1705 = arith.constant 2 : i32
      %eq3A_1706 = vector.broadcast %eq3A_1705 : i32 to vector<16xi32>
      %eq3A_1707 = arith.cmpi eq, %get3A_1654, %eq3A_1706 : vector<16xi32>
      %jit3A_1708 = arith.constant 0.000000e+00 : f32
      %broadcast_in_dim3A_1709 = vector.broadcast %jit3A_1708 : f32 to vector<16xf32>
      %select_n3A_1710 = arith.select %eq3A_1707, %mul3A_1648, %broadcast_in_dim3A_1709 : vector<16xi1>, vector<16xf32>
      %mul3A_1711 = arith.mulf %select_n3A_1710, %mul3A_1649 : vector<16xf32>
      %mul3A_1712 = arith.mulf %select_n3A_1710, %mul3A_1650 : vector<16xf32>
      %mul3A_1713 = arith.mulf %select_n3A_1710, %mul3A_1651 : vector<16xf32>
      %mul3A_1714 = arith.mulf %mul3A_1713, %mul3A_1651 : vector<16xf32>
      %mul3A_1715 = arith.mulf %mul3A_1712, %mul3A_1651 : vector<16xf32>
      %mul3A_1716 = arith.mulf %mul3A_1712, %mul3A_1650 : vector<16xf32>
      %mul3A_1717 = arith.mulf %mul3A_1711, %mul3A_1651 : vector<16xf32>
      %mul3A_1718 = arith.mulf %mul3A_1711, %mul3A_1650 : vector<16xf32>
      %mul3A_1719 = arith.mulf %mul3A_1711, %mul3A_1649 : vector<16xf32>
      %add3A_1720 = arith.addf %add3A_1553, %select_n3A_1710 : vector<16xf32>
      %add3A_1721 = arith.addf %add3A_1554, %mul3A_1713 : vector<16xf32>
      %add3A_1722 = arith.addf %add3A_1555, %mul3A_1712 : vector<16xf32>
      %add3A_1723 = arith.addf %add3A_1556, %mul3A_1711 : vector<16xf32>
      %add3A_1724 = arith.addf %add3A_1557, %mul3A_1714 : vector<16xf32>
      %add3A_1725 = arith.addf %add3A_1558, %mul3A_1715 : vector<16xf32>
      %add3A_1726 = arith.addf %add3A_1559, %mul3A_1716 : vector<16xf32>
      %add3A_1727 = arith.addf %add3A_1560, %mul3A_1717 : vector<16xf32>
      %add3A_1728 = arith.addf %add3A_1561, %mul3A_1718 : vector<16xf32>
      %add3A_1729 = arith.addf %add3A_1562, %mul3A_1719 : vector<16xf32>
      %add3A_1730 = arith.constant 10 : i32
      %add3A_1731 = arith.addi %mul3A_253, %add3A_1730 : i32
      %get3A_1732 = arith.index_cast %add3A_1731 : i32 to index
      %get3A_1733 = tpu.vector_load %arg9[%get3A_1732] {strides = array<i32>} : memref<1584xf32, #tpu.memory_space<vmem>>, vector<16xf32>,
      %get3A_1734 = vector.shape_cast %get3A_1733 : vector<16xf32> to vector<16xf32>
      %sub3A_1735 = arith.subf %get3A_1734, %get3A_256 : vector<16xf32>
      %get3A_1736 = arith.index_cast %add3A_1731 : i32 to index
      %get3A_1737 = tpu.vector_load %arg10[%get3A_1736] {strides = array<i32>} : memref<1584xf32, #tpu.memory_space<vmem>>, vector<16xf32>,
      %get3A_1738 = vector.shape_cast %get3A_1737 : vector<16xf32> to vector<16xf32>
      %sub3A_1739 = arith.subf %get3A_1738, %get3A_259 : vector<16xf32>
      %get3A_1740 = arith.index_cast %add3A_1731 : i32 to index
      %get3A_1741 = tpu.vector_load %arg11[%get3A_1740] {strides = array<i32>} : memref<1584xf32, #tpu.memory_space<vmem>>, vector<16xf32>,
      %get3A_1742 = vector.shape_cast %get3A_1741 : vector<16xf32> to vector<16xf32>
      %sub3A_1743 = arith.subf %get3A_1742, %get3A_262 : vector<16xf32>
      %mul3A_1744 = arith.mulf %sub3A_1735, %sub3A_1735 : vector<16xf32>
      %mul3A_1745 = arith.mulf %sub3A_1739, %sub3A_1739 : vector<16xf32>
      %add3A_1746 = arith.addf %mul3A_1744, %mul3A_1745 : vector<16xf32>
      %mul3A_1747 = arith.mulf %sub3A_1743, %sub3A_1743 : vector<16xf32>
      %add3A_1748 = arith.addf %add3A_1746, %mul3A_1747 : vector<16xf32>
      %bitcast_convert_type3A_1749 = tpu.bitcast %add3A_1748 : vector<16xf32> -> vector<16xi32>
      %shift_right_logical3A_1750 = arith.constant 1 : i32
      %shift_right_logical3A_1751 = vector.broadcast %shift_right_logical3A_1750 : i32 to vector<16xi32>
      %shift_right_logical3A_1752 = arith.shrui %bitcast_convert_type3A_1749, %shift_right_logical3A_1751 : vector<16xi32>
      %sub3A_1753 = arith.constant 1597463007 : i32
      %sub3A_1754 = vector.broadcast %sub3A_1753 : i32 to vector<16xi32>
      %sub3A_1755 = arith.subi %sub3A_1754, %shift_right_logical3A_1752 : vector<16xi32>
      %bitcast_convert_type3A_1756 = tpu.bitcast %sub3A_1755 : vector<16xi32> -> vector<16xf32>
      %mul3A_1757 = arith.constant 5.000000e-01 : f32
      %mul3A_1758 = vector.broadcast %mul3A_1757 : f32 to vector<16xf32>
      %mul3A_1759 = arith.mulf %mul3A_1758, %add3A_1748 : vector<16xf32>
      %mul3A_1760 = arith.mulf %mul3A_1759, %bitcast_convert_type3A_1756 : vector<16xf32>
      %mul3A_1761 = arith.mulf %mul3A_1760, %bitcast_convert_type3A_1756 : vector<16xf32>
      %sub3A_1762 = arith.constant 1.500000e+00 : f32
      %sub3A_1763 = vector.broadcast %sub3A_1762 : f32 to vector<16xf32>
      %sub3A_1764 = arith.subf %sub3A_1763, %mul3A_1761 : vector<16xf32>
      %mul3A_1765 = arith.mulf %bitcast_convert_type3A_1756, %sub3A_1764 : vector<16xf32>
      %mul3A_1766 = arith.mulf %mul3A_1759, %mul3A_1765 : vector<16xf32>
      %mul3A_1767 = arith.mulf %mul3A_1766, %mul3A_1765 : vector<16xf32>
      %sub3A_1768 = arith.constant 1.500000e+00 : f32
      %sub3A_1769 = vector.broadcast %sub3A_1768 : f32 to vector<16xf32>
      %sub3A_1770 = arith.subf %sub3A_1769, %mul3A_1767 : vector<16xf32>
      %mul3A_1771 = arith.mulf %mul3A_1765, %sub3A_1770 : vector<16xf32>
      %mul3A_1772 = arith.mulf %add3A_1748, %mul3A_1771 : vector<16xf32>
      %mul3A_1773 = arith.constant 0.52359879 : f32
      %mul3A_1774 = vector.broadcast %mul3A_1773 : f32 to vector<16xf32>
      %mul3A_1775 = arith.mulf %mul3A_1772, %mul3A_1774 : vector<16xf32>
      %mul3A_1776 = arith.constant 0.159154937 : f32
      %mul3A_1777 = vector.broadcast %mul3A_1776 : f32 to vector<16xf32>
      %mul3A_1778 = arith.mulf %mul3A_1775, %mul3A_1777 : vector<16xf32>
      %add3A_1779 = arith.constant 5.000000e-01 : f32
      %add3A_1780 = vector.broadcast %add3A_1779 : f32 to vector<16xf32>
      %add3A_1781 = arith.addf %mul3A_1778, %add3A_1780 : vector<16xf32>
      %convert_element_type3A_1782 = arith.fptosi %add3A_1781 : vector<16xf32> to vector<16xi32>
      %convert_element_type3A_1783 = arith.sitofp %convert_element_type3A_1782 : vector<16xi32> to vector<16xf32>
      %mul3A_1784 = arith.constant 6.281250e+00 : f32
      %mul3A_1785 = vector.broadcast %mul3A_1784 : f32 to vector<16xf32>
      %mul3A_1786 = arith.mulf %convert_element_type3A_1783, %mul3A_1785 : vector<16xf32>
      %sub3A_1787 = arith.subf %mul3A_1775, %mul3A_1786 : vector<16xf32>
      %mul3A_1788 = arith.constant 0.00193530717 : f32
      %mul3A_1789 = vector.broadcast %mul3A_1788 : f32 to vector<16xf32>
      %mul3A_1790 = arith.mulf %convert_element_type3A_1783, %mul3A_1789 : vector<16xf32>
      %sub3A_1791 = arith.subf %sub3A_1787, %mul3A_1790 : vector<16xf32>
      %mul3A_1792 = arith.mulf %sub3A_1791, %sub3A_1791 : vector<16xf32>
      %broadcast_in_dim3A_1793 = arith.constant -2.20636892E-7 : f32
      %broadcast_in_dim3A_1794 = vector.broadcast %broadcast_in_dim3A_1793 : f32 to vector<16xf32>
      %mul3A_1795 = arith.mulf %broadcast_in_dim3A_1794, %mul3A_1792 : vector<16xf32>
      %add3A_1796 = arith.constant 2.42265687E-5 : f32
      %add3A_1797 = vector.broadcast %add3A_1796 : f32 to vector<16xf32>
      %add3A_1798 = arith.addf %mul3A_1795, %add3A_1797 : vector<16xf32>
      %mul3A_1799 = arith.mulf %add3A_1798, %mul3A_1792 : vector<16xf32>
      %add3A_1800 = arith.constant -0.00138609903 : f32
      %add3A_1801 = vector.broadcast %add3A_1800 : f32 to vector<16xf32>
      %add3A_1802 = arith.addf %mul3A_1799, %add3A_1801 : vector<16xf32>
      %mul3A_1803 = arith.mulf %add3A_1802, %mul3A_1792 : vector<16xf32>
      %add3A_1804 = arith.constant 0.0416606478 : f32
      %add3A_1805 = vector.broadcast %add3A_1804 : f32 to vector<16xf32>
      %add3A_1806 = arith.addf %mul3A_1803, %add3A_1805 : vector<16xf32>
      %mul3A_1807 = arith.mulf %add3A_1806, %mul3A_1792 : vector<16xf32>
      %add3A_1808 = arith.constant -0.49999553 : f32
      %add3A_1809 = vector.broadcast %add3A_1808 : f32 to vector<16xf32>
      %add3A_1810 = arith.addf %mul3A_1807, %add3A_1809 : vector<16xf32>
      %mul3A_1811 = arith.mulf %add3A_1810, %mul3A_1792 : vector<16xf32>
      %add3A_1812 = arith.constant 1.99999964 : f32
      %add3A_1813 = vector.broadcast %add3A_1812 : f32 to vector<16xf32>
      %add3A_1814 = arith.addf %mul3A_1811, %add3A_1813 : vector<16xf32>
      %mul3A_1815 = arith.mulf %add3A_1814, %add3A_1814 : vector<16xf32>
      %mul3A_1816 = arith.mulf %sub3A_1735, %mul3A_1771 : vector<16xf32>
      %mul3A_1817 = arith.mulf %sub3A_1739, %mul3A_1771 : vector<16xf32>
      %mul3A_1818 = arith.mulf %sub3A_1743, %mul3A_1771 : vector<16xf32>
      %get3A_1819 = arith.index_cast %add3A_1731 : i32 to index
      %get3A_1820 = tpu.vector_load %arg12[%get3A_1819] {strides = array<i32>} : memref<1584xi32, #tpu.memory_space<vmem>>, vector<16xi32>,
      %get3A_1821 = vector.shape_cast %get3A_1820 : vector<16xi32> to vector<16xi32>
      %eq3A_1822 = arith.constant 0 : i32
      %eq3A_1823 = vector.broadcast %eq3A_1822 : i32 to vector<16xi32>
      %eq3A_1824 = arith.cmpi eq, %get3A_1821, %eq3A_1823 : vector<16xi32>
      %jit3A_1825 = arith.constant 0.000000e+00 : f32
      %broadcast_in_dim3A_1826 = vector.broadcast %jit3A_1825 : f32 to vector<16xf32>
      %select_n3A_1827 = arith.select %eq3A_1824, %mul3A_1815, %broadcast_in_dim3A_1826 : vector<16xi1>, vector<16xf32>
      %mul3A_1828 = arith.mulf %select_n3A_1827, %mul3A_1816 : vector<16xf32>
      %mul3A_1829 = arith.mulf %select_n3A_1827, %mul3A_1817 : vector<16xf32>
      %mul3A_1830 = arith.mulf %select_n3A_1827, %mul3A_1818 : vector<16xf32>
      %mul3A_1831 = arith.mulf %mul3A_1830, %mul3A_1818 : vector<16xf32>
      %mul3A_1832 = arith.mulf %mul3A_1829, %mul3A_1818 : vector<16xf32>
      %mul3A_1833 = arith.mulf %mul3A_1829, %mul3A_1817 : vector<16xf32>
      %mul3A_1834 = arith.mulf %mul3A_1828, %mul3A_1818 : vector<16xf32>
      %mul3A_1835 = arith.mulf %mul3A_1828, %mul3A_1817 : vector<16xf32>
      %mul3A_1836 = arith.mulf %mul3A_1828, %mul3A_1816 : vector<16xf32>
      %add3A_1837 = arith.addf %add3A_1670, %select_n3A_1827 : vector<16xf32>
      %add3A_1838 = arith.addf %add3A_1671, %mul3A_1830 : vector<16xf32>
      %add3A_1839 = arith.addf %add3A_1672, %mul3A_1829 : vector<16xf32>
      %add3A_1840 = arith.addf %add3A_1673, %mul3A_1828 : vector<16xf32>
      %add3A_1841 = arith.addf %add3A_1674, %mul3A_1831 : vector<16xf32>
      %add3A_1842 = arith.addf %add3A_1675, %mul3A_1832 : vector<16xf32>
      %add3A_1843 = arith.addf %add3A_1676, %mul3A_1833 : vector<16xf32>
      %add3A_1844 = arith.addf %add3A_1677, %mul3A_1834 : vector<16xf32>
      %add3A_1845 = arith.addf %add3A_1678, %mul3A_1835 : vector<16xf32>
      %add3A_1846 = arith.addf %add3A_1679, %mul3A_1836 : vector<16xf32>
      %eq3A_1847 = arith.constant 1 : i32
      %eq3A_1848 = vector.broadcast %eq3A_1847 : i32 to vector<16xi32>
      %eq3A_1849 = arith.cmpi eq, %get3A_1821, %eq3A_1848 : vector<16xi32>
      %jit3A_1850 = arith.constant 0.000000e+00 : f32
      %broadcast_in_dim3A_1851 = vector.broadcast %jit3A_1850 : f32 to vector<16xf32>
      %select_n3A_1852 = arith.select %eq3A_1849, %mul3A_1815, %broadcast_in_dim3A_1851 : vector<16xi1>, vector<16xf32>
      %mul3A_1853 = arith.mulf %select_n3A_1852, %mul3A_1816 : vector<16xf32>
      %mul3A_1854 = arith.mulf %select_n3A_1852, %mul3A_1817 : vector<16xf32>
      %mul3A_1855 = arith.mulf %select_n3A_1852, %mul3A_1818 : vector<16xf32>
      %mul3A_1856 = arith.mulf %mul3A_1855, %mul3A_1818 : vector<16xf32>
      %mul3A_1857 = arith.mulf %mul3A_1854, %mul3A_1818 : vector<16xf32>
      %mul3A_1858 = arith.mulf %mul3A_1854, %mul3A_1817 : vector<16xf32>
      %mul3A_1859 = arith.mulf %mul3A_1853, %mul3A_1818 : vector<16xf32>
      %mul3A_1860 = arith.mulf %mul3A_1853, %mul3A_1817 : vector<16xf32>
      %mul3A_1861 = arith.mulf %mul3A_1853, %mul3A_1816 : vector<16xf32>
      %add3A_1862 = arith.addf %add3A_1695, %select_n3A_1852 : vector<16xf32>
      %add3A_1863 = arith.addf %add3A_1696, %mul3A_1855 : vector<16xf32>
      %add3A_1864 = arith.addf %add3A_1697, %mul3A_1854 : vector<16xf32>
      %add3A_1865 = arith.addf %add3A_1698, %mul3A_1853 : vector<16xf32>
      %add3A_1866 = arith.addf %add3A_1699, %mul3A_1856 : vector<16xf32>
      %add3A_1867 = arith.addf %add3A_1700, %mul3A_1857 : vector<16xf32>
      %add3A_1868 = arith.addf %add3A_1701, %mul3A_1858 : vector<16xf32>
      %add3A_1869 = arith.addf %add3A_1702, %mul3A_1859 : vector<16xf32>
      %add3A_1870 = arith.addf %add3A_1703, %mul3A_1860 : vector<16xf32>
      %add3A_1871 = arith.addf %add3A_1704, %mul3A_1861 : vector<16xf32>
      %eq3A_1872 = arith.constant 2 : i32
      %eq3A_1873 = vector.broadcast %eq3A_1872 : i32 to vector<16xi32>
      %eq3A_1874 = arith.cmpi eq, %get3A_1821, %eq3A_1873 : vector<16xi32>
      %jit3A_1875 = arith.constant 0.000000e+00 : f32
      %broadcast_in_dim3A_1876 = vector.broadcast %jit3A_1875 : f32 to vector<16xf32>
      %select_n3A_1877 = arith.select %eq3A_1874, %mul3A_1815, %broadcast_in_dim3A_1876 : vector<16xi1>, vector<16xf32>
      %mul3A_1878 = arith.mulf %select_n3A_1877, %mul3A_1816 : vector<16xf32>
      %mul3A_1879 = arith.mulf %select_n3A_1877, %mul3A_1817 : vector<16xf32>
      %mul3A_1880 = arith.mulf %select_n3A_1877, %mul3A_1818 : vector<16xf32>
      %mul3A_1881 = arith.mulf %mul3A_1880, %mul3A_1818 : vector<16xf32>
      %mul3A_1882 = arith.mulf %mul3A_1879, %mul3A_1818 : vector<16xf32>
      %mul3A_1883 = arith.mulf %mul3A_1879, %mul3A_1817 : vector<16xf32>
      %mul3A_1884 = arith.mulf %mul3A_1878, %mul3A_1818 : vector<16xf32>
      %mul3A_1885 = arith.mulf %mul3A_1878, %mul3A_1817 : vector<16xf32>
      %mul3A_1886 = arith.mulf %mul3A_1878, %mul3A_1816 : vector<16xf32>
      %add3A_1887 = arith.addf %add3A_1720, %select_n3A_1877 : vector<16xf32>
      %add3A_1888 = arith.addf %add3A_1721, %mul3A_1880 : vector<16xf32>
      %add3A_1889 = arith.addf %add3A_1722, %mul3A_1879 : vector<16xf32>
      %add3A_1890 = arith.addf %add3A_1723, %mul3A_1878 : vector<16xf32>
      %add3A_1891 = arith.addf %add3A_1724, %mul3A_1881 : vector<16xf32>
      %add3A_1892 = arith.addf %add3A_1725, %mul3A_1882 : vector<16xf32>
      %add3A_1893 = arith.addf %add3A_1726, %mul3A_1883 : vector<16xf32>
      %add3A_1894 = arith.addf %add3A_1727, %mul3A_1884 : vector<16xf32>
      %add3A_1895 = arith.addf %add3A_1728, %mul3A_1885 : vector<16xf32>
      %add3A_1896 = arith.addf %add3A_1729, %mul3A_1886 : vector<16xf32>
      %add3A_1897 = arith.constant 11 : i32
      %add3A_1898 = arith.addi %mul3A_253, %add3A_1897 : i32
      %get3A_1899 = arith.index_cast %add3A_1898 : i32 to index
      %get3A_1900 = tpu.vector_load %arg9[%get3A_1899] {strides = array<i32>} : memref<1584xf32, #tpu.memory_space<vmem>>, vector<16xf32>,
      %get3A_1901 = vector.shape_cast %get3A_1900 : vector<16xf32> to vector<16xf32>
      %sub3A_1902 = arith.subf %get3A_1901, %get3A_256 : vector<16xf32>
      %get3A_1903 = arith.index_cast %add3A_1898 : i32 to index
      %get3A_1904 = tpu.vector_load %arg10[%get3A_1903] {strides = array<i32>} : memref<1584xf32, #tpu.memory_space<vmem>>, vector<16xf32>,
      %get3A_1905 = vector.shape_cast %get3A_1904 : vector<16xf32> to vector<16xf32>
      %sub3A_1906 = arith.subf %get3A_1905, %get3A_259 : vector<16xf32>
      %get3A_1907 = arith.index_cast %add3A_1898 : i32 to index
      %get3A_1908 = tpu.vector_load %arg11[%get3A_1907] {strides = array<i32>} : memref<1584xf32, #tpu.memory_space<vmem>>, vector<16xf32>,
      %get3A_1909 = vector.shape_cast %get3A_1908 : vector<16xf32> to vector<16xf32>
      %sub3A_1910 = arith.subf %get3A_1909, %get3A_262 : vector<16xf32>
      %mul3A_1911 = arith.mulf %sub3A_1902, %sub3A_1902 : vector<16xf32>
      %mul3A_1912 = arith.mulf %sub3A_1906, %sub3A_1906 : vector<16xf32>
      %add3A_1913 = arith.addf %mul3A_1911, %mul3A_1912 : vector<16xf32>
      %mul3A_1914 = arith.mulf %sub3A_1910, %sub3A_1910 : vector<16xf32>
      %add3A_1915 = arith.addf %add3A_1913, %mul3A_1914 : vector<16xf32>
      %bitcast_convert_type3A_1916 = tpu.bitcast %add3A_1915 : vector<16xf32> -> vector<16xi32>
      %shift_right_logical3A_1917 = arith.constant 1 : i32
      %shift_right_logical3A_1918 = vector.broadcast %shift_right_logical3A_1917 : i32 to vector<16xi32>
      %shift_right_logical3A_1919 = arith.shrui %bitcast_convert_type3A_1916, %shift_right_logical3A_1918 : vector<16xi32>
      %sub3A_1920 = arith.constant 1597463007 : i32
      %sub3A_1921 = vector.broadcast %sub3A_1920 : i32 to vector<16xi32>
      %sub3A_1922 = arith.subi %sub3A_1921, %shift_right_logical3A_1919 : vector<16xi32>
      %bitcast_convert_type3A_1923 = tpu.bitcast %sub3A_1922 : vector<16xi32> -> vector<16xf32>
      %mul3A_1924 = arith.constant 5.000000e-01 : f32
      %mul3A_1925 = vector.broadcast %mul3A_1924 : f32 to vector<16xf32>
      %mul3A_1926 = arith.mulf %mul3A_1925, %add3A_1915 : vector<16xf32>
      %mul3A_1927 = arith.mulf %mul3A_1926, %bitcast_convert_type3A_1923 : vector<16xf32>
      %mul3A_1928 = arith.mulf %mul3A_1927, %bitcast_convert_type3A_1923 : vector<16xf32>
      %sub3A_1929 = arith.constant 1.500000e+00 : f32
      %sub3A_1930 = vector.broadcast %sub3A_1929 : f32 to vector<16xf32>
      %sub3A_1931 = arith.subf %sub3A_1930, %mul3A_1928 : vector<16xf32>
      %mul3A_1932 = arith.mulf %bitcast_convert_type3A_1923, %sub3A_1931 : vector<16xf32>
      %mul3A_1933 = arith.mulf %mul3A_1926, %mul3A_1932 : vector<16xf32>
      %mul3A_1934 = arith.mulf %mul3A_1933, %mul3A_1932 : vector<16xf32>
      %sub3A_1935 = arith.constant 1.500000e+00 : f32
      %sub3A_1936 = vector.broadcast %sub3A_1935 : f32 to vector<16xf32>
      %sub3A_1937 = arith.subf %sub3A_1936, %mul3A_1934 : vector<16xf32>
      %mul3A_1938 = arith.mulf %mul3A_1932, %sub3A_1937 : vector<16xf32>
      %mul3A_1939 = arith.mulf %add3A_1915, %mul3A_1938 : vector<16xf32>
      %mul3A_1940 = arith.constant 0.52359879 : f32
      %mul3A_1941 = vector.broadcast %mul3A_1940 : f32 to vector<16xf32>
      %mul3A_1942 = arith.mulf %mul3A_1939, %mul3A_1941 : vector<16xf32>
      %mul3A_1943 = arith.constant 0.159154937 : f32
      %mul3A_1944 = vector.broadcast %mul3A_1943 : f32 to vector<16xf32>
      %mul3A_1945 = arith.mulf %mul3A_1942, %mul3A_1944 : vector<16xf32>
      %add3A_1946 = arith.constant 5.000000e-01 : f32
      %add3A_1947 = vector.broadcast %add3A_1946 : f32 to vector<16xf32>
      %add3A_1948 = arith.addf %mul3A_1945, %add3A_1947 : vector<16xf32>
      %convert_element_type3A_1949 = arith.fptosi %add3A_1948 : vector<16xf32> to vector<16xi32>
      %convert_element_type3A_1950 = arith.sitofp %convert_element_type3A_1949 : vector<16xi32> to vector<16xf32>
      %mul3A_1951 = arith.constant 6.281250e+00 : f32
      %mul3A_1952 = vector.broadcast %mul3A_1951 : f32 to vector<16xf32>
      %mul3A_1953 = arith.mulf %convert_element_type3A_1950, %mul3A_1952 : vector<16xf32>
      %sub3A_1954 = arith.subf %mul3A_1942, %mul3A_1953 : vector<16xf32>
      %mul3A_1955 = arith.constant 0.00193530717 : f32
      %mul3A_1956 = vector.broadcast %mul3A_1955 : f32 to vector<16xf32>
      %mul3A_1957 = arith.mulf %convert_element_type3A_1950, %mul3A_1956 : vector<16xf32>
      %sub3A_1958 = arith.subf %sub3A_1954, %mul3A_1957 : vector<16xf32>
      %mul3A_1959 = arith.mulf %sub3A_1958, %sub3A_1958 : vector<16xf32>
      %broadcast_in_dim3A_1960 = arith.constant -2.20636892E-7 : f32
      %broadcast_in_dim3A_1961 = vector.broadcast %broadcast_in_dim3A_1960 : f32 to vector<16xf32>
      %mul3A_1962 = arith.mulf %broadcast_in_dim3A_1961, %mul3A_1959 : vector<16xf32>
      %add3A_1963 = arith.constant 2.42265687E-5 : f32
      %add3A_1964 = vector.broadcast %add3A_1963 : f32 to vector<16xf32>
      %add3A_1965 = arith.addf %mul3A_1962, %add3A_1964 : vector<16xf32>
      %mul3A_1966 = arith.mulf %add3A_1965, %mul3A_1959 : vector<16xf32>
      %add3A_1967 = arith.constant -0.00138609903 : f32
      %add3A_1968 = vector.broadcast %add3A_1967 : f32 to vector<16xf32>
      %add3A_1969 = arith.addf %mul3A_1966, %add3A_1968 : vector<16xf32>
      %mul3A_1970 = arith.mulf %add3A_1969, %mul3A_1959 : vector<16xf32>
      %add3A_1971 = arith.constant 0.0416606478 : f32
      %add3A_1972 = vector.broadcast %add3A_1971 : f32 to vector<16xf32>
      %add3A_1973 = arith.addf %mul3A_1970, %add3A_1972 : vector<16xf32>
      %mul3A_1974 = arith.mulf %add3A_1973, %mul3A_1959 : vector<16xf32>
      %add3A_1975 = arith.constant -0.49999553 : f32
      %add3A_1976 = vector.broadcast %add3A_1975 : f32 to vector<16xf32>
      %add3A_1977 = arith.addf %mul3A_1974, %add3A_1976 : vector<16xf32>
      %mul3A_1978 = arith.mulf %add3A_1977, %mul3A_1959 : vector<16xf32>
      %add3A_1979 = arith.constant 1.99999964 : f32
      %add3A_1980 = vector.broadcast %add3A_1979 : f32 to vector<16xf32>
      %add3A_1981 = arith.addf %mul3A_1978, %add3A_1980 : vector<16xf32>
      %mul3A_1982 = arith.mulf %add3A_1981, %add3A_1981 : vector<16xf32>
      %mul3A_1983 = arith.mulf %sub3A_1902, %mul3A_1938 : vector<16xf32>
      %mul3A_1984 = arith.mulf %sub3A_1906, %mul3A_1938 : vector<16xf32>
      %mul3A_1985 = arith.mulf %sub3A_1910, %mul3A_1938 : vector<16xf32>
      %get3A_1986 = arith.index_cast %add3A_1898 : i32 to index
      %get3A_1987 = tpu.vector_load %arg12[%get3A_1986] {strides = array<i32>} : memref<1584xi32, #tpu.memory_space<vmem>>, vector<16xi32>,
      %get3A_1988 = vector.shape_cast %get3A_1987 : vector<16xi32> to vector<16xi32>
      %eq3A_1989 = arith.constant 0 : i32
      %eq3A_1990 = vector.broadcast %eq3A_1989 : i32 to vector<16xi32>
      %eq3A_1991 = arith.cmpi eq, %get3A_1988, %eq3A_1990 : vector<16xi32>
      %jit3A_1992 = arith.constant 0.000000e+00 : f32
      %broadcast_in_dim3A_1993 = vector.broadcast %jit3A_1992 : f32 to vector<16xf32>
      %select_n3A_1994 = arith.select %eq3A_1991, %mul3A_1982, %broadcast_in_dim3A_1993 : vector<16xi1>, vector<16xf32>
      %mul3A_1995 = arith.mulf %select_n3A_1994, %mul3A_1983 : vector<16xf32>
      %mul3A_1996 = arith.mulf %select_n3A_1994, %mul3A_1984 : vector<16xf32>
      %mul3A_1997 = arith.mulf %select_n3A_1994, %mul3A_1985 : vector<16xf32>
      %mul3A_1998 = arith.mulf %mul3A_1997, %mul3A_1985 : vector<16xf32>
      %mul3A_1999 = arith.mulf %mul3A_1996, %mul3A_1985 : vector<16xf32>
      %mul3A_2000 = arith.mulf %mul3A_1996, %mul3A_1984 : vector<16xf32>
      %mul3A_2001 = arith.mulf %mul3A_1995, %mul3A_1985 : vector<16xf32>
      %mul3A_2002 = arith.mulf %mul3A_1995, %mul3A_1984 : vector<16xf32>
      %mul3A_2003 = arith.mulf %mul3A_1995, %mul3A_1983 : vector<16xf32>
      %add3A_2004 = arith.addf %add3A_1837, %select_n3A_1994 : vector<16xf32>
      %add3A_2005 = arith.addf %add3A_1838, %mul3A_1997 : vector<16xf32>
      %add3A_2006 = arith.addf %add3A_1839, %mul3A_1996 : vector<16xf32>
      %add3A_2007 = arith.addf %add3A_1840, %mul3A_1995 : vector<16xf32>
      %add3A_2008 = arith.addf %add3A_1841, %mul3A_1998 : vector<16xf32>
      %add3A_2009 = arith.addf %add3A_1842, %mul3A_1999 : vector<16xf32>
      %add3A_2010 = arith.addf %add3A_1843, %mul3A_2000 : vector<16xf32>
      %add3A_2011 = arith.addf %add3A_1844, %mul3A_2001 : vector<16xf32>
      %add3A_2012 = arith.addf %add3A_1845, %mul3A_2002 : vector<16xf32>
      %add3A_2013 = arith.addf %add3A_1846, %mul3A_2003 : vector<16xf32>
      %eq3A_2014 = arith.constant 1 : i32
      %eq3A_2015 = vector.broadcast %eq3A_2014 : i32 to vector<16xi32>
      %eq3A_2016 = arith.cmpi eq, %get3A_1988, %eq3A_2015 : vector<16xi32>
      %jit3A_2017 = arith.constant 0.000000e+00 : f32
      %broadcast_in_dim3A_2018 = vector.broadcast %jit3A_2017 : f32 to vector<16xf32>
      %select_n3A_2019 = arith.select %eq3A_2016, %mul3A_1982, %broadcast_in_dim3A_2018 : vector<16xi1>, vector<16xf32>
      %mul3A_2020 = arith.mulf %select_n3A_2019, %mul3A_1983 : vector<16xf32>
      %mul3A_2021 = arith.mulf %select_n3A_2019, %mul3A_1984 : vector<16xf32>
      %mul3A_2022 = arith.mulf %select_n3A_2019, %mul3A_1985 : vector<16xf32>
      %mul3A_2023 = arith.mulf %mul3A_2022, %mul3A_1985 : vector<16xf32>
      %mul3A_2024 = arith.mulf %mul3A_2021, %mul3A_1985 : vector<16xf32>
      %mul3A_2025 = arith.mulf %mul3A_2021, %mul3A_1984 : vector<16xf32>
      %mul3A_2026 = arith.mulf %mul3A_2020, %mul3A_1985 : vector<16xf32>
      %mul3A_2027 = arith.mulf %mul3A_2020, %mul3A_1984 : vector<16xf32>
      %mul3A_2028 = arith.mulf %mul3A_2020, %mul3A_1983 : vector<16xf32>
      %add3A_2029 = arith.addf %add3A_1862, %select_n3A_2019 : vector<16xf32>
      %add3A_2030 = arith.addf %add3A_1863, %mul3A_2022 : vector<16xf32>
      %add3A_2031 = arith.addf %add3A_1864, %mul3A_2021 : vector<16xf32>
      %add3A_2032 = arith.addf %add3A_1865, %mul3A_2020 : vector<16xf32>
      %add3A_2033 = arith.addf %add3A_1866, %mul3A_2023 : vector<16xf32>
      %add3A_2034 = arith.addf %add3A_1867, %mul3A_2024 : vector<16xf32>
      %add3A_2035 = arith.addf %add3A_1868, %mul3A_2025 : vector<16xf32>
      %add3A_2036 = arith.addf %add3A_1869, %mul3A_2026 : vector<16xf32>
      %add3A_2037 = arith.addf %add3A_1870, %mul3A_2027 : vector<16xf32>
      %add3A_2038 = arith.addf %add3A_1871, %mul3A_2028 : vector<16xf32>
      %eq3A_2039 = arith.constant 2 : i32
      %eq3A_2040 = vector.broadcast %eq3A_2039 : i32 to vector<16xi32>
      %eq3A_2041 = arith.cmpi eq, %get3A_1988, %eq3A_2040 : vector<16xi32>
      %jit3A_2042 = arith.constant 0.000000e+00 : f32
      %broadcast_in_dim3A_2043 = vector.broadcast %jit3A_2042 : f32 to vector<16xf32>
      %select_n3A_2044 = arith.select %eq3A_2041, %mul3A_1982, %broadcast_in_dim3A_2043 : vector<16xi1>, vector<16xf32>
      %mul3A_2045 = arith.mulf %select_n3A_2044, %mul3A_1983 : vector<16xf32>
      %mul3A_2046 = arith.mulf %select_n3A_2044, %mul3A_1984 : vector<16xf32>
      %mul3A_2047 = arith.mulf %select_n3A_2044, %mul3A_1985 : vector<16xf32>
      %mul3A_2048 = arith.mulf %mul3A_2047, %mul3A_1985 : vector<16xf32>
      %mul3A_2049 = arith.mulf %mul3A_2046, %mul3A_1985 : vector<16xf32>
      %mul3A_2050 = arith.mulf %mul3A_2046, %mul3A_1984 : vector<16xf32>
      %mul3A_2051 = arith.mulf %mul3A_2045, %mul3A_1985 : vector<16xf32>
      %mul3A_2052 = arith.mulf %mul3A_2045, %mul3A_1984 : vector<16xf32>
      %mul3A_2053 = arith.mulf %mul3A_2045, %mul3A_1983 : vector<16xf32>
      %add3A_2054 = arith.addf %add3A_1887, %select_n3A_2044 : vector<16xf32>
      %add3A_2055 = arith.addf %add3A_1888, %mul3A_2047 : vector<16xf32>
      %add3A_2056 = arith.addf %add3A_1889, %mul3A_2046 : vector<16xf32>
      %add3A_2057 = arith.addf %add3A_1890, %mul3A_2045 : vector<16xf32>
      %add3A_2058 = arith.addf %add3A_1891, %mul3A_2048 : vector<16xf32>
      %add3A_2059 = arith.addf %add3A_1892, %mul3A_2049 : vector<16xf32>
      %add3A_2060 = arith.addf %add3A_1893, %mul3A_2050 : vector<16xf32>
      %add3A_2061 = arith.addf %add3A_1894, %mul3A_2051 : vector<16xf32>
      %add3A_2062 = arith.addf %add3A_1895, %mul3A_2052 : vector<16xf32>
      %add3A_2063 = arith.addf %add3A_1896, %mul3A_2053 : vector<16xf32>
      %add3A_2064 = arith.constant 12 : i32
      %add3A_2065 = arith.addi %mul3A_253, %add3A_2064 : i32
      %get3A_2066 = arith.index_cast %add3A_2065 : i32 to index
      %get3A_2067 = tpu.vector_load %arg9[%get3A_2066] {strides = array<i32>} : memref<1584xf32, #tpu.memory_space<vmem>>, vector<16xf32>,
      %get3A_2068 = vector.shape_cast %get3A_2067 : vector<16xf32> to vector<16xf32>
      %sub3A_2069 = arith.subf %get3A_2068, %get3A_256 : vector<16xf32>
      %get3A_2070 = arith.index_cast %add3A_2065 : i32 to index
      %get3A_2071 = tpu.vector_load %arg10[%get3A_2070] {strides = array<i32>} : memref<1584xf32, #tpu.memory_space<vmem>>, vector<16xf32>,
      %get3A_2072 = vector.shape_cast %get3A_2071 : vector<16xf32> to vector<16xf32>
      %sub3A_2073 = arith.subf %get3A_2072, %get3A_259 : vector<16xf32>
      %get3A_2074 = arith.index_cast %add3A_2065 : i32 to index
      %get3A_2075 = tpu.vector_load %arg11[%get3A_2074] {strides = array<i32>} : memref<1584xf32, #tpu.memory_space<vmem>>, vector<16xf32>,
      %get3A_2076 = vector.shape_cast %get3A_2075 : vector<16xf32> to vector<16xf32>
      %sub3A_2077 = arith.subf %get3A_2076, %get3A_262 : vector<16xf32>
      %mul3A_2078 = arith.mulf %sub3A_2069, %sub3A_2069 : vector<16xf32>
      %mul3A_2079 = arith.mulf %sub3A_2073, %sub3A_2073 : vector<16xf32>
      %add3A_2080 = arith.addf %mul3A_2078, %mul3A_2079 : vector<16xf32>
      %mul3A_2081 = arith.mulf %sub3A_2077, %sub3A_2077 : vector<16xf32>
      %add3A_2082 = arith.addf %add3A_2080, %mul3A_2081 : vector<16xf32>
      %bitcast_convert_type3A_2083 = tpu.bitcast %add3A_2082 : vector<16xf32> -> vector<16xi32>
      %shift_right_logical3A_2084 = arith.constant 1 : i32
      %shift_right_logical3A_2085 = vector.broadcast %shift_right_logical3A_2084 : i32 to vector<16xi32>
      %shift_right_logical3A_2086 = arith.shrui %bitcast_convert_type3A_2083, %shift_right_logical3A_2085 : vector<16xi32>
      %sub3A_2087 = arith.constant 1597463007 : i32
      %sub3A_2088 = vector.broadcast %sub3A_2087 : i32 to vector<16xi32>
      %sub3A_2089 = arith.subi %sub3A_2088, %shift_right_logical3A_2086 : vector<16xi32>
      %bitcast_convert_type3A_2090 = tpu.bitcast %sub3A_2089 : vector<16xi32> -> vector<16xf32>
      %mul3A_2091 = arith.constant 5.000000e-01 : f32
      %mul3A_2092 = vector.broadcast %mul3A_2091 : f32 to vector<16xf32>
      %mul3A_2093 = arith.mulf %mul3A_2092, %add3A_2082 : vector<16xf32>
      %mul3A_2094 = arith.mulf %mul3A_2093, %bitcast_convert_type3A_2090 : vector<16xf32>
      %mul3A_2095 = arith.mulf %mul3A_2094, %bitcast_convert_type3A_2090 : vector<16xf32>
      %sub3A_2096 = arith.constant 1.500000e+00 : f32
      %sub3A_2097 = vector.broadcast %sub3A_2096 : f32 to vector<16xf32>
      %sub3A_2098 = arith.subf %sub3A_2097, %mul3A_2095 : vector<16xf32>
      %mul3A_2099 = arith.mulf %bitcast_convert_type3A_2090, %sub3A_2098 : vector<16xf32>
      %mul3A_2100 = arith.mulf %mul3A_2093, %mul3A_2099 : vector<16xf32>
      %mul3A_2101 = arith.mulf %mul3A_2100, %mul3A_2099 : vector<16xf32>
      %sub3A_2102 = arith.constant 1.500000e+00 : f32
      %sub3A_2103 = vector.broadcast %sub3A_2102 : f32 to vector<16xf32>
      %sub3A_2104 = arith.subf %sub3A_2103, %mul3A_2101 : vector<16xf32>
      %mul3A_2105 = arith.mulf %mul3A_2099, %sub3A_2104 : vector<16xf32>
      %mul3A_2106 = arith.mulf %add3A_2082, %mul3A_2105 : vector<16xf32>
      %mul3A_2107 = arith.constant 0.52359879 : f32
      %mul3A_2108 = vector.broadcast %mul3A_2107 : f32 to vector<16xf32>
      %mul3A_2109 = arith.mulf %mul3A_2106, %mul3A_2108 : vector<16xf32>
      %mul3A_2110 = arith.constant 0.159154937 : f32
      %mul3A_2111 = vector.broadcast %mul3A_2110 : f32 to vector<16xf32>
      %mul3A_2112 = arith.mulf %mul3A_2109, %mul3A_2111 : vector<16xf32>
      %add3A_2113 = arith.constant 5.000000e-01 : f32
      %add3A_2114 = vector.broadcast %add3A_2113 : f32 to vector<16xf32>
      %add3A_2115 = arith.addf %mul3A_2112, %add3A_2114 : vector<16xf32>
      %convert_element_type3A_2116 = arith.fptosi %add3A_2115 : vector<16xf32> to vector<16xi32>
      %convert_element_type3A_2117 = arith.sitofp %convert_element_type3A_2116 : vector<16xi32> to vector<16xf32>
      %mul3A_2118 = arith.constant 6.281250e+00 : f32
      %mul3A_2119 = vector.broadcast %mul3A_2118 : f32 to vector<16xf32>
      %mul3A_2120 = arith.mulf %convert_element_type3A_2117, %mul3A_2119 : vector<16xf32>
      %sub3A_2121 = arith.subf %mul3A_2109, %mul3A_2120 : vector<16xf32>
      %mul3A_2122 = arith.constant 0.00193530717 : f32
      %mul3A_2123 = vector.broadcast %mul3A_2122 : f32 to vector<16xf32>
      %mul3A_2124 = arith.mulf %convert_element_type3A_2117, %mul3A_2123 : vector<16xf32>
      %sub3A_2125 = arith.subf %sub3A_2121, %mul3A_2124 : vector<16xf32>
      %mul3A_2126 = arith.mulf %sub3A_2125, %sub3A_2125 : vector<16xf32>
      %broadcast_in_dim3A_2127 = arith.constant -2.20636892E-7 : f32
      %broadcast_in_dim3A_2128 = vector.broadcast %broadcast_in_dim3A_2127 : f32 to vector<16xf32>
      %mul3A_2129 = arith.mulf %broadcast_in_dim3A_2128, %mul3A_2126 : vector<16xf32>
      %add3A_2130 = arith.constant 2.42265687E-5 : f32
      %add3A_2131 = vector.broadcast %add3A_2130 : f32 to vector<16xf32>
      %add3A_2132 = arith.addf %mul3A_2129, %add3A_2131 : vector<16xf32>
      %mul3A_2133 = arith.mulf %add3A_2132, %mul3A_2126 : vector<16xf32>
      %add3A_2134 = arith.constant -0.00138609903 : f32
      %add3A_2135 = vector.broadcast %add3A_2134 : f32 to vector<16xf32>
      %add3A_2136 = arith.addf %mul3A_2133, %add3A_2135 : vector<16xf32>
      %mul3A_2137 = arith.mulf %add3A_2136, %mul3A_2126 : vector<16xf32>
      %add3A_2138 = arith.constant 0.0416606478 : f32
      %add3A_2139 = vector.broadcast %add3A_2138 : f32 to vector<16xf32>
      %add3A_2140 = arith.addf %mul3A_2137, %add3A_2139 : vector<16xf32>
      %mul3A_2141 = arith.mulf %add3A_2140, %mul3A_2126 : vector<16xf32>
      %add3A_2142 = arith.constant -0.49999553 : f32
      %add3A_2143 = vector.broadcast %add3A_2142 : f32 to vector<16xf32>
      %add3A_2144 = arith.addf %mul3A_2141, %add3A_2143 : vector<16xf32>
      %mul3A_2145 = arith.mulf %add3A_2144, %mul3A_2126 : vector<16xf32>
      %add3A_2146 = arith.constant 1.99999964 : f32
      %add3A_2147 = vector.broadcast %add3A_2146 : f32 to vector<16xf32>
      %add3A_2148 = arith.addf %mul3A_2145, %add3A_2147 : vector<16xf32>
      %mul3A_2149 = arith.mulf %add3A_2148, %add3A_2148 : vector<16xf32>
      %mul3A_2150 = arith.mulf %sub3A_2069, %mul3A_2105 : vector<16xf32>
      %mul3A_2151 = arith.mulf %sub3A_2073, %mul3A_2105 : vector<16xf32>
      %mul3A_2152 = arith.mulf %sub3A_2077, %mul3A_2105 : vector<16xf32>
      %get3A_2153 = arith.index_cast %add3A_2065 : i32 to index
      %get3A_2154 = tpu.vector_load %arg12[%get3A_2153] {strides = array<i32>} : memref<1584xi32, #tpu.memory_space<vmem>>, vector<16xi32>,
      %get3A_2155 = vector.shape_cast %get3A_2154 : vector<16xi32> to vector<16xi32>
      %eq3A_2156 = arith.constant 0 : i32
      %eq3A_2157 = vector.broadcast %eq3A_2156 : i32 to vector<16xi32>
      %eq3A_2158 = arith.cmpi eq, %get3A_2155, %eq3A_2157 : vector<16xi32>
      %jit3A_2159 = arith.constant 0.000000e+00 : f32
      %broadcast_in_dim3A_2160 = vector.broadcast %jit3A_2159 : f32 to vector<16xf32>
      %select_n3A_2161 = arith.select %eq3A_2158, %mul3A_2149, %broadcast_in_dim3A_2160 : vector<16xi1>, vector<16xf32>
      %mul3A_2162 = arith.mulf %select_n3A_2161, %mul3A_2150 : vector<16xf32>
      %mul3A_2163 = arith.mulf %select_n3A_2161, %mul3A_2151 : vector<16xf32>
      %mul3A_2164 = arith.mulf %select_n3A_2161, %mul3A_2152 : vector<16xf32>
      %mul3A_2165 = arith.mulf %mul3A_2164, %mul3A_2152 : vector<16xf32>
      %mul3A_2166 = arith.mulf %mul3A_2163, %mul3A_2152 : vector<16xf32>
      %mul3A_2167 = arith.mulf %mul3A_2163, %mul3A_2151 : vector<16xf32>
      %mul3A_2168 = arith.mulf %mul3A_2162, %mul3A_2152 : vector<16xf32>
      %mul3A_2169 = arith.mulf %mul3A_2162, %mul3A_2151 : vector<16xf32>
      %mul3A_2170 = arith.mulf %mul3A_2162, %mul3A_2150 : vector<16xf32>
      %add3A_2171 = arith.addf %add3A_2004, %select_n3A_2161 : vector<16xf32>
      %add3A_2172 = arith.addf %add3A_2005, %mul3A_2164 : vector<16xf32>
      %add3A_2173 = arith.addf %add3A_2006, %mul3A_2163 : vector<16xf32>
      %add3A_2174 = arith.addf %add3A_2007, %mul3A_2162 : vector<16xf32>
      %add3A_2175 = arith.addf %add3A_2008, %mul3A_2165 : vector<16xf32>
      %add3A_2176 = arith.addf %add3A_2009, %mul3A_2166 : vector<16xf32>
      %add3A_2177 = arith.addf %add3A_2010, %mul3A_2167 : vector<16xf32>
      %add3A_2178 = arith.addf %add3A_2011, %mul3A_2168 : vector<16xf32>
      %add3A_2179 = arith.addf %add3A_2012, %mul3A_2169 : vector<16xf32>
      %add3A_2180 = arith.addf %add3A_2013, %mul3A_2170 : vector<16xf32>
      %eq3A_2181 = arith.constant 1 : i32
      %eq3A_2182 = vector.broadcast %eq3A_2181 : i32 to vector<16xi32>
      %eq3A_2183 = arith.cmpi eq, %get3A_2155, %eq3A_2182 : vector<16xi32>
      %jit3A_2184 = arith.constant 0.000000e+00 : f32
      %broadcast_in_dim3A_2185 = vector.broadcast %jit3A_2184 : f32 to vector<16xf32>
      %select_n3A_2186 = arith.select %eq3A_2183, %mul3A_2149, %broadcast_in_dim3A_2185 : vector<16xi1>, vector<16xf32>
      %mul3A_2187 = arith.mulf %select_n3A_2186, %mul3A_2150 : vector<16xf32>
      %mul3A_2188 = arith.mulf %select_n3A_2186, %mul3A_2151 : vector<16xf32>
      %mul3A_2189 = arith.mulf %select_n3A_2186, %mul3A_2152 : vector<16xf32>
      %mul3A_2190 = arith.mulf %mul3A_2189, %mul3A_2152 : vector<16xf32>
      %mul3A_2191 = arith.mulf %mul3A_2188, %mul3A_2152 : vector<16xf32>
      %mul3A_2192 = arith.mulf %mul3A_2188, %mul3A_2151 : vector<16xf32>
      %mul3A_2193 = arith.mulf %mul3A_2187, %mul3A_2152 : vector<16xf32>
      %mul3A_2194 = arith.mulf %mul3A_2187, %mul3A_2151 : vector<16xf32>
      %mul3A_2195 = arith.mulf %mul3A_2187, %mul3A_2150 : vector<16xf32>
      %add3A_2196 = arith.addf %add3A_2029, %select_n3A_2186 : vector<16xf32>
      %add3A_2197 = arith.addf %add3A_2030, %mul3A_2189 : vector<16xf32>
      %add3A_2198 = arith.addf %add3A_2031, %mul3A_2188 : vector<16xf32>
      %add3A_2199 = arith.addf %add3A_2032, %mul3A_2187 : vector<16xf32>
      %add3A_2200 = arith.addf %add3A_2033, %mul3A_2190 : vector<16xf32>
      %add3A_2201 = arith.addf %add3A_2034, %mul3A_2191 : vector<16xf32>
      %add3A_2202 = arith.addf %add3A_2035, %mul3A_2192 : vector<16xf32>
      %add3A_2203 = arith.addf %add3A_2036, %mul3A_2193 : vector<16xf32>
      %add3A_2204 = arith.addf %add3A_2037, %mul3A_2194 : vector<16xf32>
      %add3A_2205 = arith.addf %add3A_2038, %mul3A_2195 : vector<16xf32>
      %eq3A_2206 = arith.constant 2 : i32
      %eq3A_2207 = vector.broadcast %eq3A_2206 : i32 to vector<16xi32>
      %eq3A_2208 = arith.cmpi eq, %get3A_2155, %eq3A_2207 : vector<16xi32>
      %jit3A_2209 = arith.constant 0.000000e+00 : f32
      %broadcast_in_dim3A_2210 = vector.broadcast %jit3A_2209 : f32 to vector<16xf32>
      %select_n3A_2211 = arith.select %eq3A_2208, %mul3A_2149, %broadcast_in_dim3A_2210 : vector<16xi1>, vector<16xf32>
      %mul3A_2212 = arith.mulf %select_n3A_2211, %mul3A_2150 : vector<16xf32>
      %mul3A_2213 = arith.mulf %select_n3A_2211, %mul3A_2151 : vector<16xf32>
      %mul3A_2214 = arith.mulf %select_n3A_2211, %mul3A_2152 : vector<16xf32>
      %mul3A_2215 = arith.mulf %mul3A_2214, %mul3A_2152 : vector<16xf32>
      %mul3A_2216 = arith.mulf %mul3A_2213, %mul3A_2152 : vector<16xf32>
      %mul3A_2217 = arith.mulf %mul3A_2213, %mul3A_2151 : vector<16xf32>
      %mul3A_2218 = arith.mulf %mul3A_2212, %mul3A_2152 : vector<16xf32>
      %mul3A_2219 = arith.mulf %mul3A_2212, %mul3A_2151 : vector<16xf32>
      %mul3A_2220 = arith.mulf %mul3A_2212, %mul3A_2150 : vector<16xf32>
      %add3A_2221 = arith.addf %add3A_2054, %select_n3A_2211 : vector<16xf32>
      %add3A_2222 = arith.addf %add3A_2055, %mul3A_2214 : vector<16xf32>
      %add3A_2223 = arith.addf %add3A_2056, %mul3A_2213 : vector<16xf32>
      %add3A_2224 = arith.addf %add3A_2057, %mul3A_2212 : vector<16xf32>
      %add3A_2225 = arith.addf %add3A_2058, %mul3A_2215 : vector<16xf32>
      %add3A_2226 = arith.addf %add3A_2059, %mul3A_2216 : vector<16xf32>
      %add3A_2227 = arith.addf %add3A_2060, %mul3A_2217 : vector<16xf32>
      %add3A_2228 = arith.addf %add3A_2061, %mul3A_2218 : vector<16xf32>
      %add3A_2229 = arith.addf %add3A_2062, %mul3A_2219 : vector<16xf32>
      %add3A_2230 = arith.addf %add3A_2063, %mul3A_2220 : vector<16xf32>
      %add3A_2231 = arith.constant 13 : i32
      %add3A_2232 = arith.addi %mul3A_253, %add3A_2231 : i32
      %get3A_2233 = arith.index_cast %add3A_2232 : i32 to index
      %get3A_2234 = tpu.vector_load %arg9[%get3A_2233] {strides = array<i32>} : memref<1584xf32, #tpu.memory_space<vmem>>, vector<16xf32>,
      %get3A_2235 = vector.shape_cast %get3A_2234 : vector<16xf32> to vector<16xf32>
      %sub3A_2236 = arith.subf %get3A_2235, %get3A_256 : vector<16xf32>
      %get3A_2237 = arith.index_cast %add3A_2232 : i32 to index
      %get3A_2238 = tpu.vector_load %arg10[%get3A_2237] {strides = array<i32>} : memref<1584xf32, #tpu.memory_space<vmem>>, vector<16xf32>,
      %get3A_2239 = vector.shape_cast %get3A_2238 : vector<16xf32> to vector<16xf32>
      %sub3A_2240 = arith.subf %get3A_2239, %get3A_259 : vector<16xf32>
      %get3A_2241 = arith.index_cast %add3A_2232 : i32 to index
      %get3A_2242 = tpu.vector_load %arg11[%get3A_2241] {strides = array<i32>} : memref<1584xf32, #tpu.memory_space<vmem>>, vector<16xf32>,
      %get3A_2243 = vector.shape_cast %get3A_2242 : vector<16xf32> to vector<16xf32>
      %sub3A_2244 = arith.subf %get3A_2243, %get3A_262 : vector<16xf32>
      %mul3A_2245 = arith.mulf %sub3A_2236, %sub3A_2236 : vector<16xf32>
      %mul3A_2246 = arith.mulf %sub3A_2240, %sub3A_2240 : vector<16xf32>
      %add3A_2247 = arith.addf %mul3A_2245, %mul3A_2246 : vector<16xf32>
      %mul3A_2248 = arith.mulf %sub3A_2244, %sub3A_2244 : vector<16xf32>
      %add3A_2249 = arith.addf %add3A_2247, %mul3A_2248 : vector<16xf32>
      %bitcast_convert_type3A_2250 = tpu.bitcast %add3A_2249 : vector<16xf32> -> vector<16xi32>
      %shift_right_logical3A_2251 = arith.constant 1 : i32
      %shift_right_logical3A_2252 = vector.broadcast %shift_right_logical3A_2251 : i32 to vector<16xi32>
      %shift_right_logical3A_2253 = arith.shrui %bitcast_convert_type3A_2250, %shift_right_logical3A_2252 : vector<16xi32>
      %sub3A_2254 = arith.constant 1597463007 : i32
      %sub3A_2255 = vector.broadcast %sub3A_2254 : i32 to vector<16xi32>
      %sub3A_2256 = arith.subi %sub3A_2255, %shift_right_logical3A_2253 : vector<16xi32>
      %bitcast_convert_type3A_2257 = tpu.bitcast %sub3A_2256 : vector<16xi32> -> vector<16xf32>
      %mul3A_2258 = arith.constant 5.000000e-01 : f32
      %mul3A_2259 = vector.broadcast %mul3A_2258 : f32 to vector<16xf32>
      %mul3A_2260 = arith.mulf %mul3A_2259, %add3A_2249 : vector<16xf32>
      %mul3A_2261 = arith.mulf %mul3A_2260, %bitcast_convert_type3A_2257 : vector<16xf32>
      %mul3A_2262 = arith.mulf %mul3A_2261, %bitcast_convert_type3A_2257 : vector<16xf32>
      %sub3A_2263 = arith.constant 1.500000e+00 : f32
      %sub3A_2264 = vector.broadcast %sub3A_2263 : f32 to vector<16xf32>
      %sub3A_2265 = arith.subf %sub3A_2264, %mul3A_2262 : vector<16xf32>
      %mul3A_2266 = arith.mulf %bitcast_convert_type3A_2257, %sub3A_2265 : vector<16xf32>
      %mul3A_2267 = arith.mulf %mul3A_2260, %mul3A_2266 : vector<16xf32>
      %mul3A_2268 = arith.mulf %mul3A_2267, %mul3A_2266 : vector<16xf32>
      %sub3A_2269 = arith.constant 1.500000e+00 : f32
      %sub3A_2270 = vector.broadcast %sub3A_2269 : f32 to vector<16xf32>
      %sub3A_2271 = arith.subf %sub3A_2270, %mul3A_2268 : vector<16xf32>
      %mul3A_2272 = arith.mulf %mul3A_2266, %sub3A_2271 : vector<16xf32>
      %mul3A_2273 = arith.mulf %add3A_2249, %mul3A_2272 : vector<16xf32>
      %mul3A_2274 = arith.constant 0.52359879 : f32
      %mul3A_2275 = vector.broadcast %mul3A_2274 : f32 to vector<16xf32>
      %mul3A_2276 = arith.mulf %mul3A_2273, %mul3A_2275 : vector<16xf32>
      %mul3A_2277 = arith.constant 0.159154937 : f32
      %mul3A_2278 = vector.broadcast %mul3A_2277 : f32 to vector<16xf32>
      %mul3A_2279 = arith.mulf %mul3A_2276, %mul3A_2278 : vector<16xf32>
      %add3A_2280 = arith.constant 5.000000e-01 : f32
      %add3A_2281 = vector.broadcast %add3A_2280 : f32 to vector<16xf32>
      %add3A_2282 = arith.addf %mul3A_2279, %add3A_2281 : vector<16xf32>
      %convert_element_type3A_2283 = arith.fptosi %add3A_2282 : vector<16xf32> to vector<16xi32>
      %convert_element_type3A_2284 = arith.sitofp %convert_element_type3A_2283 : vector<16xi32> to vector<16xf32>
      %mul3A_2285 = arith.constant 6.281250e+00 : f32
      %mul3A_2286 = vector.broadcast %mul3A_2285 : f32 to vector<16xf32>
      %mul3A_2287 = arith.mulf %convert_element_type3A_2284, %mul3A_2286 : vector<16xf32>
      %sub3A_2288 = arith.subf %mul3A_2276, %mul3A_2287 : vector<16xf32>
      %mul3A_2289 = arith.constant 0.00193530717 : f32
      %mul3A_2290 = vector.broadcast %mul3A_2289 : f32 to vector<16xf32>
      %mul3A_2291 = arith.mulf %convert_element_type3A_2284, %mul3A_2290 : vector<16xf32>
      %sub3A_2292 = arith.subf %sub3A_2288, %mul3A_2291 : vector<16xf32>
      %mul3A_2293 = arith.mulf %sub3A_2292, %sub3A_2292 : vector<16xf32>
      %broadcast_in_dim3A_2294 = arith.constant -2.20636892E-7 : f32
      %broadcast_in_dim3A_2295 = vector.broadcast %broadcast_in_dim3A_2294 : f32 to vector<16xf32>
      %mul3A_2296 = arith.mulf %broadcast_in_dim3A_2295, %mul3A_2293 : vector<16xf32>
      %add3A_2297 = arith.constant 2.42265687E-5 : f32
      %add3A_2298 = vector.broadcast %add3A_2297 : f32 to vector<16xf32>
      %add3A_2299 = arith.addf %mul3A_2296, %add3A_2298 : vector<16xf32>
      %mul3A_2300 = arith.mulf %add3A_2299, %mul3A_2293 : vector<16xf32>
      %add3A_2301 = arith.constant -0.00138609903 : f32
      %add3A_2302 = vector.broadcast %add3A_2301 : f32 to vector<16xf32>
      %add3A_2303 = arith.addf %mul3A_2300, %add3A_2302 : vector<16xf32>
      %mul3A_2304 = arith.mulf %add3A_2303, %mul3A_2293 : vector<16xf32>
      %add3A_2305 = arith.constant 0.0416606478 : f32
      %add3A_2306 = vector.broadcast %add3A_2305 : f32 to vector<16xf32>
      %add3A_2307 = arith.addf %mul3A_2304, %add3A_2306 : vector<16xf32>
      %mul3A_2308 = arith.mulf %add3A_2307, %mul3A_2293 : vector<16xf32>
      %add3A_2309 = arith.constant -0.49999553 : f32
      %add3A_2310 = vector.broadcast %add3A_2309 : f32 to vector<16xf32>
      %add3A_2311 = arith.addf %mul3A_2308, %add3A_2310 : vector<16xf32>
      %mul3A_2312 = arith.mulf %add3A_2311, %mul3A_2293 : vector<16xf32>
      %add3A_2313 = arith.constant 1.99999964 : f32
      %add3A_2314 = vector.broadcast %add3A_2313 : f32 to vector<16xf32>
      %add3A_2315 = arith.addf %mul3A_2312, %add3A_2314 : vector<16xf32>
      %mul3A_2316 = arith.mulf %add3A_2315, %add3A_2315 : vector<16xf32>
      %mul3A_2317 = arith.mulf %sub3A_2236, %mul3A_2272 : vector<16xf32>
      %mul3A_2318 = arith.mulf %sub3A_2240, %mul3A_2272 : vector<16xf32>
      %mul3A_2319 = arith.mulf %sub3A_2244, %mul3A_2272 : vector<16xf32>
      %get3A_2320 = arith.index_cast %add3A_2232 : i32 to index
      %get3A_2321 = tpu.vector_load %arg12[%get3A_2320] {strides = array<i32>} : memref<1584xi32, #tpu.memory_space<vmem>>, vector<16xi32>,
      %get3A_2322 = vector.shape_cast %get3A_2321 : vector<16xi32> to vector<16xi32>
      %eq3A_2323 = arith.constant 0 : i32
      %eq3A_2324 = vector.broadcast %eq3A_2323 : i32 to vector<16xi32>
      %eq3A_2325 = arith.cmpi eq, %get3A_2322, %eq3A_2324 : vector<16xi32>
      %jit3A_2326 = arith.constant 0.000000e+00 : f32
      %broadcast_in_dim3A_2327 = vector.broadcast %jit3A_2326 : f32 to vector<16xf32>
      %select_n3A_2328 = arith.select %eq3A_2325, %mul3A_2316, %broadcast_in_dim3A_2327 : vector<16xi1>, vector<16xf32>
      %mul3A_2329 = arith.mulf %select_n3A_2328, %mul3A_2317 : vector<16xf32>
      %mul3A_2330 = arith.mulf %select_n3A_2328, %mul3A_2318 : vector<16xf32>
      %mul3A_2331 = arith.mulf %select_n3A_2328, %mul3A_2319 : vector<16xf32>
      %mul3A_2332 = arith.mulf %mul3A_2331, %mul3A_2319 : vector<16xf32>
      %mul3A_2333 = arith.mulf %mul3A_2330, %mul3A_2319 : vector<16xf32>
      %mul3A_2334 = arith.mulf %mul3A_2330, %mul3A_2318 : vector<16xf32>
      %mul3A_2335 = arith.mulf %mul3A_2329, %mul3A_2319 : vector<16xf32>
      %mul3A_2336 = arith.mulf %mul3A_2329, %mul3A_2318 : vector<16xf32>
      %mul3A_2337 = arith.mulf %mul3A_2329, %mul3A_2317 : vector<16xf32>
      %add3A_2338 = arith.addf %add3A_2171, %select_n3A_2328 : vector<16xf32>
      %add3A_2339 = arith.addf %add3A_2172, %mul3A_2331 : vector<16xf32>
      %add3A_2340 = arith.addf %add3A_2173, %mul3A_2330 : vector<16xf32>
      %add3A_2341 = arith.addf %add3A_2174, %mul3A_2329 : vector<16xf32>
      %add3A_2342 = arith.addf %add3A_2175, %mul3A_2332 : vector<16xf32>
      %add3A_2343 = arith.addf %add3A_2176, %mul3A_2333 : vector<16xf32>
      %add3A_2344 = arith.addf %add3A_2177, %mul3A_2334 : vector<16xf32>
      %add3A_2345 = arith.addf %add3A_2178, %mul3A_2335 : vector<16xf32>
      %add3A_2346 = arith.addf %add3A_2179, %mul3A_2336 : vector<16xf32>
      %add3A_2347 = arith.addf %add3A_2180, %mul3A_2337 : vector<16xf32>
      %eq3A_2348 = arith.constant 1 : i32
      %eq3A_2349 = vector.broadcast %eq3A_2348 : i32 to vector<16xi32>
      %eq3A_2350 = arith.cmpi eq, %get3A_2322, %eq3A_2349 : vector<16xi32>
      %jit3A_2351 = arith.constant 0.000000e+00 : f32
      %broadcast_in_dim3A_2352 = vector.broadcast %jit3A_2351 : f32 to vector<16xf32>
      %select_n3A_2353 = arith.select %eq3A_2350, %mul3A_2316, %broadcast_in_dim3A_2352 : vector<16xi1>, vector<16xf32>
      %mul3A_2354 = arith.mulf %select_n3A_2353, %mul3A_2317 : vector<16xf32>
      %mul3A_2355 = arith.mulf %select_n3A_2353, %mul3A_2318 : vector<16xf32>
      %mul3A_2356 = arith.mulf %select_n3A_2353, %mul3A_2319 : vector<16xf32>
      %mul3A_2357 = arith.mulf %mul3A_2356, %mul3A_2319 : vector<16xf32>
      %mul3A_2358 = arith.mulf %mul3A_2355, %mul3A_2319 : vector<16xf32>
      %mul3A_2359 = arith.mulf %mul3A_2355, %mul3A_2318 : vector<16xf32>
      %mul3A_2360 = arith.mulf %mul3A_2354, %mul3A_2319 : vector<16xf32>
      %mul3A_2361 = arith.mulf %mul3A_2354, %mul3A_2318 : vector<16xf32>
      %mul3A_2362 = arith.mulf %mul3A_2354, %mul3A_2317 : vector<16xf32>
      %add3A_2363 = arith.addf %add3A_2196, %select_n3A_2353 : vector<16xf32>
      %add3A_2364 = arith.addf %add3A_2197, %mul3A_2356 : vector<16xf32>
      %add3A_2365 = arith.addf %add3A_2198, %mul3A_2355 : vector<16xf32>
      %add3A_2366 = arith.addf %add3A_2199, %mul3A_2354 : vector<16xf32>
      %add3A_2367 = arith.addf %add3A_2200, %mul3A_2357 : vector<16xf32>
      %add3A_2368 = arith.addf %add3A_2201, %mul3A_2358 : vector<16xf32>
      %add3A_2369 = arith.addf %add3A_2202, %mul3A_2359 : vector<16xf32>
      %add3A_2370 = arith.addf %add3A_2203, %mul3A_2360 : vector<16xf32>
      %add3A_2371 = arith.addf %add3A_2204, %mul3A_2361 : vector<16xf32>
      %add3A_2372 = arith.addf %add3A_2205, %mul3A_2362 : vector<16xf32>
      %eq3A_2373 = arith.constant 2 : i32
      %eq3A_2374 = vector.broadcast %eq3A_2373 : i32 to vector<16xi32>
      %eq3A_2375 = arith.cmpi eq, %get3A_2322, %eq3A_2374 : vector<16xi32>
      %jit3A_2376 = arith.constant 0.000000e+00 : f32
      %broadcast_in_dim3A_2377 = vector.broadcast %jit3A_2376 : f32 to vector<16xf32>
      %select_n3A_2378 = arith.select %eq3A_2375, %mul3A_2316, %broadcast_in_dim3A_2377 : vector<16xi1>, vector<16xf32>
      %mul3A_2379 = arith.mulf %select_n3A_2378, %mul3A_2317 : vector<16xf32>
      %mul3A_2380 = arith.mulf %select_n3A_2378, %mul3A_2318 : vector<16xf32>
      %mul3A_2381 = arith.mulf %select_n3A_2378, %mul3A_2319 : vector<16xf32>
      %mul3A_2382 = arith.mulf %mul3A_2381, %mul3A_2319 : vector<16xf32>
      %mul3A_2383 = arith.mulf %mul3A_2380, %mul3A_2319 : vector<16xf32>
      %mul3A_2384 = arith.mulf %mul3A_2380, %mul3A_2318 : vector<16xf32>
      %mul3A_2385 = arith.mulf %mul3A_2379, %mul3A_2319 : vector<16xf32>
      %mul3A_2386 = arith.mulf %mul3A_2379, %mul3A_2318 : vector<16xf32>
      %mul3A_2387 = arith.mulf %mul3A_2379, %mul3A_2317 : vector<16xf32>
      %add3A_2388 = arith.addf %add3A_2221, %select_n3A_2378 : vector<16xf32>
      %add3A_2389 = arith.addf %add3A_2222, %mul3A_2381 : vector<16xf32>
      %add3A_2390 = arith.addf %add3A_2223, %mul3A_2380 : vector<16xf32>
      %add3A_2391 = arith.addf %add3A_2224, %mul3A_2379 : vector<16xf32>
      %add3A_2392 = arith.addf %add3A_2225, %mul3A_2382 : vector<16xf32>
      %add3A_2393 = arith.addf %add3A_2226, %mul3A_2383 : vector<16xf32>
      %add3A_2394 = arith.addf %add3A_2227, %mul3A_2384 : vector<16xf32>
      %add3A_2395 = arith.addf %add3A_2228, %mul3A_2385 : vector<16xf32>
      %add3A_2396 = arith.addf %add3A_2229, %mul3A_2386 : vector<16xf32>
      %add3A_2397 = arith.addf %add3A_2230, %mul3A_2387 : vector<16xf32>
      %add3A_2398 = arith.constant 14 : i32
      %add3A_2399 = arith.addi %mul3A_253, %add3A_2398 : i32
      %get3A_2400 = arith.index_cast %add3A_2399 : i32 to index
      %get3A_2401 = tpu.vector_load %arg9[%get3A_2400] {strides = array<i32>} : memref<1584xf32, #tpu.memory_space<vmem>>, vector<16xf32>,
      %get3A_2402 = vector.shape_cast %get3A_2401 : vector<16xf32> to vector<16xf32>
      %sub3A_2403 = arith.subf %get3A_2402, %get3A_256 : vector<16xf32>
      %get3A_2404 = arith.index_cast %add3A_2399 : i32 to index
      %get3A_2405 = tpu.vector_load %arg10[%get3A_2404] {strides = array<i32>} : memref<1584xf32, #tpu.memory_space<vmem>>, vector<16xf32>,
      %get3A_2406 = vector.shape_cast %get3A_2405 : vector<16xf32> to vector<16xf32>
      %sub3A_2407 = arith.subf %get3A_2406, %get3A_259 : vector<16xf32>
      %get3A_2408 = arith.index_cast %add3A_2399 : i32 to index
      %get3A_2409 = tpu.vector_load %arg11[%get3A_2408] {strides = array<i32>} : memref<1584xf32, #tpu.memory_space<vmem>>, vector<16xf32>,
      %get3A_2410 = vector.shape_cast %get3A_2409 : vector<16xf32> to vector<16xf32>
      %sub3A_2411 = arith.subf %get3A_2410, %get3A_262 : vector<16xf32>
      %mul3A_2412 = arith.mulf %sub3A_2403, %sub3A_2403 : vector<16xf32>
      %mul3A_2413 = arith.mulf %sub3A_2407, %sub3A_2407 : vector<16xf32>
      %add3A_2414 = arith.addf %mul3A_2412, %mul3A_2413 : vector<16xf32>
      %mul3A_2415 = arith.mulf %sub3A_2411, %sub3A_2411 : vector<16xf32>
      %add3A_2416 = arith.addf %add3A_2414, %mul3A_2415 : vector<16xf32>
      %bitcast_convert_type3A_2417 = tpu.bitcast %add3A_2416 : vector<16xf32> -> vector<16xi32>
      %shift_right_logical3A_2418 = arith.constant 1 : i32
      %shift_right_logical3A_2419 = vector.broadcast %shift_right_logical3A_2418 : i32 to vector<16xi32>
      %shift_right_logical3A_2420 = arith.shrui %bitcast_convert_type3A_2417, %shift_right_logical3A_2419 : vector<16xi32>
      %sub3A_2421 = arith.constant 1597463007 : i32
      %sub3A_2422 = vector.broadcast %sub3A_2421 : i32 to vector<16xi32>
      %sub3A_2423 = arith.subi %sub3A_2422, %shift_right_logical3A_2420 : vector<16xi32>
      %bitcast_convert_type3A_2424 = tpu.bitcast %sub3A_2423 : vector<16xi32> -> vector<16xf32>
      %mul3A_2425 = arith.constant 5.000000e-01 : f32
      %mul3A_2426 = vector.broadcast %mul3A_2425 : f32 to vector<16xf32>
      %mul3A_2427 = arith.mulf %mul3A_2426, %add3A_2416 : vector<16xf32>
      %mul3A_2428 = arith.mulf %mul3A_2427, %bitcast_convert_type3A_2424 : vector<16xf32>
      %mul3A_2429 = arith.mulf %mul3A_2428, %bitcast_convert_type3A_2424 : vector<16xf32>
      %sub3A_2430 = arith.constant 1.500000e+00 : f32
      %sub3A_2431 = vector.broadcast %sub3A_2430 : f32 to vector<16xf32>
      %sub3A_2432 = arith.subf %sub3A_2431, %mul3A_2429 : vector<16xf32>
      %mul3A_2433 = arith.mulf %bitcast_convert_type3A_2424, %sub3A_2432 : vector<16xf32>
      %mul3A_2434 = arith.mulf %mul3A_2427, %mul3A_2433 : vector<16xf32>
      %mul3A_2435 = arith.mulf %mul3A_2434, %mul3A_2433 : vector<16xf32>
      %sub3A_2436 = arith.constant 1.500000e+00 : f32
      %sub3A_2437 = vector.broadcast %sub3A_2436 : f32 to vector<16xf32>
      %sub3A_2438 = arith.subf %sub3A_2437, %mul3A_2435 : vector<16xf32>
      %mul3A_2439 = arith.mulf %mul3A_2433, %sub3A_2438 : vector<16xf32>
      %mul3A_2440 = arith.mulf %add3A_2416, %mul3A_2439 : vector<16xf32>
      %mul3A_2441 = arith.constant 0.52359879 : f32
      %mul3A_2442 = vector.broadcast %mul3A_2441 : f32 to vector<16xf32>
      %mul3A_2443 = arith.mulf %mul3A_2440, %mul3A_2442 : vector<16xf32>
      %mul3A_2444 = arith.constant 0.159154937 : f32
      %mul3A_2445 = vector.broadcast %mul3A_2444 : f32 to vector<16xf32>
      %mul3A_2446 = arith.mulf %mul3A_2443, %mul3A_2445 : vector<16xf32>
      %add3A_2447 = arith.constant 5.000000e-01 : f32
      %add3A_2448 = vector.broadcast %add3A_2447 : f32 to vector<16xf32>
      %add3A_2449 = arith.addf %mul3A_2446, %add3A_2448 : vector<16xf32>
      %convert_element_type3A_2450 = arith.fptosi %add3A_2449 : vector<16xf32> to vector<16xi32>
      %convert_element_type3A_2451 = arith.sitofp %convert_element_type3A_2450 : vector<16xi32> to vector<16xf32>
      %mul3A_2452 = arith.constant 6.281250e+00 : f32
      %mul3A_2453 = vector.broadcast %mul3A_2452 : f32 to vector<16xf32>
      %mul3A_2454 = arith.mulf %convert_element_type3A_2451, %mul3A_2453 : vector<16xf32>
      %sub3A_2455 = arith.subf %mul3A_2443, %mul3A_2454 : vector<16xf32>
      %mul3A_2456 = arith.constant 0.00193530717 : f32
      %mul3A_2457 = vector.broadcast %mul3A_2456 : f32 to vector<16xf32>
      %mul3A_2458 = arith.mulf %convert_element_type3A_2451, %mul3A_2457 : vector<16xf32>
      %sub3A_2459 = arith.subf %sub3A_2455, %mul3A_2458 : vector<16xf32>
      %mul3A_2460 = arith.mulf %sub3A_2459, %sub3A_2459 : vector<16xf32>
      %broadcast_in_dim3A_2461 = arith.constant -2.20636892E-7 : f32
      %broadcast_in_dim3A_2462 = vector.broadcast %broadcast_in_dim3A_2461 : f32 to vector<16xf32>
      %mul3A_2463 = arith.mulf %broadcast_in_dim3A_2462, %mul3A_2460 : vector<16xf32>
      %add3A_2464 = arith.constant 2.42265687E-5 : f32
      %add3A_2465 = vector.broadcast %add3A_2464 : f32 to vector<16xf32>
      %add3A_2466 = arith.addf %mul3A_2463, %add3A_2465 : vector<16xf32>
      %mul3A_2467 = arith.mulf %add3A_2466, %mul3A_2460 : vector<16xf32>
      %add3A_2468 = arith.constant -0.00138609903 : f32
      %add3A_2469 = vector.broadcast %add3A_2468 : f32 to vector<16xf32>
      %add3A_2470 = arith.addf %mul3A_2467, %add3A_2469 : vector<16xf32>
      %mul3A_2471 = arith.mulf %add3A_2470, %mul3A_2460 : vector<16xf32>
      %add3A_2472 = arith.constant 0.0416606478 : f32
      %add3A_2473 = vector.broadcast %add3A_2472 : f32 to vector<16xf32>
      %add3A_2474 = arith.addf %mul3A_2471, %add3A_2473 : vector<16xf32>
      %mul3A_2475 = arith.mulf %add3A_2474, %mul3A_2460 : vector<16xf32>
      %add3A_2476 = arith.constant -0.49999553 : f32
      %add3A_2477 = vector.broadcast %add3A_2476 : f32 to vector<16xf32>
      %add3A_2478 = arith.addf %mul3A_2475, %add3A_2477 : vector<16xf32>
      %mul3A_2479 = arith.mulf %add3A_2478, %mul3A_2460 : vector<16xf32>
      %add3A_2480 = arith.constant 1.99999964 : f32
      %add3A_2481 = vector.broadcast %add3A_2480 : f32 to vector<16xf32>
      %add3A_2482 = arith.addf %mul3A_2479, %add3A_2481 : vector<16xf32>
      %mul3A_2483 = arith.mulf %add3A_2482, %add3A_2482 : vector<16xf32>
      %mul3A_2484 = arith.mulf %sub3A_2403, %mul3A_2439 : vector<16xf32>
      %mul3A_2485 = arith.mulf %sub3A_2407, %mul3A_2439 : vector<16xf32>
      %mul3A_2486 = arith.mulf %sub3A_2411, %mul3A_2439 : vector<16xf32>
      %get3A_2487 = arith.index_cast %add3A_2399 : i32 to index
      %get3A_2488 = tpu.vector_load %arg12[%get3A_2487] {strides = array<i32>} : memref<1584xi32, #tpu.memory_space<vmem>>, vector<16xi32>,
      %get3A_2489 = vector.shape_cast %get3A_2488 : vector<16xi32> to vector<16xi32>
      %eq3A_2490 = arith.constant 0 : i32
      %eq3A_2491 = vector.broadcast %eq3A_2490 : i32 to vector<16xi32>
      %eq3A_2492 = arith.cmpi eq, %get3A_2489, %eq3A_2491 : vector<16xi32>
      %jit3A_2493 = arith.constant 0.000000e+00 : f32
      %broadcast_in_dim3A_2494 = vector.broadcast %jit3A_2493 : f32 to vector<16xf32>
      %select_n3A_2495 = arith.select %eq3A_2492, %mul3A_2483, %broadcast_in_dim3A_2494 : vector<16xi1>, vector<16xf32>
      %mul3A_2496 = arith.mulf %select_n3A_2495, %mul3A_2484 : vector<16xf32>
      %mul3A_2497 = arith.mulf %select_n3A_2495, %mul3A_2485 : vector<16xf32>
      %mul3A_2498 = arith.mulf %select_n3A_2495, %mul3A_2486 : vector<16xf32>
      %mul3A_2499 = arith.mulf %mul3A_2498, %mul3A_2486 : vector<16xf32>
      %mul3A_2500 = arith.mulf %mul3A_2497, %mul3A_2486 : vector<16xf32>
      %mul3A_2501 = arith.mulf %mul3A_2497, %mul3A_2485 : vector<16xf32>
      %mul3A_2502 = arith.mulf %mul3A_2496, %mul3A_2486 : vector<16xf32>
      %mul3A_2503 = arith.mulf %mul3A_2496, %mul3A_2485 : vector<16xf32>
      %mul3A_2504 = arith.mulf %mul3A_2496, %mul3A_2484 : vector<16xf32>
      %add3A_2505 = arith.addf %add3A_2338, %select_n3A_2495 : vector<16xf32>
      %add3A_2506 = arith.addf %add3A_2339, %mul3A_2498 : vector<16xf32>
      %add3A_2507 = arith.addf %add3A_2340, %mul3A_2497 : vector<16xf32>
      %add3A_2508 = arith.addf %add3A_2341, %mul3A_2496 : vector<16xf32>
      %add3A_2509 = arith.addf %add3A_2342, %mul3A_2499 : vector<16xf32>
      %add3A_2510 = arith.addf %add3A_2343, %mul3A_2500 : vector<16xf32>
      %add3A_2511 = arith.addf %add3A_2344, %mul3A_2501 : vector<16xf32>
      %add3A_2512 = arith.addf %add3A_2345, %mul3A_2502 : vector<16xf32>
      %add3A_2513 = arith.addf %add3A_2346, %mul3A_2503 : vector<16xf32>
      %add3A_2514 = arith.addf %add3A_2347, %mul3A_2504 : vector<16xf32>
      %eq3A_2515 = arith.constant 1 : i32
      %eq3A_2516 = vector.broadcast %eq3A_2515 : i32 to vector<16xi32>
      %eq3A_2517 = arith.cmpi eq, %get3A_2489, %eq3A_2516 : vector<16xi32>
      %jit3A_2518 = arith.constant 0.000000e+00 : f32
      %broadcast_in_dim3A_2519 = vector.broadcast %jit3A_2518 : f32 to vector<16xf32>
      %select_n3A_2520 = arith.select %eq3A_2517, %mul3A_2483, %broadcast_in_dim3A_2519 : vector<16xi1>, vector<16xf32>
      %mul3A_2521 = arith.mulf %select_n3A_2520, %mul3A_2484 : vector<16xf32>
      %mul3A_2522 = arith.mulf %select_n3A_2520, %mul3A_2485 : vector<16xf32>
      %mul3A_2523 = arith.mulf %select_n3A_2520, %mul3A_2486 : vector<16xf32>
      %mul3A_2524 = arith.mulf %mul3A_2523, %mul3A_2486 : vector<16xf32>
      %mul3A_2525 = arith.mulf %mul3A_2522, %mul3A_2486 : vector<16xf32>
      %mul3A_2526 = arith.mulf %mul3A_2522, %mul3A_2485 : vector<16xf32>
      %mul3A_2527 = arith.mulf %mul3A_2521, %mul3A_2486 : vector<16xf32>
      %mul3A_2528 = arith.mulf %mul3A_2521, %mul3A_2485 : vector<16xf32>
      %mul3A_2529 = arith.mulf %mul3A_2521, %mul3A_2484 : vector<16xf32>
      %add3A_2530 = arith.addf %add3A_2363, %select_n3A_2520 : vector<16xf32>
      %add3A_2531 = arith.addf %add3A_2364, %mul3A_2523 : vector<16xf32>
      %add3A_2532 = arith.addf %add3A_2365, %mul3A_2522 : vector<16xf32>
      %add3A_2533 = arith.addf %add3A_2366, %mul3A_2521 : vector<16xf32>
      %add3A_2534 = arith.addf %add3A_2367, %mul3A_2524 : vector<16xf32>
      %add3A_2535 = arith.addf %add3A_2368, %mul3A_2525 : vector<16xf32>
      %add3A_2536 = arith.addf %add3A_2369, %mul3A_2526 : vector<16xf32>
      %add3A_2537 = arith.addf %add3A_2370, %mul3A_2527 : vector<16xf32>
      %add3A_2538 = arith.addf %add3A_2371, %mul3A_2528 : vector<16xf32>
      %add3A_2539 = arith.addf %add3A_2372, %mul3A_2529 : vector<16xf32>
      %eq3A_2540 = arith.constant 2 : i32
      %eq3A_2541 = vector.broadcast %eq3A_2540 : i32 to vector<16xi32>
      %eq3A_2542 = arith.cmpi eq, %get3A_2489, %eq3A_2541 : vector<16xi32>
      %jit3A_2543 = arith.constant 0.000000e+00 : f32
      %broadcast_in_dim3A_2544 = vector.broadcast %jit3A_2543 : f32 to vector<16xf32>
      %select_n3A_2545 = arith.select %eq3A_2542, %mul3A_2483, %broadcast_in_dim3A_2544 : vector<16xi1>, vector<16xf32>
      %mul3A_2546 = arith.mulf %select_n3A_2545, %mul3A_2484 : vector<16xf32>
      %mul3A_2547 = arith.mulf %select_n3A_2545, %mul3A_2485 : vector<16xf32>
      %mul3A_2548 = arith.mulf %select_n3A_2545, %mul3A_2486 : vector<16xf32>
      %mul3A_2549 = arith.mulf %mul3A_2548, %mul3A_2486 : vector<16xf32>
      %mul3A_2550 = arith.mulf %mul3A_2547, %mul3A_2486 : vector<16xf32>
      %mul3A_2551 = arith.mulf %mul3A_2547, %mul3A_2485 : vector<16xf32>
      %mul3A_2552 = arith.mulf %mul3A_2546, %mul3A_2486 : vector<16xf32>
      %mul3A_2553 = arith.mulf %mul3A_2546, %mul3A_2485 : vector<16xf32>
      %mul3A_2554 = arith.mulf %mul3A_2546, %mul3A_2484 : vector<16xf32>
      %add3A_2555 = arith.addf %add3A_2388, %select_n3A_2545 : vector<16xf32>
      %add3A_2556 = arith.addf %add3A_2389, %mul3A_2548 : vector<16xf32>
      %add3A_2557 = arith.addf %add3A_2390, %mul3A_2547 : vector<16xf32>
      %add3A_2558 = arith.addf %add3A_2391, %mul3A_2546 : vector<16xf32>
      %add3A_2559 = arith.addf %add3A_2392, %mul3A_2549 : vector<16xf32>
      %add3A_2560 = arith.addf %add3A_2393, %mul3A_2550 : vector<16xf32>
      %add3A_2561 = arith.addf %add3A_2394, %mul3A_2551 : vector<16xf32>
      %add3A_2562 = arith.addf %add3A_2395, %mul3A_2552 : vector<16xf32>
      %add3A_2563 = arith.addf %add3A_2396, %mul3A_2553 : vector<16xf32>
      %add3A_2564 = arith.addf %add3A_2397, %mul3A_2554 : vector<16xf32>
      %add3A_2565 = arith.constant 15 : i32
      %add3A_2566 = arith.addi %mul3A_253, %add3A_2565 : i32
      %get3A_2567 = arith.index_cast %add3A_2566 : i32 to index
      %get3A_2568 = tpu.vector_load %arg9[%get3A_2567] {strides = array<i32>} : memref<1584xf32, #tpu.memory_space<vmem>>, vector<16xf32>,
      %get3A_2569 = vector.shape_cast %get3A_2568 : vector<16xf32> to vector<16xf32>
      %sub3A_2570 = arith.subf %get3A_2569, %get3A_256 : vector<16xf32>
      %get3A_2571 = arith.index_cast %add3A_2566 : i32 to index
      %get3A_2572 = tpu.vector_load %arg10[%get3A_2571] {strides = array<i32>} : memref<1584xf32, #tpu.memory_space<vmem>>, vector<16xf32>,
      %get3A_2573 = vector.shape_cast %get3A_2572 : vector<16xf32> to vector<16xf32>
      %sub3A_2574 = arith.subf %get3A_2573, %get3A_259 : vector<16xf32>
      %get3A_2575 = arith.index_cast %add3A_2566 : i32 to index
      %get3A_2576 = tpu.vector_load %arg11[%get3A_2575] {strides = array<i32>} : memref<1584xf32, #tpu.memory_space<vmem>>, vector<16xf32>,
      %get3A_2577 = vector.shape_cast %get3A_2576 : vector<16xf32> to vector<16xf32>
      %sub3A_2578 = arith.subf %get3A_2577, %get3A_262 : vector<16xf32>
      %mul3A_2579 = arith.mulf %sub3A_2570, %sub3A_2570 : vector<16xf32>
      %mul3A_2580 = arith.mulf %sub3A_2574, %sub3A_2574 : vector<16xf32>
      %add3A_2581 = arith.addf %mul3A_2579, %mul3A_2580 : vector<16xf32>
      %mul3A_2582 = arith.mulf %sub3A_2578, %sub3A_2578 : vector<16xf32>
      %add3A_2583 = arith.addf %add3A_2581, %mul3A_2582 : vector<16xf32>
      %bitcast_convert_type3A_2584 = tpu.bitcast %add3A_2583 : vector<16xf32> -> vector<16xi32>
      %shift_right_logical3A_2585 = arith.constant 1 : i32
      %shift_right_logical3A_2586 = vector.broadcast %shift_right_logical3A_2585 : i32 to vector<16xi32>
      %shift_right_logical3A_2587 = arith.shrui %bitcast_convert_type3A_2584, %shift_right_logical3A_2586 : vector<16xi32>
      %sub3A_2588 = arith.constant 1597463007 : i32
      %sub3A_2589 = vector.broadcast %sub3A_2588 : i32 to vector<16xi32>
      %sub3A_2590 = arith.subi %sub3A_2589, %shift_right_logical3A_2587 : vector<16xi32>
      %bitcast_convert_type3A_2591 = tpu.bitcast %sub3A_2590 : vector<16xi32> -> vector<16xf32>
      %mul3A_2592 = arith.constant 5.000000e-01 : f32
      %mul3A_2593 = vector.broadcast %mul3A_2592 : f32 to vector<16xf32>
      %mul3A_2594 = arith.mulf %mul3A_2593, %add3A_2583 : vector<16xf32>
      %mul3A_2595 = arith.mulf %mul3A_2594, %bitcast_convert_type3A_2591 : vector<16xf32>
      %mul3A_2596 = arith.mulf %mul3A_2595, %bitcast_convert_type3A_2591 : vector<16xf32>
      %sub3A_2597 = arith.constant 1.500000e+00 : f32
      %sub3A_2598 = vector.broadcast %sub3A_2597 : f32 to vector<16xf32>
      %sub3A_2599 = arith.subf %sub3A_2598, %mul3A_2596 : vector<16xf32>
      %mul3A_2600 = arith.mulf %bitcast_convert_type3A_2591, %sub3A_2599 : vector<16xf32>
      %mul3A_2601 = arith.mulf %mul3A_2594, %mul3A_2600 : vector<16xf32>
      %mul3A_2602 = arith.mulf %mul3A_2601, %mul3A_2600 : vector<16xf32>
      %sub3A_2603 = arith.constant 1.500000e+00 : f32
      %sub3A_2604 = vector.broadcast %sub3A_2603 : f32 to vector<16xf32>
      %sub3A_2605 = arith.subf %sub3A_2604, %mul3A_2602 : vector<16xf32>
      %mul3A_2606 = arith.mulf %mul3A_2600, %sub3A_2605 : vector<16xf32>
      %mul3A_2607 = arith.mulf %add3A_2583, %mul3A_2606 : vector<16xf32>
      %mul3A_2608 = arith.constant 0.52359879 : f32
      %mul3A_2609 = vector.broadcast %mul3A_2608 : f32 to vector<16xf32>
      %mul3A_2610 = arith.mulf %mul3A_2607, %mul3A_2609 : vector<16xf32>
      %mul3A_2611 = arith.constant 0.159154937 : f32
      %mul3A_2612 = vector.broadcast %mul3A_2611 : f32 to vector<16xf32>
      %mul3A_2613 = arith.mulf %mul3A_2610, %mul3A_2612 : vector<16xf32>
      %add3A_2614 = arith.constant 5.000000e-01 : f32
      %add3A_2615 = vector.broadcast %add3A_2614 : f32 to vector<16xf32>
      %add3A_2616 = arith.addf %mul3A_2613, %add3A_2615 : vector<16xf32>
      %convert_element_type3A_2617 = arith.fptosi %add3A_2616 : vector<16xf32> to vector<16xi32>
      %convert_element_type3A_2618 = arith.sitofp %convert_element_type3A_2617 : vector<16xi32> to vector<16xf32>
      %mul3A_2619 = arith.constant 6.281250e+00 : f32
      %mul3A_2620 = vector.broadcast %mul3A_2619 : f32 to vector<16xf32>
      %mul3A_2621 = arith.mulf %convert_element_type3A_2618, %mul3A_2620 : vector<16xf32>
      %sub3A_2622 = arith.subf %mul3A_2610, %mul3A_2621 : vector<16xf32>
      %mul3A_2623 = arith.constant 0.00193530717 : f32
      %mul3A_2624 = vector.broadcast %mul3A_2623 : f32 to vector<16xf32>
      %mul3A_2625 = arith.mulf %convert_element_type3A_2618, %mul3A_2624 : vector<16xf32>
      %sub3A_2626 = arith.subf %sub3A_2622, %mul3A_2625 : vector<16xf32>
      %mul3A_2627 = arith.mulf %sub3A_2626, %sub3A_2626 : vector<16xf32>
      %broadcast_in_dim3A_2628 = arith.constant -2.20636892E-7 : f32
      %broadcast_in_dim3A_2629 = vector.broadcast %broadcast_in_dim3A_2628 : f32 to vector<16xf32>
      %mul3A_2630 = arith.mulf %broadcast_in_dim3A_2629, %mul3A_2627 : vector<16xf32>
      %add3A_2631 = arith.constant 2.42265687E-5 : f32
      %add3A_2632 = vector.broadcast %add3A_2631 : f32 to vector<16xf32>
      %add3A_2633 = arith.addf %mul3A_2630, %add3A_2632 : vector<16xf32>
      %mul3A_2634 = arith.mulf %add3A_2633, %mul3A_2627 : vector<16xf32>
      %add3A_2635 = arith.constant -0.00138609903 : f32
      %add3A_2636 = vector.broadcast %add3A_2635 : f32 to vector<16xf32>
      %add3A_2637 = arith.addf %mul3A_2634, %add3A_2636 : vector<16xf32>
      %mul3A_2638 = arith.mulf %add3A_2637, %mul3A_2627 : vector<16xf32>
      %add3A_2639 = arith.constant 0.0416606478 : f32
      %add3A_2640 = vector.broadcast %add3A_2639 : f32 to vector<16xf32>
      %add3A_2641 = arith.addf %mul3A_2638, %add3A_2640 : vector<16xf32>
      %mul3A_2642 = arith.mulf %add3A_2641, %mul3A_2627 : vector<16xf32>
      %add3A_2643 = arith.constant -0.49999553 : f32
      %add3A_2644 = vector.broadcast %add3A_2643 : f32 to vector<16xf32>
      %add3A_2645 = arith.addf %mul3A_2642, %add3A_2644 : vector<16xf32>
      %mul3A_2646 = arith.mulf %add3A_2645, %mul3A_2627 : vector<16xf32>
      %add3A_2647 = arith.constant 1.99999964 : f32
      %add3A_2648 = vector.broadcast %add3A_2647 : f32 to vector<16xf32>
      %add3A_2649 = arith.addf %mul3A_2646, %add3A_2648 : vector<16xf32>
      %mul3A_2650 = arith.mulf %add3A_2649, %add3A_2649 : vector<16xf32>
      %mul3A_2651 = arith.mulf %sub3A_2570, %mul3A_2606 : vector<16xf32>
      %mul3A_2652 = arith.mulf %sub3A_2574, %mul3A_2606 : vector<16xf32>
      %mul3A_2653 = arith.mulf %sub3A_2578, %mul3A_2606 : vector<16xf32>
      %get3A_2654 = arith.index_cast %add3A_2566 : i32 to index
      %get3A_2655 = tpu.vector_load %arg12[%get3A_2654] {strides = array<i32>} : memref<1584xi32, #tpu.memory_space<vmem>>, vector<16xi32>,
      %get3A_2656 = vector.shape_cast %get3A_2655 : vector<16xi32> to vector<16xi32>
      %eq3A_2657 = arith.constant 0 : i32
      %eq3A_2658 = vector.broadcast %eq3A_2657 : i32 to vector<16xi32>
      %eq3A_2659 = arith.cmpi eq, %get3A_2656, %eq3A_2658 : vector<16xi32>
      %jit3A_2660 = arith.constant 0.000000e+00 : f32
      %broadcast_in_dim3A_2661 = vector.broadcast %jit3A_2660 : f32 to vector<16xf32>
      %select_n3A_2662 = arith.select %eq3A_2659, %mul3A_2650, %broadcast_in_dim3A_2661 : vector<16xi1>, vector<16xf32>
      %mul3A_2663 = arith.mulf %select_n3A_2662, %mul3A_2651 : vector<16xf32>
      %mul3A_2664 = arith.mulf %select_n3A_2662, %mul3A_2652 : vector<16xf32>
      %mul3A_2665 = arith.mulf %select_n3A_2662, %mul3A_2653 : vector<16xf32>
      %mul3A_2666 = arith.mulf %mul3A_2665, %mul3A_2653 : vector<16xf32>
      %mul3A_2667 = arith.mulf %mul3A_2664, %mul3A_2653 : vector<16xf32>
      %mul3A_2668 = arith.mulf %mul3A_2664, %mul3A_2652 : vector<16xf32>
      %mul3A_2669 = arith.mulf %mul3A_2663, %mul3A_2653 : vector<16xf32>
      %mul3A_2670 = arith.mulf %mul3A_2663, %mul3A_2652 : vector<16xf32>
      %mul3A_2671 = arith.mulf %mul3A_2663, %mul3A_2651 : vector<16xf32>
      %add3A_2672 = arith.addf %add3A_2505, %select_n3A_2662 : vector<16xf32>
      %add3A_2673 = arith.addf %add3A_2506, %mul3A_2665 : vector<16xf32>
      %add3A_2674 = arith.addf %add3A_2507, %mul3A_2664 : vector<16xf32>
      %add3A_2675 = arith.addf %add3A_2508, %mul3A_2663 : vector<16xf32>
      %add3A_2676 = arith.addf %add3A_2509, %mul3A_2666 : vector<16xf32>
      %add3A_2677 = arith.addf %add3A_2510, %mul3A_2667 : vector<16xf32>
      %add3A_2678 = arith.addf %add3A_2511, %mul3A_2668 : vector<16xf32>
      %add3A_2679 = arith.addf %add3A_2512, %mul3A_2669 : vector<16xf32>
      %add3A_2680 = arith.addf %add3A_2513, %mul3A_2670 : vector<16xf32>
      %add3A_2681 = arith.addf %add3A_2514, %mul3A_2671 : vector<16xf32>
      %eq3A_2682 = arith.constant 1 : i32
      %eq3A_2683 = vector.broadcast %eq3A_2682 : i32 to vector<16xi32>
      %eq3A_2684 = arith.cmpi eq, %get3A_2656, %eq3A_2683 : vector<16xi32>
      %jit3A_2685 = arith.constant 0.000000e+00 : f32
      %broadcast_in_dim3A_2686 = vector.broadcast %jit3A_2685 : f32 to vector<16xf32>
      %select_n3A_2687 = arith.select %eq3A_2684, %mul3A_2650, %broadcast_in_dim3A_2686 : vector<16xi1>, vector<16xf32>
      %mul3A_2688 = arith.mulf %select_n3A_2687, %mul3A_2651 : vector<16xf32>
      %mul3A_2689 = arith.mulf %select_n3A_2687, %mul3A_2652 : vector<16xf32>
      %mul3A_2690 = arith.mulf %select_n3A_2687, %mul3A_2653 : vector<16xf32>
      %mul3A_2691 = arith.mulf %mul3A_2690, %mul3A_2653 : vector<16xf32>
      %mul3A_2692 = arith.mulf %mul3A_2689, %mul3A_2653 : vector<16xf32>
      %mul3A_2693 = arith.mulf %mul3A_2689, %mul3A_2652 : vector<16xf32>
      %mul3A_2694 = arith.mulf %mul3A_2688, %mul3A_2653 : vector<16xf32>
      %mul3A_2695 = arith.mulf %mul3A_2688, %mul3A_2652 : vector<16xf32>
      %mul3A_2696 = arith.mulf %mul3A_2688, %mul3A_2651 : vector<16xf32>
      %add3A_2697 = arith.addf %add3A_2530, %select_n3A_2687 : vector<16xf32>
      %add3A_2698 = arith.addf %add3A_2531, %mul3A_2690 : vector<16xf32>
      %add3A_2699 = arith.addf %add3A_2532, %mul3A_2689 : vector<16xf32>
      %add3A_2700 = arith.addf %add3A_2533, %mul3A_2688 : vector<16xf32>
      %add3A_2701 = arith.addf %add3A_2534, %mul3A_2691 : vector<16xf32>
      %add3A_2702 = arith.addf %add3A_2535, %mul3A_2692 : vector<16xf32>
      %add3A_2703 = arith.addf %add3A_2536, %mul3A_2693 : vector<16xf32>
      %add3A_2704 = arith.addf %add3A_2537, %mul3A_2694 : vector<16xf32>
      %add3A_2705 = arith.addf %add3A_2538, %mul3A_2695 : vector<16xf32>
      %add3A_2706 = arith.addf %add3A_2539, %mul3A_2696 : vector<16xf32>
      %eq3A_2707 = arith.constant 2 : i32
      %eq3A_2708 = vector.broadcast %eq3A_2707 : i32 to vector<16xi32>
      %eq3A_2709 = arith.cmpi eq, %get3A_2656, %eq3A_2708 : vector<16xi32>
      %jit3A_2710 = arith.constant 0.000000e+00 : f32
      %broadcast_in_dim3A_2711 = vector.broadcast %jit3A_2710 : f32 to vector<16xf32>
      %select_n3A_2712 = arith.select %eq3A_2709, %mul3A_2650, %broadcast_in_dim3A_2711 : vector<16xi1>, vector<16xf32>
      %mul3A_2713 = arith.mulf %select_n3A_2712, %mul3A_2651 : vector<16xf32>
      %mul3A_2714 = arith.mulf %select_n3A_2712, %mul3A_2652 : vector<16xf32>
      %mul3A_2715 = arith.mulf %select_n3A_2712, %mul3A_2653 : vector<16xf32>
      %mul3A_2716 = arith.mulf %mul3A_2715, %mul3A_2653 : vector<16xf32>
      %mul3A_2717 = arith.mulf %mul3A_2714, %mul3A_2653 : vector<16xf32>
      %mul3A_2718 = arith.mulf %mul3A_2714, %mul3A_2652 : vector<16xf32>
      %mul3A_2719 = arith.mulf %mul3A_2713, %mul3A_2653 : vector<16xf32>
      %mul3A_2720 = arith.mulf %mul3A_2713, %mul3A_2652 : vector<16xf32>
      %mul3A_2721 = arith.mulf %mul3A_2713, %mul3A_2651 : vector<16xf32>
      %add3A_2722 = arith.addf %add3A_2555, %select_n3A_2712 : vector<16xf32>
      %add3A_2723 = arith.addf %add3A_2556, %mul3A_2715 : vector<16xf32>
      %add3A_2724 = arith.addf %add3A_2557, %mul3A_2714 : vector<16xf32>
      %add3A_2725 = arith.addf %add3A_2558, %mul3A_2713 : vector<16xf32>
      %add3A_2726 = arith.addf %add3A_2559, %mul3A_2716 : vector<16xf32>
      %add3A_2727 = arith.addf %add3A_2560, %mul3A_2717 : vector<16xf32>
      %add3A_2728 = arith.addf %add3A_2561, %mul3A_2718 : vector<16xf32>
      %add3A_2729 = arith.addf %add3A_2562, %mul3A_2719 : vector<16xf32>
      %add3A_2730 = arith.addf %add3A_2563, %mul3A_2720 : vector<16xf32>
      %add3A_2731 = arith.addf %add3A_2564, %mul3A_2721 : vector<16xf32>
      %add3A_2732 = arith.constant 16 : i32
      %add3A_2733 = arith.addi %mul3A_253, %add3A_2732 : i32
      %get3A_2734 = arith.index_cast %add3A_2733 : i32 to index
      %get3A_2735 = tpu.vector_load %arg9[%get3A_2734] {strides = array<i32>} : memref<1584xf32, #tpu.memory_space<vmem>>, vector<16xf32>,
      %get3A_2736 = vector.shape_cast %get3A_2735 : vector<16xf32> to vector<16xf32>
      %sub3A_2737 = arith.subf %get3A_2736, %get3A_256 : vector<16xf32>
      %get3A_2738 = arith.index_cast %add3A_2733 : i32 to index
      %get3A_2739 = tpu.vector_load %arg10[%get3A_2738] {strides = array<i32>} : memref<1584xf32, #tpu.memory_space<vmem>>, vector<16xf32>,
      %get3A_2740 = vector.shape_cast %get3A_2739 : vector<16xf32> to vector<16xf32>
      %sub3A_2741 = arith.subf %get3A_2740, %get3A_259 : vector<16xf32>
      %get3A_2742 = arith.index_cast %add3A_2733 : i32 to index
      %get3A_2743 = tpu.vector_load %arg11[%get3A_2742] {strides = array<i32>} : memref<1584xf32, #tpu.memory_space<vmem>>, vector<16xf32>,
      %get3A_2744 = vector.shape_cast %get3A_2743 : vector<16xf32> to vector<16xf32>
      %sub3A_2745 = arith.subf %get3A_2744, %get3A_262 : vector<16xf32>
      %mul3A_2746 = arith.mulf %sub3A_2737, %sub3A_2737 : vector<16xf32>
      %mul3A_2747 = arith.mulf %sub3A_2741, %sub3A_2741 : vector<16xf32>
      %add3A_2748 = arith.addf %mul3A_2746, %mul3A_2747 : vector<16xf32>
      %mul3A_2749 = arith.mulf %sub3A_2745, %sub3A_2745 : vector<16xf32>
      %add3A_2750 = arith.addf %add3A_2748, %mul3A_2749 : vector<16xf32>
      %bitcast_convert_type3A_2751 = tpu.bitcast %add3A_2750 : vector<16xf32> -> vector<16xi32>
      %shift_right_logical3A_2752 = arith.constant 1 : i32
      %shift_right_logical3A_2753 = vector.broadcast %shift_right_logical3A_2752 : i32 to vector<16xi32>
      %shift_right_logical3A_2754 = arith.shrui %bitcast_convert_type3A_2751, %shift_right_logical3A_2753 : vector<16xi32>
      %sub3A_2755 = arith.constant 1597463007 : i32
      %sub3A_2756 = vector.broadcast %sub3A_2755 : i32 to vector<16xi32>
      %sub3A_2757 = arith.subi %sub3A_2756, %shift_right_logical3A_2754 : vector<16xi32>
      %bitcast_convert_type3A_2758 = tpu.bitcast %sub3A_2757 : vector<16xi32> -> vector<16xf32>
      %mul3A_2759 = arith.constant 5.000000e-01 : f32
      %mul3A_2760 = vector.broadcast %mul3A_2759 : f32 to vector<16xf32>
      %mul3A_2761 = arith.mulf %mul3A_2760, %add3A_2750 : vector<16xf32>
      %mul3A_2762 = arith.mulf %mul3A_2761, %bitcast_convert_type3A_2758 : vector<16xf32>
      %mul3A_2763 = arith.mulf %mul3A_2762, %bitcast_convert_type3A_2758 : vector<16xf32>
      %sub3A_2764 = arith.constant 1.500000e+00 : f32
      %sub3A_2765 = vector.broadcast %sub3A_2764 : f32 to vector<16xf32>
      %sub3A_2766 = arith.subf %sub3A_2765, %mul3A_2763 : vector<16xf32>
      %mul3A_2767 = arith.mulf %bitcast_convert_type3A_2758, %sub3A_2766 : vector<16xf32>
      %mul3A_2768 = arith.mulf %mul3A_2761, %mul3A_2767 : vector<16xf32>
      %mul3A_2769 = arith.mulf %mul3A_2768, %mul3A_2767 : vector<16xf32>
      %sub3A_2770 = arith.constant 1.500000e+00 : f32
      %sub3A_2771 = vector.broadcast %sub3A_2770 : f32 to vector<16xf32>
      %sub3A_2772 = arith.subf %sub3A_2771, %mul3A_2769 : vector<16xf32>
      %mul3A_2773 = arith.mulf %mul3A_2767, %sub3A_2772 : vector<16xf32>
      %mul3A_2774 = arith.mulf %add3A_2750, %mul3A_2773 : vector<16xf32>
      %mul3A_2775 = arith.constant 0.52359879 : f32
      %mul3A_2776 = vector.broadcast %mul3A_2775 : f32 to vector<16xf32>
      %mul3A_2777 = arith.mulf %mul3A_2774, %mul3A_2776 : vector<16xf32>
      %mul3A_2778 = arith.constant 0.159154937 : f32
      %mul3A_2779 = vector.broadcast %mul3A_2778 : f32 to vector<16xf32>
      %mul3A_2780 = arith.mulf %mul3A_2777, %mul3A_2779 : vector<16xf32>
      %add3A_2781 = arith.constant 5.000000e-01 : f32
      %add3A_2782 = vector.broadcast %add3A_2781 : f32 to vector<16xf32>
      %add3A_2783 = arith.addf %mul3A_2780, %add3A_2782 : vector<16xf32>
      %convert_element_type3A_2784 = arith.fptosi %add3A_2783 : vector<16xf32> to vector<16xi32>
      %convert_element_type3A_2785 = arith.sitofp %convert_element_type3A_2784 : vector<16xi32> to vector<16xf32>
      %mul3A_2786 = arith.constant 6.281250e+00 : f32
      %mul3A_2787 = vector.broadcast %mul3A_2786 : f32 to vector<16xf32>
      %mul3A_2788 = arith.mulf %convert_element_type3A_2785, %mul3A_2787 : vector<16xf32>
      %sub3A_2789 = arith.subf %mul3A_2777, %mul3A_2788 : vector<16xf32>
      %mul3A_2790 = arith.constant 0.00193530717 : f32
      %mul3A_2791 = vector.broadcast %mul3A_2790 : f32 to vector<16xf32>
      %mul3A_2792 = arith.mulf %convert_element_type3A_2785, %mul3A_2791 : vector<16xf32>
      %sub3A_2793 = arith.subf %sub3A_2789, %mul3A_2792 : vector<16xf32>
      %mul3A_2794 = arith.mulf %sub3A_2793, %sub3A_2793 : vector<16xf32>
      %broadcast_in_dim3A_2795 = arith.constant -2.20636892E-7 : f32
      %broadcast_in_dim3A_2796 = vector.broadcast %broadcast_in_dim3A_2795 : f32 to vector<16xf32>
      %mul3A_2797 = arith.mulf %broadcast_in_dim3A_2796, %mul3A_2794 : vector<16xf32>
      %add3A_2798 = arith.constant 2.42265687E-5 : f32
      %add3A_2799 = vector.broadcast %add3A_2798 : f32 to vector<16xf32>
      %add3A_2800 = arith.addf %mul3A_2797, %add3A_2799 : vector<16xf32>
      %mul3A_2801 = arith.mulf %add3A_2800, %mul3A_2794 : vector<16xf32>
      %add3A_2802 = arith.constant -0.00138609903 : f32
      %add3A_2803 = vector.broadcast %add3A_2802 : f32 to vector<16xf32>
      %add3A_2804 = arith.addf %mul3A_2801, %add3A_2803 : vector<16xf32>
      %mul3A_2805 = arith.mulf %add3A_2804, %mul3A_2794 : vector<16xf32>
      %add3A_2806 = arith.constant 0.0416606478 : f32
      %add3A_2807 = vector.broadcast %add3A_2806 : f32 to vector<16xf32>
      %add3A_2808 = arith.addf %mul3A_2805, %add3A_2807 : vector<16xf32>
      %mul3A_2809 = arith.mulf %add3A_2808, %mul3A_2794 : vector<16xf32>
      %add3A_2810 = arith.constant -0.49999553 : f32
      %add3A_2811 = vector.broadcast %add3A_2810 : f32 to vector<16xf32>
      %add3A_2812 = arith.addf %mul3A_2809, %add3A_2811 : vector<16xf32>
      %mul3A_2813 = arith.mulf %add3A_2812, %mul3A_2794 : vector<16xf32>
      %add3A_2814 = arith.constant 1.99999964 : f32
      %add3A_2815 = vector.broadcast %add3A_2814 : f32 to vector<16xf32>
      %add3A_2816 = arith.addf %mul3A_2813, %add3A_2815 : vector<16xf32>
      %mul3A_2817 = arith.mulf %add3A_2816, %add3A_2816 : vector<16xf32>
      %mul3A_2818 = arith.mulf %sub3A_2737, %mul3A_2773 : vector<16xf32>
      %mul3A_2819 = arith.mulf %sub3A_2741, %mul3A_2773 : vector<16xf32>
      %mul3A_2820 = arith.mulf %sub3A_2745, %mul3A_2773 : vector<16xf32>
      %get3A_2821 = arith.index_cast %add3A_2733 : i32 to index
      %get3A_2822 = tpu.vector_load %arg12[%get3A_2821] {strides = array<i32>} : memref<1584xi32, #tpu.memory_space<vmem>>, vector<16xi32>,
      %get3A_2823 = vector.shape_cast %get3A_2822 : vector<16xi32> to vector<16xi32>
      %eq3A_2824 = arith.constant 0 : i32
      %eq3A_2825 = vector.broadcast %eq3A_2824 : i32 to vector<16xi32>
      %eq3A_2826 = arith.cmpi eq, %get3A_2823, %eq3A_2825 : vector<16xi32>
      %jit3A_2827 = arith.constant 0.000000e+00 : f32
      %broadcast_in_dim3A_2828 = vector.broadcast %jit3A_2827 : f32 to vector<16xf32>
      %select_n3A_2829 = arith.select %eq3A_2826, %mul3A_2817, %broadcast_in_dim3A_2828 : vector<16xi1>, vector<16xf32>
      %mul3A_2830 = arith.mulf %select_n3A_2829, %mul3A_2818 : vector<16xf32>
      %mul3A_2831 = arith.mulf %select_n3A_2829, %mul3A_2819 : vector<16xf32>
      %mul3A_2832 = arith.mulf %select_n3A_2829, %mul3A_2820 : vector<16xf32>
      %mul3A_2833 = arith.mulf %mul3A_2832, %mul3A_2820 : vector<16xf32>
      %mul3A_2834 = arith.mulf %mul3A_2831, %mul3A_2820 : vector<16xf32>
      %mul3A_2835 = arith.mulf %mul3A_2831, %mul3A_2819 : vector<16xf32>
      %mul3A_2836 = arith.mulf %mul3A_2830, %mul3A_2820 : vector<16xf32>
      %mul3A_2837 = arith.mulf %mul3A_2830, %mul3A_2819 : vector<16xf32>
      %mul3A_2838 = arith.mulf %mul3A_2830, %mul3A_2818 : vector<16xf32>
      %add3A_2839 = arith.addf %add3A_2672, %select_n3A_2829 : vector<16xf32>
      %add3A_2840 = arith.addf %add3A_2673, %mul3A_2832 : vector<16xf32>
      %add3A_2841 = arith.addf %add3A_2674, %mul3A_2831 : vector<16xf32>
      %add3A_2842 = arith.addf %add3A_2675, %mul3A_2830 : vector<16xf32>
      %add3A_2843 = arith.addf %add3A_2676, %mul3A_2833 : vector<16xf32>
      %add3A_2844 = arith.addf %add3A_2677, %mul3A_2834 : vector<16xf32>
      %add3A_2845 = arith.addf %add3A_2678, %mul3A_2835 : vector<16xf32>
      %add3A_2846 = arith.addf %add3A_2679, %mul3A_2836 : vector<16xf32>
      %add3A_2847 = arith.addf %add3A_2680, %mul3A_2837 : vector<16xf32>
      %add3A_2848 = arith.addf %add3A_2681, %mul3A_2838 : vector<16xf32>
      %eq3A_2849 = arith.constant 1 : i32
      %eq3A_2850 = vector.broadcast %eq3A_2849 : i32 to vector<16xi32>
      %eq3A_2851 = arith.cmpi eq, %get3A_2823, %eq3A_2850 : vector<16xi32>
      %jit3A_2852 = arith.constant 0.000000e+00 : f32
      %broadcast_in_dim3A_2853 = vector.broadcast %jit3A_2852 : f32 to vector<16xf32>
      %select_n3A_2854 = arith.select %eq3A_2851, %mul3A_2817, %broadcast_in_dim3A_2853 : vector<16xi1>, vector<16xf32>
      %mul3A_2855 = arith.mulf %select_n3A_2854, %mul3A_2818 : vector<16xf32>
      %mul3A_2856 = arith.mulf %select_n3A_2854, %mul3A_2819 : vector<16xf32>
      %mul3A_2857 = arith.mulf %select_n3A_2854, %mul3A_2820 : vector<16xf32>
      %mul3A_2858 = arith.mulf %mul3A_2857, %mul3A_2820 : vector<16xf32>
      %mul3A_2859 = arith.mulf %mul3A_2856, %mul3A_2820 : vector<16xf32>
      %mul3A_2860 = arith.mulf %mul3A_2856, %mul3A_2819 : vector<16xf32>
      %mul3A_2861 = arith.mulf %mul3A_2855, %mul3A_2820 : vector<16xf32>
      %mul3A_2862 = arith.mulf %mul3A_2855, %mul3A_2819 : vector<16xf32>
      %mul3A_2863 = arith.mulf %mul3A_2855, %mul3A_2818 : vector<16xf32>
      %add3A_2864 = arith.addf %add3A_2697, %select_n3A_2854 : vector<16xf32>
      %add3A_2865 = arith.addf %add3A_2698, %mul3A_2857 : vector<16xf32>
      %add3A_2866 = arith.addf %add3A_2699, %mul3A_2856 : vector<16xf32>
      %add3A_2867 = arith.addf %add3A_2700, %mul3A_2855 : vector<16xf32>
      %add3A_2868 = arith.addf %add3A_2701, %mul3A_2858 : vector<16xf32>
      %add3A_2869 = arith.addf %add3A_2702, %mul3A_2859 : vector<16xf32>
      %add3A_2870 = arith.addf %add3A_2703, %mul3A_2860 : vector<16xf32>
      %add3A_2871 = arith.addf %add3A_2704, %mul3A_2861 : vector<16xf32>
      %add3A_2872 = arith.addf %add3A_2705, %mul3A_2862 : vector<16xf32>
      %add3A_2873 = arith.addf %add3A_2706, %mul3A_2863 : vector<16xf32>
      %eq3A_2874 = arith.constant 2 : i32
      %eq3A_2875 = vector.broadcast %eq3A_2874 : i32 to vector<16xi32>
      %eq3A_2876 = arith.cmpi eq, %get3A_2823, %eq3A_2875 : vector<16xi32>
      %jit3A_2877 = arith.constant 0.000000e+00 : f32
      %broadcast_in_dim3A_2878 = vector.broadcast %jit3A_2877 : f32 to vector<16xf32>
      %select_n3A_2879 = arith.select %eq3A_2876, %mul3A_2817, %broadcast_in_dim3A_2878 : vector<16xi1>, vector<16xf32>
      %mul3A_2880 = arith.mulf %select_n3A_2879, %mul3A_2818 : vector<16xf32>
      %mul3A_2881 = arith.mulf %select_n3A_2879, %mul3A_2819 : vector<16xf32>
      %mul3A_2882 = arith.mulf %select_n3A_2879, %mul3A_2820 : vector<16xf32>
      %mul3A_2883 = arith.mulf %mul3A_2882, %mul3A_2820 : vector<16xf32>
      %mul3A_2884 = arith.mulf %mul3A_2881, %mul3A_2820 : vector<16xf32>
      %mul3A_2885 = arith.mulf %mul3A_2881, %mul3A_2819 : vector<16xf32>
      %mul3A_2886 = arith.mulf %mul3A_2880, %mul3A_2820 : vector<16xf32>
      %mul3A_2887 = arith.mulf %mul3A_2880, %mul3A_2819 : vector<16xf32>
      %mul3A_2888 = arith.mulf %mul3A_2880, %mul3A_2818 : vector<16xf32>
      %add3A_2889 = arith.addf %add3A_2722, %select_n3A_2879 : vector<16xf32>
      %add3A_2890 = arith.addf %add3A_2723, %mul3A_2882 : vector<16xf32>
      %add3A_2891 = arith.addf %add3A_2724, %mul3A_2881 : vector<16xf32>
      %add3A_2892 = arith.addf %add3A_2725, %mul3A_2880 : vector<16xf32>
      %add3A_2893 = arith.addf %add3A_2726, %mul3A_2883 : vector<16xf32>
      %add3A_2894 = arith.addf %add3A_2727, %mul3A_2884 : vector<16xf32>
      %add3A_2895 = arith.addf %add3A_2728, %mul3A_2885 : vector<16xf32>
      %add3A_2896 = arith.addf %add3A_2729, %mul3A_2886 : vector<16xf32>
      %add3A_2897 = arith.addf %add3A_2730, %mul3A_2887 : vector<16xf32>
      %add3A_2898 = arith.addf %add3A_2731, %mul3A_2888 : vector<16xf32>
      %get3A_2899 = arith.constant 0 : index
      %get3A_2900 = tpu.vector_load %arg13[%get3A_2899] {strides = array<i32>} : memref<576xf32, #tpu.memory_space<vmem>>, vector<16xf32>,
      %get3A_2901 = vector.shape_cast %get3A_2900 : vector<16xf32> to vector<16xf32>
      %get3A_2902 = arith.constant 16 : index
      %get3A_2903 = tpu.vector_load %arg13[%get3A_2902] {strides = array<i32>} : memref<576xf32, #tpu.memory_space<vmem>>, vector<16xf32>,
      %get3A_2904 = vector.shape_cast %get3A_2903 : vector<16xf32> to vector<16xf32>
      %get3A_2905 = arith.constant 32 : index
      %get3A_2906 = tpu.vector_load %arg13[%get3A_2905] {strides = array<i32>} : memref<576xf32, #tpu.memory_space<vmem>>, vector<16xf32>,
      %get3A_2907 = vector.shape_cast %get3A_2906 : vector<16xf32> to vector<16xf32>
      %get3A_2908 = arith.constant 192 : index
      %get3A_2909 = tpu.vector_load %arg13[%get3A_2908] {strides = array<i32>} : memref<576xf32, #tpu.memory_space<vmem>>, vector<16xf32>,
      %get3A_2910 = vector.shape_cast %get3A_2909 : vector<16xf32> to vector<16xf32>
      %get3A_2911 = arith.constant 208 : index
      %get3A_2912 = tpu.vector_load %arg13[%get3A_2911] {strides = array<i32>} : memref<576xf32, #tpu.memory_space<vmem>>, vector<16xf32>,
      %get3A_2913 = vector.shape_cast %get3A_2912 : vector<16xf32> to vector<16xf32>
      %get3A_2914 = arith.constant 224 : index
      %get3A_2915 = tpu.vector_load %arg13[%get3A_2914] {strides = array<i32>} : memref<576xf32, #tpu.memory_space<vmem>>, vector<16xf32>,
      %get3A_2916 = vector.shape_cast %get3A_2915 : vector<16xf32> to vector<16xf32>
      %get3A_2917 = arith.constant 384 : index
      %get3A_2918 = tpu.vector_load %arg13[%get3A_2917] {strides = array<i32>} : memref<576xf32, #tpu.memory_space<vmem>>, vector<16xf32>,
      %get3A_2919 = vector.shape_cast %get3A_2918 : vector<16xf32> to vector<16xf32>
      %get3A_2920 = arith.constant 400 : index
      %get3A_2921 = tpu.vector_load %arg13[%get3A_2920] {strides = array<i32>} : memref<576xf32, #tpu.memory_space<vmem>>, vector<16xf32>,
      %get3A_2922 = vector.shape_cast %get3A_2921 : vector<16xf32> to vector<16xf32>
      %get3A_2923 = arith.constant 416 : index
      %get3A_2924 = tpu.vector_load %arg13[%get3A_2923] {strides = array<i32>} : memref<576xf32, #tpu.memory_space<vmem>>, vector<16xf32>,
      %get3A_2925 = vector.shape_cast %get3A_2924 : vector<16xf32> to vector<16xf32>
      %mul3A_2926 = arith.mulf %get3A_2901, %add3A_2839 : vector<16xf32>
      %mul3A_2927 = arith.mulf %get3A_2910, %add3A_2864 : vector<16xf32>
      %add3A_2928 = arith.addf %mul3A_2926, %mul3A_2927 : vector<16xf32>
      %mul3A_2929 = arith.mulf %get3A_2919, %add3A_2889 : vector<16xf32>
      %add3A_2930 = arith.addf %add3A_2928, %mul3A_2929 : vector<16xf32>
      %mul3A_2931 = arith.mulf %get3A_2904, %add3A_2840 : vector<16xf32>
      %mul3A_2932 = arith.mulf %get3A_2913, %add3A_2865 : vector<16xf32>
      %add3A_2933 = arith.addf %mul3A_2931, %mul3A_2932 : vector<16xf32>
      %mul3A_2934 = arith.mulf %get3A_2922, %add3A_2890 : vector<16xf32>
      %add3A_2935 = arith.addf %add3A_2933, %mul3A_2934 : vector<16xf32>
      %mul3A_2936 = arith.mulf %get3A_2904, %add3A_2841 : vector<16xf32>
      %mul3A_2937 = arith.mulf %get3A_2913, %add3A_2866 : vector<16xf32>
      %add3A_2938 = arith.addf %mul3A_2936, %mul3A_2937 : vector<16xf32>
      %mul3A_2939 = arith.mulf %get3A_2922, %add3A_2891 : vector<16xf32>
      %add3A_2940 = arith.addf %add3A_2938, %mul3A_2939 : vector<16xf32>
      %mul3A_2941 = arith.mulf %get3A_2904, %add3A_2842 : vector<16xf32>
      %mul3A_2942 = arith.mulf %get3A_2913, %add3A_2867 : vector<16xf32>
      %add3A_2943 = arith.addf %mul3A_2941, %mul3A_2942 : vector<16xf32>
      %mul3A_2944 = arith.mulf %get3A_2922, %add3A_2892 : vector<16xf32>
      %add3A_2945 = arith.addf %add3A_2943, %mul3A_2944 : vector<16xf32>
      %mul3A_2946 = arith.mulf %get3A_2907, %add3A_2843 : vector<16xf32>
      %mul3A_2947 = arith.mulf %get3A_2916, %add3A_2868 : vector<16xf32>
      %add3A_2948 = arith.addf %mul3A_2946, %mul3A_2947 : vector<16xf32>
      %mul3A_2949 = arith.mulf %get3A_2925, %add3A_2893 : vector<16xf32>
      %add3A_2950 = arith.addf %add3A_2948, %mul3A_2949 : vector<16xf32>
      %mul3A_2951 = arith.mulf %get3A_2907, %add3A_2844 : vector<16xf32>
      %mul3A_2952 = arith.mulf %get3A_2916, %add3A_2869 : vector<16xf32>
      %add3A_2953 = arith.addf %mul3A_2951, %mul3A_2952 : vector<16xf32>
      %mul3A_2954 = arith.mulf %get3A_2925, %add3A_2894 : vector<16xf32>
      %add3A_2955 = arith.addf %add3A_2953, %mul3A_2954 : vector<16xf32>
      %mul3A_2956 = arith.mulf %get3A_2907, %add3A_2845 : vector<16xf32>
      %mul3A_2957 = arith.mulf %get3A_2916, %add3A_2870 : vector<16xf32>
      %add3A_2958 = arith.addf %mul3A_2956, %mul3A_2957 : vector<16xf32>
      %mul3A_2959 = arith.mulf %get3A_2925, %add3A_2895 : vector<16xf32>
      %add3A_2960 = arith.addf %add3A_2958, %mul3A_2959 : vector<16xf32>
      %mul3A_2961 = arith.mulf %get3A_2907, %add3A_2846 : vector<16xf32>
      %mul3A_2962 = arith.mulf %get3A_2916, %add3A_2871 : vector<16xf32>
      %add3A_2963 = arith.addf %mul3A_2961, %mul3A_2962 : vector<16xf32>
      %mul3A_2964 = arith.mulf %get3A_2925, %add3A_2896 : vector<16xf32>
      %add3A_2965 = arith.addf %add3A_2963, %mul3A_2964 : vector<16xf32>
      %mul3A_2966 = arith.mulf %get3A_2907, %add3A_2847 : vector<16xf32>
      %mul3A_2967 = arith.mulf %get3A_2916, %add3A_2872 : vector<16xf32>
      %add3A_2968 = arith.addf %mul3A_2966, %mul3A_2967 : vector<16xf32>
      %mul3A_2969 = arith.mulf %get3A_2925, %add3A_2897 : vector<16xf32>
      %add3A_2970 = arith.addf %add3A_2968, %mul3A_2969 : vector<16xf32>
      %mul3A_2971 = arith.mulf %get3A_2907, %add3A_2848 : vector<16xf32>
      %mul3A_2972 = arith.mulf %get3A_2916, %add3A_2873 : vector<16xf32>
      %add3A_2973 = arith.addf %mul3A_2971, %mul3A_2972 : vector<16xf32>
      %mul3A_2974 = arith.mulf %get3A_2925, %add3A_2898 : vector<16xf32>
      %add3A_2975 = arith.addf %add3A_2973, %mul3A_2974 : vector<16xf32>
      %mul3A_2976 = arith.mulf %add3A_2930, %add3A_2930 : vector<16xf32>
      %mul3A_2977 = arith.mulf %add3A_2935, %add3A_2935 : vector<16xf32>
      %mul3A_2978 = arith.mulf %add3A_2940, %add3A_2940 : vector<16xf32>
      %add3A_2979 = arith.addf %mul3A_2977, %mul3A_2978 : vector<16xf32>
      %mul3A_2980 = arith.mulf %add3A_2945, %add3A_2945 : vector<16xf32>
      %add3A_2981 = arith.addf %add3A_2979, %mul3A_2980 : vector<16xf32>
      %mul3A_2982 = arith.mulf %add3A_2950, %add3A_2950 : vector<16xf32>
      %mul3A_2983 = arith.mulf %add3A_2955, %add3A_2955 : vector<16xf32>
      %add3A_2984 = arith.addf %mul3A_2982, %mul3A_2983 : vector<16xf32>
      %mul3A_2985 = arith.mulf %add3A_2960, %add3A_2960 : vector<16xf32>
      %add3A_2986 = arith.addf %add3A_2984, %mul3A_2985 : vector<16xf32>
      %mul3A_2987 = arith.mulf %add3A_2965, %add3A_2965 : vector<16xf32>
      %add3A_2988 = arith.addf %add3A_2986, %mul3A_2987 : vector<16xf32>
      %mul3A_2989 = arith.mulf %add3A_2970, %add3A_2970 : vector<16xf32>
      %add3A_2990 = arith.addf %add3A_2988, %mul3A_2989 : vector<16xf32>
      %mul3A_2991 = arith.mulf %add3A_2975, %add3A_2975 : vector<16xf32>
      %add3A_2992 = arith.addf %add3A_2990, %mul3A_2991 : vector<16xf32>
      %get3A_2993 = arith.constant 0 : index
      %get3A_2994 = tpu.vector_load %arg15[%get3A_2993] {strides = array<i32>} : memref<192xf32, #tpu.memory_space<vmem>>, vector<16xf32>,
      %get3A_2995 = vector.shape_cast %get3A_2994 : vector<16xf32> to vector<16xf32>
      %mul3A_2996 = arith.mulf %mul3A_2976, %get3A_2995 : vector<16xf32>
      %swap3A_2997 = arith.index_cast %mul3A_253 : i32 to index
      %swap3A_2998 = tpu.vector_load %arg16[%swap3A_2997] {strides = array<i32>} : memref<1568xf32, #tpu.memory_space<vmem>>, vector<16xf32>,
      %swap3A_2999 = vector.shape_cast %swap3A_2998 : vector<16xf32> to vector<16xf32>
      %swap3A_3000 = vector.shape_cast %mul3A_2996 : vector<16xf32> to vector<16xf32>
      tpu.vector_store %arg16[%swap3A_2997], %swap3A_3000 {strides = array<i32>} : memref<1568xf32, #tpu.memory_space<vmem>>, vector<16xf32>,
      %get3A_3001 = arith.constant 16 : index
      %get3A_3002 = tpu.vector_load %arg15[%get3A_3001] {strides = array<i32>} : memref<192xf32, #tpu.memory_space<vmem>>, vector<16xf32>,
      %get3A_3003 = vector.shape_cast %get3A_3002 : vector<16xf32> to vector<16xf32>
      %mul3A_3004 = arith.mulf %add3A_2981, %get3A_3003 : vector<16xf32>
      %swap3A_3005 = arith.index_cast %mul3A_253 : i32 to index
      %swap3A_3006 = tpu.vector_load %arg17[%swap3A_3005] {strides = array<i32>} : memref<1568xf32, #tpu.memory_space<vmem>>, vector<16xf32>,
      %swap3A_3007 = vector.shape_cast %swap3A_3006 : vector<16xf32> to vector<16xf32>
      %swap3A_3008 = vector.shape_cast %mul3A_3004 : vector<16xf32> to vector<16xf32>
      tpu.vector_store %arg17[%swap3A_3005], %swap3A_3008 {strides = array<i32>} : memref<1568xf32, #tpu.memory_space<vmem>>, vector<16xf32>,
      %get3A_3009 = arith.constant 32 : index
      %get3A_3010 = tpu.vector_load %arg15[%get3A_3009] {strides = array<i32>} : memref<192xf32, #tpu.memory_space<vmem>>, vector<16xf32>,
      %get3A_3011 = vector.shape_cast %get3A_3010 : vector<16xf32> to vector<16xf32>
      %mul3A_3012 = arith.mulf %add3A_2992, %get3A_3011 : vector<16xf32>
      %swap3A_3013 = arith.index_cast %mul3A_253 : i32 to index
      %swap3A_3014 = tpu.vector_load %arg18[%swap3A_3013] {strides = array<i32>} : memref<1568xf32, #tpu.memory_space<vmem>>, vector<16xf32>,
      %swap3A_3015 = vector.shape_cast %swap3A_3014 : vector<16xf32> to vector<16xf32>
      %swap3A_3016 = vector.shape_cast %mul3A_3012 : vector<16xf32> to vector<16xf32>
      tpu.vector_store %arg18[%swap3A_3013], %swap3A_3016 {strides = array<i32>} : memref<1568xf32, #tpu.memory_space<vmem>>, vector<16xf32>,
      %get3A_3017 = arith.constant 48 : index
      %get3A_3018 = tpu.vector_load %arg13[%get3A_3017] {strides = array<i32>} : memref<576xf32, #tpu.memory_space<vmem>>, vector<16xf32>,
      %get3A_3019 = vector.shape_cast %get3A_3018 : vector<16xf32> to vector<16xf32>
      %get3A_3020 = arith.constant 64 : index
      %get3A_3021 = tpu.vector_load %arg13[%get3A_3020] {strides = array<i32>} : memref<576xf32, #tpu.memory_space<vmem>>, vector<16xf32>,
      %get3A_3022 = vector.shape_cast %get3A_3021 : vector<16xf32> to vector<16xf32>
      %get3A_3023 = arith.constant 80 : index
      %get3A_3024 = tpu.vector_load %arg13[%get3A_3023] {strides = array<i32>} : memref<576xf32, #tpu.memory_space<vmem>>, vector<16xf32>,
      %get3A_3025 = vector.shape_cast %get3A_3024 : vector<16xf32> to vector<16xf32>
      %get3A_3026 = arith.constant 240 : index
      %get3A_3027 = tpu.vector_load %arg13[%get3A_3026] {strides = array<i32>} : memref<576xf32, #tpu.memory_space<vmem>>, vector<16xf32>,
      %get3A_3028 = vector.shape_cast %get3A_3027 : vector<16xf32> to vector<16xf32>
      %get3A_3029 = arith.constant 256 : index
      %get3A_3030 = tpu.vector_load %arg13[%get3A_3029] {strides = array<i32>} : memref<576xf32, #tpu.memory_space<vmem>>, vector<16xf32>,
      %get3A_3031 = vector.shape_cast %get3A_3030 : vector<16xf32> to vector<16xf32>
      %get3A_3032 = arith.constant 272 : index
      %get3A_3033 = tpu.vector_load %arg13[%get3A_3032] {strides = array<i32>} : memref<576xf32, #tpu.memory_space<vmem>>, vector<16xf32>,
      %get3A_3034 = vector.shape_cast %get3A_3033 : vector<16xf32> to vector<16xf32>
      %get3A_3035 = arith.constant 432 : index
      %get3A_3036 = tpu.vector_load %arg13[%get3A_3035] {strides = array<i32>} : memref<576xf32, #tpu.memory_space<vmem>>, vector<16xf32>,
      %get3A_3037 = vector.shape_cast %get3A_3036 : vector<16xf32> to vector<16xf32>
      %get3A_3038 = arith.constant 448 : index
      %get3A_3039 = tpu.vector_load %arg13[%get3A_3038] {strides = array<i32>} : memref<576xf32, #tpu.memory_space<vmem>>, vector<16xf32>,
      %get3A_3040 = vector.shape_cast %get3A_3039 : vector<16xf32> to vector<16xf32>
      %get3A_3041 = arith.constant 464 : index
      %get3A_3042 = tpu.vector_load %arg13[%get3A_3041] {strides = array<i32>} : memref<576xf32, #tpu.memory_space<vmem>>, vector<16xf32>,
      %get3A_3043 = vector.shape_cast %get3A_3042 : vector<16xf32> to vector<16xf32>
      %mul3A_3044 = arith.mulf %get3A_3019, %add3A_2839 : vector<16xf32>
      %mul3A_3045 = arith.mulf %get3A_3028, %add3A_2864 : vector<16xf32>
      %add3A_3046 = arith.addf %mul3A_3044, %mul3A_3045 : vector<16xf32>
      %mul3A_3047 = arith.mulf %get3A_3037, %add3A_2889 : vector<16xf32>
      %add3A_3048 = arith.addf %add3A_3046, %mul3A_3047 : vector<16xf32>
      %mul3A_3049 = arith.mulf %get3A_3022, %add3A_2840 : vector<16xf32>
      %mul3A_3050 = arith.mulf %get3A_3031, %add3A_2865 : vector<16xf32>
      %add3A_3051 = arith.addf %mul3A_3049, %mul3A_3050 : vector<16xf32>
      %mul3A_3052 = arith.mulf %get3A_3040, %add3A_2890 : vector<16xf32>
      %add3A_3053 = arith.addf %add3A_3051, %mul3A_3052 : vector<16xf32>
      %mul3A_3054 = arith.mulf %get3A_3022, %add3A_2841 : vector<16xf32>
      %mul3A_3055 = arith.mulf %get3A_3031, %add3A_2866 : vector<16xf32>
      %add3A_3056 = arith.addf %mul3A_3054, %mul3A_3055 : vector<16xf32>
      %mul3A_3057 = arith.mulf %get3A_3040, %add3A_2891 : vector<16xf32>
      %add3A_3058 = arith.addf %add3A_3056, %mul3A_3057 : vector<16xf32>
      %mul3A_3059 = arith.mulf %get3A_3022, %add3A_2842 : vector<16xf32>
      %mul3A_3060 = arith.mulf %get3A_3031, %add3A_2867 : vector<16xf32>
      %add3A_3061 = arith.addf %mul3A_3059, %mul3A_3060 : vector<16xf32>
      %mul3A_3062 = arith.mulf %get3A_3040, %add3A_2892 : vector<16xf32>
      %add3A_3063 = arith.addf %add3A_3061, %mul3A_3062 : vector<16xf32>
      %mul3A_3064 = arith.mulf %get3A_3025, %add3A_2843 : vector<16xf32>
      %mul3A_3065 = arith.mulf %get3A_3034, %add3A_2868 : vector<16xf32>
      %add3A_3066 = arith.addf %mul3A_3064, %mul3A_3065 : vector<16xf32>
      %mul3A_3067 = arith.mulf %get3A_3043, %add3A_2893 : vector<16xf32>
      %add3A_3068 = arith.addf %add3A_3066, %mul3A_3067 : vector<16xf32>
      %mul3A_3069 = arith.mulf %get3A_3025, %add3A_2844 : vector<16xf32>
      %mul3A_3070 = arith.mulf %get3A_3034, %add3A_2869 : vector<16xf32>
      %add3A_3071 = arith.addf %mul3A_3069, %mul3A_3070 : vector<16xf32>
      %mul3A_3072 = arith.mulf %get3A_3043, %add3A_2894 : vector<16xf32>
      %add3A_3073 = arith.addf %add3A_3071, %mul3A_3072 : vector<16xf32>
      %mul3A_3074 = arith.mulf %get3A_3025, %add3A_2845 : vector<16xf32>
      %mul3A_3075 = arith.mulf %get3A_3034, %add3A_2870 : vector<16xf32>
      %add3A_3076 = arith.addf %mul3A_3074, %mul3A_3075 : vector<16xf32>
      %mul3A_3077 = arith.mulf %get3A_3043, %add3A_2895 : vector<16xf32>
      %add3A_3078 = arith.addf %add3A_3076, %mul3A_3077 : vector<16xf32>
      %mul3A_3079 = arith.mulf %get3A_3025, %add3A_2846 : vector<16xf32>
      %mul3A_3080 = arith.mulf %get3A_3034, %add3A_2871 : vector<16xf32>
      %add3A_3081 = arith.addf %mul3A_3079, %mul3A_3080 : vector<16xf32>
      %mul3A_3082 = arith.mulf %get3A_3043, %add3A_2896 : vector<16xf32>
      %add3A_3083 = arith.addf %add3A_3081, %mul3A_3082 : vector<16xf32>
      %mul3A_3084 = arith.mulf %get3A_3025, %add3A_2847 : vector<16xf32>
      %mul3A_3085 = arith.mulf %get3A_3034, %add3A_2872 : vector<16xf32>
      %add3A_3086 = arith.addf %mul3A_3084, %mul3A_3085 : vector<16xf32>
      %mul3A_3087 = arith.mulf %get3A_3043, %add3A_2897 : vector<16xf32>
      %add3A_3088 = arith.addf %add3A_3086, %mul3A_3087 : vector<16xf32>
      %mul3A_3089 = arith.mulf %get3A_3025, %add3A_2848 : vector<16xf32>
      %mul3A_3090 = arith.mulf %get3A_3034, %add3A_2873 : vector<16xf32>
      %add3A_3091 = arith.addf %mul3A_3089, %mul3A_3090 : vector<16xf32>
      %mul3A_3092 = arith.mulf %get3A_3043, %add3A_2898 : vector<16xf32>
      %add3A_3093 = arith.addf %add3A_3091, %mul3A_3092 : vector<16xf32>
      %mul3A_3094 = arith.mulf %add3A_3048, %add3A_3048 : vector<16xf32>
      %mul3A_3095 = arith.mulf %add3A_3053, %add3A_3053 : vector<16xf32>
      %mul3A_3096 = arith.mulf %add3A_3058, %add3A_3058 : vector<16xf32>
      %add3A_3097 = arith.addf %mul3A_3095, %mul3A_3096 : vector<16xf32>
      %mul3A_3098 = arith.mulf %add3A_3063, %add3A_3063 : vector<16xf32>
      %add3A_3099 = arith.addf %add3A_3097, %mul3A_3098 : vector<16xf32>
      %mul3A_3100 = arith.mulf %add3A_3068, %add3A_3068 : vector<16xf32>
      %mul3A_3101 = arith.mulf %add3A_3073, %add3A_3073 : vector<16xf32>
      %add3A_3102 = arith.addf %mul3A_3100, %mul3A_3101 : vector<16xf32>
      %mul3A_3103 = arith.mulf %add3A_3078, %add3A_3078 : vector<16xf32>
      %add3A_3104 = arith.addf %add3A_3102, %mul3A_3103 : vector<16xf32>
      %mul3A_3105 = arith.mulf %add3A_3083, %add3A_3083 : vector<16xf32>
      %add3A_3106 = arith.addf %add3A_3104, %mul3A_3105 : vector<16xf32>
      %mul3A_3107 = arith.mulf %add3A_3088, %add3A_3088 : vector<16xf32>
      %add3A_3108 = arith.addf %add3A_3106, %mul3A_3107 : vector<16xf32>
      %mul3A_3109 = arith.mulf %add3A_3093, %add3A_3093 : vector<16xf32>
      %add3A_3110 = arith.addf %add3A_3108, %mul3A_3109 : vector<16xf32>
      %get3A_3111 = arith.constant 48 : index
      %get3A_3112 = tpu.vector_load %arg15[%get3A_3111] {strides = array<i32>} : memref<192xf32, #tpu.memory_space<vmem>>, vector<16xf32>,
      %get3A_3113 = vector.shape_cast %get3A_3112 : vector<16xf32> to vector<16xf32>
      %mul3A_3114 = arith.mulf %mul3A_3094, %get3A_3113 : vector<16xf32>
      %swap3A_3115 = arith.index_cast %mul3A_253 : i32 to index
      %swap3A_3116 = tpu.vector_load %arg19[%swap3A_3115] {strides = array<i32>} : memref<1568xf32, #tpu.memory_space<vmem>>, vector<16xf32>,
      %swap3A_3117 = vector.shape_cast %swap3A_3116 : vector<16xf32> to vector<16xf32>
      %swap3A_3118 = vector.shape_cast %mul3A_3114 : vector<16xf32> to vector<16xf32>
      tpu.vector_store %arg19[%swap3A_3115], %swap3A_3118 {strides = array<i32>} : memref<1568xf32, #tpu.memory_space<vmem>>, vector<16xf32>,
      %get3A_3119 = arith.constant 64 : index
      %get3A_3120 = tpu.vector_load %arg15[%get3A_3119] {strides = array<i32>} : memref<192xf32, #tpu.memory_space<vmem>>, vector<16xf32>,
      %get3A_3121 = vector.shape_cast %get3A_3120 : vector<16xf32> to vector<16xf32>
      %mul3A_3122 = arith.mulf %add3A_3099, %get3A_3121 : vector<16xf32>
      %swap3A_3123 = arith.index_cast %mul3A_253 : i32 to index
      %swap3A_3124 = tpu.vector_load %arg20[%swap3A_3123] {strides = array<i32>} : memref<1568xf32, #tpu.memory_space<vmem>>, vector<16xf32>,
      %swap3A_3125 = vector.shape_cast %swap3A_3124 : vector<16xf32> to vector<16xf32>
      %swap3A_3126 = vector.shape_cast %mul3A_3122 : vector<16xf32> to vector<16xf32>
      tpu.vector_store %arg20[%swap3A_3123], %swap3A_3126 {strides = array<i32>} : memref<1568xf32, #tpu.memory_space<vmem>>, vector<16xf32>,
      %get3A_3127 = arith.constant 80 : index
      %get3A_3128 = tpu.vector_load %arg15[%get3A_3127] {strides = array<i32>} : memref<192xf32, #tpu.memory_space<vmem>>, vector<16xf32>,
      %get3A_3129 = vector.shape_cast %get3A_3128 : vector<16xf32> to vector<16xf32>
      %mul3A_3130 = arith.mulf %add3A_3110, %get3A_3129 : vector<16xf32>
      %swap3A_3131 = arith.index_cast %mul3A_253 : i32 to index
      %swap3A_3132 = tpu.vector_load %arg21[%swap3A_3131] {strides = array<i32>} : memref<1568xf32, #tpu.memory_space<vmem>>, vector<16xf32>,
      %swap3A_3133 = vector.shape_cast %swap3A_3132 : vector<16xf32> to vector<16xf32>
      %swap3A_3134 = vector.shape_cast %mul3A_3130 : vector<16xf32> to vector<16xf32>
      tpu.vector_store %arg21[%swap3A_3131], %swap3A_3134 {strides = array<i32>} : memref<1568xf32, #tpu.memory_space<vmem>>, vector<16xf32>,
      %get3A_3135 = arith.constant 96 : index
      %get3A_3136 = tpu.vector_load %arg13[%get3A_3135] {strides = array<i32>} : memref<576xf32, #tpu.memory_space<vmem>>, vector<16xf32>,
      %get3A_3137 = vector.shape_cast %get3A_3136 : vector<16xf32> to vector<16xf32>
      %get3A_3138 = arith.constant 112 : index
      %get3A_3139 = tpu.vector_load %arg13[%get3A_3138] {strides = array<i32>} : memref<576xf32, #tpu.memory_space<vmem>>, vector<16xf32>,
      %get3A_3140 = vector.shape_cast %get3A_3139 : vector<16xf32> to vector<16xf32>
      %get3A_3141 = arith.constant 128 : index
      %get3A_3142 = tpu.vector_load %arg13[%get3A_3141] {strides = array<i32>} : memref<576xf32, #tpu.memory_space<vmem>>, vector<16xf32>,
      %get3A_3143 = vector.shape_cast %get3A_3142 : vector<16xf32> to vector<16xf32>
      %get3A_3144 = arith.constant 288 : index
      %get3A_3145 = tpu.vector_load %arg13[%get3A_3144] {strides = array<i32>} : memref<576xf32, #tpu.memory_space<vmem>>, vector<16xf32>,
      %get3A_3146 = vector.shape_cast %get3A_3145 : vector<16xf32> to vector<16xf32>
      %get3A_3147 = arith.constant 304 : index
      %get3A_3148 = tpu.vector_load %arg13[%get3A_3147] {strides = array<i32>} : memref<576xf32, #tpu.memory_space<vmem>>, vector<16xf32>,
      %get3A_3149 = vector.shape_cast %get3A_3148 : vector<16xf32> to vector<16xf32>
      %get3A_3150 = arith.constant 320 : index
      %get3A_3151 = tpu.vector_load %arg13[%get3A_3150] {strides = array<i32>} : memref<576xf32, #tpu.memory_space<vmem>>, vector<16xf32>,
      %get3A_3152 = vector.shape_cast %get3A_3151 : vector<16xf32> to vector<16xf32>
      %get3A_3153 = arith.constant 480 : index
      %get3A_3154 = tpu.vector_load %arg13[%get3A_3153] {strides = array<i32>} : memref<576xf32, #tpu.memory_space<vmem>>, vector<16xf32>,
      %get3A_3155 = vector.shape_cast %get3A_3154 : vector<16xf32> to vector<16xf32>
      %get3A_3156 = arith.constant 496 : index
      %get3A_3157 = tpu.vector_load %arg13[%get3A_3156] {strides = array<i32>} : memref<576xf32, #tpu.memory_space<vmem>>, vector<16xf32>,
      %get3A_3158 = vector.shape_cast %get3A_3157 : vector<16xf32> to vector<16xf32>
      %get3A_3159 = arith.constant 512 : index
      %get3A_3160 = tpu.vector_load %arg13[%get3A_3159] {strides = array<i32>} : memref<576xf32, #tpu.memory_space<vmem>>, vector<16xf32>,
      %get3A_3161 = vector.shape_cast %get3A_3160 : vector<16xf32> to vector<16xf32>
      %mul3A_3162 = arith.mulf %get3A_3137, %add3A_2839 : vector<16xf32>
      %mul3A_3163 = arith.mulf %get3A_3146, %add3A_2864 : vector<16xf32>
      %add3A_3164 = arith.addf %mul3A_3162, %mul3A_3163 : vector<16xf32>
      %mul3A_3165 = arith.mulf %get3A_3155, %add3A_2889 : vector<16xf32>
      %add3A_3166 = arith.addf %add3A_3164, %mul3A_3165 : vector<16xf32>
      %mul3A_3167 = arith.mulf %get3A_3140, %add3A_2840 : vector<16xf32>
      %mul3A_3168 = arith.mulf %get3A_3149, %add3A_2865 : vector<16xf32>
      %add3A_3169 = arith.addf %mul3A_3167, %mul3A_3168 : vector<16xf32>
      %mul3A_3170 = arith.mulf %get3A_3158, %add3A_2890 : vector<16xf32>
      %add3A_3171 = arith.addf %add3A_3169, %mul3A_3170 : vector<16xf32>
      %mul3A_3172 = arith.mulf %get3A_3140, %add3A_2841 : vector<16xf32>
      %mul3A_3173 = arith.mulf %get3A_3149, %add3A_2866 : vector<16xf32>
      %add3A_3174 = arith.addf %mul3A_3172, %mul3A_3173 : vector<16xf32>
      %mul3A_3175 = arith.mulf %get3A_3158, %add3A_2891 : vector<16xf32>
      %add3A_3176 = arith.addf %add3A_3174, %mul3A_3175 : vector<16xf32>
      %mul3A_3177 = arith.mulf %get3A_3140, %add3A_2842 : vector<16xf32>
      %mul3A_3178 = arith.mulf %get3A_3149, %add3A_2867 : vector<16xf32>
      %add3A_3179 = arith.addf %mul3A_3177, %mul3A_3178 : vector<16xf32>
      %mul3A_3180 = arith.mulf %get3A_3158, %add3A_2892 : vector<16xf32>
      %add3A_3181 = arith.addf %add3A_3179, %mul3A_3180 : vector<16xf32>
      %mul3A_3182 = arith.mulf %get3A_3143, %add3A_2843 : vector<16xf32>
      %mul3A_3183 = arith.mulf %get3A_3152, %add3A_2868 : vector<16xf32>
      %add3A_3184 = arith.addf %mul3A_3182, %mul3A_3183 : vector<16xf32>
      %mul3A_3185 = arith.mulf %get3A_3161, %add3A_2893 : vector<16xf32>
      %add3A_3186 = arith.addf %add3A_3184, %mul3A_3185 : vector<16xf32>
      %mul3A_3187 = arith.mulf %get3A_3143, %add3A_2844 : vector<16xf32>
      %mul3A_3188 = arith.mulf %get3A_3152, %add3A_2869 : vector<16xf32>
      %add3A_3189 = arith.addf %mul3A_3187, %mul3A_3188 : vector<16xf32>
      %mul3A_3190 = arith.mulf %get3A_3161, %add3A_2894 : vector<16xf32>
      %add3A_3191 = arith.addf %add3A_3189, %mul3A_3190 : vector<16xf32>
      %mul3A_3192 = arith.mulf %get3A_3143, %add3A_2845 : vector<16xf32>
      %mul3A_3193 = arith.mulf %get3A_3152, %add3A_2870 : vector<16xf32>
      %add3A_3194 = arith.addf %mul3A_3192, %mul3A_3193 : vector<16xf32>
      %mul3A_3195 = arith.mulf %get3A_3161, %add3A_2895 : vector<16xf32>
      %add3A_3196 = arith.addf %add3A_3194, %mul3A_3195 : vector<16xf32>
      %mul3A_3197 = arith.mulf %get3A_3143, %add3A_2846 : vector<16xf32>
      %mul3A_3198 = arith.mulf %get3A_3152, %add3A_2871 : vector<16xf32>
      %add3A_3199 = arith.addf %mul3A_3197, %mul3A_3198 : vector<16xf32>
      %mul3A_3200 = arith.mulf %get3A_3161, %add3A_2896 : vector<16xf32>
      %add3A_3201 = arith.addf %add3A_3199, %mul3A_3200 : vector<16xf32>
      %mul3A_3202 = arith.mulf %get3A_3143, %add3A_2847 : vector<16xf32>
      %mul3A_3203 = arith.mulf %get3A_3152, %add3A_2872 : vector<16xf32>
      %add3A_3204 = arith.addf %mul3A_3202, %mul3A_3203 : vector<16xf32>
      %mul3A_3205 = arith.mulf %get3A_3161, %add3A_2897 : vector<16xf32>
      %add3A_3206 = arith.addf %add3A_3204, %mul3A_3205 : vector<16xf32>
      %mul3A_3207 = arith.mulf %get3A_3143, %add3A_2848 : vector<16xf32>
      %mul3A_3208 = arith.mulf %get3A_3152, %add3A_2873 : vector<16xf32>
      %add3A_3209 = arith.addf %mul3A_3207, %mul3A_3208 : vector<16xf32>
      %mul3A_3210 = arith.mulf %get3A_3161, %add3A_2898 : vector<16xf32>
      %add3A_3211 = arith.addf %add3A_3209, %mul3A_3210 : vector<16xf32>
      %mul3A_3212 = arith.mulf %add3A_3166, %add3A_3166 : vector<16xf32>
      %mul3A_3213 = arith.mulf %add3A_3171, %add3A_3171 : vector<16xf32>
      %mul3A_3214 = arith.mulf %add3A_3176, %add3A_3176 : vector<16xf32>
      %add3A_3215 = arith.addf %mul3A_3213, %mul3A_3214 : vector<16xf32>
      %mul3A_3216 = arith.mulf %add3A_3181, %add3A_3181 : vector<16xf32>
      %add3A_3217 = arith.addf %add3A_3215, %mul3A_3216 : vector<16xf32>
      %mul3A_3218 = arith.mulf %add3A_3186, %add3A_3186 : vector<16xf32>
      %mul3A_3219 = arith.mulf %add3A_3191, %add3A_3191 : vector<16xf32>
      %add3A_3220 = arith.addf %mul3A_3218, %mul3A_3219 : vector<16xf32>
      %mul3A_3221 = arith.mulf %add3A_3196, %add3A_3196 : vector<16xf32>
      %add3A_3222 = arith.addf %add3A_3220, %mul3A_3221 : vector<16xf32>
      %mul3A_3223 = arith.mulf %add3A_3201, %add3A_3201 : vector<16xf32>
      %add3A_3224 = arith.addf %add3A_3222, %mul3A_3223 : vector<16xf32>
      %mul3A_3225 = arith.mulf %add3A_3206, %add3A_3206 : vector<16xf32>
      %add3A_3226 = arith.addf %add3A_3224, %mul3A_3225 : vector<16xf32>
      %mul3A_3227 = arith.mulf %add3A_3211, %add3A_3211 : vector<16xf32>
      %add3A_3228 = arith.addf %add3A_3226, %mul3A_3227 : vector<16xf32>
      %get3A_3229 = arith.constant 96 : index
      %get3A_3230 = tpu.vector_load %arg15[%get3A_3229] {strides = array<i32>} : memref<192xf32, #tpu.memory_space<vmem>>, vector<16xf32>,
      %get3A_3231 = vector.shape_cast %get3A_3230 : vector<16xf32> to vector<16xf32>
      %mul3A_3232 = arith.mulf %mul3A_3212, %get3A_3231 : vector<16xf32>
      %swap3A_3233 = arith.index_cast %mul3A_253 : i32 to index
      %swap3A_3234 = tpu.vector_load %arg22[%swap3A_3233] {strides = array<i32>} : memref<1568xf32, #tpu.memory_space<vmem>>, vector<16xf32>,
      %swap3A_3235 = vector.shape_cast %swap3A_3234 : vector<16xf32> to vector<16xf32>
      %swap3A_3236 = vector.shape_cast %mul3A_3232 : vector<16xf32> to vector<16xf32>
      tpu.vector_store %arg22[%swap3A_3233], %swap3A_3236 {strides = array<i32>} : memref<1568xf32, #tpu.memory_space<vmem>>, vector<16xf32>,
      %get3A_3237 = arith.constant 112 : index
      %get3A_3238 = tpu.vector_load %arg15[%get3A_3237] {strides = array<i32>} : memref<192xf32, #tpu.memory_space<vmem>>, vector<16xf32>,
      %get3A_3239 = vector.shape_cast %get3A_3238 : vector<16xf32> to vector<16xf32>
      %mul3A_3240 = arith.mulf %add3A_3217, %get3A_3239 : vector<16xf32>
      %swap3A_3241 = arith.index_cast %mul3A_253 : i32 to index
      %swap3A_3242 = tpu.vector_load %arg23[%swap3A_3241] {strides = array<i32>} : memref<1568xf32, #tpu.memory_space<vmem>>, vector<16xf32>,
      %swap3A_3243 = vector.shape_cast %swap3A_3242 : vector<16xf32> to vector<16xf32>
      %swap3A_3244 = vector.shape_cast %mul3A_3240 : vector<16xf32> to vector<16xf32>
      tpu.vector_store %arg23[%swap3A_3241], %swap3A_3244 {strides = array<i32>} : memref<1568xf32, #tpu.memory_space<vmem>>, vector<16xf32>,
      %get3A_3245 = arith.constant 128 : index
      %get3A_3246 = tpu.vector_load %arg15[%get3A_3245] {strides = array<i32>} : memref<192xf32, #tpu.memory_space<vmem>>, vector<16xf32>,
      %get3A_3247 = vector.shape_cast %get3A_3246 : vector<16xf32> to vector<16xf32>
      %mul3A_3248 = arith.mulf %add3A_3228, %get3A_3247 : vector<16xf32>
      %swap3A_3249 = arith.index_cast %mul3A_253 : i32 to index
      %swap3A_3250 = tpu.vector_load %arg24[%swap3A_3249] {strides = array<i32>} : memref<1568xf32, #tpu.memory_space<vmem>>, vector<16xf32>,
      %swap3A_3251 = vector.shape_cast %swap3A_3250 : vector<16xf32> to vector<16xf32>
      %swap3A_3252 = vector.shape_cast %mul3A_3248 : vector<16xf32> to vector<16xf32>
      tpu.vector_store %arg24[%swap3A_3249], %swap3A_3252 {strides = array<i32>} : memref<1568xf32, #tpu.memory_space<vmem>>, vector<16xf32>,
      %get3A_3253 = arith.constant 144 : index
      %get3A_3254 = tpu.vector_load %arg13[%get3A_3253] {strides = array<i32>} : memref<576xf32, #tpu.memory_space<vmem>>, vector<16xf32>,
      %get3A_3255 = vector.shape_cast %get3A_3254 : vector<16xf32> to vector<16xf32>
      %get3A_3256 = arith.constant 160 : index
      %get3A_3257 = tpu.vector_load %arg13[%get3A_3256] {strides = array<i32>} : memref<576xf32, #tpu.memory_space<vmem>>, vector<16xf32>,
      %get3A_3258 = vector.shape_cast %get3A_3257 : vector<16xf32> to vector<16xf32>
      %get3A_3259 = arith.constant 176 : index
      %get3A_3260 = tpu.vector_load %arg13[%get3A_3259] {strides = array<i32>} : memref<576xf32, #tpu.memory_space<vmem>>, vector<16xf32>,
      %get3A_3261 = vector.shape_cast %get3A_3260 : vector<16xf32> to vector<16xf32>
      %get3A_3262 = arith.constant 336 : index
      %get3A_3263 = tpu.vector_load %arg13[%get3A_3262] {strides = array<i32>} : memref<576xf32, #tpu.memory_space<vmem>>, vector<16xf32>,
      %get3A_3264 = vector.shape_cast %get3A_3263 : vector<16xf32> to vector<16xf32>
      %get3A_3265 = arith.constant 352 : index
      %get3A_3266 = tpu.vector_load %arg13[%get3A_3265] {strides = array<i32>} : memref<576xf32, #tpu.memory_space<vmem>>, vector<16xf32>,
      %get3A_3267 = vector.shape_cast %get3A_3266 : vector<16xf32> to vector<16xf32>
      %get3A_3268 = arith.constant 368 : index
      %get3A_3269 = tpu.vector_load %arg13[%get3A_3268] {strides = array<i32>} : memref<576xf32, #tpu.memory_space<vmem>>, vector<16xf32>,
      %get3A_3270 = vector.shape_cast %get3A_3269 : vector<16xf32> to vector<16xf32>
      %get3A_3271 = arith.constant 528 : index
      %get3A_3272 = tpu.vector_load %arg13[%get3A_3271] {strides = array<i32>} : memref<576xf32, #tpu.memory_space<vmem>>, vector<16xf32>,
      %get3A_3273 = vector.shape_cast %get3A_3272 : vector<16xf32> to vector<16xf32>
      %get3A_3274 = arith.constant 544 : index
      %get3A_3275 = tpu.vector_load %arg13[%get3A_3274] {strides = array<i32>} : memref<576xf32, #tpu.memory_space<vmem>>, vector<16xf32>,
      %get3A_3276 = vector.shape_cast %get3A_3275 : vector<16xf32> to vector<16xf32>
      %get3A_3277 = arith.constant 560 : index
      %get3A_3278 = tpu.vector_load %arg13[%get3A_3277] {strides = array<i32>} : memref<576xf32, #tpu.memory_space<vmem>>, vector<16xf32>,
      %get3A_3279 = vector.shape_cast %get3A_3278 : vector<16xf32> to vector<16xf32>
      %mul3A_3280 = arith.mulf %get3A_3255, %add3A_2839 : vector<16xf32>
      %mul3A_3281 = arith.mulf %get3A_3264, %add3A_2864 : vector<16xf32>
      %add3A_3282 = arith.addf %mul3A_3280, %mul3A_3281 : vector<16xf32>
      %mul3A_3283 = arith.mulf %get3A_3273, %add3A_2889 : vector<16xf32>
      %add3A_3284 = arith.addf %add3A_3282, %mul3A_3283 : vector<16xf32>
      %mul3A_3285 = arith.mulf %get3A_3258, %add3A_2840 : vector<16xf32>
      %mul3A_3286 = arith.mulf %get3A_3267, %add3A_2865 : vector<16xf32>
      %add3A_3287 = arith.addf %mul3A_3285, %mul3A_3286 : vector<16xf32>
      %mul3A_3288 = arith.mulf %get3A_3276, %add3A_2890 : vector<16xf32>
      %add3A_3289 = arith.addf %add3A_3287, %mul3A_3288 : vector<16xf32>
      %mul3A_3290 = arith.mulf %get3A_3258, %add3A_2841 : vector<16xf32>
      %mul3A_3291 = arith.mulf %get3A_3267, %add3A_2866 : vector<16xf32>
      %add3A_3292 = arith.addf %mul3A_3290, %mul3A_3291 : vector<16xf32>
      %mul3A_3293 = arith.mulf %get3A_3276, %add3A_2891 : vector<16xf32>
      %add3A_3294 = arith.addf %add3A_3292, %mul3A_3293 : vector<16xf32>
      %mul3A_3295 = arith.mulf %get3A_3258, %add3A_2842 : vector<16xf32>
      %mul3A_3296 = arith.mulf %get3A_3267, %add3A_2867 : vector<16xf32>
      %add3A_3297 = arith.addf %mul3A_3295, %mul3A_3296 : vector<16xf32>
      %mul3A_3298 = arith.mulf %get3A_3276, %add3A_2892 : vector<16xf32>
      %add3A_3299 = arith.addf %add3A_3297, %mul3A_3298 : vector<16xf32>
      %mul3A_3300 = arith.mulf %get3A_3261, %add3A_2843 : vector<16xf32>
      %mul3A_3301 = arith.mulf %get3A_3270, %add3A_2868 : vector<16xf32>
      %add3A_3302 = arith.addf %mul3A_3300, %mul3A_3301 : vector<16xf32>
      %mul3A_3303 = arith.mulf %get3A_3279, %add3A_2893 : vector<16xf32>
      %add3A_3304 = arith.addf %add3A_3302, %mul3A_3303 : vector<16xf32>
      %mul3A_3305 = arith.mulf %get3A_3261, %add3A_2844 : vector<16xf32>
      %mul3A_3306 = arith.mulf %get3A_3270, %add3A_2869 : vector<16xf32>
      %add3A_3307 = arith.addf %mul3A_3305, %mul3A_3306 : vector<16xf32>
      %mul3A_3308 = arith.mulf %get3A_3279, %add3A_2894 : vector<16xf32>
      %add3A_3309 = arith.addf %add3A_3307, %mul3A_3308 : vector<16xf32>
      %mul3A_3310 = arith.mulf %get3A_3261, %add3A_2845 : vector<16xf32>
      %mul3A_3311 = arith.mulf %get3A_3270, %add3A_2870 : vector<16xf32>
      %add3A_3312 = arith.addf %mul3A_3310, %mul3A_3311 : vector<16xf32>
      %mul3A_3313 = arith.mulf %get3A_3279, %add3A_2895 : vector<16xf32>
      %add3A_3314 = arith.addf %add3A_3312, %mul3A_3313 : vector<16xf32>
      %mul3A_3315 = arith.mulf %get3A_3261, %add3A_2846 : vector<16xf32>
      %mul3A_3316 = arith.mulf %get3A_3270, %add3A_2871 : vector<16xf32>
      %add3A_3317 = arith.addf %mul3A_3315, %mul3A_3316 : vector<16xf32>
      %mul3A_3318 = arith.mulf %get3A_3279, %add3A_2896 : vector<16xf32>
      %add3A_3319 = arith.addf %add3A_3317, %mul3A_3318 : vector<16xf32>
      %mul3A_3320 = arith.mulf %get3A_3261, %add3A_2847 : vector<16xf32>
      %mul3A_3321 = arith.mulf %get3A_3270, %add3A_2872 : vector<16xf32>
      %add3A_3322 = arith.addf %mul3A_3320, %mul3A_3321 : vector<16xf32>
      %mul3A_3323 = arith.mulf %get3A_3279, %add3A_2897 : vector<16xf32>
      %add3A_3324 = arith.addf %add3A_3322, %mul3A_3323 : vector<16xf32>
      %mul3A_3325 = arith.mulf %get3A_3261, %add3A_2848 : vector<16xf32>
      %mul3A_3326 = arith.mulf %get3A_3270, %add3A_2873 : vector<16xf32>
      %add3A_3327 = arith.addf %mul3A_3325, %mul3A_3326 : vector<16xf32>
      %mul3A_3328 = arith.mulf %get3A_3279, %add3A_2898 : vector<16xf32>
      %add3A_3329 = arith.addf %add3A_3327, %mul3A_3328 : vector<16xf32>
      %mul3A_3330 = arith.mulf %add3A_3284, %add3A_3284 : vector<16xf32>
      %mul3A_3331 = arith.mulf %add3A_3289, %add3A_3289 : vector<16xf32>
      %mul3A_3332 = arith.mulf %add3A_3294, %add3A_3294 : vector<16xf32>
      %add3A_3333 = arith.addf %mul3A_3331, %mul3A_3332 : vector<16xf32>
      %mul3A_3334 = arith.mulf %add3A_3299, %add3A_3299 : vector<16xf32>
      %add3A_3335 = arith.addf %add3A_3333, %mul3A_3334 : vector<16xf32>
      %mul3A_3336 = arith.mulf %add3A_3304, %add3A_3304 : vector<16xf32>
      %mul3A_3337 = arith.mulf %add3A_3309, %add3A_3309 : vector<16xf32>
      %add3A_3338 = arith.addf %mul3A_3336, %mul3A_3337 : vector<16xf32>
      %mul3A_3339 = arith.mulf %add3A_3314, %add3A_3314 : vector<16xf32>
      %add3A_3340 = arith.addf %add3A_3338, %mul3A_3339 : vector<16xf32>
      %mul3A_3341 = arith.mulf %add3A_3319, %add3A_3319 : vector<16xf32>
      %add3A_3342 = arith.addf %add3A_3340, %mul3A_3341 : vector<16xf32>
      %mul3A_3343 = arith.mulf %add3A_3324, %add3A_3324 : vector<16xf32>
      %add3A_3344 = arith.addf %add3A_3342, %mul3A_3343 : vector<16xf32>
      %mul3A_3345 = arith.mulf %add3A_3329, %add3A_3329 : vector<16xf32>
      %add3A_3346 = arith.addf %add3A_3344, %mul3A_3345 : vector<16xf32>
      %get3A_3347 = arith.constant 144 : index
      %get3A_3348 = tpu.vector_load %arg15[%get3A_3347] {strides = array<i32>} : memref<192xf32, #tpu.memory_space<vmem>>, vector<16xf32>,
      %get3A_3349 = vector.shape_cast %get3A_3348 : vector<16xf32> to vector<16xf32>
      %mul3A_3350 = arith.mulf %mul3A_3330, %get3A_3349 : vector<16xf32>
      %swap3A_3351 = arith.index_cast %mul3A_253 : i32 to index
      %swap3A_3352 = tpu.vector_load %arg25[%swap3A_3351] {strides = array<i32>} : memref<1568xf32, #tpu.memory_space<vmem>>, vector<16xf32>,
      %swap3A_3353 = vector.shape_cast %swap3A_3352 : vector<16xf32> to vector<16xf32>
      %swap3A_3354 = vector.shape_cast %mul3A_3350 : vector<16xf32> to vector<16xf32>
      tpu.vector_store %arg25[%swap3A_3351], %swap3A_3354 {strides = array<i32>} : memref<1568xf32, #tpu.memory_space<vmem>>, vector<16xf32>,
      %get3A_3355 = arith.constant 160 : index
      %get3A_3356 = tpu.vector_load %arg15[%get3A_3355] {strides = array<i32>} : memref<192xf32, #tpu.memory_space<vmem>>, vector<16xf32>,
      %get3A_3357 = vector.shape_cast %get3A_3356 : vector<16xf32> to vector<16xf32>
      %mul3A_3358 = arith.mulf %add3A_3335, %get3A_3357 : vector<16xf32>
      %swap3A_3359 = arith.index_cast %mul3A_253 : i32 to index
      %swap3A_3360 = tpu.vector_load %arg26[%swap3A_3359] {strides = array<i32>} : memref<1568xf32, #tpu.memory_space<vmem>>, vector<16xf32>,
      %swap3A_3361 = vector.shape_cast %swap3A_3360 : vector<16xf32> to vector<16xf32>
      %swap3A_3362 = vector.shape_cast %mul3A_3358 : vector<16xf32> to vector<16xf32>
      tpu.vector_store %arg26[%swap3A_3359], %swap3A_3362 {strides = array<i32>} : memref<1568xf32, #tpu.memory_space<vmem>>, vector<16xf32>,
      %get3A_3363 = arith.constant 176 : index
      %get3A_3364 = tpu.vector_load %arg15[%get3A_3363] {strides = array<i32>} : memref<192xf32, #tpu.memory_space<vmem>>, vector<16xf32>,
      %get3A_3365 = vector.shape_cast %get3A_3364 : vector<16xf32> to vector<16xf32>
      %mul3A_3366 = arith.mulf %add3A_3346, %get3A_3365 : vector<16xf32>
      %swap3A_3367 = arith.index_cast %mul3A_253 : i32 to index
      %swap3A_3368 = tpu.vector_load %arg27[%swap3A_3367] {strides = array<i32>} : memref<1568xf32, #tpu.memory_space<vmem>>, vector<16xf32>,
      %swap3A_3369 = vector.shape_cast %swap3A_3368 : vector<16xf32> to vector<16xf32>
      %swap3A_3370 = vector.shape_cast %mul3A_3366 : vector<16xf32> to vector<16xf32>
      tpu.vector_store %arg27[%swap3A_3367], %swap3A_3370 {strides = array<i32>} : memref<1568xf32, #tpu.memory_space<vmem>>, vector<16xf32>,
    }
    %scan3A_226 = arith.constant 98 : i32
    %add3A_227 = arith.constant 0 : i32
    %add3A_228 = arith.addi %add3A_227, %min3A_3 : i32
    "tpu.region"() ({
      %run_scoped3A = tpu.sem_alloc : memref<!tpu.dma_semaphore, #tpu.memory_space<semaphore_mem>>
      %dma_start3A = tpu.memref_slice %arg8[%add3A_228] : memref<600000xf32, #tpu.memory_space<hbm>> -> memref<1568xf32, #tpu.memory_space<hbm>>
      %dma_start3A_251 = tpu.memref_slice %arg8[%add3A_228] : memref<600000xf32, #tpu.memory_space<hbm>> -> memref<1568xf32, #tpu.memory_space<hbm>>
      tpu.enqueue_dma source(%arg16 : memref<1568xf32, #tpu.memory_space<vmem>>) target(%dma_start3A_251 : memref<1568xf32, #tpu.memory_space<hbm>>) target_semaphore(%run_scoped3A : memref<!tpu.dma_semaphore, #tpu.memory_space<semaphore_mem>>)
      %dma_wait3A = tpu.memref_slice %arg8[%add3A_228] : memref<600000xf32, #tpu.memory_space<hbm>> -> memref<1568xf32, #tpu.memory_space<hbm>>
      %dma_wait3A_252 = tpu.memref_slice %arg8[%add3A_228] : memref<600000xf32, #tpu.memory_space<hbm>> -> memref<1568xf32, #tpu.memory_space<hbm>>
      tpu.wait_dma2 semaphore(%run_scoped3A : memref<!tpu.dma_semaphore, #tpu.memory_space<semaphore_mem>>) src(%arg16 : memref<1568xf32, #tpu.memory_space<vmem>>) dst(%dma_wait3A_252 : memref<1568xf32, #tpu.memory_space<hbm>>)
      tpu.yield
    }) : () -> ()
    %add3A_229 = arith.constant 50000 : i32
    %add3A_230 = arith.addi %add3A_229, %min3A_3 : i32
    "tpu.region"() ({
      %run_scoped3A = tpu.sem_alloc : memref<!tpu.dma_semaphore, #tpu.memory_space<semaphore_mem>>
      %dma_start3A = tpu.memref_slice %arg8[%add3A_230] : memref<600000xf32, #tpu.memory_space<hbm>> -> memref<1568xf32, #tpu.memory_space<hbm>>
      %dma_start3A_251 = tpu.memref_slice %arg8[%add3A_230] : memref<600000xf32, #tpu.memory_space<hbm>> -> memref<1568xf32, #tpu.memory_space<hbm>>
      tpu.enqueue_dma source(%arg17 : memref<1568xf32, #tpu.memory_space<vmem>>) target(%dma_start3A_251 : memref<1568xf32, #tpu.memory_space<hbm>>) target_semaphore(%run_scoped3A : memref<!tpu.dma_semaphore, #tpu.memory_space<semaphore_mem>>)
      %dma_wait3A = tpu.memref_slice %arg8[%add3A_230] : memref<600000xf32, #tpu.memory_space<hbm>> -> memref<1568xf32, #tpu.memory_space<hbm>>
      %dma_wait3A_252 = tpu.memref_slice %arg8[%add3A_230] : memref<600000xf32, #tpu.memory_space<hbm>> -> memref<1568xf32, #tpu.memory_space<hbm>>
      tpu.wait_dma2 semaphore(%run_scoped3A : memref<!tpu.dma_semaphore, #tpu.memory_space<semaphore_mem>>) src(%arg17 : memref<1568xf32, #tpu.memory_space<vmem>>) dst(%dma_wait3A_252 : memref<1568xf32, #tpu.memory_space<hbm>>)
      tpu.yield
    }) : () -> ()
    %add3A_231 = arith.constant 100000 : i32
    %add3A_232 = arith.addi %add3A_231, %min3A_3 : i32
    "tpu.region"() ({
      %run_scoped3A = tpu.sem_alloc : memref<!tpu.dma_semaphore, #tpu.memory_space<semaphore_mem>>
      %dma_start3A = tpu.memref_slice %arg8[%add3A_232] : memref<600000xf32, #tpu.memory_space<hbm>> -> memref<1568xf32, #tpu.memory_space<hbm>>
      %dma_start3A_251 = tpu.memref_slice %arg8[%add3A_232] : memref<600000xf32, #tpu.memory_space<hbm>> -> memref<1568xf32, #tpu.memory_space<hbm>>
      tpu.enqueue_dma source(%arg18 : memref<1568xf32, #tpu.memory_space<vmem>>) target(%dma_start3A_251 : memref<1568xf32, #tpu.memory_space<hbm>>) target_semaphore(%run_scoped3A : memref<!tpu.dma_semaphore, #tpu.memory_space<semaphore_mem>>)
      %dma_wait3A = tpu.memref_slice %arg8[%add3A_232] : memref<600000xf32, #tpu.memory_space<hbm>> -> memref<1568xf32, #tpu.memory_space<hbm>>
      %dma_wait3A_252 = tpu.memref_slice %arg8[%add3A_232] : memref<600000xf32, #tpu.memory_space<hbm>> -> memref<1568xf32, #tpu.memory_space<hbm>>
      tpu.wait_dma2 semaphore(%run_scoped3A : memref<!tpu.dma_semaphore, #tpu.memory_space<semaphore_mem>>) src(%arg18 : memref<1568xf32, #tpu.memory_space<vmem>>) dst(%dma_wait3A_252 : memref<1568xf32, #tpu.memory_space<hbm>>)
      tpu.yield
    }) : () -> ()
    %add3A_233 = arith.constant 150000 : i32
    %add3A_234 = arith.addi %add3A_233, %min3A_3 : i32
    "tpu.region"() ({
      %run_scoped3A = tpu.sem_alloc : memref<!tpu.dma_semaphore, #tpu.memory_space<semaphore_mem>>
      %dma_start3A = tpu.memref_slice %arg8[%add3A_234] : memref<600000xf32, #tpu.memory_space<hbm>> -> memref<1568xf32, #tpu.memory_space<hbm>>
      %dma_start3A_251 = tpu.memref_slice %arg8[%add3A_234] : memref<600000xf32, #tpu.memory_space<hbm>> -> memref<1568xf32, #tpu.memory_space<hbm>>
      tpu.enqueue_dma source(%arg19 : memref<1568xf32, #tpu.memory_space<vmem>>) target(%dma_start3A_251 : memref<1568xf32, #tpu.memory_space<hbm>>) target_semaphore(%run_scoped3A : memref<!tpu.dma_semaphore, #tpu.memory_space<semaphore_mem>>)
      %dma_wait3A = tpu.memref_slice %arg8[%add3A_234] : memref<600000xf32, #tpu.memory_space<hbm>> -> memref<1568xf32, #tpu.memory_space<hbm>>
      %dma_wait3A_252 = tpu.memref_slice %arg8[%add3A_234] : memref<600000xf32, #tpu.memory_space<hbm>> -> memref<1568xf32, #tpu.memory_space<hbm>>
      tpu.wait_dma2 semaphore(%run_scoped3A : memref<!tpu.dma_semaphore, #tpu.memory_space<semaphore_mem>>) src(%arg19 : memref<1568xf32, #tpu.memory_space<vmem>>) dst(%dma_wait3A_252 : memref<1568xf32, #tpu.memory_space<hbm>>)
      tpu.yield
    }) : () -> ()
    %add3A_235 = arith.constant 200000 : i32
    %add3A_236 = arith.addi %add3A_235, %min3A_3 : i32
    "tpu.region"() ({
      %run_scoped3A = tpu.sem_alloc : memref<!tpu.dma_semaphore, #tpu.memory_space<semaphore_mem>>
      %dma_start3A = tpu.memref_slice %arg8[%add3A_236] : memref<600000xf32, #tpu.memory_space<hbm>> -> memref<1568xf32, #tpu.memory_space<hbm>>
      %dma_start3A_251 = tpu.memref_slice %arg8[%add3A_236] : memref<600000xf32, #tpu.memory_space<hbm>> -> memref<1568xf32, #tpu.memory_space<hbm>>
      tpu.enqueue_dma source(%arg20 : memref<1568xf32, #tpu.memory_space<vmem>>) target(%dma_start3A_251 : memref<1568xf32, #tpu.memory_space<hbm>>) target_semaphore(%run_scoped3A : memref<!tpu.dma_semaphore, #tpu.memory_space<semaphore_mem>>)
      %dma_wait3A = tpu.memref_slice %arg8[%add3A_236] : memref<600000xf32, #tpu.memory_space<hbm>> -> memref<1568xf32, #tpu.memory_space<hbm>>
      %dma_wait3A_252 = tpu.memref_slice %arg8[%add3A_236] : memref<600000xf32, #tpu.memory_space<hbm>> -> memref<1568xf32, #tpu.memory_space<hbm>>
      tpu.wait_dma2 semaphore(%run_scoped3A : memref<!tpu.dma_semaphore, #tpu.memory_space<semaphore_mem>>) src(%arg20 : memref<1568xf32, #tpu.memory_space<vmem>>) dst(%dma_wait3A_252 : memref<1568xf32, #tpu.memory_space<hbm>>)
      tpu.yield
    }) : () -> ()
    %add3A_237 = arith.constant 250000 : i32
    %add3A_238 = arith.addi %add3A_237, %min3A_3 : i32
    "tpu.region"() ({
      %run_scoped3A = tpu.sem_alloc : memref<!tpu.dma_semaphore, #tpu.memory_space<semaphore_mem>>
      %dma_start3A = tpu.memref_slice %arg8[%add3A_238] : memref<600000xf32, #tpu.memory_space<hbm>> -> memref<1568xf32, #tpu.memory_space<hbm>>
      %dma_start3A_251 = tpu.memref_slice %arg8[%add3A_238] : memref<600000xf32, #tpu.memory_space<hbm>> -> memref<1568xf32, #tpu.memory_space<hbm>>
      tpu.enqueue_dma source(%arg21 : memref<1568xf32, #tpu.memory_space<vmem>>) target(%dma_start3A_251 : memref<1568xf32, #tpu.memory_space<hbm>>) target_semaphore(%run_scoped3A : memref<!tpu.dma_semaphore, #tpu.memory_space<semaphore_mem>>)
      %dma_wait3A = tpu.memref_slice %arg8[%add3A_238] : memref<600000xf32, #tpu.memory_space<hbm>> -> memref<1568xf32, #tpu.memory_space<hbm>>
      %dma_wait3A_252 = tpu.memref_slice %arg8[%add3A_238] : memref<600000xf32, #tpu.memory_space<hbm>> -> memref<1568xf32, #tpu.memory_space<hbm>>
      tpu.wait_dma2 semaphore(%run_scoped3A : memref<!tpu.dma_semaphore, #tpu.memory_space<semaphore_mem>>) src(%arg21 : memref<1568xf32, #tpu.memory_space<vmem>>) dst(%dma_wait3A_252 : memref<1568xf32, #tpu.memory_space<hbm>>)
      tpu.yield
    }) : () -> ()
    %add3A_239 = arith.constant 300000 : i32
    %add3A_240 = arith.addi %add3A_239, %min3A_3 : i32
    "tpu.region"() ({
      %run_scoped3A = tpu.sem_alloc : memref<!tpu.dma_semaphore, #tpu.memory_space<semaphore_mem>>
      %dma_start3A = tpu.memref_slice %arg8[%add3A_240] : memref<600000xf32, #tpu.memory_space<hbm>> -> memref<1568xf32, #tpu.memory_space<hbm>>
      %dma_start3A_251 = tpu.memref_slice %arg8[%add3A_240] : memref<600000xf32, #tpu.memory_space<hbm>> -> memref<1568xf32, #tpu.memory_space<hbm>>
      tpu.enqueue_dma source(%arg22 : memref<1568xf32, #tpu.memory_space<vmem>>) target(%dma_start3A_251 : memref<1568xf32, #tpu.memory_space<hbm>>) target_semaphore(%run_scoped3A : memref<!tpu.dma_semaphore, #tpu.memory_space<semaphore_mem>>)
      %dma_wait3A = tpu.memref_slice %arg8[%add3A_240] : memref<600000xf32, #tpu.memory_space<hbm>> -> memref<1568xf32, #tpu.memory_space<hbm>>
      %dma_wait3A_252 = tpu.memref_slice %arg8[%add3A_240] : memref<600000xf32, #tpu.memory_space<hbm>> -> memref<1568xf32, #tpu.memory_space<hbm>>
      tpu.wait_dma2 semaphore(%run_scoped3A : memref<!tpu.dma_semaphore, #tpu.memory_space<semaphore_mem>>) src(%arg22 : memref<1568xf32, #tpu.memory_space<vmem>>) dst(%dma_wait3A_252 : memref<1568xf32, #tpu.memory_space<hbm>>)
      tpu.yield
    }) : () -> ()
    %add3A_241 = arith.constant 350000 : i32
    %add3A_242 = arith.addi %add3A_241, %min3A_3 : i32
    "tpu.region"() ({
      %run_scoped3A = tpu.sem_alloc : memref<!tpu.dma_semaphore, #tpu.memory_space<semaphore_mem>>
      %dma_start3A = tpu.memref_slice %arg8[%add3A_242] : memref<600000xf32, #tpu.memory_space<hbm>> -> memref<1568xf32, #tpu.memory_space<hbm>>
      %dma_start3A_251 = tpu.memref_slice %arg8[%add3A_242] : memref<600000xf32, #tpu.memory_space<hbm>> -> memref<1568xf32, #tpu.memory_space<hbm>>
      tpu.enqueue_dma source(%arg23 : memref<1568xf32, #tpu.memory_space<vmem>>) target(%dma_start3A_251 : memref<1568xf32, #tpu.memory_space<hbm>>) target_semaphore(%run_scoped3A : memref<!tpu.dma_semaphore, #tpu.memory_space<semaphore_mem>>)
      %dma_wait3A = tpu.memref_slice %arg8[%add3A_242] : memref<600000xf32, #tpu.memory_space<hbm>> -> memref<1568xf32, #tpu.memory_space<hbm>>
      %dma_wait3A_252 = tpu.memref_slice %arg8[%add3A_242] : memref<600000xf32, #tpu.memory_space<hbm>> -> memref<1568xf32, #tpu.memory_space<hbm>>
      tpu.wait_dma2 semaphore(%run_scoped3A : memref<!tpu.dma_semaphore, #tpu.memory_space<semaphore_mem>>) src(%arg23 : memref<1568xf32, #tpu.memory_space<vmem>>) dst(%dma_wait3A_252 : memref<1568xf32, #tpu.memory_space<hbm>>)
      tpu.yield
    }) : () -> ()
    %add3A_243 = arith.constant 400000 : i32
    %add3A_244 = arith.addi %add3A_243, %min3A_3 : i32
    "tpu.region"() ({
      %run_scoped3A = tpu.sem_alloc : memref<!tpu.dma_semaphore, #tpu.memory_space<semaphore_mem>>
      %dma_start3A = tpu.memref_slice %arg8[%add3A_244] : memref<600000xf32, #tpu.memory_space<hbm>> -> memref<1568xf32, #tpu.memory_space<hbm>>
      %dma_start3A_251 = tpu.memref_slice %arg8[%add3A_244] : memref<600000xf32, #tpu.memory_space<hbm>> -> memref<1568xf32, #tpu.memory_space<hbm>>
      tpu.enqueue_dma source(%arg24 : memref<1568xf32, #tpu.memory_space<vmem>>) target(%dma_start3A_251 : memref<1568xf32, #tpu.memory_space<hbm>>) target_semaphore(%run_scoped3A : memref<!tpu.dma_semaphore, #tpu.memory_space<semaphore_mem>>)
      %dma_wait3A = tpu.memref_slice %arg8[%add3A_244] : memref<600000xf32, #tpu.memory_space<hbm>> -> memref<1568xf32, #tpu.memory_space<hbm>>
      %dma_wait3A_252 = tpu.memref_slice %arg8[%add3A_244] : memref<600000xf32, #tpu.memory_space<hbm>> -> memref<1568xf32, #tpu.memory_space<hbm>>
      tpu.wait_dma2 semaphore(%run_scoped3A : memref<!tpu.dma_semaphore, #tpu.memory_space<semaphore_mem>>) src(%arg24 : memref<1568xf32, #tpu.memory_space<vmem>>) dst(%dma_wait3A_252 : memref<1568xf32, #tpu.memory_space<hbm>>)
      tpu.yield
    }) : () -> ()
    %add3A_245 = arith.constant 450000 : i32
    %add3A_246 = arith.addi %add3A_245, %min3A_3 : i32
    "tpu.region"() ({
      %run_scoped3A = tpu.sem_alloc : memref<!tpu.dma_semaphore, #tpu.memory_space<semaphore_mem>>
      %dma_start3A = tpu.memref_slice %arg8[%add3A_246] : memref<600000xf32, #tpu.memory_space<hbm>> -> memref<1568xf32, #tpu.memory_space<hbm>>
      %dma_start3A_251 = tpu.memref_slice %arg8[%add3A_246] : memref<600000xf32, #tpu.memory_space<hbm>> -> memref<1568xf32, #tpu.memory_space<hbm>>
      tpu.enqueue_dma source(%arg25 : memref<1568xf32, #tpu.memory_space<vmem>>) target(%dma_start3A_251 : memref<1568xf32, #tpu.memory_space<hbm>>) target_semaphore(%run_scoped3A : memref<!tpu.dma_semaphore, #tpu.memory_space<semaphore_mem>>)
      %dma_wait3A = tpu.memref_slice %arg8[%add3A_246] : memref<600000xf32, #tpu.memory_space<hbm>> -> memref<1568xf32, #tpu.memory_space<hbm>>
      %dma_wait3A_252 = tpu.memref_slice %arg8[%add3A_246] : memref<600000xf32, #tpu.memory_space<hbm>> -> memref<1568xf32, #tpu.memory_space<hbm>>
      tpu.wait_dma2 semaphore(%run_scoped3A : memref<!tpu.dma_semaphore, #tpu.memory_space<semaphore_mem>>) src(%arg25 : memref<1568xf32, #tpu.memory_space<vmem>>) dst(%dma_wait3A_252 : memref<1568xf32, #tpu.memory_space<hbm>>)
      tpu.yield
    }) : () -> ()
    %add3A_247 = arith.constant 500000 : i32
    %add3A_248 = arith.addi %add3A_247, %min3A_3 : i32
    "tpu.region"() ({
      %run_scoped3A = tpu.sem_alloc : memref<!tpu.dma_semaphore, #tpu.memory_space<semaphore_mem>>
      %dma_start3A = tpu.memref_slice %arg8[%add3A_248] : memref<600000xf32, #tpu.memory_space<hbm>> -> memref<1568xf32, #tpu.memory_space<hbm>>
      %dma_start3A_251 = tpu.memref_slice %arg8[%add3A_248] : memref<600000xf32, #tpu.memory_space<hbm>> -> memref<1568xf32, #tpu.memory_space<hbm>>
      tpu.enqueue_dma source(%arg26 : memref<1568xf32, #tpu.memory_space<vmem>>) target(%dma_start3A_251 : memref<1568xf32, #tpu.memory_space<hbm>>) target_semaphore(%run_scoped3A : memref<!tpu.dma_semaphore, #tpu.memory_space<semaphore_mem>>)
      %dma_wait3A = tpu.memref_slice %arg8[%add3A_248] : memref<600000xf32, #tpu.memory_space<hbm>> -> memref<1568xf32, #tpu.memory_space<hbm>>
      %dma_wait3A_252 = tpu.memref_slice %arg8[%add3A_248] : memref<600000xf32, #tpu.memory_space<hbm>> -> memref<1568xf32, #tpu.memory_space<hbm>>
      tpu.wait_dma2 semaphore(%run_scoped3A : memref<!tpu.dma_semaphore, #tpu.memory_space<semaphore_mem>>) src(%arg26 : memref<1568xf32, #tpu.memory_space<vmem>>) dst(%dma_wait3A_252 : memref<1568xf32, #tpu.memory_space<hbm>>)
      tpu.yield
    }) : () -> ()
    %add3A_249 = arith.constant 550000 : i32
    %add3A_250 = arith.addi %add3A_249, %min3A_3 : i32
    "tpu.region"() ({
      %run_scoped3A = tpu.sem_alloc : memref<!tpu.dma_semaphore, #tpu.memory_space<semaphore_mem>>
      %dma_start3A = tpu.memref_slice %arg8[%add3A_250] : memref<600000xf32, #tpu.memory_space<hbm>> -> memref<1568xf32, #tpu.memory_space<hbm>>
      %dma_start3A_251 = tpu.memref_slice %arg8[%add3A_250] : memref<600000xf32, #tpu.memory_space<hbm>> -> memref<1568xf32, #tpu.memory_space<hbm>>
      tpu.enqueue_dma source(%arg27 : memref<1568xf32, #tpu.memory_space<vmem>>) target(%dma_start3A_251 : memref<1568xf32, #tpu.memory_space<hbm>>) target_semaphore(%run_scoped3A : memref<!tpu.dma_semaphore, #tpu.memory_space<semaphore_mem>>)
      %dma_wait3A = tpu.memref_slice %arg8[%add3A_250] : memref<600000xf32, #tpu.memory_space<hbm>> -> memref<1568xf32, #tpu.memory_space<hbm>>
      %dma_wait3A_252 = tpu.memref_slice %arg8[%add3A_250] : memref<600000xf32, #tpu.memory_space<hbm>> -> memref<1568xf32, #tpu.memory_space<hbm>>
      tpu.wait_dma2 semaphore(%run_scoped3A : memref<!tpu.dma_semaphore, #tpu.memory_space<semaphore_mem>>) src(%arg27 : memref<1568xf32, #tpu.memory_space<vmem>>) dst(%dma_wait3A_252 : memref<1568xf32, #tpu.memory_space<hbm>>)
      tpu.yield
    }) : () -> ()
    return
  }
}

</mosaic_0001>

<sc_bundles>
// kernel: kernel.3.cloned.1.call-start
scs
__scs_entry_jumppad:
0x0: {  	(pc) =	sbr.rel $0x88, $3  }
0x1: {  	(tag) =	ssettag $0x0;
	lr =	simm.s32 $0x1  }
0x2: {  	[smem:$0x3F9D] =	sst lr;
	_ =	strace $0xD0000000  }
0x3: {  	_ = 	snop  }
0x4: {  	_ = 	snop  }
0x5: {  	_ = 	snop  }
0x6: {  	_ = 	snop  }
0x7: {  	_ = 	snop  }
__scs_overlays_trampoline_lowered:
0x8: {  	[smem:$0x3FAC] =	sst s0  }
0x9: {  	[smem:$0x3FAD] =	sst s1  }
0xa: {  	[smem:$0x3FAE] =	sst s2  }
0xb: {  	[smem:$0x3FAF] =	sst s3  }
0xc: {  	[smem:$0x3FB0] =	sst s4  }
0xd: {  	[smem:$0x3FB1] =	sst s5  }
0xe: {  	[smem:$0x3FB2] =	sst s6  }
0xf: {  	[smem:$0x3FB3] =	sst s7  }
0x10: {  	[smem:$0x3FB4] =	sst s8  }
0x11: {  	[smem:$0x3FB5] =	sst s9;
	s0 =	simm.s32 @!p0 $0x0  }
0x12: {  	s1 =	sld [smem:$0x3F9B];
	s0 =	simm.s32 @p0 $0x1  }
0x13: {  	[smem:$0x3FB6] =	sst s0;
	s0 =	simm.s32 @!p1 $0x0  }
0x14: {  	s2 =	sld [smem:$0x3F9A];
	s0 =	simm.s32 @p1 $0x1  }
0x15: {  	[smem:$0x3FB7] =	sst s0;
	s0 =	simm.s32 @!p2 $0x0  }
0x16: {  	s3 =	sld [smem:$0x3FDB];
	s0 =	simm.s32 @p2 $0x1  }
0x17: {  	s4 =	simm.s32 $0x1BF5;
	[smem:$0x3FB9] =	sst s0  }
0x18: {  	s0 =	sld [smem:$0x3F9C];
	_ =	swait.ge [sflag:s4], $0x0  }
0x19: {  	s7 =	sld [smem:$0x3F9D]  }
0x1a: {  	s8 =	sadd.s32 $0xFFFFE003, lr  }
0x1b: {  	s9 =	sadd.s32 $0xFFFFFEF7, lr;
	s5 =	simm.s32 $0xFFFFFFFF;
	p2 =	slt.u32 s8, $0xFFFFF086  }
0x1c: {  	p1 =	slt.u32 s9, $0xF7A;
	s5 =	simm.s32 @!p2 $0x0  }
0x1d: {  	s5 =	simm.s32 @p1 $0x1;
	p0 =	seq.s32 s7, s2  }
0x1e: {  	s7 =	smul.u32 @!p0 $0xF7A, s2;
	p2 =	seq.s32 @!p0 s5, $0x0  }
0x1f: {  	s9 =	smul.u32 $0xF7A, s1;
	s8 =	simm.s32 @!p0 $0x1BF5;
	p2 =	por !p2, p0  }
0x20: {  	[sflag:s8] =	ssyncset.s32 @!p0 $0xFFFFF086;
	s6 =	sadd.s32 @!p0 s3, s7;
	s7 =	simm.s32 @!p0 $0x108  }
0x21: {  	s3 =	sadd.s32 s3, s9;
	s6 =	sadd.s32 @!p0 $0x88, s6;
	s7 =	simm.s32 @p2 $0x1082  }
0x22: {  	[simem:s7], [sflag:s8] =	dma.local @!p0 [hbm:s6], $0xF7A  }
0x23: {  	s9 =	sor.u32 $0xD0000000, s2;
	s6 =	simm.s32 $0x108;
	_ =	swait.ge @!p0 [sflag:s8], $0x0  }
0x24: {  	s3 =	sadd.s32 $0x88, s3;
	s6 =	simm.s32 @!p1 $0x1082;
	[sflag:s4] =	ssyncset.s32 $0xFFFFF086  }
0x25: {  	[simem:s6], [sflag:s4] =	dma.local [hbm:s3], $0xF7A  }
0x26: {  	[smem:$0x3F9D] =	sst s1;
	(tag) =	ssettag s2;
	_ =	strace s9  }
0x27: {  	s1 =	sld [smem:$0x3FAD]  }
0x28: {  	s2 =	sld [smem:$0x3FAE]  }
0x29: {  	s4 =	sld [smem:$0x3FB0]  }
0x2a: {  	p0 =	seq.s32 s5, $0x0;
	s5 =	sld [smem:$0x3FB1]  }
0x2b: {  	s6 =	sld [smem:$0x3FB2]  }
0x2c: {  	s7 =	sld [smem:$0x3FB3]  }
0x2d: {  	s3 =	simm.s32 $0x108;
	s8 =	sld [smem:$0x3FB4]  }
0x2e: {  	s3 =	simm.s32 @!p0 $0x1082;
	s9 =	sld [smem:$0x3FB5]  }
0x2f: {  	lr =	sadd.s32 s0, s3;
	s0 =	sld [smem:$0x3FAC]  }
0x30: {  	s3 =	sld [smem:$0x3FAF]  }
0x31: {  	[smem:$0x3FB8] =	sst s10  }
0x32: {  	s10 =	sld [smem:$0x3FB6];
	_ =	sdelay $0x3  }
0x33: {  	p0 =	seq.s32 s10, $0x1;
	s10 =	sld [smem:$0x3FB8];
	_ =	sdelay $0x3  }
0x34: {  	[smem:$0x3FB8] =	sst s10  }
0x35: {  	s10 =	sld [smem:$0x3FB7];
	_ =	sdelay $0x3  }
0x36: {  	p1 =	seq.s32 s10, $0x1;
	s10 =	sld [smem:$0x3FB8];
	_ =	sdelay $0x3  }
0x37: {  	[smem:$0x3FB8] =	sst s10  }
0x38: {  	s10 =	sld [smem:$0x3FB9]  }
0x39: {  	_ = 	snop;
	(pc) =	sbr.ind lr, $3  }
0x3a: {  	_ = 	snop  }
0x3b: {  	_ = 	snop  }
0x3c: {  	p2 =	seq.s32 s10, $0x1;
	s10 =	sld [smem:$0x3FB8]  }
0x3d: {  	_ =	shalt  }
0x3e: {  	_ =	shalt  }
0x3f: {  	_ =	shalt  }
0x40: {  	_ =	shalt  }
0x41: {  	_ =	shalt  }
0x42: {  	_ =	shalt  }
0x43: {  	_ =	shalt  }
0x44: {  	_ =	shalt  }
0x45: {  	_ =	shalt  }
0x46: {  	_ =	shalt  }
0x47: {  	_ =	shalt  }
0x48: {  	_ =	shalt  }
0x49: {  	_ =	shalt  }
0x4a: {  	_ =	shalt  }
0x4b: {  	_ =	shalt  }
0x4c: {  	_ =	shalt  }
0x4d: {  	_ =	shalt  }
0x4e: {  	_ =	shalt  }
0x4f: {  	_ =	shalt  }
0x50: {  	_ =	shalt  }
0x51: {  	_ =	shalt  }
0x52: {  	_ =	shalt  }
0x53: {  	_ =	shalt  }
0x54: {  	_ =	shalt  }
0x55: {  	_ =	shalt  }
0x56: {  	_ =	shalt  }
0x57: {  	_ =	shalt  }
0x58: {  	_ =	shalt  }
0x59: {  	_ =	shalt  }
0x5a: {  	_ =	shalt  }
0x5b: {  	_ =	shalt  }
0x5c: {  	_ =	shalt  }
0x5d: {  	_ =	shalt  }
0x5e: {  	_ =	shalt  }
0x5f: {  	_ =	shalt  }
0x60: {  	_ =	shalt  }
0x61: {  	_ =	shalt  }
0x62: {  	_ =	shalt  }
0x63: {  	_ =	shalt  }
0x64: {  	_ =	shalt  }
0x65: {  	_ =	shalt  }
0x66: {  	_ =	shalt  }
0x67: {  	_ =	shalt  }
0x68: {  	_ =	shalt  }
0x69: {  	_ =	shalt  }
0x6a: {  	_ =	shalt  }
0x6b: {  	_ =	shalt  }
0x6c: {  	_ =	shalt  }
0x6d: {  	_ =	shalt  }
0x6e: {  	_ =	shalt  }
0x6f: {  	_ =	shalt  }
0x70: {  	_ =	shalt  }
0x71: {  	_ =	shalt  }
0x72: {  	_ =	shalt  }
0x73: {  	_ =	shalt  }
0x74: {  	_ =	shalt  }
0x75: {  	_ =	shalt  }
0x76: {  	_ =	shalt  }
0x77: {  	_ =	shalt  }
0x78: {  	_ =	shalt  }
0x79: {  	_ =	shalt  }
0x7a: {  	_ =	shalt  }
0x7b: {  	_ =	shalt  }
0x7c: {  	_ =	shalt  }
0x7d: {  	_ =	shalt  }
0x7e: {  	_ =	shalt  }
0x7f: {  	_ =	shalt  }
0x80: {  	_ =	shalt  }
0x81: {  	_ =	shalt  }
0x82: {  	_ =	shalt  }
0x83: {  	_ =	shalt  }
0x84: {  	_ =	shalt  }
0x85: {  	_ =	shalt  }
0x86: {  	_ =	shalt  }
0x87: {  	_ =	shalt  }
.Lfunc_end0:
.L_simem_size_0:
called_computation_lowered:
.L_overlay_start_0:
0x88: {  	s2 =	sld [smem:$0x3FD9]  }
0x89: {  	s3 =	sld [smem:$0x3FFE];
	_ =	sdelay $0x1  }
0x8a: {  	s1 =	srdreg.scid  }
0x8b: {  	s0 =	sand.u32 $0x1, s1  }
0x8c: {  	s17 =	sshll.u32 s0, $0xA;
	s2 =	sadd.s32 s3, s2  }
0x8d: {  	s2 =	sadd.s32 s2, s17  }
0x8e: {  	[smem:$0x3FC4] =	sst s2  }
0x8f: {  	_ = 	snop  }
0x90: {  	s2 =	sld [smem:$0x3FC9]  }
0x91: {  	s18 =	sld [smem:$0x3FD0];
	(tm) =	ssettm $0x1  }
0x92: {  	s4 =	sld [smem:$0x3FFB];
	_ =	sdelay $0x3  }
0x93: {  	_ =	strace s4  }
0x94: {  	s4 =	sld [smem:$0x3FFC];
	_ =	sdelay $0x3  }
0x95: {  	_ =	strace s4  }
0x96: {  	s4 =	sld [smem:$0x3FFD];
	_ =	sdelay $0x3  }
0x97: {  	_ =	strace s4  }
0x98: {  	_ =	strace $0x8FFFFFFF  }
0x99: {  	s19 =	sld [smem:$0x3FDB];
	_ =	sdelay $0x1  }
0x9a: {  	s5 =	simm.s32 $_scs_section_size  }
0x9b: {  	s6 =	simm.s32 $_size__tile_overlayer_lowered;
	s7 =	simm.s32 $_tile_overlayer_lowered  }
0x9c: {  	s22 =	simm.s32 $0x1BFF;
	s21 =	sshll.u32 s7, $0x1;
	s4 =	sadd.s32 s5, s19  }
0x9d: {  	s8 =	simm.s32 $0x0;
	s20 =	sshll.u32 s6, $0x1;
	s6 =	sadd.s32 s21, s4  }
0x9e: {  	[timem:s8], [sflag:s22] =	dma.local [hbm:s6], s20  }
0x9f: {  	_ =	swait.ge [sflag:s22], s20  }
0xa0: {  	s5 =	ssub.s32 $0x0, s20;
	[sflag:s22] =	ssyncset.done $0x0  }
0xa1: {  	[sflag:s22] =	ssyncadd.s32 s5;
	_ =	sdelay $0x1  }
0xa2: {  	s23 =	simm.s32 $0x1B8B  }
0xa3: {  	_ =	swait.ge [sflag:s23], $0x1  }
0xa4: {  	[sflag:s23] =	ssyncset.done $0x0  }
0xa5: {  	s25 =	simm.s32 $0x1B8E;
	s24 =	sld [smem:$0x3FFE];
	[sflag:s23] =	ssyncadd.s32 $0xFFFFFFFF  }
0xa6: {  	s26 =	simm.s32 $execute0_lowered;
	[smem:$0x3FD2] =	sst s25  }
0xa7: {  	s6 =	sshll.u32 s26, $0x1;
	_ =	strace $0x80000046;
	[dreg:$0x1] =	wrdreg $0xFFFFFFFF  }
0xa8: {  	s28 =	simm.s32 $_size_execute0_lowered;
	s4 =	sadd.s32 s4, s6;
	[dreg:$0x0] =	wrdreg $0x0  }
0xa9: {  	s6 =	sshll.u32 s28, $0x1;
	[dreg:$0x2] =	wrdreg s4  }
0xaa: {  	[dreg:$0x3] =	wrdreg s6  }
0xab: {  	[dreg:$0x4] =	wrdreg $0xC0  }
0xac: {  	_ =	task [dreg:s8], $0x5FFFF  }
0xad: {  	[dreg:$0x1] =	wrdreg $0xFFFFFFFF  }
0xae: {  	[dreg:$0x0] =	wrdreg $0x60  }
0xaf: {  	[dreg:$0x2] =	wrdreg s24  }
0xb0: {  	[dreg:$0x3] =	wrdreg s2  }
0xb1: {  	[dreg:$0x4] =	wrdreg s18  }
0xb2: {  	[dreg:$0x5] =	wrdreg $0x9  }
0xb3: {  	_ =	task.clear_ibuf [dreg:s8], $0x6FFFF;
	_ =	strace $0x90000046  }
0xb4: {  	s29 =	simm.s32 $0x9;
	_ =	strace $0x80000048  }
0xb5: {  	_ =	swait.ge [sflag:s29], $0x1  }
0xb6: {  	[sflag:s29] =	ssyncadd.s32 $0xFFFFFFFF  }
0xb7: {  	_ =	strace $0x90000048  }
0xb8: {  	_ =	sfence  }
0xb9: {  	s30 =	sld [smem:$0x0];
	_ =	sdelay $0x2  }
0xba: {  	s31 =	sshll.u32 s1, $0xD;
	s1 =	sshrl.u32 s1, $0x2  }
0xbb: {  	s3 =	sand.u32 $0x4000, s31;
	s1 =	sadd.s32 s1, s30  }
0xbc: {  	s0 =	sor.u32 s3, s0;
	s1 =	sshll.u32 s1, $0x11  }
0xbd: {  	s0 =	sor.u32 s1, s0  }
0xbe: {  	s0 =	sadd.s32 $0x8F2B, s0  }
0xbf: {  	[sflag:s0] =	ssyncadd.remote.s32 $0x1  }
0xc0: {  	_ =	sfence.sel $0xFFFF  }
0xc1: {  	[dreg:$0x0] =	wrdreg $0xFFFFFFFF;
	(pc) =	sbr.abs _section_cstart, $3  }
0xc2: {  	[dreg:$0x1] =	wrdreg $0xFFFFFFFF  }
0xc3: {  	_ =	task.clear_ibuf [dreg:s8], $0x2FFFF;
	_ =	strace $0x9FFFFFFF  }
0xc4: {  	(tm) =	ssettm $0x7FFFFFFF  }
0xc5: {  	_ =	shalt  }
tec
execute0_lowered:
.L_overlay_start_1:
0x0: {  	(tag) =	ssettag $0x1  }
0x1: {  	s1 =	rddreg [dreg:$0x0]  }
0x2: {  	s0 =	rddreg [dreg:$0x1]  }
0x3: {  	s2 =	rddreg [dreg:$0x2];
	s3 =	simm.s32 $0x0  }
0x4: {  	s4 =	srdreg.scid;
	s6 =	stileid.u32;
	s28 =	simm.s32 $0x5A80  }
0x5: {  	s29 =	simm.s32 $0x6100;
	s30 =	simm.s32 $0x6780;
	s31 =	simm.s32 $0x0  }
0x6: {  	[smem:$0x7FF] =	sst s3;
	s5 =	sand.u32 $0x1, s4;
	s26 =	sshll.u32 s6, $0x1  }
0x7: {  	s9 =	sadd.s32 $0x3800, s1;
	s10 =	sadd.s32 $0x1E00, s1;
	s11 =	sadd.s32 $0x400, s1  }
0x8: {  	s4 =	sadd.s32 $0x200, s1;
	_ =	strace $0x80000047;
	s6 =	sor.u32 s5, s26  }
0x9: {  	s5 =	ssub.s32 $0x2, s5;
	s26 =	simm.s32 $0x1;
	s7 =	smul.u32 $0x620, s6  }
0xa: {  	p0 =	seq.s32 s6, $0x1F;
	s6 =	simm.s32 $0xFFFF42D0;
	s8 =	sshrl.u32 s5, $0x1  }
0xb: {  	s6 =	simm.s32 @!p0 $0x620;
	s25 =	ssub.s32 s5, s8;
	s7 =	smin.u32 s7, $0xBD30  }
0xc: {  	s25 =	smax.u32 s25, $0x1;
	s12 =	sshrl.u32 s7, $0x3;
	s7 =	sadd.s32 s6, s7  }
0xd: {  	s5 =	sadd.s32 s9, s12;
	s6 =	sadd.s32 s10, s12;
	s13 =	sshrl.u32 s7, $0x3  }
0xe: {  	s7 =	sadd.s32 s11, s12;
	s8 =	sadd.s32 s0, s12;
	s12 =	sadd.s32 s2, s12  }
0xf: {  	s9 =	sadd.s32 s9, s13;
	s10 =	sadd.s32 s10, s13;
	s11 =	sadd.s32 s11, s13  }
0x10: {  	s13 =	sadd.s32 s0, s13;
	s14 =	sadd.s32 $0x186A, s12;
	s15 =	sadd.s32 $0x30D4, s12  }
0x11: {  	s16 =	sadd.s32 $0x493E, s12;
	s17 =	sadd.s32 $0x61A8, s12;
	s18 =	sadd.s32 $0x7A12, s12  }
0x12: {  	s19 =	sadd.s32 $0x927C, s12;
	s20 =	sadd.s32 $0xAAE6, s12;
	s21 =	sadd.s32 $0xC350, s12  }
0x13: {  	s22 =	sadd.s32 $0xDBBA, s12;
	s23 =	sadd.s32 $0xF424, s12;
	s24 =	sadd.s32 $0x10C8E, s12  }
.LBB2_1:
0x14: {  	[tilespmem:s3], [sflag:$0x1] =	stream.linear.gather [hbm4b:s5+s3], $0x620, $0x38;
	[tilespmem:$0x6E00] =	vst v63  }
0x15: {  	_ =	swait.ge [sflag:s26], $0x620  }
0x16: {  	[sflag:s26] =	ssyncset.done $0x0  }
0x17: {  	s0 =	simm.s32 $0x680;
	[sflag:s26] =	ssyncadd.s32 $0xFFFFF9E0  }
0x18: {  	[tilespmem:s0], [sflag:$0x1] =	stream.linear.gather [hbm4b:s6+s3], $0x620, $0x38;
	[tilespmem:$0x6E00] =	vst v63  }
0x19: {  	_ =	swait.ge [sflag:s26], $0x620  }
0x1a: {  	[sflag:s26] =	ssyncset.done $0x0  }
0x1b: {  	s2 =	simm.s32 $0xD00;
	[sflag:s26] =	ssyncadd.s32 $0xFFFFF9E0  }
0x1c: {  	[tilespmem:s2], [sflag:$0x1] =	stream.linear.gather [hbm4b:s7+s3], $0x620, $0x38;
	[tilespmem:$0x6E00] =	vst v63  }
0x1d: {  	_ =	swait.ge [sflag:s26], $0x620  }
0x1e: {  	[sflag:s26] =	ssyncset.done $0x0  }
0x1f: {  	s2 =	simm.s32 $0x1380;
	[sflag:s26] =	ssyncadd.s32 $0xFFFFF9E0  }
0x20: {  	[tilespmem:s2], [sflag:$0x1] =	stream.linear.gather [hbm4b:s8+s3], $0x620, $0x38;
	[tilespmem:$0x6E00] =	vst v63  }
0x21: {  	_ =	swait.ge [sflag:s26], $0x620  }
0x22: {  	[sflag:s26] =	ssyncset.done $0x0  }
0x23: {  	s2 =	simm.s32 $0x620;
	[sflag:s26] =	ssyncadd.s32 $0xFFFFF9E0  }
0x24: {  	[tilespmem:s2], [sflag:$0x1] =	stream.linear.gather [hbm4b:s9+s3], $0x10, $0x38;
	[tilespmem:$0x6E00] =	vst v63  }
0x25: {  	_ =	swait.ge [sflag:s26], $0x10  }
0x26: {  	[sflag:s26] =	ssyncset.done $0x0  }
0x27: {  	s2 =	simm.s32 $0xCA0;
	[sflag:s26] =	ssyncadd.s32 $0xFFFFFFF0  }
0x28: {  	[tilespmem:s2], [sflag:$0x1] =	stream.linear.gather [hbm4b:s10+s3], $0x10, $0x38;
	[tilespmem:$0x6E00] =	vst v63  }
0x29: {  	_ =	swait.ge [sflag:s26], $0x10  }
0x2a: {  	[sflag:s26] =	ssyncset.done $0x0  }
0x2b: {  	s2 =	simm.s32 $0x1320;
	[sflag:s26] =	ssyncadd.s32 $0xFFFFFFF0  }
0x2c: {  	[tilespmem:s2], [sflag:$0x1] =	stream.linear.gather [hbm4b:s11+s3], $0x10, $0x38;
	[tilespmem:$0x6E00] =	vst v63  }
0x2d: {  	_ =	swait.ge [sflag:s26], $0x10  }
0x2e: {  	[sflag:s26] =	ssyncset.done $0x0  }
0x2f: {  	s2 =	simm.s32 $0x19A0;
	[sflag:s26] =	ssyncadd.s32 $0xFFFFFFF0  }
0x30: {  	[tilespmem:s2], [sflag:$0x1] =	stream.linear.gather [hbm4b:s13+s3], $0x10, $0x38;
	[tilespmem:$0x6E00] =	vst v63  }
0x31: {  	_ =	swait.ge [sflag:s26], $0x10  }
0x32: {  	[sflag:s26] =	ssyncset.done $0x0  }
0x33: {  	s2 =	simm.s32 $0x1A00;
	[sflag:s26] =	ssyncadd.s32 $0xFFFFFFF0  }
0x34: {  	[tilespmem:s2], [sflag:$0x1] =	stream.linear.gather [hbm4b:s4+s3], $0x280, $0x38;
	[tilespmem:$0x6E00] =	vst v63  }
0x35: {  	_ =	swait.ge [sflag:s26], $0x280  }
0x36: {  	[sflag:s26] =	ssyncset.done $0x0  }
0x37: {  	s2 =	simm.s32 $0x1C80;
	[sflag:s26] =	ssyncadd.s32 $0xFFFFFD80  }
0x38: {  	[tilespmem:s2], [sflag:$0x1] =	stream.linear.gather [hbm4b:s1+s3], $0x280, $0x38;
	[tilespmem:$0x6E00] =	vst v63  }
0x39: {  	_ =	swait.ge [sflag:s26], $0x280  }
0x3a: {  	[sflag:s26] =	ssyncset.done $0x0  }
0x3b: {  	[sflag:s26] =	ssyncadd.s32 $0xFFFFFD80  }
0x3c: {  	v0 =	vld [tilespmem:$0x1C80]  }
0x3d: {  	v1 =	vld [tilespmem:$0x1C90]  }
0x3e: {  	v2 =	vld [tilespmem:$0x1CA0]  }
0x3f: {  	v3 =	vld [tilespmem:$0x1CB0]  }
0x40: {  	v4 =	vld [tilespmem:$0x1CC0]  }
0x41: {  	v5 =	vld [tilespmem:$0x1CD0]  }
0x42: {  	v6 =	vld [tilespmem:$0x1CE0]  }
0x43: {  	v7 =	vld [tilespmem:$0x1CF0]  }
0x44: {  	v8 =	vld [tilespmem:$0x1D00]  }
0x45: {  	v9 =	vld [tilespmem:$0x1D10]  }
0x46: {  	v10 =	vld [tilespmem:$0x1D20]  }
0x47: {  	v11 =	vld [tilespmem:$0x1D30]  }
0x48: {  	v12 =	vld [tilespmem:$0x1D40]  }
0x49: {  	v13 =	vld [tilespmem:$0x1D50]  }
0x4a: {  	v14 =	vld [tilespmem:$0x1D60]  }
0x4b: {  	v15 =	vld [tilespmem:$0x1D70]  }
0x4c: {  	v16 =	vld [tilespmem:$0x1D80]  }
0x4d: {  	v17 =	vld [tilespmem:$0x1D90]  }
0x4e: {  	v18 =	vld [tilespmem:$0x1DA0]  }
0x4f: {  	v19 =	vld [tilespmem:$0x1DB0]  }
0x50: {  	v20 =	vld [tilespmem:$0x1DC0]  }
0x51: {  	v21 =	vld [tilespmem:$0x1DD0]  }
0x52: {  	v22 =	vld [tilespmem:$0x1DE0]  }
0x53: {  	v23 =	vld [tilespmem:$0x1DF0]  }
0x54: {  	v38 =	vld [tilespmem:$0x1E30]  }
0x55: {  	v39 =	vld [tilespmem:$0x1E40]  }
0x56: {  	v43 =	vld [tilespmem:$0x1E60]  }
0x57: {  	v45 =	vld [tilespmem:$0x1E70];
	v0 =	vadd.f32 v1, v0  }
0x58: {  	v41 =	vld [tilespmem:$0x1E50];
	v3 =	vadd.f32 v4, v3  }
0x59: {  	v53 =	vld [tilespmem:$0x1E80];
	v40 =	vadd.f32 v7, v6;
	v0 =	vadd.f32 v2, v0  }
0x5a: {  	v24 =	vld [tilespmem:$0x1E00];
	v42 =	vadd.f32 v10, v9;
	v3 =	vadd.f32 v5, v3  }
0x5b: {  	v25 =	vld [tilespmem:$0x1E10];
	v1 =	vadd.f32 v39, v38;
	v2 =	vadd.f32 v8, v40;
	v0 =	vmul.f32 $6.250000000e-02, v0  }
0x5c: {  	v47 =	vld [tilespmem:$0x1E90];
	v59 =	vadd.f32 v45, v43;
	v5 =	vadd.f32 v11, v42;
	v3 =	vmul.f32 $6.250000000e-02, v3  }
0x5d: {  	v50 =	vld [tilespmem:$0x1EA0];
	v44 =	vadd.f32 v13, v12;
	v1 =	vadd.f32 v41, v1;
	v2 =	vmul.f32 $6.250000000e-02, v2;
	[tilespmem:$0x1F00] =	vst v0  }
0x5e: {  	v26 =	vld [tilespmem:$0x1E20];
	v46 =	vadd.f32 v16, v15;
	v61 =	vadd.f32 v53, v59;
	v5 =	vmul.f32 $6.250000000e-02, v5;
	[tilespmem:$0x1F10] =	vst v3  }
0x5f: {  	v56 =	vld [tilespmem:$0x1EB0];
	v49 =	vadd.f32 v19, v18;
	v48 =	vadd.f32 v14, v44;
	v1 =	vmul.f32 $6.250000000e-02, v1;
	[tilespmem:$0x1F20] =	vst v2  }
0x60: {  	v52 =	vadd.f32 v22, v21;
	v51 =	vadd.f32 v17, v46;
	v62 =	vmul.f32 $6.250000000e-02, v61;
	[tilespmem:$0x1F30] =	vst v5  }
0x61: {  	v55 =	vadd.f32 v25, v24;
	v54 =	vadd.f32 v20, v49;
	v0 =	vmul.f32 $6.250000000e-02, v48;
	[tilespmem:$0x1F90] =	vst v1  }
0x62: {  	v60 =	vadd.f32 v50, v47;
	v57 =	vadd.f32 v23, v52;
	v3 =	vmul.f32 $6.250000000e-02, v51;
	[tilespmem:$0x1FA0] =	vst v62  }
0x63: {  	v58 =	vadd.f32 v26, v55;
	v2 =	vmul.f32 $6.250000000e-02, v54;
	[tilespmem:$0x1F40] =	vst v0  }
0x64: {  	v5 =	vmul.f32 $6.250000000e-02, v57;
	[tilespmem:$0x1F50] =	vst v3;
	v3 =	vadd.f32 v56, v60  }
0x65: {  	[tilespmem:$0x1F60] =	vst v2;
	v0 =	vmul.f32 $6.250000000e-02, v58  }
0x66: {  	[tilespmem:$0x1F70] =	vst v5;
	v63 =	vmul.f32 $6.250000000e-02, v3  }
0x67: {  	[tilespmem:$0x1F80] =	vst v0  }
0x68: {  	s0 =	simm.s32 $0x0;
	[tilespmem:$0x1FB0] =	vst v63  }
.LBB2_2:
0x69: {  	s2 =	sshra.s32 s0, $0x2  }
0x6a: {  	v2 =	vld [tilespmem:s2+$0x0]  }
0x6b: {  	v1 =	vld [tilespmem:s2+$0x680]  }
0x6c: {  	v3 =	vld [tilespmem:s2+$0x1]  }
0x6d: {  	v4 =	vld [tilespmem:s2+$0x681]  }
0x6e: {  	v0 =	vld [tilespmem:s2+$0xD00]  }
0x6f: {  	v5 =	vld [tilespmem:s2+$0xD01];
	_ =	sdelay $0x2  }
0x70: {  	v8 =	vsub.f32 v3, v2;
	v9 =	vsub.f32 v4, v1;
	_ =	sdelay $0x1  }
0x71: {  	v10 =	vsub.f32 v5, v0;
	v3 =	vmul.f32 v8, v8;
	v4 =	vmul.f32 v9, v9;
	_ =	sdelay $0x1  }
0x72: {  	v59 =	vmul.f32 v10, v10;
	v3 =	vadd.f32 v4, v3;
	_ =	sdelay $0x1  }
0x73: {  	v3 =	vadd.f32 v59, v3;
	_ =	sdelay $0x1  }
0x74: {  	v4 =	vshrl.u32 v3, $0x1;
	v60 =	vmul.f32 $5.000000000e-01, v3  }
0x75: {  	v4 =	vsub.s32 $0x5F3759DF, v4  }
0x76: {  	v6 =	vmul.f32 v4, v60;
	_ =	sdelay $0x1  }
0x77: {  	v6 =	vmul.f32 v4, v6;
	_ =	sdelay $0x1  }
0x78: {  	v6 =	vsub.f32 $1.500000000e+00, v6;
	_ =	sdelay $0x1  }
0x79: {  	v4 =	vmul.f32 v4, v6;
	_ =	sdelay $0x1  }
0x7a: {  	v5 =	vmul.f32 v4, v60  }
0x7b: {  	v61 =	vld [tilespmem:s2+$0x2]  }
0x7c: {  	v11 =	vld [tilespmem:s2+$0x682];
	v5 =	vmul.f32 v5, v4;
	_ =	sdelay $0x1  }
0x7d: {  	v62 =	vld [tilespmem:s2+$0xD02];
	v5 =	vsub.f32 $1.500000000e+00, v5;
	_ =	sdelay $0x1  }
0x7e: {  	v12 =	vmul.f32 v5, v4  }
0x7f: {  	v7 =	vsub.f32 v61, v2;
	v63 =	vsub.f32 v11, v1  }
0x80: {  	v3 =	vmul.f32 v12, v3  }
0x81: {  	v13 =	vsub.f32 v62, v0;
	v30 =	vmul.f32 v7, v7;
	v31 =	vmul.f32 v63, v63  }
0x82: {  	v3 =	vmul.f32 $5.235987900e-01, v3  }
0x83: {  	v33 =	vmul.f32 v13, v13;
	v4 =	vadd.f32 v31, v30  }
0x84: {  	v32 =	vmul.f32 $1.591549370e-01, v3  }
0x85: {  	v4 =	vadd.f32 v33, v4  }
0x86: {  	v11 =	vadd.f32 $5.000000000e-01, v32  }
0x87: {  	v35 =	vshrl.u32 v4, $0x1;
	v14 =	vmul.f32 $5.000000000e-01, v4  }
0x88: {  	v34 =	vtrunc.f32 v11;
	v11 =	vsub.s32 $0x5F3759DF, v35  }
0x89: {  	v5 =	vcvt.f32.s32 v34;
	v15 =	vmul.f32 v11, v14;
	_ =	sdelay $0x1  }
0x8a: {  	v5 =	vcvt.s32.f32 v5;
	v15 =	vmul.f32 v11, v15;
	_ =	sdelay $0x1  }
0x8b: {  	v16 =	vmul.f32 $6.281250000e+00, v5;
	v15 =	vsub.f32 $1.500000000e+00, v15;
	_ =	sdelay $0x1  }
0x8c: {  	v5 =	vmul.f32 $1.935307170e-03, v5;
	v3 =	vsub.f32 v3, v16;
	v11 =	vmul.f32 v11, v15;
	_ =	sdelay $0x1  }
0x8d: {  	v3 =	vsub.f32 v3, v5;
	v36 =	vmul.f32 v11, v14;
	_ =	sdelay $0x1  }
0x8e: {  	v37 =	vmul.f32 v3, v3;
	v38 =	vmul.f32 v36, v11;
	_ =	sdelay $0x1  }
0x8f: {  	v39 =	vmul.f32 $2.206368920e-07, v37;
	v3 =	vsub.f32 $1.500000000e+00, v38;
	_ =	sdelay $0x1  }
0x90: {  	v5 =	vsub.f32 $2.422656870e-05, v39;
	v15 =	vmul.f32 v3, v11;
	_ =	sdelay $0x1  }
0x91: {  	v40 =	vmul.f32 v5, v37;
	v4 =	vmul.f32 v15, v4;
	_ =	sdelay $0x1  }
0x92: {  	v43 =	vld [tilespmem:s2+$0x683];
	v3 =	vadd.f32 $-1.386099030e-03, v40;
	v41 =	vmul.f32 $5.235987900e-01, v4  }
0x93: {  	v42 =	vld [tilespmem:s2+$0x3]  }
0x94: {  	v3 =	vmul.f32 v3, v37;
	v44 =	vmul.f32 $1.591549370e-01, v41  }
0x95: {  	v17 =	vld [tilespmem:s2+$0xD03]  }
0x96: {  	v3 =	vadd.f32 $4.166064780e-02, v3;
	v5 =	vadd.f32 $5.000000000e-01, v44  }
0x97: {  	v4 =	vsub.f32 v43, v1  }
0x98: {  	v49 =	vld [tilespmem:s2+$0x1381];
	v3 =	vmul.f32 v3, v37;
	v18 =	vtrunc.f32 v5;
	v5 =	vsub.f32 v42, v2  }
0x99: {  	v19 =	vmul.f32 v4, v4;
	v18 =	vcvt.f32.s32 v18  }
0x9a: {  	v45 =	vadd.f32 $-4.999955300e-01, v3;
	v3 =	vsub.f32 v17, v0;
	v46 =	vmul.f32 v5, v5  }
0x9b: {  	v8 =	vmul.f32 v12, v8;
	v18 =	vcvt.s32.f32 v18  }
0x9c: {  	v14 =	vmul.f32 v45, v37;
	v47 =	vadd.f32 v19, v46;
	v48 =	vmul.f32 v3, v3  }
0x9d: {  	vm0 =	veq.s32 v49, $0x0;
	v54 =	vmul.f32 v12, v9;
	v20 =	vmul.f32 $6.281250000e+00, v18  }
0x9e: {  	v10 =	vmul.f32 v12, v10;
	v14 =	vadd.f32 $1.999999640e+00, v14;
	v16 =	vadd.f32 v48, v47  }
0x9f: {  	v13 =	vmul.f32 v15, v13;
	v50 =	vmul.f32 $1.935307170e-03, v18;
	v11 =	vsub.f32 v41, v20  }
0xa0: {  	v14 =	vmul.f32 v14, v14;
	v51 =	vshrl.u32 v16, $0x1;
	v52 =	vmul.f32 $5.000000000e-01, v16  }
0xa1: {  	v46 =	vmul.f32 v15, v7;
	v11 =	vsub.f32 v11, v50;
	v53 =	vsub.s32 $0x5F3759DF, v51  }
0xa2: {  	v15 =	vmul.f32 v15, v63;
	v55 =	vmul.f32 v53, v52;
	v12 =	vnsel vm0, $0x0, v14  }
0xa3: {  	vm5 =	veq.s32 v49, $0x1;
	v11 =	vmul.f32 v11, v11;
	v21 =	vmul.f32 v12, v54  }
0xa4: {  	vm6 =	veq.s32 v49, $0x2;
	v22 =	vmul.f32 v12, v10;
	v24 =	vmul.f32 v12, v8  }
0xa5: {  	v30 =	vnsel vm5, $0x0, v14;
	v9 =	vmul.f32 v53, v55;
	v23 =	vmul.f32 $2.206368920e-07, v11  }
0xa6: {  	v14 =	vnsel vm6, $0x0, v14;
	v31 =	vmul.f32 v30, v10;
	v32 =	vmul.f32 v30, v54  }
0xa7: {  	v33 =	vmul.f32 v30, v8;
	v9 =	vsub.f32 $1.500000000e+00, v9;
	v23 =	vsub.f32 $2.422656870e-05, v23  }
0xa8: {  	v38 =	vmul.f32 v14, v8;
	v39 =	vmul.f32 v14, v10  }
0xa9: {  	v9 =	vmul.f32 v53, v9;
	v23 =	vmul.f32 v23, v11  }
0xaa: {  	v40 =	vmul.f32 v14, v54;
	v25 =	vmul.f32 v22, v10  }
0xab: {  	v26 =	vmul.f32 v21, v10;
	v20 =	vmul.f32 v9, v52;
	v23 =	vadd.f32 $-1.386099030e-03, v23  }
0xac: {  	v27 =	vmul.f32 v21, v54;
	v17 =	vmul.f32 v24, v10  }
0xad: {  	v20 =	vmul.f32 v20, v9;
	v23 =	vmul.f32 v23, v11  }
0xae: {  	v28 =	vmul.f32 v24, v54;
	v29 =	vmul.f32 v24, v8  }
0xaf: {  	v47 =	vld [tilespmem:s2+$0x684];
	v34 =	vmul.f32 v31, v10;
	v20 =	vsub.f32 $1.500000000e+00, v20;
	v23 =	vadd.f32 $4.166064780e-02, v23  }
0xb0: {  	v35 =	vmul.f32 v32, v10;
	v36 =	vmul.f32 v32, v54  }
0xb1: {  	v9 =	vmul.f32 v20, v9;
	v56 =	vmul.f32 v23, v11  }
0xb2: {  	v59 =	vld [tilespmem:s2+$0x4];
	v37 =	vmul.f32 v33, v10;
	v41 =	vmul.f32 v39, v10  }
0xb3: {  	v62 =	vld [tilespmem:s2+$0xD04];
	v42 =	vmul.f32 v40, v10;
	v16 =	vmul.f32 v9, v16;
	v19 =	vadd.f32 $-4.999955300e-01, v56  }
0xb4: {  	v6 =	vsub.f32 v47, v1;
	v44 =	vmul.f32 v40, v54;
	v45 =	vmul.f32 v38, v10  }
0xb5: {  	v16 =	vmul.f32 $5.235987900e-01, v16;
	v11 =	vmul.f32 v19, v11;
	v19 =	vld [tilespmem:s2+$0x1382]  }
0xb6: {  	v18 =	vmul.f32 v38, v54;
	v55 =	vmul.f32 v6, v6  }
0xb7: {  	v7 =	vsub.f32 v59, v2;
	v23 =	vmul.f32 v33, v8;
	v43 =	vmul.f32 $1.591549370e-01, v16  }
0xb8: {  	v57 =	vadd.f32 $1.999999640e+00, v11;
	v11 =	vmul.f32 v38, v8;
	v8 =	vsub.f32 v62, v0  }
0xb9: {  	v20 =	vmul.f32 v33, v54;
	v54 =	vmul.f32 v7, v7;
	v58 =	vadd.f32 $5.000000000e-01, v43  }
0xba: {  	v10 =	vmul.f32 v57, v57;
	v59 =	vmul.f32 v8, v8;
	vm7 =	veq.s32 v19, $0x0  }
0xbb: {  	v60 =	vtrunc.f32 v58;
	v58 =	vadd.f32 v55, v54;
	vm8 =	veq.s32 v19, $0x1  }
0xbc: {  	vm9 =	veq.s32 v19, $0x2;
	v48 =	vnsel vm7, $0x0, v10;
	v61 =	vcvt.f32.s32 v60  }
0xbd: {  	v19 =	vnsel vm9, $0x0, v10;
	v50 =	vmul.f32 v48, v13;
	v51 =	vmul.f32 v48, v15  }
0xbe: {  	v49 =	vmul.f32 v48, v46;
	v12 =	vadd.f32 v48, v12;
	v52 =	vcvt.s32.f32 v61  }
0xbf: {  	v47 =	vadd.f32 v59, v58;
	v53 =	vmul.f32 v50, v13;
	v43 =	vmul.f32 v51, v13  }
0xc0: {  	v14 =	vadd.f32 v19, v14;
	v48 =	vmul.f32 v51, v15;
	v63 =	vmul.f32 $6.281250000e+00, v52  }
0xc1: {  	v60 =	vmul.f32 v49, v13;
	v22 =	vadd.f32 v50, v22;
	v21 =	vadd.f32 v51, v21  }
0xc2: {  	v61 =	vmul.f32 v49, v15;
	v57 =	vmul.f32 $1.935307170e-03, v52;
	v16 =	vsub.f32 v16, v63  }
0xc3: {  	v62 =	vmul.f32 v49, v46;
	v24 =	vadd.f32 v49, v24;
	v50 =	vmul.f32 v19, v13  }
0xc4: {  	v52 =	vmul.f32 $5.000000000e-01, v47;
	v25 =	vadd.f32 v53, v25;
	v16 =	vsub.f32 v16, v57  }
0xc5: {  	v26 =	vadd.f32 v43, v26;
	v27 =	vadd.f32 v48, v27;
	v63 =	vshrl.u32 v47, $0x1  }
0xc6: {  	v17 =	vadd.f32 v60, v17;
	v43 =	vsub.s32 $0x5F3759DF, v63;
	v16 =	vmul.f32 v16, v16  }
0xc7: {  	v28 =	vadd.f32 v61, v28;
	v49 =	vmul.f32 v43, v52;
	v57 =	vnsel vm8, $0x0, v10  }
0xc8: {  	v29 =	vadd.f32 v62, v29;
	v58 =	vmul.f32 v57, v13;
	v56 =	vmul.f32 $2.206368920e-07, v16  }
0xc9: {  	v59 =	vmul.f32 v57, v46;
	v60 =	vmul.f32 v57, v15;
	v30 =	vadd.f32 v57, v30  }
0xca: {  	v49 =	vmul.f32 v43, v49;
	v61 =	vmul.f32 v58, v13;
	v48 =	vsub.f32 $2.422656870e-05, v56  }
0xcb: {  	v62 =	vmul.f32 v60, v13;
	v31 =	vadd.f32 v58, v31;
	v63 =	vmul.f32 v60, v15  }
0xcc: {  	v57 =	vmul.f32 v59, v13;
	v49 =	vsub.f32 $1.500000000e+00, v49;
	v48 =	vmul.f32 v48, v16  }
0xcd: {  	v32 =	vadd.f32 v60, v32;
	v54 =	vmul.f32 v59, v15;
	v33 =	vadd.f32 v59, v33  }
0xce: {  	v51 =	vmul.f32 v59, v46;
	v43 =	vmul.f32 v43, v49;
	v48 =	vadd.f32 $-1.386099030e-03, v48  }
0xcf: {  	v60 =	vmul.f32 v19, v15;
	v34 =	vadd.f32 v61, v34;
	v35 =	vadd.f32 v62, v35  }
0xd0: {  	v36 =	vadd.f32 v63, v36;
	v52 =	vmul.f32 v43, v52;
	v48 =	vmul.f32 v48, v16  }
0xd1: {  	v37 =	vadd.f32 v57, v37;
	v61 =	vmul.f32 v19, v46;
	v62 =	vmul.f32 v50, v13  }
0xd2: {  	v63 =	vmul.f32 v60, v13;
	v59 =	vmul.f32 v52, v43;
	v58 =	vadd.f32 $4.166064780e-02, v48  }
0xd3: {  	v20 =	vadd.f32 v54, v20;
	v54 =	vmul.f32 v60, v15;
	v23 =	vadd.f32 v51, v23  }
0xd4: {  	v19 =	vadd.f32 v50, v39;
	v48 =	vsub.f32 $1.500000000e+00, v59;
	v10 =	vmul.f32 v58, v16  }
0xd5: {  	v39 =	vadd.f32 v60, v40;
	v57 =	vld [tilespmem:s2+$0x5];
	v13 =	vmul.f32 v61, v13;
	v15 =	vmul.f32 v61, v15  }
0xd6: {  	v38 =	vadd.f32 v61, v38;
	v58 =	vld [tilespmem:s2+$0x685];
	v56 =	vadd.f32 $-4.999955300e-01, v10;
	v10 =	vmul.f32 v48, v43  }
0xd7: {  	v46 =	vmul.f32 v61, v46;
	v41 =	vadd.f32 v62, v41;
	v42 =	vadd.f32 v63, v42  }
0xd8: {  	v13 =	vadd.f32 v13, v45;
	v48 =	vld [tilespmem:s2+$0x1383];
	v16 =	vmul.f32 v56, v16;
	v47 =	vmul.f32 v10, v47  }
0xd9: {  	v45 =	vmul.f32 v9, v3;
	v15 =	vadd.f32 v15, v18;
	v52 =	vmul.f32 v9, v4  }
0xda: {  	v43 =	vadd.f32 v54, v44;
	v16 =	vadd.f32 $1.999999640e+00, v16;
	v40 =	vmul.f32 $5.235987900e-01, v47  }
0xdb: {  	v44 =	vmul.f32 v9, v5;
	v5 =	vsub.f32 v57, v2;
	v3 =	vsub.f32 v58, v1  }
0xdc: {  	v11 =	vadd.f32 v46, v11;
	v16 =	vmul.f32 v16, v16;
	v59 =	vmul.f32 $1.591549370e-01, v40  }
0xdd: {  	v60 =	vld [tilespmem:s2+$0xD05];
	v55 =	vmul.f32 v5, v5;
	vm10 =	veq.s32 v48, $0x0;
	v56 =	vmul.f32 v3, v3  }
0xde: {  	vm11 =	veq.s32 v48, $0x1;
	v61 =	vnsel vm10, $0x0, v16;
	v62 =	vadd.f32 $5.000000000e-01, v59  }
0xdf: {  	vm12 =	veq.s32 v48, $0x2;
	v9 =	vmul.f32 v61, v44;
	v63 =	vmul.f32 v61, v45  }
0xe0: {  	v49 =	vadd.f32 v56, v55;
	v57 =	vmul.f32 v61, v52;
	v4 =	vtrunc.f32 v62  }
0xe1: {  	v12 =	vadd.f32 v61, v12;
	v54 =	vcvt.f32.s32 v4;
	v51 =	vmul.f32 v63, v45  }
0xe2: {  	v4 =	vsub.f32 v60, v0;
	v60 =	vmul.f32 v57, v52;
	v61 =	vmul.f32 v9, v45  }
0xe3: {  	v18 =	vadd.f32 v63, v22;
	v21 =	vadd.f32 v57, v21;
	v47 =	vcvt.s32.f32 v54  }
0xe4: {  	v24 =	vadd.f32 v9, v24;
	v58 =	vmul.f32 v4, v4;
	v54 =	vmul.f32 v57, v45  }
0xe5: {  	v25 =	vadd.f32 v51, v25;
	v27 =	vadd.f32 v60, v27;
	v59 =	vmul.f32 $6.281250000e+00, v47  }
0xe6: {  	v57 =	vmul.f32 v9, v52;
	v17 =	vadd.f32 v61, v17;
	v49 =	vadd.f32 v58, v49  }
0xe7: {  	v60 =	vnsel vm11, $0x0, v16;
	v63 =	vmul.f32 $1.935307170e-03, v47;
	v62 =	vsub.f32 v40, v59  }
0xe8: {  	v16 =	vnsel vm12, $0x0, v16;
	v56 =	vshrl.u32 v49, $0x1;
	v47 =	vmul.f32 $5.000000000e-01, v49  }
0xe9: {  	v30 =	vadd.f32 v60, v30;
	v40 =	vsub.s32 $0x5F3759DF, v56;
	v22 =	vsub.f32 v62, v63  }
0xea: {  	v14 =	vadd.f32 v16, v14;
	v58 =	vmul.f32 v9, v44;
	v59 =	vmul.f32 v40, v47  }
0xeb: {  	v26 =	vadd.f32 v54, v26;
	v54 =	vmul.f32 v60, v44;
	v22 =	vmul.f32 v22, v22  }
0xec: {  	v28 =	vadd.f32 v57, v28;
	v62 =	vmul.f32 v60, v45;
	v9 =	vmul.f32 v40, v59  }
0xed: {  	v29 =	vadd.f32 v58, v29;
	v63 =	vmul.f32 v60, v52;
	v61 =	vmul.f32 $2.206368920e-07, v22  }
0xee: {  	v48 =	vmul.f32 v10, v7;
	v33 =	vadd.f32 v54, v33;
	v9 =	vsub.f32 $1.500000000e+00, v9  }
0xef: {  	v57 =	vmul.f32 v62, v45;
	v58 =	vmul.f32 v63, v45;
	v51 =	vsub.f32 $2.422656870e-05, v61  }
0xf0: {  	v60 =	vmul.f32 v63, v52;
	v31 =	vadd.f32 v62, v31;
	v9 =	vmul.f32 v40, v9  }
0xf1: {  	v32 =	vadd.f32 v63, v32;
	v62 =	vmul.f32 v54, v52;
	v59 =	vmul.f32 v51, v22  }
0xf2: {  	v34 =	vadd.f32 v57, v34;
	v57 =	vmul.f32 v16, v44;
	v47 =	vmul.f32 v9, v47  }
0xf3: {  	v36 =	vadd.f32 v60, v36;
	v60 =	vmul.f32 v16, v52;
	v50 =	vadd.f32 $-1.386099030e-03, v59  }
0xf4: {  	v35 =	vadd.f32 v58, v35;
	v61 =	vmul.f32 v54, v45;
	v47 =	vmul.f32 v47, v9  }
0xf5: {  	v20 =	vadd.f32 v62, v20;
	v54 =	vmul.f32 v54, v44;
	v63 =	vmul.f32 v50, v22  }
0xf6: {  	v62 =	vmul.f32 v60, v45;
	v39 =	vadd.f32 v60, v39;
	v56 =	vsub.f32 $1.500000000e+00, v47  }
0xf7: {  	v38 =	vadd.f32 v57, v38;
	v40 =	vmul.f32 v57, v44;
	v58 =	vadd.f32 $4.166064780e-02, v63  }
0xf8: {  	v37 =	vadd.f32 v61, v37;
	v42 =	vadd.f32 v62, v42;
	v62 =	vld [tilespmem:s2+$0x6];
	v9 =	vmul.f32 v56, v9  }
0xf9: {  	v23 =	vadd.f32 v54, v23;
	v59 =	vmul.f32 v16, v45;
	v47 =	vmul.f32 v58, v22  }
0xfa: {  	v11 =	vadd.f32 v40, v11;
	v63 =	vmul.f32 v60, v52;
	v49 =	vmul.f32 v9, v49  }
0xfb: {  	v61 =	vmul.f32 v59, v45;
	v45 =	vmul.f32 v57, v45;
	v60 =	vld [tilespmem:s2+$0xD06];
	v47 =	vadd.f32 $-4.999955300e-01, v47  }
0xfc: {  	v16 =	vadd.f32 v59, v19;
	v43 =	vadd.f32 v63, v43;
	v63 =	vld [tilespmem:s2+$0x686];
	v49 =	vmul.f32 $5.235987900e-01, v49  }
0xfd: {  	v7 =	vsub.f32 v62, v2;
	v56 =	vmul.f32 v57, v52;
	v54 =	vmul.f32 v47, v22;
	v22 =	vld [tilespmem:s2+$0x1384]  }
0xfe: {  	v41 =	vadd.f32 v61, v41;
	v13 =	vadd.f32 v45, v13;
	v55 =	vmul.f32 $1.591549370e-01, v49  }
0xff: {  	v44 =	vmul.f32 v10, v6;
	v15 =	vadd.f32 v56, v15;
	v19 =	vadd.f32 $1.999999640e+00, v54  }
0x100: {  	v51 =	vmul.f32 v10, v8;
	v8 =	vsub.f32 v60, v0;
	v61 =	vadd.f32 $5.000000000e-01, v55  }
0x101: {  	v6 =	vsub.f32 v63, v1;
	v63 =	vmul.f32 v7, v7;
	v19 =	vmul.f32 v19, v19  }
0x102: {  	v60 =	vmul.f32 v8, v8;
	v57 =	vtrunc.f32 v61;
	vm13 =	veq.s32 v22, $0x0  }
0x103: {  	v59 =	vcvt.f32.s32 v57;
	v57 =	vmul.f32 v6, v6;
	v58 =	vnsel vm13, $0x0, v19  }
0x104: {  	vm14 =	veq.s32 v22, $0x1;
	v52 =	vmul.f32 v58, v51;
	v47 =	vmul.f32 v58, v44  }
0x105: {  	vm15 =	veq.s32 v22, $0x2;
	v45 =	vmul.f32 v58, v48;
	v61 =	vcvt.s32.f32 v59  }
0x106: {  	v12 =	vadd.f32 v58, v12;
	v54 =	vmul.f32 v52, v51;
	v40 =	vmul.f32 v47, v51  }
0x107: {  	v50 =	vadd.f32 v57, v63;
	v62 =	vmul.f32 $6.281250000e+00, v61;
	v58 =	vmul.f32 v47, v44  }
0x108: {  	v59 =	vmul.f32 $1.935307170e-03, v61;
	v18 =	vadd.f32 v52, v18;
	v21 =	vadd.f32 v47, v21  }
0x109: {  	v61 =	vmul.f32 v45, v51;
	v24 =	vadd.f32 v45, v24;
	v46 =	vsub.f32 v49, v62  }
0x10a: {  	v63 =	vmul.f32 v45, v48;
	v49 =	vadd.f32 v60, v50;
	v25 =	vadd.f32 v54, v25  }
0x10b: {  	v62 =	vmul.f32 v45, v44;
	v26 =	vadd.f32 v40, v26;
	v27 =	vadd.f32 v58, v27  }
0x10c: {  	v17 =	vadd.f32 v61, v17;
	v58 =	vnsel vm14, $0x0, v19;
	v46 =	vsub.f32 v46, v59  }
0x10d: {  	v29 =	vadd.f32 v63, v29;
	v56 =	vshrl.u32 v49, $0x1;
	v52 =	vmul.f32 $5.000000000e-01, v49  }
0x10e: {  	v60 =	vmul.f32 v58, v48;
	v10 =	vsub.s32 $0x5F3759DF, v56;
	v45 =	vmul.f32 v46, v46  }
0x10f: {  	v19 =	vnsel vm15, $0x0, v19;
	v61 =	vmul.f32 v58, v44;
	v46 =	vmul.f32 v10, v52  }
0x110: {  	v30 =	vadd.f32 v58, v30;
	v14 =	vadd.f32 v19, v14;
	v57 =	vmul.f32 $2.206368920e-07, v45  }
0x111: {  	v28 =	vadd.f32 v62, v28;
	v59 =	vmul.f32 v58, v51;
	v46 =	vmul.f32 v10, v46  }
0x112: {  	v63 =	vmul.f32 v61, v51;
	v58 =	vmul.f32 v60, v51;
	v40 =	vsub.f32 $2.422656870e-05, v57  }
0x113: {  	v32 =	vadd.f32 v61, v32;
	v54 =	vmul.f32 v60, v44;
	v46 =	vsub.f32 $1.500000000e+00, v46  }
0x114: {  	v33 =	vadd.f32 v60, v33;
	v50 =	vmul.f32 v60, v48;
	v40 =	vmul.f32 v40, v45  }
0x115: {  	v62 =	vmul.f32 v59, v51;
	v31 =	vadd.f32 v59, v31;
	v10 =	vmul.f32 v10, v46  }
0x116: {  	v35 =	vadd.f32 v63, v35;
	v63 =	vmul.f32 v19, v48;
	v40 =	vadd.f32 $-1.386099030e-03, v40  }
0x117: {  	v37 =	vadd.f32 v58, v37;
	v57 =	vmul.f32 v61, v44;
	v52 =	vmul.f32 v10, v52  }
0x118: {  	v20 =	vadd.f32 v54, v20;
	v61 =	vmul.f32 v19, v51;
	v40 =	vmul.f32 v40, v45  }
0x119: {  	v23 =	vadd.f32 v50, v23;
	v36 =	vadd.f32 v57, v36;
	v60 =	vmul.f32 v52, v10  }
0x11a: {  	v57 =	vmul.f32 v61, v51;
	v16 =	vadd.f32 v61, v16;
	v61 =	vld [tilespmem:s2+$0x687];
	v59 =	vadd.f32 $4.166064780e-02, v40  }
0x11b: {  	v34 =	vadd.f32 v62, v34;
	v62 =	vmul.f32 v19, v44;
	v40 =	vsub.f32 $1.500000000e+00, v60  }
0x11c: {  	v48 =	vmul.f32 v63, v48;
	v38 =	vadd.f32 v63, v38;
	v22 =	vmul.f32 v59, v45  }
0x11d: {  	v58 =	vmul.f32 v62, v51;
	v19 =	vadd.f32 v62, v39;
	v60 =	vld [tilespmem:s2+$0x7];
	v10 =	vmul.f32 v40, v10  }
0x11e: {  	v11 =	vadd.f32 v48, v11;
	v52 =	vmul.f32 v9, v3;
	v22 =	vadd.f32 $-4.999955300e-01, v22  }
0x11f: {  	v3 =	vsub.f32 v61, v1;
	v59 =	vmul.f32 v62, v44;
	v49 =	vmul.f32 v10, v49  }
0x120: {  	v51 =	vmul.f32 v63, v51;
	v42 =	vadd.f32 v58, v42;
	v62 =	vld [tilespmem:s2+$0xD07];
	v22 =	vmul.f32 v22, v45  }
0x121: {  	v58 =	vmul.f32 v3, v3;
	v40 =	vadd.f32 v59, v43;
	v45 =	vld [tilespmem:s2+$0x1385];
	v39 =	vmul.f32 $5.235987900e-01, v49  }
0x122: {  	v43 =	vmul.f32 v9, v5;
	v5 =	vsub.f32 v60, v2;
	v22 =	vadd.f32 $1.999999640e+00, v22  }
0x123: {  	v41 =	vadd.f32 v57, v41;
	v44 =	vmul.f32 v63, v44;
	v49 =	vmul.f32 $1.591549370e-01, v39  }
0x124: {  	v13 =	vadd.f32 v51, v13;
	v47 =	vmul.f32 v5, v5;
	v22 =	vmul.f32 v22, v22  }
0x125: {  	v55 =	vadd.f32 $5.000000000e-01, v49;
	v49 =	vmul.f32 v9, v4;
	v4 =	vsub.f32 v62, v0  }
0x126: {  	v15 =	vadd.f32 v44, v15;
	v47 =	vadd.f32 v58, v47;
	vm4 =	veq.s32 v45, $0x0  }
0x127: {  	v63 =	vnsel vm4, $0x0, v22;
	v56 =	vtrunc.f32 v55;
	v60 =	vmul.f32 v4, v4  }
0x128: {  	vm5 =	veq.s32 v45, $0x1;
	v44 =	vmul.f32 v63, v49;
	v57 =	vcvt.f32.s32 v56  }
0x129: {  	vm6 =	veq.s32 v45, $0x2;
	v9 =	vmul.f32 v63, v43;
	v59 =	vmul.f32 v63, v52  }
0x12a: {  	v12 =	vadd.f32 v63, v12;
	v46 =	vcvt.s32.f32 v57;
	v51 =	vmul.f32 v44, v49  }
0x12b: {  	v47 =	vadd.f32 v60, v47;
	v54 =	vmul.f32 v59, v49;
	v62 =	vmul.f32 v59, v52  }
0x12c: {  	v63 =	vmul.f32 v9, v49;
	v18 =	vadd.f32 v44, v18;
	v21 =	vadd.f32 v59, v21  }
0x12d: {  	v58 =	vmul.f32 v9, v52;
	v57 =	vshrl.u32 v47, $0x1;
	v48 =	vmul.f32 $5.000000000e-01, v47  }
0x12e: {  	v59 =	vmul.f32 v9, v43;
	v61 =	vmul.f32 $6.281250000e+00, v46;
	v44 =	vsub.s32 $0x5F3759DF, v57  }
0x12f: {  	v24 =	vadd.f32 v9, v24;
	v25 =	vadd.f32 v51, v25;
	v60 =	vmul.f32 v44, v48  }
0x130: {  	v56 =	vmul.f32 $1.935307170e-03, v46;
	v26 =	vadd.f32 v54, v26;
	v39 =	vsub.f32 v39, v61  }
0x131: {  	v27 =	vadd.f32 v62, v27;
	v17 =	vadd.f32 v63, v17;
	v9 =	vmul.f32 v44, v60  }
0x132: {  	v28 =	vadd.f32 v58, v28;
	v61 =	vnsel vm5, $0x0, v22;
	v39 =	vsub.f32 v39, v56  }
0x133: {  	v29 =	vadd.f32 v59, v29;
	v63 =	vmul.f32 v61, v49;
	v9 =	vsub.f32 $1.500000000e+00, v9  }
0x134: {  	v22 =	vnsel vm6, $0x0, v22;
	v54 =	vmul.f32 v61, v43;
	v39 =	vmul.f32 v39, v39  }
0x135: {  	v57 =	vmul.f32 v61, v52;
	v30 =	vadd.f32 v61, v30;
	v9 =	vmul.f32 v44, v9  }
0x136: {  	v14 =	vadd.f32 v22, v14;
	v58 =	vmul.f32 v63, v49;
	v62 =	vmul.f32 $2.206368920e-07, v39  }
0x137: {  	v59 =	vmul.f32 v57, v49;
	v31 =	vadd.f32 v63, v31;
	v48 =	vmul.f32 v9, v48  }
0x138: {  	v61 =	vmul.f32 v57, v52;
	v32 =	vadd.f32 v57, v32;
	v51 =	vsub.f32 $2.422656870e-05, v62  }
0x139: {  	v63 =	vmul.f32 v54, v52;
	v33 =	vadd.f32 v54, v33;
	v48 =	vmul.f32 v48, v9  }
0x13a: {  	v35 =	vadd.f32 v59, v35;
	v59 =	vmul.f32 v22, v49;
	v60 =	vmul.f32 v51, v39  }
0x13b: {  	v34 =	vadd.f32 v58, v34;
	v44 =	vmul.f32 v22, v43;
	v58 =	vsub.f32 $1.500000000e+00, v48  }
0x13c: {  	v36 =	vadd.f32 v61, v36;
	v61 =	vmul.f32 v59, v49;
	v50 =	vadd.f32 $-1.386099030e-03, v60  }
0x13d: {  	v20 =	vadd.f32 v63, v20;
	v62 =	vmul.f32 v54, v49;
	v9 =	vmul.f32 v58, v9  }
0x13e: {  	v16 =	vadd.f32 v59, v16;
	v54 =	vmul.f32 v54, v43;
	v57 =	vmul.f32 v50, v39  }
0x13f: {  	v38 =	vadd.f32 v44, v38;
	v60 =	vmul.f32 v22, v52;
	v47 =	vmul.f32 v9, v47  }
0x140: {  	v43 =	vmul.f32 v44, v43;
	v41 =	vadd.f32 v61, v41;
	v45 =	vadd.f32 $4.166064780e-02, v57  }
0x141: {  	v61 =	vld [tilespmem:s2+$0x688];
	v37 =	vadd.f32 v62, v37;
	v62 =	vmul.f32 v60, v49;
	v47 =	vmul.f32 $5.235987900e-01, v47  }
0x142: {  	v63 =	vmul.f32 v60, v52;
	v19 =	vadd.f32 v60, v19;
	v60 =	vld [tilespmem:s2+$0x8];
	v45 =	vmul.f32 v45, v39  }
0x143: {  	v23 =	vadd.f32 v54, v23;
	v51 =	vmul.f32 v10, v8;
	v57 =	vmul.f32 $1.591549370e-01, v47  }
0x144: {  	v11 =	vadd.f32 v43, v11;
	v48 =	vmul.f32 v10, v7;
	v45 =	vadd.f32 $-4.999955300e-01, v45  }
0x145: {  	v58 =	vmul.f32 v44, v52;
	v49 =	vmul.f32 v44, v49;
	v59 =	vadd.f32 $5.000000000e-01, v57;
	v57 =	vld [tilespmem:s2+$0xD08]  }
0x146: {  	v44 =	vmul.f32 v10, v6;
	v6 =	vsub.f32 v61, v1;
	v56 =	vmul.f32 v45, v39;
	v39 =	vld [tilespmem:s2+$0x1386]  }
0x147: {  	v42 =	vadd.f32 v62, v42;
	v7 =	vsub.f32 v60, v2;
	v62 =	vtrunc.f32 v59  }
0x148: {  	v15 =	vadd.f32 v58, v15;
	v22 =	vadd.f32 $1.999999640e+00, v56;
	v56 =	vcvt.f32.s32 v62  }
0x149: {  	v40 =	vadd.f32 v63, v40;
	v61 =	vmul.f32 v6, v6;
	v60 =	vmul.f32 v7, v7  }
0x14a: {  	v13 =	vadd.f32 v49, v13;
	v22 =	vmul.f32 v22, v22;
	v58 =	vcvt.s32.f32 v56  }
0x14b: {  	v50 =	vadd.f32 v61, v60;
	v8 =	vsub.f32 v57, v0;
	vm7 =	veq.s32 v39, $0x0  }
0x14c: {  	vm8 =	veq.s32 v39, $0x1;
	v63 =	vnsel vm7, $0x0, v22;
	v59 =	vmul.f32 $6.281250000e+00, v58  }
0x14d: {  	vm9 =	veq.s32 v39, $0x2;
	v57 =	vmul.f32 v8, v8;
	v52 =	vmul.f32 v63, v51  }
0x14e: {  	v49 =	vmul.f32 v63, v48;
	v46 =	vmul.f32 v63, v44;
	v12 =	vadd.f32 v63, v12  }
0x14f: {  	v63 =	vmul.f32 $1.935307170e-03, v58;
	v45 =	vsub.f32 v47, v59;
	v54 =	vmul.f32 v52, v51  }
0x150: {  	v47 =	vadd.f32 v57, v50;
	v43 =	vmul.f32 v46, v51;
	v62 =	vmul.f32 v46, v44  }
0x151: {  	v58 =	vmul.f32 v49, v51;
	v18 =	vadd.f32 v52, v18;
	v21 =	vadd.f32 v46, v21  }
0x152: {  	v59 =	vmul.f32 v49, v44;
	v60 =	vmul.f32 v49, v48;
	v24 =	vadd.f32 v49, v24  }
0x153: {  	v45 =	vsub.f32 v45, v63;
	v61 =	vshrl.u32 v47, $0x1;
	v52 =	vmul.f32 $5.000000000e-01, v47  }
0x154: {  	v63 =	vnsel vm8, $0x0, v22;
	v22 =	vnsel vm9, $0x0, v22;
	v25 =	vadd.f32 v54, v25  }
0x155: {  	v26 =	vadd.f32 v43, v26;
	v27 =	vadd.f32 v62, v27;
	v10 =	vsub.s32 $0x5F3759DF, v61  }
0x156: {  	v17 =	vadd.f32 v58, v17;
	v57 =	vmul.f32 v63, v51;
	v45 =	vmul.f32 v45, v45  }
0x157: {  	v28 =	vadd.f32 v59, v28;
	v58 =	vmul.f32 v63, v48;
	v59 =	vmul.f32 v63, v44  }
0x158: {  	v29 =	vadd.f32 v60, v29;
	v49 =	vmul.f32 v10, v52;
	v62 =	vmul.f32 $2.206368920e-07, v45  }
0x159: {  	v30 =	vadd.f32 v63, v30;
	v14 =	vadd.f32 v22, v14;
	v60 =	vmul.f32 v57, v51  }
0x15a: {  	v61 =	vmul.f32 v59, v51;
	v49 =	vmul.f32 v10, v49;
	v43 =	vsub.f32 $2.422656870e-05, v62  }
0x15b: {  	v31 =	vadd.f32 v57, v31;
	v63 =	vmul.f32 v58, v51;
	v32 =	vadd.f32 v59, v32  }
0x15c: {  	v54 =	vmul.f32 v58, v44;
	v49 =	vsub.f32 $1.500000000e+00, v49;
	v43 =	vmul.f32 v43, v45  }
0x15d: {  	v33 =	vadd.f32 v58, v33;
	v50 =	vmul.f32 v58, v48;
	v34 =	vadd.f32 v60, v34  }
0x15e: {  	v35 =	vadd.f32 v61, v35;
	v10 =	vmul.f32 v10, v49;
	v43 =	vadd.f32 $-1.386099030e-03, v43  }
0x15f: {  	v60 =	vmul.f32 v22, v44;
	v37 =	vadd.f32 v63, v37;
	v61 =	vmul.f32 v22, v48  }
0x160: {  	v20 =	vadd.f32 v54, v20;
	v52 =	vmul.f32 v10, v52;
	v43 =	vmul.f32 v43, v45  }
0x161: {  	v23 =	vadd.f32 v50, v23;
	v62 =	vmul.f32 v59, v44;
	v59 =	vmul.f32 v22, v51  }
0x162: {  	v63 =	vmul.f32 v60, v51;
	v58 =	vmul.f32 v52, v10;
	v57 =	vadd.f32 $4.166064780e-02, v43  }
0x163: {  	v56 =	vmul.f32 v60, v44;
	v44 =	vmul.f32 v61, v44;
	v36 =	vadd.f32 v62, v36  }
0x164: {  	v62 =	vmul.f32 v59, v51;
	v43 =	vsub.f32 $1.500000000e+00, v58;
	v39 =	vmul.f32 v57, v45  }
0x165: {  	v19 =	vadd.f32 v60, v19;
	v38 =	vadd.f32 v61, v38;
	v60 =	vld [tilespmem:s2+$0x689];
	v51 =	vmul.f32 v61, v51  }
0x166: {  	v41 =	vadd.f32 v62, v41;
	v62 =	vld [tilespmem:s2+$0xD09];
	v10 =	vmul.f32 v43, v10;
	v39 =	vadd.f32 $-4.999955300e-01, v39  }
0x167: {  	v16 =	vadd.f32 v59, v16;
	v59 =	vmul.f32 v61, v48;
	v42 =	vadd.f32 v63, v42;
	v58 =	vld [tilespmem:s2+$0x9]  }
0x168: {  	v40 =	vadd.f32 v56, v40;
	v47 =	vmul.f32 v10, v47;
	v39 =	vmul.f32 v39, v45;
	v45 =	vld [tilespmem:s2+$0x1387]  }
0x169: {  	v49 =	vmul.f32 v9, v4;
	v15 =	vadd.f32 v44, v15;
	v13 =	vadd.f32 v51, v13  }
0x16a: {  	v11 =	vadd.f32 v59, v11;
	v57 =	vadd.f32 $1.999999640e+00, v39;
	v39 =	vmul.f32 $5.235987900e-01, v47  }
0x16b: {  	v52 =	vmul.f32 v9, v3;
	v4 =	vsub.f32 v62, v0;
	v43 =	vmul.f32 v9, v5  }
0x16c: {  	v3 =	vsub.f32 v60, v1;
	v22 =	vmul.f32 v57, v57;
	v61 =	vmul.f32 $1.591549370e-01, v39  }
0x16d: {  	v60 =	vmul.f32 v4, v4;
	v5 =	vsub.f32 v58, v2;
	vm10 =	veq.s32 v45, $0x0  }
0x16e: {  	v58 =	vmul.f32 v3, v3;
	v63 =	vnsel vm10, $0x0, v22;
	v54 =	vadd.f32 $5.000000000e-01, v61  }
0x16f: {  	v57 =	vmul.f32 v5, v5;
	vm11 =	veq.s32 v45, $0x1;
	v44 =	vmul.f32 v63, v49  }
0x170: {  	vm12 =	veq.s32 v45, $0x2;
	v59 =	vmul.f32 v63, v52;
	v55 =	vtrunc.f32 v54  }
0x171: {  	v48 =	vadd.f32 v58, v57;
	v9 =	vmul.f32 v63, v43;
	v56 =	vcvt.f32.s32 v55  }
0x172: {  	v12 =	vadd.f32 v63, v12;
	v51 =	vmul.f32 v44, v49;
	v54 =	vmul.f32 v59, v49  }
0x173: {  	v48 =	vadd.f32 v60, v48;
	v62 =	vmul.f32 v59, v52;
	v63 =	vmul.f32 v9, v49  }
0x174: {  	v18 =	vadd.f32 v44, v18;
	v21 =	vadd.f32 v59, v21;
	v46 =	vcvt.s32.f32 v56  }
0x175: {  	v58 =	vmul.f32 v9, v52;
	v57 =	vshrl.u32 v48, $0x1;
	v47 =	vmul.f32 $5.000000000e-01, v48  }
0x176: {  	v59 =	vmul.f32 v9, v43;
	v44 =	vsub.s32 $0x5F3759DF, v57;
	v61 =	vmul.f32 $6.281250000e+00, v46  }
0x177: {  	v24 =	vadd.f32 v9, v24;
	v25 =	vadd.f32 v51, v25;
	v60 =	vmul.f32 v44, v47  }
0x178: {  	v26 =	vadd.f32 v54, v26;
	v56 =	vmul.f32 $1.935307170e-03, v46;
	v39 =	vsub.f32 v39, v61  }
0x179: {  	v27 =	vadd.f32 v62, v27;
	v17 =	vadd.f32 v63, v17;
	v9 =	vmul.f32 v44, v60  }
0x17a: {  	v28 =	vadd.f32 v58, v28;
	v61 =	vnsel vm11, $0x0, v22;
	v39 =	vsub.f32 v39, v56  }
0x17b: {  	v29 =	vadd.f32 v59, v29;
	v63 =	vmul.f32 v61, v49;
	v9 =	vsub.f32 $1.500000000e+00, v9  }
0x17c: {  	v22 =	vnsel vm12, $0x0, v22;
	v54 =	vmul.f32 v61, v43;
	v39 =	vmul.f32 v39, v39  }
0x17d: {  	v57 =	vmul.f32 v61, v52;
	v30 =	vadd.f32 v61, v30;
	v9 =	vmul.f32 v44, v9  }
0x17e: {  	v14 =	vadd.f32 v22, v14;
	v58 =	vmul.f32 v63, v49;
	v62 =	vmul.f32 $2.206368920e-07, v39  }
0x17f: {  	v59 =	vmul.f32 v57, v49;
	v31 =	vadd.f32 v63, v31;
	v47 =	vmul.f32 v9, v47  }
0x180: {  	v61 =	vmul.f32 v57, v52;
	v32 =	vadd.f32 v57, v32;
	v51 =	vsub.f32 $2.422656870e-05, v62  }
0x181: {  	v63 =	vmul.f32 v54, v52;
	v33 =	vadd.f32 v54, v33;
	v47 =	vmul.f32 v47, v9  }
0x182: {  	v35 =	vadd.f32 v59, v35;
	v59 =	vmul.f32 v22, v49;
	v60 =	vmul.f32 v51, v39  }
0x183: {  	v44 =	vmul.f32 v22, v43;
	v34 =	vadd.f32 v58, v34;
	v58 =	vsub.f32 $1.500000000e+00, v47  }
0x184: {  	v36 =	vadd.f32 v61, v36;
	v61 =	vmul.f32 v59, v49;
	v50 =	vadd.f32 $-1.386099030e-03, v60  }
0x185: {  	v20 =	vadd.f32 v63, v20;
	v62 =	vmul.f32 v54, v49;
	v9 =	vmul.f32 v58, v9  }
0x186: {  	v38 =	vadd.f32 v44, v38;
	v54 =	vmul.f32 v54, v43;
	v57 =	vmul.f32 v50, v39  }
0x187: {  	v16 =	vadd.f32 v59, v16;
	v60 =	vmul.f32 v22, v52;
	v48 =	vmul.f32 v9, v48  }
0x188: {  	v43 =	vmul.f32 v44, v43;
	v41 =	vadd.f32 v61, v41;
	v45 =	vadd.f32 $4.166064780e-02, v57  }
0x189: {  	v61 =	vld [tilespmem:s2+$0x68A];
	v37 =	vadd.f32 v62, v37;
	v62 =	vmul.f32 v60, v49;
	v48 =	vmul.f32 $5.235987900e-01, v48  }
0x18a: {  	v63 =	vmul.f32 v60, v52;
	v19 =	vadd.f32 v60, v19;
	v60 =	vld [tilespmem:s2+$0xA];
	v45 =	vmul.f32 v45, v39  }
0x18b: {  	v23 =	vadd.f32 v54, v23;
	v58 =	vmul.f32 v44, v52;
	v57 =	vmul.f32 $1.591549370e-01, v48  }
0x18c: {  	v47 =	vmul.f32 v10, v7;
	v11 =	vadd.f32 v43, v11;
	v45 =	vadd.f32 $-4.999955300e-01, v45  }
0x18d: {  	v15 =	vadd.f32 v58, v15;
	v49 =	vmul.f32 v44, v49;
	v59 =	vadd.f32 $5.000000000e-01, v57;
	v57 =	vld [tilespmem:s2+$0xD0A]  }
0x18e: {  	v44 =	vmul.f32 v10, v6;
	v6 =	vsub.f32 v61, v1;
	v56 =	vmul.f32 v45, v39;
	v39 =	vld [tilespmem:s2+$0x1388]  }
0x18f: {  	v51 =	vmul.f32 v10, v8;
	v42 =	vadd.f32 v62, v42;
	v7 =	vsub.f32 v60, v2  }
0x190: {  	v61 =	vmul.f32 v6, v6;
	v62 =	vtrunc.f32 v59;
	v22 =	vadd.f32 $1.999999640e+00, v56  }
0x191: {  	v40 =	vadd.f32 v63, v40;
	v60 =	vmul.f32 v7, v7;
	v56 =	vcvt.f32.s32 v62  }
0x192: {  	v13 =	vadd.f32 v49, v13;
	v8 =	vsub.f32 v57, v0;
	v22 =	vmul.f32 v22, v22  }
0x193: {  	v50 =	vadd.f32 v61, v60;
	v58 =	vcvt.s32.f32 v56;
	vm13 =	veq.s32 v39, $0x0  }
0x194: {  	v57 =	vmul.f32 v8, v8;
	vm14 =	veq.s32 v39, $0x1;
	v63 =	vnsel vm13, $0x0, v22  }
0x195: {  	vm15 =	veq.s32 v39, $0x2;
	v59 =	vmul.f32 $6.281250000e+00, v58;
	v52 =	vmul.f32 v63, v51  }
0x196: {  	v49 =	vmul.f32 v63, v47;
	v46 =	vmul.f32 v63, v44;
	v12 =	vadd.f32 v63, v12  }
0x197: {  	v63 =	vmul.f32 $1.935307170e-03, v58;
	v45 =	vsub.f32 v48, v59;
	v54 =	vmul.f32 v52, v51  }
0x198: {  	v48 =	vadd.f32 v57, v50;
	v43 =	vmul.f32 v46, v51;
	v62 =	vmul.f32 v46, v44  }
0x199: {  	v58 =	vmul.f32 v49, v51;
	v18 =	vadd.f32 v52, v18;
	v21 =	vadd.f32 v46, v21  }
0x19a: {  	v59 =	vmul.f32 v49, v44;
	v60 =	vmul.f32 v49, v47;
	v24 =	vadd.f32 v49, v24  }
0x19b: {  	v45 =	vsub.f32 v45, v63;
	v61 =	vshrl.u32 v48, $0x1;
	v52 =	vmul.f32 $5.000000000e-01, v48  }
0x19c: {  	v63 =	vnsel vm14, $0x0, v22;
	v22 =	vnsel vm15, $0x0, v22;
	v25 =	vadd.f32 v54, v25  }
0x19d: {  	v26 =	vadd.f32 v43, v26;
	v27 =	vadd.f32 v62, v27;
	v10 =	vsub.s32 $0x5F3759DF, v61  }
0x19e: {  	v17 =	vadd.f32 v58, v17;
	v28 =	vadd.f32 v59, v28;
	v57 =	vmul.f32 v63, v51  }
0x19f: {  	v29 =	vadd.f32 v60, v29;
	v58 =	vmul.f32 v63, v47;
	v45 =	vmul.f32 v45, v45  }
0x1a0: {  	v59 =	vmul.f32 v63, v44;
	v30 =	vadd.f32 v63, v30;
	v49 =	vmul.f32 v10, v52  }
0x1a1: {  	v14 =	vadd.f32 v22, v14;
	v60 =	vmul.f32 v57, v51;
	v62 =	vmul.f32 $2.206368920e-07, v45  }
0x1a2: {  	v61 =	vmul.f32 v59, v51;
	v31 =	vadd.f32 v57, v31;
	v63 =	vmul.f32 v58, v51  }
0x1a3: {  	v32 =	vadd.f32 v59, v32;
	v49 =	vmul.f32 v10, v49;
	v43 =	vsub.f32 $2.422656870e-05, v62  }
0x1a4: {  	v54 =	vmul.f32 v58, v44;
	v33 =	vadd.f32 v58, v33;
	v50 =	vmul.f32 v58, v47  }
0x1a5: {  	v34 =	vadd.f32 v60, v34;
	v49 =	vsub.f32 $1.500000000e+00, v49;
	v43 =	vmul.f32 v43, v45  }
0x1a6: {  	v35 =	vadd.f32 v61, v35;
	v60 =	vmul.f32 v22, v44;
	v37 =	vadd.f32 v63, v37  }
0x1a7: {  	v61 =	vmul.f32 v22, v47;
	v10 =	vmul.f32 v10, v49;
	v43 =	vadd.f32 $-1.386099030e-03, v43  }
0x1a8: {  	v20 =	vadd.f32 v54, v20;
	v62 =	vmul.f32 v59, v44;
	v59 =	vmul.f32 v22, v51  }
0x1a9: {  	v23 =	vadd.f32 v50, v23;
	v52 =	vmul.f32 v10, v52;
	v43 =	vmul.f32 v43, v45  }
0x1aa: {  	v63 =	vmul.f32 v60, v51;
	v19 =	vadd.f32 v60, v19;
	v36 =	vadd.f32 v62, v36  }
0x1ab: {  	v62 =	vmul.f32 v59, v51;
	v58 =	vmul.f32 v52, v10;
	v57 =	vadd.f32 $4.166064780e-02, v43  }
0x1ac: {  	v47 =	vmul.f32 v61, v47;
	v38 =	vadd.f32 v61, v38;
	v16 =	vadd.f32 v59, v16;
	v59 =	vld [tilespmem:s2+$0xB]  }
0x1ad: {  	v41 =	vadd.f32 v62, v41;
	v62 =	vld [tilespmem:s2+$0xD0B];
	v43 =	vsub.f32 $1.500000000e+00, v58;
	v39 =	vmul.f32 v57, v45  }
0x1ae: {  	v51 =	vmul.f32 v61, v51;
	v42 =	vadd.f32 v63, v42;
	v52 =	vmul.f32 v9, v3  }
0x1af: {  	v10 =	vmul.f32 v43, v10;
	v57 =	vmul.f32 v60, v44;
	v60 =	vld [tilespmem:s2+$0x68B];
	v39 =	vadd.f32 $-4.999955300e-01, v39  }
0x1b0: {  	v47 =	vadd.f32 v47, v11;
	v44 =	vmul.f32 v61, v44;
	v43 =	vmul.f32 v9, v5  }
0x1b1: {  	v13 =	vadd.f32 v51, v13;
	v48 =	vmul.f32 v10, v48;
	v39 =	vmul.f32 v39, v45;
	v45 =	vld [tilespmem:s2+$0x1389]  }
0x1b2: {  	v9 =	vmul.f32 v9, v4;
	v5 =	vsub.f32 v59, v2;
	v4 =	vsub.f32 v62, v0  }
0x1b3: {  	v40 =	vadd.f32 v57, v40;
	v58 =	vadd.f32 $1.999999640e+00, v39;
	v39 =	vmul.f32 $5.235987900e-01, v48  }
0x1b4: {  	v7 =	vmul.f32 v10, v7;
	v8 =	vmul.f32 v10, v8;
	v3 =	vsub.f32 v60, v1  }
0x1b5: {  	v15 =	vadd.f32 v44, v15;
	v22 =	vmul.f32 v58, v58;
	v61 =	vmul.f32 $1.591549370e-01, v39  }
0x1b6: {  	v59 =	vmul.f32 v3, v3;
	v58 =	vmul.f32 v5, v5;
	vm4 =	veq.s32 v45, $0x0  }
0x1b7: {  	vm5 =	veq.s32 v45, $0x1;
	v63 =	vnsel vm4, $0x0, v22;
	v55 =	vadd.f32 $5.000000000e-01, v61  }
0x1b8: {  	vm6 =	veq.s32 v45, $0x2;
	v61 =	vmul.f32 v4, v4;
	v44 =	vmul.f32 v63, v9  }
0x1b9: {  	v48 =	vadd.f32 v59, v58;
	v60 =	vmul.f32 v63, v52;
	v56 =	vtrunc.f32 v55  }
0x1ba: {  	v49 =	vmul.f32 v63, v43;
	v12 =	vadd.f32 v63, v12;
	v57 =	vcvt.f32.s32 v56  }
0x1bb: {  	v48 =	vadd.f32 v61, v48;
	v51 =	vmul.f32 v44, v9;
	v54 =	vmul.f32 v60, v9  }
0x1bc: {  	v63 =	vmul.f32 v60, v52;
	v18 =	vadd.f32 v44, v18;
	v46 =	vcvt.s32.f32 v57  }
0x1bd: {  	v21 =	vadd.f32 v60, v21;
	v60 =	vmul.f32 v49, v52;
	v61 =	vmul.f32 v49, v43  }
0x1be: {  	v24 =	vadd.f32 v49, v24;
	v57 =	vmul.f32 v49, v9;
	v62 =	vmul.f32 $6.281250000e+00, v46  }
0x1bf: {  	v59 =	vshrl.u32 v48, $0x1;
	v58 =	vmul.f32 $1.935307170e-03, v46;
	v46 =	vmul.f32 $5.000000000e-01, v48  }
0x1c0: {  	v11 =	vsub.s32 $0x5F3759DF, v59;
	v25 =	vadd.f32 v51, v25;
	v39 =	vsub.f32 v39, v62  }
0x1c1: {  	v26 =	vadd.f32 v54, v26;
	v27 =	vadd.f32 v63, v27;
	v62 =	vmul.f32 v11, v46  }
0x1c2: {  	v63 =	vnsel vm5, $0x0, v22;
	v28 =	vadd.f32 v60, v28;
	v39 =	vsub.f32 v39, v58  }
0x1c3: {  	v29 =	vadd.f32 v61, v29;
	v59 =	vmul.f32 v63, v52;
	v49 =	vmul.f32 v11, v62  }
0x1c4: {  	v22 =	vnsel vm6, $0x0, v22;
	v54 =	vmul.f32 v63, v43;
	v39 =	vmul.f32 v39, v39  }
0x1c5: {  	v30 =	vadd.f32 v63, v30;
	v61 =	vmul.f32 v59, v9;
	v49 =	vsub.f32 $1.500000000e+00, v49  }
0x1c6: {  	v14 =	vadd.f32 v22, v14;
	v17 =	vadd.f32 v57, v17;
	v57 =	vmul.f32 $2.206368920e-07, v39  }
0x1c7: {  	v32 =	vadd.f32 v59, v32;
	v35 =	vadd.f32 v61, v35;
	v11 =	vmul.f32 v11, v49  }
0x1c8: {  	v61 =	vmul.f32 v22, v9;
	v58 =	vmul.f32 v63, v9;
	v51 =	vsub.f32 $2.422656870e-05, v57  }
0x1c9: {  	v33 =	vadd.f32 v54, v33;
	v63 =	vmul.f32 v59, v52;
	v46 =	vmul.f32 v11, v46  }
0x1ca: {  	v16 =	vadd.f32 v61, v16;
	v60 =	vmul.f32 v58, v9;
	v62 =	vmul.f32 v51, v39  }
0x1cb: {  	v31 =	vadd.f32 v58, v31;
	v58 =	vmul.f32 v54, v52;
	v46 =	vmul.f32 v46, v11  }
0x1cc: {  	v36 =	vadd.f32 v63, v36;
	v63 =	vmul.f32 v61, v9;
	v50 =	vadd.f32 $-1.386099030e-03, v62  }
0x1cd: {  	v34 =	vadd.f32 v60, v34;
	v57 =	vmul.f32 v54, v9;
	v60 =	vsub.f32 $1.500000000e+00, v46  }
0x1ce: {  	v20 =	vadd.f32 v58, v20;
	v62 =	vmul.f32 v22, v52;
	v59 =	vmul.f32 v50, v39  }
0x1cf: {  	v41 =	vadd.f32 v63, v41;
	v54 =	vmul.f32 v54, v43;
	v11 =	vmul.f32 v60, v11  }
0x1d0: {  	v46 =	vmul.f32 v22, v43;
	v56 =	vmul.f32 v62, v9;
	v45 =	vadd.f32 $4.166064780e-02, v59  }
0x1d1: {  	v37 =	vadd.f32 v57, v37;
	v57 =	vmul.f32 v62, v52;
	v48 =	vmul.f32 v11, v48  }
0x1d2: {  	v61 =	vld [tilespmem:s2+$0xC];
	v23 =	vadd.f32 v54, v23;
	v9 =	vmul.f32 v46, v9;
	v45 =	vmul.f32 v45, v39  }
0x1d3: {  	v19 =	vadd.f32 v62, v19;
	v38 =	vadd.f32 v46, v38;
	v48 =	vmul.f32 $5.235987900e-01, v48  }
0x1d4: {  	v60 =	vmul.f32 v46, v52;
	v43 =	vmul.f32 v46, v43;
	v62 =	vld [tilespmem:s2+$0x68C];
	v45 =	vadd.f32 $-4.999955300e-01, v45  }
0x1d5: {  	v42 =	vadd.f32 v56, v42;
	v40 =	vadd.f32 v57, v40;
	v57 =	vld [tilespmem:s2+$0xD0C];
	v59 =	vmul.f32 $1.591549370e-01, v48  }
0x1d6: {  	v13 =	vadd.f32 v9, v13;
	v15 =	vadd.f32 v60, v15;
	v58 =	vmul.f32 v45, v39;
	v39 =	vld [tilespmem:s2+$0x138A]  }
0x1d7: {  	v50 =	vmul.f32 v10, v6;
	v9 =	vsub.f32 v61, v2;
	v44 =	vadd.f32 $5.000000000e-01, v59  }
0x1d8: {  	v43 =	vadd.f32 v43, v47;
	v5 =	vmul.f32 v11, v5;
	v22 =	vadd.f32 $1.999999640e+00, v58  }
0x1d9: {  	v3 =	vmul.f32 v11, v3;
	v6 =	vsub.f32 v62, v1;
	v44 =	vtrunc.f32 v44  }
0x1da: {  	v10 =	vsub.f32 v57, v0;
	v56 =	vcvt.f32.s32 v44;
	v22 =	vmul.f32 v22, v22  }
0x1db: {  	v60 =	vmul.f32 v9, v9;
	v61 =	vmul.f32 v6, v6;
	vm7 =	veq.s32 v39, $0x0  }
0x1dc: {  	v57 =	vmul.f32 v10, v10;
	v58 =	vcvt.s32.f32 v56;
	v63 =	vnsel vm7, $0x0, v22  }
0x1dd: {  	v49 =	vadd.f32 v61, v60;
	v44 =	vmul.f32 v63, v7;
	v52 =	vmul.f32 v63, v8  }
0x1de: {  	vm8 =	veq.s32 v39, $0x1;
	v45 =	vmul.f32 v63, v50;
	v59 =	vmul.f32 $6.281250000e+00, v58  }
0x1df: {  	v51 =	vadd.f32 v63, v12;
	v63 =	vmul.f32 $1.935307170e-03, v58;
	v54 =	vmul.f32 v52, v8  }
0x1e0: {  	vm9 =	veq.s32 v39, $0x2;
	v46 =	vmul.f32 v45, v8;
	v62 =	vmul.f32 v45, v50  }
0x1e1: {  	v47 =	vsub.f32 v48, v59;
	v58 =	vmul.f32 v44, v8;
	v18 =	vadd.f32 v52, v18  }
0x1e2: {  	v21 =	vadd.f32 v45, v21;
	v59 =	vmul.f32 v44, v50;
	v48 =	vadd.f32 v57, v49  }
0x1e3: {  	v60 =	vmul.f32 v44, v7;
	v24 =	vadd.f32 v44, v24;
	v47 =	vsub.f32 v47, v63  }
0x1e4: {  	v25 =	vadd.f32 v54, v25;
	v61 =	vshrl.u32 v48, $0x1;
	v52 =	vmul.f32 $5.000000000e-01, v48  }
0x1e5: {  	v26 =	vadd.f32 v46, v26;
	v27 =	vadd.f32 v62, v27;
	v44 =	vmul.f32 v47, v47  }
0x1e6: {  	v17 =	vadd.f32 v58, v17;
	v28 =	vadd.f32 v59, v28;
	v12 =	vsub.s32 $0x5F3759DF, v61  }
0x1e7: {  	v63 =	vnsel vm8, $0x0, v22;
	v47 =	vmul.f32 v12, v52;
	v62 =	vmul.f32 $2.206368920e-07, v44  }
0x1e8: {  	v29 =	vadd.f32 v60, v29;
	v22 =	vnsel vm9, $0x0, v22;
	v57 =	vmul.f32 v63, v8  }
0x1e9: {  	v58 =	vmul.f32 v63, v7;
	v47 =	vmul.f32 v12, v47;
	v46 =	vsub.f32 $2.422656870e-05, v62  }
0x1ea: {  	v59 =	vmul.f32 v63, v50;
	v30 =	vadd.f32 v63, v30;
	v14 =	vadd.f32 v22, v14  }
0x1eb: {  	v60 =	vmul.f32 v57, v8;
	v47 =	vsub.f32 $1.500000000e+00, v47;
	v46 =	vmul.f32 v46, v44  }
0x1ec: {  	v61 =	vmul.f32 v59, v8;
	v31 =	vadd.f32 v57, v31;
	v63 =	vmul.f32 v58, v8  }
0x1ed: {  	v32 =	vadd.f32 v59, v32;
	v12 =	vmul.f32 v12, v47;
	v46 =	vadd.f32 $-1.386099030e-03, v46  }
0x1ee: {  	v54 =	vmul.f32 v58, v50;
	v33 =	vadd.f32 v58, v33;
	v49 =	vmul.f32 v58, v7  }
0x1ef: {  	v34 =	vadd.f32 v60, v34;
	v52 =	vmul.f32 v12, v52;
	v46 =	vmul.f32 v46, v44  }
0x1f0: {  	v35 =	vadd.f32 v61, v35;
	v60 =	vmul.f32 v22, v50;
	v37 =	vadd.f32 v63, v37  }
0x1f1: {  	v61 =	vmul.f32 v22, v7;
	v58 =	vmul.f32 v52, v12;
	v57 =	vadd.f32 $4.166064780e-02, v46  }
0x1f2: {  	v20 =	vadd.f32 v54, v20;
	v62 =	vmul.f32 v59, v50;
	v59 =	vmul.f32 v22, v8  }
0x1f3: {  	v63 =	vmul.f32 v60, v8;
	v46 =	vsub.f32 $1.500000000e+00, v58;
	v39 =	vmul.f32 v57, v44  }
0x1f4: {  	v54 =	vmul.f32 v60, v50;
	v36 =	vadd.f32 v62, v36;
	v62 =	vmul.f32 v59, v8  }
0x1f5: {  	v19 =	vadd.f32 v60, v19;
	v60 =	vld [tilespmem:s2+$0x68D];
	v12 =	vmul.f32 v46, v12;
	v39 =	vadd.f32 $-4.999955300e-01, v39  }
0x1f6: {  	v23 =	vadd.f32 v49, v23;
	v56 =	vmul.f32 v61, v50;
	v41 =	vadd.f32 v62, v41;
	v62 =	vld [tilespmem:s2+$0xD0D]  }
0x1f7: {  	v38 =	vadd.f32 v61, v38;
	v48 =	vmul.f32 v12, v48;
	v39 =	vmul.f32 v39, v44;
	v44 =	vld [tilespmem:s2+$0x138B]  }
0x1f8: {  	v8 =	vmul.f32 v61, v8;
	v16 =	vadd.f32 v59, v16;
	v42 =	vadd.f32 v63, v42  }
0x1f9: {  	v40 =	vadd.f32 v54, v40;
	v57 =	vadd.f32 $1.999999640e+00, v39;
	v39 =	vmul.f32 $5.235987900e-01, v48  }
0x1fa: {  	v59 =	vmul.f32 v61, v7;
	v15 =	vadd.f32 v56, v15;
	v13 =	vadd.f32 v8, v13;
	v58 =	vld [tilespmem:s2+$0xD]  }
0x1fb: {  	v8 =	vsub.f32 v62, v0;
	v22 =	vmul.f32 v57, v57;
	v61 =	vmul.f32 $1.591549370e-01, v39  }
0x1fc: {  	v52 =	vmul.f32 v11, v4;
	v4 =	vsub.f32 v60, v1;
	vm10 =	veq.s32 v44, $0x0  }
0x1fd: {  	v60 =	vmul.f32 v8, v8;
	v63 =	vnsel vm10, $0x0, v22;
	v7 =	vadd.f32 $5.000000000e-01, v61  }
0x1fe: {  	v43 =	vadd.f32 v59, v43;
	v10 =	vmul.f32 v12, v10;
	v11 =	vmul.f32 v63, v5  }
0x1ff: {  	v45 =	vmul.f32 v63, v52;
	v55 =	vtrunc.f32 v7;
	v7 =	vsub.f32 v58, v2  }
0x200: {  	vm11 =	veq.s32 v44, $0x1;
	v59 =	vmul.f32 v63, v3;
	v56 =	vcvt.f32.s32 v55  }
0x201: {  	vm12 =	veq.s32 v44, $0x2;
	v58 =	vmul.f32 v4, v4;
	v57 =	vmul.f32 v7, v7  }
0x202: {  	v50 =	vadd.f32 v63, v51;
	v53 =	vmul.f32 v45, v52;
	v47 =	vcvt.s32.f32 v56  }
0x203: {  	v54 =	vmul.f32 v59, v52;
	v62 =	vmul.f32 v59, v3;
	v46 =	vadd.f32 v58, v57  }
0x204: {  	v63 =	vmul.f32 v11, v52;
	v18 =	vadd.f32 v45, v18;
	v61 =	vmul.f32 $6.281250000e+00, v47  }
0x205: {  	v21 =	vadd.f32 v59, v21;
	v59 =	vmul.f32 v11, v5;
	v46 =	vadd.f32 v60, v46  }
0x206: {  	v24 =	vadd.f32 v11, v24;
	v56 =	vmul.f32 $1.935307170e-03, v47;
	v39 =	vsub.f32 v39, v61  }
0x207: {  	v25 =	vadd.f32 v53, v25;
	v57 =	vshrl.u32 v46, $0x1;
	v48 =	vmul.f32 $5.000000000e-01, v46  }
0x208: {  	v26 =	vadd.f32 v54, v26;
	v39 =	vsub.f32 v39, v56;
	v45 =	vsub.s32 $0x5F3759DF, v57  }
0x209: {  	v27 =	vadd.f32 v62, v27;
	v58 =	vmul.f32 v11, v3;
	v60 =	vmul.f32 v45, v48  }
0x20a: {  	v17 =	vadd.f32 v63, v17;
	v29 =	vadd.f32 v59, v29;
	v39 =	vmul.f32 v39, v39  }
0x20b: {  	v28 =	vadd.f32 v58, v28;
	v61 =	vnsel vm11, $0x0, v22;
	v11 =	vmul.f32 v45, v60  }
0x20c: {  	v22 =	vnsel vm12, $0x0, v22;
	v63 =	vmul.f32 v61, v52;
	v62 =	vmul.f32 $2.206368920e-07, v39  }
0x20d: {  	v54 =	vmul.f32 v61, v5;
	v30 =	vadd.f32 v61, v30;
	v11 =	vsub.f32 $1.500000000e+00, v11  }
0x20e: {  	v14 =	vadd.f32 v22, v14;
	v57 =	vmul.f32 v61, v3;
	v53 =	vsub.f32 $2.422656870e-05, v62  }
0x20f: {  	v58 =	vmul.f32 v63, v52;
	v31 =	vadd.f32 v63, v31;
	v11 =	vmul.f32 v45, v11  }
0x210: {  	v63 =	vmul.f32 v54, v3;
	v33 =	vadd.f32 v54, v33;
	v60 =	vmul.f32 v53, v39  }
0x211: {  	v59 =	vmul.f32 v57, v52;
	v32 =	vadd.f32 v57, v32;
	v48 =	vmul.f32 v11, v48  }
0x212: {  	v61 =	vmul.f32 v57, v3;
	v34 =	vadd.f32 v58, v34;
	v49 =	vadd.f32 $-1.386099030e-03, v60  }
0x213: {  	v58 =	vmul.f32 v22, v5;
	v35 =	vadd.f32 v59, v35;
	v48 =	vmul.f32 v48, v11  }
0x214: {  	v36 =	vadd.f32 v61, v36;
	v59 =	vmul.f32 v22, v52;
	v56 =	vmul.f32 v49, v39  }
0x215: {  	v62 =	vmul.f32 v54, v52;
	v54 =	vmul.f32 v54, v5;
	v57 =	vsub.f32 $1.500000000e+00, v48  }
0x216: {  	v61 =	vmul.f32 v59, v52;
	v60 =	vmul.f32 v22, v3;
	v44 =	vadd.f32 $4.166064780e-02, v56  }
0x217: {  	v20 =	vadd.f32 v63, v20;
	v45 =	vmul.f32 v58, v5;
	v11 =	vmul.f32 v57, v11  }
0x218: {  	v37 =	vadd.f32 v62, v37;
	v62 =	vmul.f32 v60, v52;
	v44 =	vmul.f32 v44, v39  }
0x219: {  	v38 =	vadd.f32 v58, v38;
	v63 =	vmul.f32 v60, v3;
	v46 =	vmul.f32 v11, v46  }
0x21a: {  	v52 =	vmul.f32 v58, v52;
	v3 =	vmul.f32 v58, v3;
	v58 =	vld [tilespmem:s2+$0x68E];
	v44 =	vadd.f32 $-4.999955300e-01, v44  }
0x21b: {  	v16 =	vadd.f32 v59, v16;
	v19 =	vadd.f32 v60, v19;
	v60 =	vld [tilespmem:s2+$0xD0E];
	v46 =	vmul.f32 $5.235987900e-01, v46  }
0x21c: {  	v23 =	vadd.f32 v54, v23;
	v41 =	vadd.f32 v61, v41;
	v54 =	vmul.f32 v44, v39;
	v39 =	vld [tilespmem:s2+$0x138C]  }
0x21d: {  	v43 =	vadd.f32 v45, v43;
	v42 =	vadd.f32 v62, v42;
	v55 =	vmul.f32 $1.591549370e-01, v46  }
0x21e: {  	v47 =	vmul.f32 v12, v9;
	v40 =	vadd.f32 v63, v40;
	v22 =	vadd.f32 $1.999999640e+00, v54  }
0x21f: {  	v12 =	vmul.f32 v12, v6;
	v13 =	vadd.f32 v52, v13;
	v56 =	vadd.f32 $5.000000000e-01, v55  }
0x220: {  	v15 =	vadd.f32 v3, v15;
	v6 =	vsub.f32 v58, v1;
	v22 =	vmul.f32 v22, v22  }
0x221: {  	v57 =	vld [tilespmem:s2+$0xE];
	v3 =	vsub.f32 v60, v0;
	vm13 =	veq.s32 v39, $0x0;
	v5 =	vtrunc.f32 v56  }
0x222: {  	v56 =	vmul.f32 v6, v6;
	v59 =	vnsel vm13, $0x0, v22;
	v5 =	vcvt.f32.s32 v5  }
0x223: {  	vm14 =	veq.s32 v39, $0x1;
	v51 =	vmul.f32 v59, v47;
	v52 =	vmul.f32 v59, v10  }
0x224: {  	v53 =	vmul.f32 v59, v12;
	v48 =	vadd.f32 v59, v50;
	v59 =	vmul.f32 v3, v3  }
0x225: {  	vm15 =	veq.s32 v39, $0x2;
	v61 =	vcvt.s32.f32 v5;
	v55 =	vmul.f32 v52, v10  }
0x226: {  	v5 =	vsub.f32 v57, v2;
	v9 =	vmul.f32 v53, v10;
	v57 =	vmul.f32 v53, v12  }
0x227: {  	v60 =	vmul.f32 v51, v10;
	v18 =	vadd.f32 v52, v18;
	v21 =	vadd.f32 v53, v21  }
0x228: {  	v24 =	vadd.f32 v51, v24;
	v62 =	vmul.f32 $6.281250000e+00, v61;
	v63 =	vmul.f32 v5, v5  }
0x229: {  	v58 =	vmul.f32 $1.935307170e-03, v61;
	v25 =	vadd.f32 v55, v25;
	v26 =	vadd.f32 v9, v26  }
0x22a: {  	v61 =	vmul.f32 v51, v12;
	v27 =	vadd.f32 v57, v27;
	v17 =	vadd.f32 v60, v17  }
0x22b: {  	v57 =	vnsel vm14, $0x0, v22;
	v44 =	vsub.f32 v46, v62;
	v45 =	vadd.f32 v56, v63  }
0x22c: {  	v22 =	vnsel vm15, $0x0, v22;
	v62 =	vmul.f32 v51, v47;
	v28 =	vadd.f32 v61, v28  }
0x22d: {  	v60 =	vmul.f32 v57, v12;
	v44 =	vsub.f32 v44, v58;
	v45 =	vadd.f32 v59, v45  }
0x22e: {  	v30 =	vadd.f32 v57, v30;
	v58 =	vmul.f32 v57, v10;
	v29 =	vadd.f32 v62, v29  }
0x22f: {  	v44 =	vmul.f32 v44, v44;
	v49 =	vshrl.u32 v45, $0x1;
	v51 =	vmul.f32 $5.000000000e-01, v45  }
0x230: {  	v59 =	vmul.f32 v57, v47;
	v62 =	vmul.f32 v60, v10;
	v9 =	vsub.s32 $0x5F3759DF, v49  }
0x231: {  	v14 =	vadd.f32 v22, v14;
	v63 =	vmul.f32 $2.206368920e-07, v44;
	v56 =	vmul.f32 v9, v51  }
0x232: {  	v32 =	vadd.f32 v60, v32;
	v61 =	vmul.f32 v58, v10;
	v31 =	vadd.f32 v58, v31  }
0x233: {  	v57 =	vmul.f32 v59, v10;
	v49 =	vsub.f32 $2.422656870e-05, v63;
	v50 =	vmul.f32 v9, v56  }
0x234: {  	v54 =	vmul.f32 v59, v12;
	v33 =	vadd.f32 v59, v33;
	v46 =	vmul.f32 v59, v47  }
0x235: {  	v35 =	vadd.f32 v62, v35;
	v49 =	vmul.f32 v49, v44;
	v50 =	vsub.f32 $1.500000000e+00, v50  }
0x236: {  	v62 =	vmul.f32 v22, v47;
	v34 =	vadd.f32 v61, v34;
	v61 =	vmul.f32 v22, v12  }
0x237: {  	v37 =	vadd.f32 v57, v37;
	v49 =	vadd.f32 $-1.386099030e-03, v49;
	v9 =	vmul.f32 v9, v50  }
0x238: {  	v20 =	vadd.f32 v54, v20;
	v63 =	vmul.f32 v60, v12;
	v60 =	vmul.f32 v22, v10  }
0x239: {  	v23 =	vadd.f32 v46, v23;
	v49 =	vmul.f32 v49, v44;
	v51 =	vmul.f32 v9, v51  }
0x23a: {  	v57 =	vmul.f32 v61, v10;
	v36 =	vadd.f32 v63, v36;
	v63 =	vmul.f32 v60, v10  }
0x23b: {  	v16 =	vadd.f32 v60, v16;
	v60 =	vld [tilespmem:s2+$0xF];
	v58 =	vadd.f32 $4.166064780e-02, v49;
	v59 =	vmul.f32 v51, v9  }
0x23c: {  	v38 =	vadd.f32 v62, v38;
	v19 =	vadd.f32 v61, v19;
	v10 =	vmul.f32 v62, v10  }
0x23d: {  	v42 =	vadd.f32 v57, v42;
	v39 =	vmul.f32 v58, v44;
	v49 =	vsub.f32 $1.500000000e+00, v59  }
0x23e: {  	v41 =	vadd.f32 v63, v41;
	v50 =	vmul.f32 v11, v4;
	v13 =	vadd.f32 v10, v13  }
0x23f: {  	v63 =	vld [tilespmem:s2+$0xD0F];
	v58 =	vmul.f32 v61, v12;
	v9 =	vmul.f32 v49, v9;
	v39 =	vadd.f32 $-4.999955300e-01, v39  }
0x240: {  	v4 =	vsub.f32 v60, v2;
	v12 =	vmul.f32 v62, v12;
	v61 =	vld [tilespmem:s2+$0x68F];
	v49 =	vmul.f32 v11, v7  }
0x241: {  	v40 =	vadd.f32 v58, v40;
	v39 =	vmul.f32 v39, v44;
	v44 =	vld [tilespmem:s2+$0x138D];
	v59 =	vmul.f32 v9, v45  }
0x242: {  	v11 =	vmul.f32 v11, v8;
	v12 =	vadd.f32 v12, v15;
	v45 =	vmul.f32 v62, v47  }
0x243: {  	v5 =	vmul.f32 v9, v5;
	v39 =	vadd.f32 $1.999999640e+00, v39;
	v22 =	vmul.f32 $5.235987900e-01, v59  }
0x244: {  	v8 =	vsub.f32 v63, v0;
	v6 =	vmul.f32 v9, v6;
	v9 =	vmul.f32 v9, v3  }
0x245: {  	v7 =	vsub.f32 v61, v1;
	v39 =	vmul.f32 v39, v39;
	v62 =	vmul.f32 $1.591549370e-01, v22  }
0x246: {  	v61 =	vmul.f32 v4, v4;
	v43 =	vadd.f32 v45, v43;
	vm4 =	veq.s32 v44, $0x0  }
0x247: {  	v51 =	vnsel vm4, $0x0, v39;
	v56 =	vadd.f32 $5.000000000e-01, v62;
	v62 =	vmul.f32 v7, v7  }
0x248: {  	vm5 =	veq.s32 v44, $0x1;
	v10 =	vmul.f32 v51, v49;
	v57 =	vmul.f32 v51, v50  }
0x249: {  	vm6 =	veq.s32 v44, $0x2;
	v58 =	vmul.f32 v51, v11;
	v59 =	vtrunc.f32 v56  }
0x24a: {  	v48 =	vadd.f32 v51, v48;
	v56 =	vmul.f32 v8, v8;
	v60 =	vcvt.f32.s32 v59  }
0x24b: {  	v47 =	vadd.f32 v62, v61;
	v45 =	vmul.f32 v58, v11;
	v54 =	vmul.f32 v57, v11  }
0x24c: {  	v63 =	vmul.f32 v57, v50;
	v18 =	vadd.f32 v58, v18;
	v46 =	vcvt.s32.f32 v60  }
0x24d: {  	v15 =	vadd.f32 v57, v21;
	v58 =	vmul.f32 v10, v11;
	v59 =	vmul.f32 v10, v50  }
0x24e: {  	v24 =	vadd.f32 v10, v24;
	v47 =	vadd.f32 v56, v47;
	v57 =	vmul.f32 $6.281250000e+00, v46  }
0x24f: {  	v10 =	vmul.f32 v10, v49;
	v25 =	vadd.f32 v45, v25;
	v26 =	vadd.f32 v54, v26  }
0x250: {  	v51 =	vld [tilespmem:s2+$0x138E];
	v27 =	vadd.f32 v63, v27;
	v60 =	vmul.f32 $1.935307170e-03, v46;
	v21 =	vsub.f32 v22, v57  }
0x251: {  	v17 =	vadd.f32 v58, v17;
	v28 =	vadd.f32 v59, v28;
	v63 =	vnsel vm5, $0x0, v39  }
0x252: {  	v61 =	vshrl.u32 v47, $0x1;
	v46 =	vmul.f32 $5.000000000e-01, v47;
	v21 =	vsub.f32 v21, v60  }
0x253: {  	v29 =	vadd.f32 v10, v29;
	v59 =	vmul.f32 v63, v49;
	v62 =	vsub.s32 $0x5F3759DF, v61  }
0x254: {  	v30 =	vadd.f32 v63, v30;
	v45 =	vmul.f32 v62, v46;
	v21 =	vmul.f32 v21, v21  }
0x255: {  	vm7 =	veq.s32 v51, $0x0;
	vm8 =	veq.s32 v51, $0x1;
	v56 =	vmul.f32 v59, v11  }
0x256: {  	v33 =	vadd.f32 v59, v33;
	v45 =	vmul.f32 v62, v45;
	v58 =	vmul.f32 $2.206368920e-07, v21  }
0x257: {  	v53 =	vmul.f32 v59, v49;
	v57 =	vmul.f32 v63, v11;
	v37 =	vadd.f32 v56, v37  }
0x258: {  	v60 =	vmul.f32 v63, v50;
	v45 =	vsub.f32 $1.500000000e+00, v45;
	v52 =	vsub.f32 $2.422656870e-05, v58  }
0x259: {  	v61 =	vmul.f32 v57, v11;
	v31 =	vadd.f32 v57, v31;
	v57 =	vmul.f32 v59, v50  }
0x25a: {  	v23 =	vadd.f32 v53, v23;
	v10 =	vmul.f32 v62, v45;
	v52 =	vmul.f32 v52, v21  }
0x25b: {  	v32 =	vadd.f32 v60, v32;
	v63 =	vmul.f32 v60, v50;
	v34 =	vadd.f32 v61, v34  }
0x25c: {  	v61 =	vld [tilespmem:s2+$0x10];
	v62 =	vmul.f32 v60, v11;
	v46 =	vmul.f32 v10, v46;
	v52 =	vadd.f32 $-1.386099030e-03, v52  }
0x25d: {  	v20 =	vadd.f32 v57, v20;
	v36 =	vadd.f32 v63, v36;
	v60 =	vnsel vm6, $0x0, v39  }
0x25e: {  	v22 =	vadd.f32 v62, v35;
	v62 =	vld [tilespmem:s2+$0x690];
	v59 =	vmul.f32 v46, v10;
	v58 =	vmul.f32 v52, v21  }
0x25f: {  	v63 =	vmul.f32 v60, v50;
	v56 =	vmul.f32 v60, v11;
	v14 =	vadd.f32 v60, v14  }
0x260: {  	vm9 =	veq.s32 v51, $0x2;
	v45 =	vsub.f32 $1.500000000e+00, v59;
	v44 =	vadd.f32 $4.166064780e-02, v58;
	v58 =	vld [tilespmem:s2+$0xD10]  }
0x261: {  	v16 =	vadd.f32 v56, v16;
	v2 =	vsub.f32 v61, v2;
	v61 =	vmul.f32 v63, v50  }
0x262: {  	v19 =	vadd.f32 v63, v19;
	v10 =	vmul.f32 v45, v10;
	v57 =	vmul.f32 v44, v21  }
0x263: {  	v46 =	vmul.f32 v60, v49;
	v60 =	vmul.f32 v63, v11;
	v1 =	vsub.f32 v62, v1  }
0x264: {  	v59 =	vmul.f32 v56, v11;
	v47 =	vmul.f32 v10, v47;
	v35 =	vadd.f32 $-4.999955300e-01, v57  }
0x265: {  	v62 =	vmul.f32 v2, v2;
	v63 =	vmul.f32 v1, v1;
	v0 =	vsub.f32 v58, v0  }
0x266: {  	v39 =	vadd.f32 v61, v40;
	v21 =	vmul.f32 v35, v21;
	v35 =	vmul.f32 $5.235987900e-01, v47  }
0x267: {  	v11 =	vmul.f32 v46, v11;
	v44 =	vadd.f32 v63, v62;
	v57 =	vmul.f32 v0, v0  }
0x268: {  	v38 =	vadd.f32 v46, v38;
	v42 =	vadd.f32 v60, v42;
	v56 =	vmul.f32 $1.591549370e-01, v35  }
0x269: {  	v50 =	vmul.f32 v46, v50;
	v21 =	vadd.f32 $1.999999640e+00, v21;
	v44 =	vadd.f32 v57, v44  }
0x26a: {  	v46 =	vmul.f32 v46, v49;
	v41 =	vadd.f32 v59, v41;
	v58 =	vadd.f32 $5.000000000e-01, v56  }
0x26b: {  	v21 =	vmul.f32 v21, v21;
	v60 =	vshrl.u32 v44, $0x1;
	v47 =	vmul.f32 $5.000000000e-01, v44  }
0x26c: {  	v8 =	vmul.f32 v10, v8;
	v59 =	vtrunc.f32 v58;
	v45 =	vsub.s32 $0x5F3759DF, v60  }
0x26d: {  	v61 =	vnsel vm7, $0x0, v21;
	v40 =	vcvt.f32.s32 v59;
	v62 =	vmul.f32 v45, v47  }
0x26e: {  	v11 =	vadd.f32 v11, v13;
	v7 =	vmul.f32 v10, v7;
	v63 =	vmul.f32 v61, v9  }
0x26f: {  	v12 =	vadd.f32 v50, v12;
	v40 =	vcvt.s32.f32 v40;
	v49 =	vmul.f32 v45, v62  }
0x270: {  	v43 =	vadd.f32 v46, v43;
	v13 =	vmul.f32 v61, v5;
	v56 =	vmul.f32 v61, v6  }
0x271: {  	v58 =	vmul.f32 v63, v9;
	v57 =	vmul.f32 $6.281250000e+00, v40;
	v49 =	vsub.f32 $1.500000000e+00, v49  }
0x272: {  	v48 =	vadd.f32 v61, v48;
	v59 =	vmul.f32 v56, v9;
	v60 =	vmul.f32 v56, v6  }
0x273: {  	v40 =	vmul.f32 $1.935307170e-03, v40;
	v35 =	vsub.f32 v35, v57;
	v45 =	vmul.f32 v45, v49  }
0x274: {  	v18 =	vadd.f32 v63, v18;
	v61 =	vmul.f32 v13, v9;
	v62 =	vmul.f32 v13, v6  }
0x275: {  	v15 =	vadd.f32 v56, v15;
	v35 =	vsub.f32 v35, v40;
	v47 =	vmul.f32 v45, v47  }
0x276: {  	v63 =	vmul.f32 v13, v5;
	v13 =	vadd.f32 v13, v24;
	v24 =	vadd.f32 v58, v25  }
0x277: {  	v26 =	vadd.f32 v59, v26;
	v25 =	vmul.f32 v35, v35;
	v56 =	vmul.f32 v47, v45  }
0x278: {  	v4 =	vmul.f32 v10, v4;
	v27 =	vadd.f32 v60, v27;
	v17 =	vadd.f32 v61, v17  }
0x279: {  	v57 =	vnsel vm8, $0x0, v21;
	v58 =	vmul.f32 $2.206368920e-07, v25;
	v3 =	vsub.f32 $1.500000000e+00, v56  }
0x27a: {  	v28 =	vadd.f32 v62, v28;
	v29 =	vadd.f32 v63, v29;
	v59 =	vmul.f32 v57, v9  }
0x27b: {  	v60 =	vmul.f32 v57, v5;
	v47 =	vsub.f32 $2.422656870e-05, v58;
	v3 =	vmul.f32 v3, v45  }
0x27c: {  	v21 =	vnsel vm9, $0x0, v21;
	v61 =	vmul.f32 v57, v6;
	v62 =	vmul.f32 v59, v9  }
0x27d: {  	v30 =	vadd.f32 v57, v30;
	v53 =	vmul.f32 v47, v25;
	v44 =	vmul.f32 v3, v44  }
0x27e: {  	v14 =	vadd.f32 v21, v14;
	v63 =	vmul.f32 v61, v9;
	v54 =	vmul.f32 v61, v6  }
0x27f: {  	v31 =	vadd.f32 v59, v31;
	v46 =	vadd.f32 $-1.386099030e-03, v53;
	v44 =	vmul.f32 $5.235987900e-01, v44  }
0x280: {  	v55 =	vmul.f32 v60, v9;
	v32 =	vadd.f32 v61, v32;
	v50 =	vmul.f32 v60, v5  }
0x281: {  	v33 =	vadd.f32 v60, v33;
	v46 =	vmul.f32 v46, v25;
	v57 =	vmul.f32 $1.591549370e-01, v44  }
0x282: {  	v61 =	vmul.f32 v21, v6;
	v34 =	vadd.f32 v62, v34;
	v22 =	vadd.f32 v63, v22  }
0x283: {  	v59 =	vmul.f32 v21, v5;
	v58 =	vadd.f32 $4.166064780e-02, v46;
	v40 =	vadd.f32 $5.000000000e-01, v57  }
0x284: {  	v35 =	vadd.f32 v54, v36;
	v37 =	vadd.f32 v55, v37;
	v63 =	vmul.f32 v61, v9  }
0x285: {  	v23 =	vadd.f32 v50, v23;
	v45 =	vmul.f32 v58, v25;
	v40 =	vtrunc.f32 v40  }
0x286: {  	v54 =	vmul.f32 v61, v6;
	v19 =	vadd.f32 v61, v19;
	v40 =	vcvt.f32.s32 v40  }
0x287: {  	v5 =	vmul.f32 v59, v5;
	v56 =	vmul.f32 v60, v6;
	v45 =	vadd.f32 $-4.999955300e-01, v45  }
0x288: {  	v36 =	vadd.f32 v59, v38;
	v60 =	vmul.f32 v21, v9;
	v40 =	vcvt.s32.f32 v40  }
0x289: {  	v6 =	vmul.f32 v59, v6;
	v42 =	vadd.f32 v63, v42;
	v55 =	vmul.f32 v45, v25;
	v25 =	vld [tilespmem:s2+$0x138F]  }
0x28a: {  	v39 =	vadd.f32 v54, v39;
	v20 =	vadd.f32 v56, v20;
	v56 =	vmul.f32 $6.281250000e+00, v40  }
0x28b: {  	v5 =	vadd.f32 v5, v43;
	v62 =	vmul.f32 v60, v9;
	v21 =	vadd.f32 $1.999999640e+00, v55  }
0x28c: {  	v16 =	vadd.f32 v60, v16;
	v40 =	vmul.f32 $1.935307170e-03, v40;
	v57 =	vsub.f32 v44, v56  }
0x28d: {  	v9 =	vmul.f32 v59, v9;
	v6 =	vadd.f32 v6, v12;
	v21 =	vmul.f32 v21, v21  }
0x28e: {  	v38 =	vadd.f32 v62, v41;
	vm10 =	veq.s32 v25, $0x0;
	v40 =	vsub.f32 v57, v40  }
0x28f: {  	v9 =	vadd.f32 v9, v11;
	v41 =	vmul.f32 v3, v2;
	v58 =	vnsel vm10, $0x0, v21  }
0x290: {  	vm11 =	veq.s32 v25, $0x1;
	v59 =	vmul.f32 v58, v8;
	v40 =	vmul.f32 v40, v40  }
0x291: {  	v55 =	vnsel vm11, $0x0, v21;
	v60 =	vmul.f32 v58, v7;
	v61 =	vmul.f32 v58, v4  }
0x292: {  	vm12 =	veq.s32 v25, $0x2;
	v56 =	vmul.f32 v55, v8;
	v49 =	vmul.f32 $2.206368920e-07, v40  }
0x293: {  	v44 =	vadd.f32 v58, v48;
	v57 =	vmul.f32 v55, v4;
	v58 =	vmul.f32 v55, v7  }
0x294: {  	v62 =	vmul.f32 v59, v8;
	v63 =	vmul.f32 v60, v8;
	v45 =	vsub.f32 $2.422656870e-05, v49  }
0x295: {  	v30 =	vadd.f32 v55, v30;
	v50 =	vmul.f32 v60, v7;
	v51 =	vmul.f32 v61, v8  }
0x296: {  	v10 =	vadd.f32 v59, v18;
	v52 =	vmul.f32 v61, v7;
	v54 =	vmul.f32 v45, v40  }
0x297: {  	v15 =	vadd.f32 v60, v15;
	v53 =	vmul.f32 v61, v4;
	v12 =	vadd.f32 v61, v13  }
0x298: {  	v59 =	vmul.f32 v56, v8;
	v13 =	vadd.f32 v62, v24;
	v24 =	vadd.f32 $-1.386099030e-03, v54  }
0x299: {  	v60 =	vmul.f32 v58, v8;
	v31 =	vadd.f32 v56, v31;
	v32 =	vadd.f32 v58, v32  }
0x29a: {  	v26 =	vadd.f32 v63, v26;
	v27 =	vadd.f32 v50, v27;
	v24 =	vmul.f32 v24, v40  }
0x29b: {  	v61 =	vmul.f32 v58, v7;
	v17 =	vadd.f32 v51, v17;
	v18 =	vadd.f32 v52, v28  }
0x29c: {  	v48 =	vmul.f32 v57, v4;
	v29 =	vadd.f32 v53, v29;
	v24 =	vadd.f32 $4.166064780e-02, v24  }
0x29d: {  	v62 =	vmul.f32 v57, v8;
	v63 =	vmul.f32 v57, v7;
	v28 =	vadd.f32 v57, v33  }
0x29e: {  	v25 =	vadd.f32 v59, v34;
	v22 =	vadd.f32 v60, v22;
	v24 =	vmul.f32 v24, v40  }
0x29f: {  	v49 =	vnsel vm12, $0x0, v21;
	v33 =	vadd.f32 v61, v35;
	v43 =	vadd.f32 v48, v23  }
0x2a0: {  	v21 =	vmul.f32 v49, v8;
	v50 =	vmul.f32 v49, v4;
	v24 =	vadd.f32 $-4.999955300e-01, v24  }
0x2a1: {  	v51 =	vmul.f32 v49, v7;
	v46 =	vadd.f32 v49, v14;
	v34 =	vadd.f32 v62, v37  }
0x2a2: {  	v20 =	vadd.f32 v63, v20;
	v52 =	vmul.f32 v21, v8;
	v24 =	vmul.f32 v24, v40;
	v40 =	vld [tilespmem:s2+$0x1390]  }
0x2a3: {  	v53 =	vmul.f32 v51, v8;
	v8 =	vmul.f32 v50, v8;
	v47 =	vadd.f32 v21, v16  }
0x2a4: {  	v4 =	vmul.f32 v50, v4;
	v37 =	vadd.f32 v51, v19;
	v24 =	vadd.f32 $1.999999640e+00, v24  }
0x2a5: {  	v35 =	vadd.f32 v50, v36;
	v36 =	vmul.f32 v3, v0;
	v54 =	vmul.f32 v51, v7  }
0x2a6: {  	v7 =	vmul.f32 v50, v7;
	v38 =	vadd.f32 v52, v38;
	v16 =	vmul.f32 v24, v24  }
0x2a7: {  	v42 =	vadd.f32 v53, v42;
	v24 =	vmul.f32 v3, v1;
	vm13 =	veq.s32 v40, $0x0  }
0x2a8: {  	v45 =	vadd.f32 v8, v9;
	v49 =	vadd.f32 v4, v5;
	v55 =	vnsel vm13, $0x0, v16  }
0x2a9: {  	v39 =	vadd.f32 v54, v39;
	vm14 =	veq.s32 v40, $0x1;
	v1 =	vmul.f32 v55, v24  }
0x2aa: {  	v63 =	vnsel vm14, $0x0, v16;
	v56 =	vmul.f32 v55, v36;
	v3 =	vmul.f32 v55, v41  }
0x2ab: {  	v48 =	vadd.f32 v7, v6;
	v50 =	vmul.f32 v63, v24;
	v51 =	vmul.f32 v63, v36  }
0x2ac: {  	vm15 =	veq.s32 v40, $0x2;
	v52 =	vmul.f32 v63, v41;
	v57 =	vmul.f32 v56, v36  }
0x2ad: {  	v14 =	vadd.f32 v55, v44;
	v58 =	vmul.f32 v1, v36;
	v59 =	vmul.f32 v1, v24  }
0x2ae: {  	v23 =	vadd.f32 v63, v30;
	v60 =	vmul.f32 v3, v36;
	v61 =	vmul.f32 v3, v24  }
0x2af: {  	v62 =	vmul.f32 v3, v41;
	v11 =	vadd.f32 v56, v10;
	v9 =	vadd.f32 v1, v15  }
0x2b0: {  	v8 =	vadd.f32 v3, v12;
	v53 =	vmul.f32 v51, v36;
	v21 =	vadd.f32 v51, v31  }
0x2b1: {  	v54 =	vmul.f32 v50, v36;
	v19 =	vadd.f32 v50, v32;
	v6 =	vadd.f32 v57, v13  }
0x2b2: {  	v55 =	vmul.f32 v50, v24;
	v5 =	vadd.f32 v58, v26;
	v3 =	vadd.f32 v59, v27  }
0x2b3: {  	v63 =	vld [tilespmem:$0x1AC0];
	v56 =	vmul.f32 v52, v36;
	v2 =	vadd.f32 v60, v17;
	v1 =	vadd.f32 v61, v18  }
0x2b4: {  	v0 =	vadd.f32 v62, v29;
	v57 =	vmul.f32 v52, v24;
	v58 =	vmul.f32 v52, v41  }
0x2b5: {  	v31 =	vld [tilespmem:$0x1A10];
	v18 =	vadd.f32 v52, v28;
	v15 =	vadd.f32 v53, v25;
	v59 =	vnsel vm15, $0x0, v16  }
0x2b6: {  	v60 =	vld [tilespmem:$0x1A00];
	v16 =	vadd.f32 v54, v22;
	v12 =	vadd.f32 v55, v33;
	v61 =	vmul.f32 v59, v36  }
0x2b7: {  	v10 =	vadd.f32 v56, v34;
	v52 =	vld [tilespmem:$0x1AD0];
	v62 =	vmul.f32 v59, v24;
	v50 =	vmul.f32 v59, v41  }
0x2b8: {  	v55 =	vld [tilespmem:$0x1B80];
	v29 =	vadd.f32 v59, v46;
	v32 =	vmul.f32 v23, v63;
	v7 =	vadd.f32 v57, v20  }
0x2b9: {  	v56 =	vld [tilespmem:$0x1B90];
	v4 =	vadd.f32 v58, v43;
	v51 =	vmul.f32 v61, v36;
	v53 =	vmul.f32 v62, v36  }
0x2ba: {  	v54 =	vmul.f32 v62, v24;
	v36 =	vmul.f32 v50, v36;
	v28 =	vadd.f32 v61, v47  }
0x2bb: {  	v26 =	vadd.f32 v62, v37;
	v57 =	vmul.f32 v50, v24;
	v58 =	vmul.f32 v50, v41  }
0x2bc: {  	v34 =	vld [tilespmem:$0x1A20];
	v27 =	vadd.f32 v50, v35;
	v63 =	vmul.f32 v9, v31;
	v30 =	vmul.f32 v14, v60  }
0x2bd: {  	v24 =	vadd.f32 v51, v38;
	v59 =	vmul.f32 v29, v55;
	v60 =	vmul.f32 v11, v31  }
0x2be: {  	v25 =	vadd.f32 v53, v42;
	v61 =	vmul.f32 v21, v52;
	v62 =	vmul.f32 v28, v56  }
0x2bf: {  	v35 =	vld [tilespmem:$0x1AE0];
	v20 =	vadd.f32 v36, v45;
	v45 =	vmul.f32 v19, v52;
	v31 =	vmul.f32 v8, v31  }
0x2c0: {  	v22 =	vadd.f32 v54, v39;
	v33 =	vmul.f32 v18, v52;
	v46 =	vmul.f32 v26, v56  }
0x2c1: {  	v17 =	vadd.f32 v57, v48;
	v47 =	vmul.f32 v27, v56;
	v48 =	vmul.f32 v6, v34  }
0x2c2: {  	v13 =	vadd.f32 v58, v49;
	v50 =	vmul.f32 v5, v34;
	v55 =	vmul.f32 v3, v34  }
0x2c3: {  	v58 =	vmul.f32 v2, v34;
	v30 =	vadd.f32 v32, v30;
	v38 =	vadd.f32 v61, v60  }
0x2c4: {  	v42 =	vld [tilespmem:$0x1BA0];
	v32 =	vadd.f32 v45, v63;
	v49 =	vmul.f32 v15, v35;
	v51 =	vmul.f32 v16, v35  }
0x2c5: {  	v52 =	vld [tilespmem:$0x1F00];
	v31 =	vadd.f32 v33, v31;
	v56 =	vmul.f32 v12, v35;
	v63 =	vmul.f32 v7, v35  }
0x2c6: {  	v30 =	vadd.f32 v30, v59;
	v38 =	vadd.f32 v38, v62;
	v59 =	vmul.f32 v10, v35  }
0x2c7: {  	v32 =	vadd.f32 v32, v46;
	v62 =	vmul.f32 v1, v34;
	v34 =	vmul.f32 v0, v34  }
0x2c8: {  	v31 =	vadd.f32 v31, v47;
	v35 =	vmul.f32 v4, v35;
	v30 =	vmul.f32 v30, v30  }
0x2c9: {  	v36 =	vadd.f32 v49, v48;
	v53 =	vmul.f32 v24, v42;
	v54 =	vmul.f32 v25, v42  }
0x2ca: {  	v33 =	vadd.f32 v51, v50;
	v57 =	vmul.f32 v22, v42;
	v30 =	vmul.f32 v30, v52  }
0x2cb: {  	v39 =	vadd.f32 v56, v55;
	v60 =	vmul.f32 v20, v42;
	v38 =	vmul.f32 v38, v38  }
0x2cc: {  	v32 =	vmul.f32 v32, v32;
	v36 =	vadd.f32 v36, v53;
	v33 =	vadd.f32 v33, v54;
	[tilespmem:s2+$0x2000] =	vst v30  }
0x2cd: {  	v61 =	vadd.f32 v59, v58;
	v31 =	vmul.f32 v31, v31;
	v37 =	vadd.f32 v39, v57;
	v49 =	vld [tilespmem:$0x1F10]  }
0x2ce: {  	v32 =	vadd.f32 v32, v38;
	v36 =	vmul.f32 v36, v36;
	v33 =	vmul.f32 v33, v33  }
0x2cf: {  	v48 =	vmul.f32 v17, v42;
	v50 =	vadd.f32 v63, v62;
	v47 =	vadd.f32 v61, v60  }
0x2d0: {  	v52 =	vmul.f32 v37, v37;
	v31 =	vadd.f32 v32, v31;
	v51 =	vadd.f32 v33, v36  }
0x2d1: {  	v34 =	vadd.f32 v35, v34;
	v54 =	vmul.f32 v13, v42;
	v53 =	vadd.f32 v50, v48  }
0x2d2: {  	v30 =	vmul.f32 v47, v47;
	v32 =	vadd.f32 v51, v52;
	v31 =	vmul.f32 v31, v49;
	_ =	sdelay $0x1  }
0x2d3: {  	v55 =	vadd.f32 v34, v54;
	v56 =	vmul.f32 v53, v53;
	v30 =	vadd.f32 v32, v30;
	[tilespmem:s2+$0x2680] =	vst v31  }
0x2d4: {  	v31 =	vld [tilespmem:$0x1F20]  }
0x2d5: {  	v57 =	vmul.f32 v55, v55;
	v30 =	vadd.f32 v30, v56;
	_ =	sdelay $0x1  }
0x2d6: {  	v30 =	vadd.f32 v30, v57;
	_ =	sdelay $0x1  }
0x2d7: {  	v30 =	vmul.f32 v30, v31;
	_ =	sdelay $0x1  }
0x2d8: {  	[tilespmem:s2+$0x2D00] =	vst v30  }
0x2d9: {  	v30 =	vld [tilespmem:$0x1A30]  }
0x2da: {  	v58 =	vld [tilespmem:$0x1A40]  }
0x2db: {  	v59 =	vld [tilespmem:$0x1AF0]  }
0x2dc: {  	v60 =	vld [tilespmem:$0x1B00]  }
0x2dd: {  	v61 =	vld [tilespmem:$0x1BB0]  }
0x2de: {  	v62 =	vld [tilespmem:$0x1BC0];
	_ =	sdelay $0x2  }
0x2df: {  	v36 =	vld [tilespmem:$0x1A50];
	v30 =	vmul.f32 v14, v30;
	v32 =	vmul.f32 v23, v59  }
0x2e0: {  	v38 =	vld [tilespmem:$0x1B10];
	v34 =	vmul.f32 v29, v61;
	v63 =	vmul.f32 v11, v58  }
0x2e1: {  	v45 =	vmul.f32 v21, v60;
	v46 =	vmul.f32 v28, v62  }
0x2e2: {  	v42 =	vld [tilespmem:$0x1BD0];
	v47 =	vmul.f32 v9, v58;
	v48 =	vmul.f32 v19, v60  }
0x2e3: {  	v31 =	vmul.f32 v8, v58;
	v33 =	vmul.f32 v18, v60  }
0x2e4: {  	v49 =	vmul.f32 v26, v62;
	v50 =	vmul.f32 v27, v62  }
0x2e5: {  	v51 =	vmul.f32 v6, v36;
	v52 =	vmul.f32 v15, v38  }
0x2e6: {  	v53 =	vmul.f32 v5, v36;
	v54 =	vmul.f32 v16, v38  }
0x2e7: {  	v56 =	vmul.f32 v24, v42;
	v57 =	vmul.f32 v25, v42  }
0x2e8: {  	v58 =	vmul.f32 v3, v36;
	v59 =	vmul.f32 v12, v38;
	v30 =	vadd.f32 v32, v30  }
0x2e9: {  	v55 =	vld [tilespmem:$0x1F30];
	v61 =	vmul.f32 v2, v36;
	v37 =	vadd.f32 v45, v63;
	v32 =	vadd.f32 v48, v47  }
0x2ea: {  	v62 =	vmul.f32 v10, v38;
	v31 =	vadd.f32 v33, v31;
	v30 =	vadd.f32 v30, v34  }
0x2eb: {  	v60 =	vmul.f32 v22, v42;
	v33 =	vadd.f32 v54, v53;
	v39 =	vadd.f32 v59, v58  }
0x2ec: {  	v48 =	vadd.f32 v62, v61;
	v37 =	vadd.f32 v37, v46;
	v30 =	vmul.f32 v30, v30  }
0x2ed: {  	v63 =	vmul.f32 v20, v42;
	v32 =	vadd.f32 v32, v49;
	v31 =	vadd.f32 v31, v50  }
0x2ee: {  	v34 =	vadd.f32 v52, v51;
	v33 =	vadd.f32 v33, v57;
	v30 =	vmul.f32 v30, v55  }
0x2ef: {  	v49 =	vmul.f32 v1, v36;
	v50 =	vmul.f32 v7, v38;
	v35 =	vadd.f32 v39, v60  }
0x2f0: {  	v34 =	vadd.f32 v34, v56;
	v37 =	vmul.f32 v37, v37;
	v32 =	vmul.f32 v32, v32;
	[tilespmem:s2+$0x3380] =	vst v30  }
0x2f1: {  	v51 =	vadd.f32 v48, v63;
	v52 =	vmul.f32 v17, v42;
	v31 =	vmul.f32 v31, v31;
	v53 =	vld [tilespmem:$0x1F40]  }
0x2f2: {  	v33 =	vmul.f32 v33, v33;
	v32 =	vadd.f32 v32, v37;
	v34 =	vmul.f32 v34, v34  }
0x2f3: {  	v36 =	vmul.f32 v0, v36;
	v38 =	vmul.f32 v4, v38;
	v54 =	vadd.f32 v50, v49  }
0x2f4: {  	v56 =	vmul.f32 v35, v35;
	v31 =	vadd.f32 v32, v31;
	v55 =	vadd.f32 v33, v34  }
0x2f5: {  	v59 =	vmul.f32 v13, v42;
	v58 =	vadd.f32 v38, v36;
	v57 =	vadd.f32 v54, v52  }
0x2f6: {  	v30 =	vmul.f32 v51, v51;
	v32 =	vadd.f32 v55, v56;
	v31 =	vmul.f32 v31, v53;
	_ =	sdelay $0x1  }
0x2f7: {  	v60 =	vadd.f32 v58, v59;
	v61 =	vmul.f32 v57, v57;
	v30 =	vadd.f32 v32, v30;
	[tilespmem:s2+$0x3A00] =	vst v31  }
0x2f8: {  	v31 =	vld [tilespmem:$0x1F50]  }
0x2f9: {  	v62 =	vmul.f32 v60, v60;
	v30 =	vadd.f32 v30, v61;
	_ =	sdelay $0x1  }
0x2fa: {  	v30 =	vadd.f32 v30, v62;
	_ =	sdelay $0x1  }
0x2fb: {  	v30 =	vmul.f32 v30, v31;
	_ =	sdelay $0x1  }
0x2fc: {  	[tilespmem:s2+$0x4080] =	vst v30  }
0x2fd: {  	v30 =	vld [tilespmem:$0x1A60]  }
0x2fe: {  	v63 =	vld [tilespmem:$0x1A70]  }
0x2ff: {  	v44 =	vld [tilespmem:$0x1B20]  }
0x300: {  	v45 =	vld [tilespmem:$0x1B30]  }
0x301: {  	v46 =	vld [tilespmem:$0x1BE0]  }
0x302: {  	v47 =	vld [tilespmem:$0x1BF0];
	_ =	sdelay $0x2  }
0x303: {  	v36 =	vld [tilespmem:$0x1A80];
	v30 =	vmul.f32 v14, v30;
	v32 =	vmul.f32 v23, v44  }
0x304: {  	v38 =	vld [tilespmem:$0x1B40];
	v34 =	vmul.f32 v29, v46;
	v48 =	vmul.f32 v11, v63  }
0x305: {  	v49 =	vmul.f32 v21, v45;
	v50 =	vmul.f32 v28, v47  }
0x306: {  	v42 =	vld [tilespmem:$0x1C00];
	v51 =	vmul.f32 v9, v63;
	v52 =	vmul.f32 v19, v45  }
0x307: {  	v31 =	vmul.f32 v8, v63;
	v33 =	vmul.f32 v18, v45  }
0x308: {  	v53 =	vmul.f32 v26, v47;
	v54 =	vmul.f32 v27, v47  }
0x309: {  	v55 =	vmul.f32 v6, v36;
	v56 =	vmul.f32 v15, v38  }
0x30a: {  	v57 =	vmul.f32 v5, v36;
	v58 =	vmul.f32 v16, v38  }
0x30b: {  	v60 =	vmul.f32 v24, v42;
	v61 =	vmul.f32 v25, v42  }
0x30c: {  	v62 =	vmul.f32 v3, v36;
	v30 =	vadd.f32 v32, v30;
	v37 =	vadd.f32 v49, v48  }
0x30d: {  	v59 =	vld [tilespmem:$0x1F60];
	v63 =	vmul.f32 v12, v38;
	v32 =	vadd.f32 v52, v51;
	v31 =	vadd.f32 v33, v31  }
0x30e: {  	v33 =	vadd.f32 v58, v57;
	v48 =	vmul.f32 v22, v42;
	v30 =	vadd.f32 v30, v34  }
0x30f: {  	v49 =	vmul.f32 v2, v36;
	v39 =	vadd.f32 v63, v62;
	v51 =	vmul.f32 v20, v42  }
0x310: {  	v37 =	vadd.f32 v37, v50;
	v32 =	vadd.f32 v32, v53;
	v30 =	vmul.f32 v30, v30  }
0x311: {  	v31 =	vadd.f32 v31, v54;
	v34 =	vadd.f32 v56, v55;
	v50 =	vmul.f32 v10, v38  }
0x312: {  	v33 =	vadd.f32 v33, v61;
	v53 =	vmul.f32 v1, v36;
	v30 =	vmul.f32 v30, v59  }
0x313: {  	v54 =	vmul.f32 v7, v38;
	v35 =	vadd.f32 v39, v48;
	v56 =	vmul.f32 v17, v42  }
0x314: {  	v34 =	vadd.f32 v34, v60;
	v37 =	vmul.f32 v37, v37;
	v32 =	vmul.f32 v32, v32;
	[tilespmem:s2+$0x4700] =	vst v30  }
0x315: {  	v36 =	vmul.f32 v0, v36;
	v52 =	vadd.f32 v50, v49;
	v31 =	vmul.f32 v31, v31;
	v57 =	vld [tilespmem:$0x1F70]  }
0x316: {  	v33 =	vmul.f32 v33, v33;
	v32 =	vadd.f32 v32, v37;
	v34 =	vmul.f32 v34, v34  }
0x317: {  	v38 =	vmul.f32 v4, v38;
	v58 =	vadd.f32 v54, v53;
	v55 =	vadd.f32 v52, v51  }
0x318: {  	v60 =	vmul.f32 v35, v35;
	v31 =	vadd.f32 v32, v31;
	v59 =	vadd.f32 v33, v34  }
0x319: {  	v63 =	vmul.f32 v13, v42;
	v62 =	vadd.f32 v38, v36;
	v61 =	vadd.f32 v58, v56  }
0x31a: {  	v30 =	vmul.f32 v55, v55;
	v32 =	vadd.f32 v59, v60;
	v31 =	vmul.f32 v31, v57;
	_ =	sdelay $0x1  }
0x31b: {  	v39 =	vadd.f32 v62, v63;
	v40 =	vmul.f32 v61, v61;
	v30 =	vadd.f32 v32, v30;
	[tilespmem:s2+$0x4D80] =	vst v31  }
0x31c: {  	v31 =	vld [tilespmem:$0x1F80]  }
0x31d: {  	v41 =	vmul.f32 v39, v39;
	v30 =	vadd.f32 v30, v40;
	_ =	sdelay $0x1  }
0x31e: {  	v30 =	vadd.f32 v30, v41;
	_ =	sdelay $0x1  }
0x31f: {  	v30 =	vmul.f32 v30, v31;
	_ =	sdelay $0x1  }
0x320: {  	[tilespmem:s2+$0x5400] =	vst v30  }
0x321: {  	v30 =	vld [tilespmem:$0x1A90]  }
0x322: {  	v42 =	vld [tilespmem:$0x1AA0]  }
0x323: {  	v43 =	vld [tilespmem:$0x1B50]  }
0x324: {  	v45 =	vld [tilespmem:$0x1C10]  }
0x325: {  	v44 =	vld [tilespmem:$0x1B60]  }
0x326: {  	v46 =	vld [tilespmem:$0x1C20];
	_ =	sdelay $0x1  }
0x327: {  	v14 =	vmul.f32 v30, v14  }
0x328: {  	v47 =	vld [tilespmem:$0x1AB0];
	v23 =	vmul.f32 v43, v23;
	v29 =	vmul.f32 v45, v29  }
0x329: {  	v48 =	vld [tilespmem:$0x1B70];
	v11 =	vmul.f32 v42, v11;
	v21 =	vmul.f32 v44, v21  }
0x32a: {  	v49 =	vld [tilespmem:$0x1C30];
	v28 =	vmul.f32 v46, v28;
	v9 =	vmul.f32 v42, v9  }
0x32b: {  	v19 =	vmul.f32 v44, v19;
	v8 =	vmul.f32 v42, v8  }
0x32c: {  	v18 =	vmul.f32 v44, v18;
	v50 =	vmul.f32 v46, v26  }
0x32d: {  	v51 =	vmul.f32 v46, v27;
	v6 =	vmul.f32 v47, v6  }
0x32e: {  	v15 =	vmul.f32 v48, v15;
	v5 =	vmul.f32 v47, v5  }
0x32f: {  	v16 =	vmul.f32 v48, v16;
	v53 =	vmul.f32 v49, v24  }
0x330: {  	v54 =	vmul.f32 v49, v25;
	v3 =	vmul.f32 v47, v3  }
0x331: {  	v12 =	vmul.f32 v48, v12;
	v55 =	vmul.f32 v49, v22;
	v14 =	vadd.f32 v23, v14  }
0x332: {  	v52 =	vld [tilespmem:$0x1F90];
	v2 =	vmul.f32 v47, v2;
	v10 =	vmul.f32 v48, v10  }
0x333: {  	v56 =	vmul.f32 v49, v20;
	v1 =	vmul.f32 v47, v1;
	v14 =	vadd.f32 v29, v14  }
0x334: {  	v7 =	vmul.f32 v48, v7;
	v11 =	vadd.f32 v21, v11;
	v9 =	vadd.f32 v19, v9  }
0x335: {  	v8 =	vadd.f32 v18, v8;
	v6 =	vadd.f32 v15, v6;
	v14 =	vmul.f32 v14, v14  }
0x336: {  	v58 =	vmul.f32 v49, v17;
	v5 =	vadd.f32 v16, v5;
	v3 =	vadd.f32 v12, v3  }
0x337: {  	v11 =	vadd.f32 v28, v11;
	v9 =	vadd.f32 v50, v9;
	v14 =	vmul.f32 v52, v14  }
0x338: {  	v0 =	vmul.f32 v47, v0;
	v8 =	vadd.f32 v51, v8;
	v6 =	vadd.f32 v53, v6  }
0x339: {  	v5 =	vadd.f32 v54, v5;
	v57 =	vmul.f32 v11, v11;
	v9 =	vmul.f32 v9, v9;
	[tilespmem:s2+$0x5A80] =	vst v14  }
0x33a: {  	v2 =	vadd.f32 v10, v2;
	v3 =	vadd.f32 v55, v3;
	v8 =	vmul.f32 v8, v8;
	v59 =	vld [tilespmem:$0x1FA0]  }
0x33b: {  	v6 =	vmul.f32 v6, v6;
	v5 =	vmul.f32 v5, v5;
	v9 =	vadd.f32 v9, v57  }
0x33c: {  	v4 =	vmul.f32 v48, v4;
	v1 =	vadd.f32 v7, v1;
	v2 =	vadd.f32 v56, v2  }
0x33d: {  	v3 =	vmul.f32 v3, v3;
	v5 =	vadd.f32 v5, v6;
	v60 =	vadd.f32 v9, v8  }
0x33e: {  	v61 =	vmul.f32 v49, v13;
	v0 =	vadd.f32 v4, v0;
	v1 =	vadd.f32 v58, v1  }
0x33f: {  	v2 =	vmul.f32 v2, v2;
	v3 =	vadd.f32 v5, v3;
	v62 =	vmul.f32 v60, v59;
	_ =	sdelay $0x1  }
0x340: {  	v0 =	vadd.f32 v61, v0;
	v1 =	vmul.f32 v1, v1;
	v2 =	vadd.f32 v3, v2;
	[tilespmem:s2+$0x6100] =	vst v62  }
0x341: {  	v63 =	vld [tilespmem:$0x1FB0]  }
0x342: {  	v0 =	vmul.f32 v0, v0;
	v1 =	vadd.f32 v2, v1  }
0x343: {  	p0 =	sne.s32 s0, $0x1840  }
.Ltmp0:
0x344: {  	v0 =	vadd.f32 v1, v0;
	(pc) =	sbr.rel @p0 .LBB2_2-.Ltmp0, $3  }
0x345: {  	_ = 	snop  }
0x346: {  	v0 =	vmul.f32 v0, v63;
	_ =	sdelay $0x1  }
0x347: {  	s0 =	sadd.s32 $0x40, s0;
	[tilespmem:s2+$0x6780] =	vst v0  }
0x348: {  	s0 =	simm.s32 $0x2000  }
0x349: {  	[hbm4b:s12+s3] =	stream.linear.scatter [tilespmem:s0], [sflag:$0x1], $0x620, $0x38;
	[tilespmem:$0x6E00] =	vst v63  }
0x34a: {  	_ =	swait.ge [sflag:s26], $0x620  }
0x34b: {  	[sflag:s26] =	ssyncset.done $0x0  }
0x34c: {  	s2 =	simm.s32 $0x2680;
	[sflag:s26] =	ssyncadd.s32 $0xFFFFF9E0  }
0x34d: {  	[hbm4b:s14+s3] =	stream.linear.scatter [tilespmem:s2], [sflag:$0x1], $0x620, $0x38;
	[tilespmem:$0x6E00] =	vst v63  }
0x34e: {  	_ =	swait.ge [sflag:s26], $0x620  }
0x34f: {  	[sflag:s26] =	ssyncset.done $0x0  }
0x350: {  	s2 =	simm.s32 $0x2D00;
	[sflag:s26] =	ssyncadd.s32 $0xFFFFF9E0  }
0x351: {  	[hbm4b:s15+s3] =	stream.linear.scatter [tilespmem:s2], [sflag:$0x1], $0x620, $0x38;
	[tilespmem:$0x6E00] =	vst v63  }
0x352: {  	_ =	swait.ge [sflag:s26], $0x620  }
0x353: {  	[sflag:s26] =	ssyncset.done $0x0  }
0x354: {  	s2 =	simm.s32 $0x3380;
	[sflag:s26] =	ssyncadd.s32 $0xFFFFF9E0  }
0x355: {  	[hbm4b:s16+s3] =	stream.linear.scatter [tilespmem:s2], [sflag:$0x1], $0x620, $0x38;
	[tilespmem:$0x6E00] =	vst v63  }
0x356: {  	_ =	swait.ge [sflag:s26], $0x620  }
0x357: {  	[sflag:s26] =	ssyncset.done $0x0  }
0x358: {  	s2 =	simm.s32 $0x3A00;
	[sflag:s26] =	ssyncadd.s32 $0xFFFFF9E0  }
0x359: {  	[hbm4b:s17+s3] =	stream.linear.scatter [tilespmem:s2], [sflag:$0x1], $0x620, $0x38;
	[tilespmem:$0x6E00] =	vst v63  }
0x35a: {  	_ =	swait.ge [sflag:s26], $0x620  }
0x35b: {  	[sflag:s26] =	ssyncset.done $0x0  }
0x35c: {  	s2 =	simm.s32 $0x4080;
	[sflag:s26] =	ssyncadd.s32 $0xFFFFF9E0  }
0x35d: {  	[hbm4b:s18+s3] =	stream.linear.scatter [tilespmem:s2], [sflag:$0x1], $0x620, $0x38;
	[tilespmem:$0x6E00] =	vst v63  }
0x35e: {  	_ =	swait.ge [sflag:s26], $0x620  }
0x35f: {  	[sflag:s26] =	ssyncset.done $0x0  }
0x360: {  	s2 =	simm.s32 $0x4700;
	[sflag:s26] =	ssyncadd.s32 $0xFFFFF9E0  }
0x361: {  	[hbm4b:s19+s3] =	stream.linear.scatter [tilespmem:s2], [sflag:$0x1], $0x620, $0x38;
	[tilespmem:$0x6E00] =	vst v63  }
0x362: {  	_ =	swait.ge [sflag:s26], $0x620  }
0x363: {  	[sflag:s26] =	ssyncset.done $0x0  }
0x364: {  	s2 =	simm.s32 $0x4D80;
	[sflag:s26] =	ssyncadd.s32 $0xFFFFF9E0  }
0x365: {  	[hbm4b:s20+s3] =	stream.linear.scatter [tilespmem:s2], [sflag:$0x1], $0x620, $0x38;
	[tilespmem:$0x6E00] =	vst v63  }
0x366: {  	_ =	swait.ge [sflag:s26], $0x620  }
0x367: {  	[sflag:s26] =	ssyncset.done $0x0  }
0x368: {  	s2 =	simm.s32 $0x5400;
	[sflag:s26] =	ssyncadd.s32 $0xFFFFF9E0  }
0x369: {  	[hbm4b:s21+s3] =	stream.linear.scatter [tilespmem:s2], [sflag:$0x1], $0x620, $0x38;
	[tilespmem:$0x6E00] =	vst v63  }
0x36a: {  	_ =	swait.ge [sflag:s26], $0x620  }
0x36b: {  	[sflag:s26] =	ssyncset.done $0x0  }
0x36c: {  	[sflag:s26] =	ssyncadd.s32 $0xFFFFF9E0  }
0x36d: {  	[hbm4b:s22+s3] =	stream.linear.scatter [tilespmem:s28], [sflag:$0x1], $0x620, $0x38;
	[tilespmem:$0x6E00] =	vst v63  }
0x36e: {  	_ =	swait.ge [sflag:s26], $0x620  }
0x36f: {  	[sflag:s26] =	ssyncset.done $0x0  }
0x370: {  	[sflag:s26] =	ssyncadd.s32 $0xFFFFF9E0  }
0x371: {  	[hbm4b:s23+s3] =	stream.linear.scatter [tilespmem:s29], [sflag:$0x1], $0x620, $0x38;
	[tilespmem:$0x6E00] =	vst v63  }
0x372: {  	s31 =	sadd.s32 $0x1, s31;
	_ =	swait.ge [sflag:s26], $0x620  }
0x373: {  	p0 =	sne.s32 s31, s25;
	[sflag:s26] =	ssyncset.done $0x0  }
.Ltmp1:
0x374: {  	[sflag:s26] =	ssyncadd.s32 $0xFFFFF9E0;
	(pc) =	sbr.rel @p0 .LBB2_1-.Ltmp1, $4  }
0x375: {  	[hbm4b:s24+s3] =	stream.linear.scatter [tilespmem:s30], [sflag:$0x1], $0x620, $0x38;
	[tilespmem:$0x6E00] =	vst v63  }
0x376: {  	_ =	swait.ge [sflag:s26], $0x620  }
0x377: {  	[sflag:s26] =	ssyncset.done $0x0  }
0x378: {  	[sflag:s26] =	ssyncadd.s32 $0xFFFFF9E0  }
0x379: {  	_ =	sfence.sel $0x180000  }
0x37a: {  	[bflag:$0x0] =	sbarrier.arrive $0xFFFF  }
0x37b: {  	_ =	strace $0x90000047  }
0x37c: {  	s0 =	stileid.u32;
	[bflag:$0x2] =	sbarrier.arrive $0xFFFF  }
0x37d: {  	p0 =	sne.s32 s0, $0x0;
	s0 =	rddreg [dreg:$0x3]  }
0x37e: {  	s0 =	sadd.s32 @!p0 $0x100000, s0  }
0x37f: {  	[sflag:s0] =	ssyncadd.tile.s32 @!p0 $0x1;
	_ =	shalt  }
.Lfunc_end2:
_tile_overlayer_lowered:
.L_overlay_start_2:
0x380: {  	(tag) =	ssettag $0x2  }
0x381: {  	s0 =	rddreg [dreg:$0x0];
	s2 =	stileid.u32  }
0x382: {  	s1 =	rddreg [dreg:$0x1];
	p0 =	sne.s32 s2, $0x0  }
0x383: {  	s3 =	rddreg [dreg:$0x2];
	[bflag:$0x3] =	sbarrier.arrive $0xFFFF;
	s2 =	simm.s32 @!p0 $0x1C01  }
0x384: {  	[timem:s3], [sflag:s2] =	dma.local @!p0 [hbm:s0], s1  }
0x385: {  	s0 =	simm.s32 @!p0 $0x1  }
0x386: {  	_ =	swait.ge @!p0 [sflag:s0], s1  }
0x387: {  	s1 =	ssub.s32 @!p0 $0x0, s1;
	[sflag:s0] =	ssyncset.done @!p0 $0x0  }
0x388: {  	[sflag:s0] =	ssyncadd.s32 @!p0 s1  }
0x389: {  	[bflag:$0x3] =	sbarrier.arrive $0xFFFF  }
0x38a: {  	_ =	shalt  }

</sc_bundles>
